<compile_context>
chip_gen: v7x
topology: tpu7x:2x2x1
jax: 0.10.2.dev20260603
libtpu: 0.0.44.dev20260713+nightly
codegen_flags: <defaults>
</compile_context>

<pallas_src>
import functools

import jax
import jax.numpy as jnp
from jax import lax
from jax.experimental import pallas as pl
from jax.experimental.pallas import tpu as pltpu
from jax.experimental.pallas import tpu_sc as plsc

f32 = jnp.float32
i32 = jnp.int32

NREAL = 10000
NP = 10112
D = 64
NG = 16
NW = 32
NE = 320000
STR = NP // 16
NSC = 2

KD = 80
CD = 128
EPD = NW * KD * CD

C = 64
K = 160
G = 8
NGRP = K // (2 * G)
EP = NW * K * C

_mesh = plsc.VectorSubcoreMesh(core_axis_name="c", subcore_axis_name="s")
_sc_params = pltpu.CompilerParams(use_tc_tiling_on_sc=False)


@functools.partial(
    pl.kernel,
    out_type=jax.ShapeDtypeStruct((NSC, NP, 16), f32),
    mesh=_mesh,
    compiler_params=_sc_params,
    scratch_types=[
        pltpu.VMEM((KD, CD), i32),
        pltpu.VMEM((CD, 16), f32),
        pltpu.VMEM_SHARED((NP, 16), f32),
    ],
)
def _deg(dst_hbm, ones_hbm, zeros_hbm, out_hbm, didx, ones_v, acc):
    c = lax.axis_index("c")
    s = lax.axis_index("s")
    w = s * NSC + c
    pltpu.sync_copy(dst_hbm.at[w], didx)
    pltpu.sync_copy(ones_hbm, ones_v)
    pltpu.sync_copy(zeros_hbm.at[pl.ds(s * STR, STR)], acc.at[pl.ds(s * STR, STR)])
    plsc.subcore_barrier()

    def chunk(j, carry):
        pltpu.sync_copy(ones_v, acc.at[didx.at[j]], add=True)
        return carry

    lax.fori_loop(0, KD, chunk, 0)
    plsc.subcore_barrier()
    pltpu.sync_copy(acc.at[pl.ds(s * STR, STR)], out_hbm.at[c, pl.ds(s * STR, STR)])


@functools.partial(
    pl.kernel,
    out_type=jax.ShapeDtypeStruct((NSC, NP, D), f32),
    mesh=_mesh,
    compiler_params=_sc_params,
    scratch_types=[
        pltpu.VMEM((K, C), i32),
        pltpu.VMEM((K, C), i32),
        pltpu.VMEM((2 * G, C, D), f32),
        pltpu.VMEM_SHARED((NP, D), f32),
        pltpu.SemaphoreType.DMA,
        pltpu.SemaphoreType.DMA,
        pltpu.SemaphoreType.DMA,
        pltpu.SemaphoreType.DMA,
    ],
)
def _prop(y_hbm, src_hbm, dst_hbm, zeros_hbm, out_hbm, sidx, didx, rows, acc,
          gsa, gsb, ssa, ssb):
    c = lax.axis_index("c")
    s = lax.axis_index("s")
    w = s * NSC + c
    pltpu.sync_copy(src_hbm.at[w], sidx)
    pltpu.sync_copy(dst_hbm.at[w], didx)
    pltpu.sync_copy(zeros_hbm.at[pl.ds(s * STR, STR)], acc.at[pl.ds(s * STR, STR)])
    plsc.subcore_barrier()

    for b in range(G):
        pltpu.async_copy(y_hbm.at[sidx.at[b]], rows.at[b], gsa)
        pltpu.async_copy(y_hbm.at[sidx.at[G + b]], rows.at[G + b], gsb)

    def body(i, carry):
        j = i * 2 * G

        def run_group(base, boff, gsem, ssem):
            for b in range(G):
                pltpu.make_async_copy(y_hbm.at[sidx.at[base + b]], rows.at[boff + b], gsem).wait()
            for b in range(G):
                pltpu.async_copy(rows.at[boff + b], acc.at[didx.at[base + b]], ssem, add=True)
            for b in range(G):
                pltpu.make_async_copy(rows.at[boff + b], acc.at[didx.at[base + b]], ssem).wait()

            @pl.when(base + 2 * G < K)
            def _():
                for b in range(G):
                    pltpu.async_copy(y_hbm.at[sidx.at[base + 2 * G + b]], rows.at[boff + b], gsem)

        run_group(j, 0, gsa, ssa)
        run_group(j + G, G, gsb, ssb)
        return carry

    lax.fori_loop(0, NGRP, body, 0)
    plsc.subcore_barrier()
    pltpu.sync_copy(acc.at[pl.ds(s * STR, STR)], out_hbm.at[c, pl.ds(s * STR, STR)])


def _pre_body(x_ref, w1_ref, degp_ref, y_ref, dinv_ref):
    deg = degp_ref[0, :, 0:1] + degp_ref[1, :, 0:1] + 1.0
    dinv = lax.rsqrt(deg)
    dinv_ref[...] = dinv
    xw = jnp.dot(x_ref[...], w1_ref[...], preferred_element_type=f32)
    y_ref[...] = xw * dinv


def _mid_body(p_ref, y_ref, dinv_ref, b_ref, w2_ref, y2_ref):
    dinv = dinv_ref[...]
    t = (p_ref[0] + p_ref[1] + y_ref[...]) * dinv + b_ref[...]
    h = jnp.maximum(t, 0.0)
    y2_ref[...] = jnp.dot(h, w2_ref[...], preferred_element_type=f32) * dinv


def _post_body(p_ref, y_ref, dinv_ref, b_ref, batch_ref, fcw_ref, fcb_ref, out_ref):
    h = jnp.maximum((p_ref[0] + p_ref[1] + y_ref[...]) * dinv_ref[...] + b_ref[...], 0.0)
    gid = lax.broadcasted_iota(i32, (NG, NP), 0)
    onehot = (batch_ref[...] == gid).astype(f32)
    sums = jnp.dot(onehot, h, preferred_element_type=f32)
    counts = jnp.sum(onehot, axis=1, keepdims=True)
    pooled = sums / jnp.maximum(counts, 1.0)
    out_ref[...] = jnp.dot(pooled, fcw_ref[...], preferred_element_type=f32) + fcb_ref[...]


_pre = pl.pallas_call(
    _pre_body,
    out_shape=(
        jax.ShapeDtypeStruct((NP, D), f32),
        jax.ShapeDtypeStruct((NP, 1), f32),
    ),
)

_mid = pl.pallas_call(
    _mid_body,
    out_shape=jax.ShapeDtypeStruct((NP, D), f32),
)

_post = pl.pallas_call(
    _post_body,
    out_shape=jax.ShapeDtypeStruct((NG, 1), f32),
)


def kernel(x, ei, batch, W1, b1, W2, b2, fc_W, fc_b):
    ei = ei.astype(i32)
    pad_dst = NREAL + (jnp.arange(EP - NE, dtype=i32) % (NP - NREAL))
    src = jnp.concatenate([ei[0], jnp.full((EP - NE,), NREAL, i32)]).reshape(NW, K, C)
    dst = jnp.concatenate([ei[1], pad_dst]).reshape(NW, K, C)
    dst_d = jnp.concatenate([ei[1], pad_dst[:EPD - NE]]).reshape(NW, KD, CD)
    x_pad = jnp.pad(x, ((0, NP - NREAL), (0, 0)))
    batch_pad = jnp.pad(batch.astype(i32), (0, NP - NREAL), constant_values=NG).reshape(1, NP)
    zeros64 = jnp.zeros((NP, D), f32)
    zeros16 = jnp.zeros((NP, 16), f32)
    ones16 = jnp.ones((CD, 16), f32)

    degp = _deg(dst_d, ones16, zeros16)
    y1, dinv = _pre(x_pad, W1, degp)
    p1 = _prop(y1, src, dst, zeros64)
    y2 = _mid(p1, y1, dinv, b1.reshape(1, D), W2)
    p2 = _prop(y2, src, dst, zeros64)
    out = _post(p2, y2, dinv, b2.reshape(1, D), batch_pad, fc_W, fc_b.reshape(1, 1))
    return out.reshape(-1)

# --- scband reference (transcript-rebuilt; emitter-appended) ---
"""Pipeline reference for scband-cvdgcn-88862873355008 (READ-ONLY COPY).

The authoritative reference and input builder live on the scoring server;
editing this copy changes nothing except your own understanding.
"""

import jax, jax.numpy as jnp
import numpy as np

N_NODES = 10000
N_EDGES = 320000
IN_CH = 128
HIDDEN = 64
N_GRAPHS = 16


def glorot(key, shape):
    fan_in, fan_out = shape[0], shape[1]
    limit = float(np.sqrt(6.0 / (fan_in + fan_out)))
    return jax.random.uniform(key, shape, minval=-limit, maxval=limit, dtype=jnp.float32)


def setup_inputs(seed: int = 0) -> dict:
    key = jax.random.key(seed)
    ks = jax.random.split(key, 8)
    x = jax.random.normal(ks[0], (N_NODES, IN_CH), dtype=jnp.float32)
    ei = jax.random.randint(ks[1], (2, N_EDGES), 0, N_NODES, dtype=jnp.int64 if jax.config.jax_enable_x64 else jnp.int32)
    batch = jnp.sort(jax.random.randint(ks[2], (N_NODES,), 0, N_GRAPHS, dtype=jnp.int32))
    W1 = glorot(ks[3], (IN_CH, HIDDEN))
    b1 = jnp.zeros((HIDDEN,), dtype=jnp.float32)
    W2 = glorot(ks[4], (HIDDEN, HIDDEN))
    b2 = jnp.zeros((HIDDEN,), dtype=jnp.float32)
    fc_W = glorot(ks[5], (HIDDEN, 1))
    fc_b = jnp.zeros((1,), dtype=jnp.float32)
    return {"x": x, "ei": ei, "batch": batch, "W1": W1, "b1": b1, "W2": W2, "b2": b2, "fc_W": fc_W, "fc_b": fc_b}


def gcn_conv(x, ei, W, b, num_nodes):
    # GCNConv: add self-loops, symmetric norm D^-1/2 (A+I) D^-1/2, then (norm * xW[src]) scatter-added to dst, plus bias
    xw = x @ W
    loop = jnp.arange(num_nodes, dtype=ei.dtype)
    src = jnp.concatenate([ei[0], loop])
    dst = jnp.concatenate([ei[1], loop])
    deg = jnp.zeros((num_nodes,), dtype=x.dtype).at[dst].add(1.0)
    dinv = jnp.where(deg > 0, 1.0 / jnp.sqrt(deg), 0.0)
    norm = dinv[src] * dinv[dst]
    msg = xw[src] * norm[:, None]
    out = jax.ops.segment_sum(msg, dst, num_segments=num_nodes)
    return out + b


def global_mean_pool(x, batch, num_graphs):
    sums = jax.ops.segment_sum(x, batch, num_segments=num_graphs)
    counts = jax.ops.segment_sum(jnp.ones((x.shape[0],), dtype=x.dtype), batch, num_segments=num_graphs)
    return sums / jnp.maximum(counts, 1.0)[:, None]


def reference(x, ei, batch, W1, b1, W2, b2, fc_W, fc_b):
    h = gcn_conv(x, ei, W1, b1, N_NODES)
    h = jax.nn.relu(h)
    h = gcn_conv(h, ei, W2, b2, N_NODES)
    h = jax.nn.relu(h)
    pooled = global_mean_pool(h, batch, N_GRAPHS)
    out = pooled @ fc_W + fc_b
    return out.reshape(-1)

if __name__ == "__main__":
    import jax
    _d = setup_inputs()
    print(jax.jit(kernel)(*tuple(_d.values())))

</pallas_src>

<mosaic_0001>
#map = affine_map<(d0, d1) -> (0, 0)>
#map1 = affine_map<(d0, d1) -> (0, 0, 0)>
module attributes {stable_mosaic.version = 14 : i64} {
  func.func @_prop(%arg0: i32, %arg1: i32, %arg2: memref<10112x64xf32, #tpu.memory_space<hbm>>, %arg3: memref<32x160x64xi32, #tpu.memory_space<hbm>>, %arg4: memref<32x160x64xi32, #tpu.memory_space<hbm>>, %arg5: memref<10112x64xf32, #tpu.memory_space<hbm>>, %arg6: memref<2x10112x64xf32, #tpu.memory_space<hbm>>, %arg7: memref<160x64xi32, #tpu.memory_space<vmem>>, %arg8: memref<160x64xi32, #tpu.memory_space<vmem>>, %arg9: memref<16x64x64xf32, #tpu.memory_space<vmem>>, %arg10: memref<10112x64xf32, #tpu.memory_space<vmem_shared>>, %arg11: memref<!tpu.dma_semaphore, #tpu.memory_space<semaphore_mem>>, %arg12: memref<!tpu.dma_semaphore, #tpu.memory_space<semaphore_mem>>, %arg13: memref<!tpu.dma_semaphore, #tpu.memory_space<semaphore_mem>>, %arg14: memref<!tpu.dma_semaphore, #tpu.memory_space<semaphore_mem>>) attributes {dimension_semantics = [#tpu.dimension_semantics<core_parallel>, #tpu.dimension_semantics<subcore_parallel>], iteration_bounds = array<i64: 2, 16>, scalar_prefetch = 0 : i64, scratch_operands = 8 : i64, tpu.core_type = #tpu.core_type<sc_vector_subcore>, window_params = [{transform_indices = #map}, {transform_indices = #map1}, {transform_indices = #map1}, {transform_indices = #map}, {transform_indices = #map1}]} {
    %mul3A = arith.constant 2 : i32
    %mul3A_0 = arith.muli %arg1, %mul3A : i32
    %add3A = arith.addi %mul3A_0, %arg0 : i32
    "tpu.region"() ({
      %run_scoped3A = tpu.sem_alloc : memref<!tpu.dma_semaphore, #tpu.memory_space<semaphore_mem>>
      %dma_start3A_206 = arith.constant 0 : i32
      %dma_start3A_207 = arith.constant 0 : i32
      %dma_start3A_208 = tpu.memref_slice %arg3[%add3A, %dma_start3A_206, %dma_start3A_207] : memref<32x160x64xi32, #tpu.memory_space<hbm>> -> memref<1x160x64xi32, #tpu.memory_space<hbm>>
      %dma_start3A_209 = tpu.memref_squeeze %dma_start3A_208 : memref<1x160x64xi32, #tpu.memory_space<hbm>> -> memref<160x64xi32, #tpu.memory_space<hbm>>
      %dma_start3A_210 = arith.constant 0 : i32
      %dma_start3A_211 = arith.constant 0 : i32
      %dma_start3A_212 = tpu.memref_slice %arg3[%add3A, %dma_start3A_210, %dma_start3A_211] : memref<32x160x64xi32, #tpu.memory_space<hbm>> -> memref<1x160x64xi32, #tpu.memory_space<hbm>>
      %dma_start3A_213 = tpu.memref_squeeze %dma_start3A_212 : memref<1x160x64xi32, #tpu.memory_space<hbm>> -> memref<160x64xi32, #tpu.memory_space<hbm>>
      tpu.enqueue_dma source(%dma_start3A_213 : memref<160x64xi32, #tpu.memory_space<hbm>>) target(%arg7 : memref<160x64xi32, #tpu.memory_space<vmem>>) target_semaphore(%run_scoped3A : memref<!tpu.dma_semaphore, #tpu.memory_space<semaphore_mem>>)
      %dma_wait3A = arith.constant 0 : i32
      %dma_wait3A_214 = arith.constant 0 : i32
      %dma_wait3A_215 = tpu.memref_slice %arg3[%add3A, %dma_wait3A, %dma_wait3A_214] : memref<32x160x64xi32, #tpu.memory_space<hbm>> -> memref<1x160x64xi32, #tpu.memory_space<hbm>>
      %dma_wait3A_216 = tpu.memref_squeeze %dma_wait3A_215 : memref<1x160x64xi32, #tpu.memory_space<hbm>> -> memref<160x64xi32, #tpu.memory_space<hbm>>
      %dma_wait3A_217 = arith.constant 0 : i32
      %dma_wait3A_218 = arith.constant 0 : i32
      %dma_wait3A_219 = tpu.memref_slice %arg3[%add3A, %dma_wait3A_217, %dma_wait3A_218] : memref<32x160x64xi32, #tpu.memory_space<hbm>> -> memref<1x160x64xi32, #tpu.memory_space<hbm>>
      %dma_wait3A_220 = tpu.memref_squeeze %dma_wait3A_219 : memref<1x160x64xi32, #tpu.memory_space<hbm>> -> memref<160x64xi32, #tpu.memory_space<hbm>>
      tpu.wait_dma2 semaphore(%run_scoped3A : memref<!tpu.dma_semaphore, #tpu.memory_space<semaphore_mem>>) src(%dma_wait3A_220 : memref<160x64xi32, #tpu.memory_space<hbm>>) dst(%arg7 : memref<160x64xi32, #tpu.memory_space<vmem>>)
      tpu.yield
    }) : () -> ()
    "tpu.region"() ({
      %run_scoped3A = tpu.sem_alloc : memref<!tpu.dma_semaphore, #tpu.memory_space<semaphore_mem>>
      %dma_start3A_206 = arith.constant 0 : i32
      %dma_start3A_207 = arith.constant 0 : i32
      %dma_start3A_208 = tpu.memref_slice %arg4[%add3A, %dma_start3A_206, %dma_start3A_207] : memref<32x160x64xi32, #tpu.memory_space<hbm>> -> memref<1x160x64xi32, #tpu.memory_space<hbm>>
      %dma_start3A_209 = tpu.memref_squeeze %dma_start3A_208 : memref<1x160x64xi32, #tpu.memory_space<hbm>> -> memref<160x64xi32, #tpu.memory_space<hbm>>
      %dma_start3A_210 = arith.constant 0 : i32
      %dma_start3A_211 = arith.constant 0 : i32
      %dma_start3A_212 = tpu.memref_slice %arg4[%add3A, %dma_start3A_210, %dma_start3A_211] : memref<32x160x64xi32, #tpu.memory_space<hbm>> -> memref<1x160x64xi32, #tpu.memory_space<hbm>>
      %dma_start3A_213 = tpu.memref_squeeze %dma_start3A_212 : memref<1x160x64xi32, #tpu.memory_space<hbm>> -> memref<160x64xi32, #tpu.memory_space<hbm>>
      tpu.enqueue_dma source(%dma_start3A_213 : memref<160x64xi32, #tpu.memory_space<hbm>>) target(%arg8 : memref<160x64xi32, #tpu.memory_space<vmem>>) target_semaphore(%run_scoped3A : memref<!tpu.dma_semaphore, #tpu.memory_space<semaphore_mem>>)
      %dma_wait3A = arith.constant 0 : i32
      %dma_wait3A_214 = arith.constant 0 : i32
      %dma_wait3A_215 = tpu.memref_slice %arg4[%add3A, %dma_wait3A, %dma_wait3A_214] : memref<32x160x64xi32, #tpu.memory_space<hbm>> -> memref<1x160x64xi32, #tpu.memory_space<hbm>>
      %dma_wait3A_216 = tpu.memref_squeeze %dma_wait3A_215 : memref<1x160x64xi32, #tpu.memory_space<hbm>> -> memref<160x64xi32, #tpu.memory_space<hbm>>
      %dma_wait3A_217 = arith.constant 0 : i32
      %dma_wait3A_218 = arith.constant 0 : i32
      %dma_wait3A_219 = tpu.memref_slice %arg4[%add3A, %dma_wait3A_217, %dma_wait3A_218] : memref<32x160x64xi32, #tpu.memory_space<hbm>> -> memref<1x160x64xi32, #tpu.memory_space<hbm>>
      %dma_wait3A_220 = tpu.memref_squeeze %dma_wait3A_219 : memref<1x160x64xi32, #tpu.memory_space<hbm>> -> memref<160x64xi32, #tpu.memory_space<hbm>>
      tpu.wait_dma2 semaphore(%run_scoped3A : memref<!tpu.dma_semaphore, #tpu.memory_space<semaphore_mem>>) src(%dma_wait3A_220 : memref<160x64xi32, #tpu.memory_space<hbm>>) dst(%arg8 : memref<160x64xi32, #tpu.memory_space<vmem>>)
      tpu.yield
    }) : () -> ()
    %mul3A_1 = arith.constant 632 : i32
    %mul3A_2 = arith.muli %arg1, %mul3A_1 : i32
    %mul3A_3 = arith.constant 632 : i32
    %mul3A_4 = arith.muli %arg1, %mul3A_3 : i32
    "tpu.region"() ({
      %run_scoped3A = tpu.sem_alloc : memref<!tpu.dma_semaphore, #tpu.memory_space<semaphore_mem>>
      %dma_start3A_206 = arith.constant 0 : i32
      %dma_start3A_207 = tpu.memref_slice %arg10[%mul3A_4, %dma_start3A_206] : memref<10112x64xf32, #tpu.memory_space<vmem_shared>> -> memref<632x64xf32, #tpu.memory_space<vmem_shared>>
      %dma_start3A_208 = arith.constant 0 : i32
      %dma_start3A_209 = tpu.memref_slice %arg5[%mul3A_2, %dma_start3A_208] : memref<10112x64xf32, #tpu.memory_space<hbm>> -> memref<632x64xf32, #tpu.memory_space<hbm>>
      tpu.enqueue_dma source(%dma_start3A_209 : memref<632x64xf32, #tpu.memory_space<hbm>>) target(%dma_start3A_207 : memref<632x64xf32, #tpu.memory_space<vmem_shared>>) target_semaphore(%run_scoped3A : memref<!tpu.dma_semaphore, #tpu.memory_space<semaphore_mem>>)
      %dma_wait3A = arith.constant 0 : i32
      %dma_wait3A_210 = tpu.memref_slice %arg10[%mul3A_4, %dma_wait3A] : memref<10112x64xf32, #tpu.memory_space<vmem_shared>> -> memref<632x64xf32, #tpu.memory_space<vmem_shared>>
      %dma_wait3A_211 = arith.constant 0 : i32
      %dma_wait3A_212 = tpu.memref_slice %arg5[%mul3A_2, %dma_wait3A_211] : memref<10112x64xf32, #tpu.memory_space<hbm>> -> memref<632x64xf32, #tpu.memory_space<hbm>>
      tpu.wait_dma2 semaphore(%run_scoped3A : memref<!tpu.dma_semaphore, #tpu.memory_space<semaphore_mem>>) src(%dma_wait3A_212 : memref<632x64xf32, #tpu.memory_space<hbm>>) dst(%dma_wait3A_210 : memref<632x64xf32, #tpu.memory_space<vmem_shared>>)
      tpu.yield
    }) : () -> ()
    %barrier3A = arith.constant 0 : index
    tpu.barrier barrier_id(%barrier3A)
    %dma_start3A = arith.constant 0 : i32
    %dma_start3A_5 = arith.constant 0 : i32
    %dma_start3A_6 = arith.constant 0 : i32
    %dma_start3A_7 = arith.constant 0 : i32
    %dma_start3A_8 = tpu.memref_slice %arg9[%dma_start3A_5, %dma_start3A_6, %dma_start3A_7] : memref<16x64x64xf32, #tpu.memory_space<vmem>> -> memref<1x64x64xf32, #tpu.memory_space<vmem>>
    %dma_start3A_9 = tpu.memref_squeeze %dma_start3A_8 : memref<1x64x64xf32, #tpu.memory_space<vmem>> -> memref<64x64xf32, #tpu.memory_space<vmem>>
    %dma_start3A_10 = arith.constant 0 : i32
    %dma_start3A_11 = tpu.memref_slice %arg7[%dma_start3A, %dma_start3A_10] : memref<160x64xi32, #tpu.memory_space<vmem>> -> memref<1x64xi32, #tpu.memory_space<vmem>>
    %dma_start3A_12 = tpu.memref_squeeze %dma_start3A_11 : memref<1x64xi32, #tpu.memory_space<vmem>> -> memref<64xi32, #tpu.memory_space<vmem>>
    %dma_start3A_13 = arith.constant 0 : i32
    %dma_start3A_14 = arith.constant 0 : i32
    %dma_start3A_15 = tpu.memref_slice %arg2[%dma_start3A_13, %dma_start3A_14] : memref<10112x64xf32, #tpu.memory_space<hbm>> -> memref<10112x64xf32, #tpu.memory_space<hbm>>
    tpu.enqueue_indirect_dma source(%dma_start3A_15 : memref<10112x64xf32, #tpu.memory_space<hbm>>) target(%dma_start3A_9 : memref<64x64xf32, #tpu.memory_space<vmem>>) offsets(%dma_start3A_12 : memref<64xi32, #tpu.memory_space<vmem>>) semaphore(%arg11 : memref<!tpu.dma_semaphore, #tpu.memory_space<semaphore_mem>>)
    %dma_start3A_16 = arith.constant 8 : i32
    %dma_start3A_17 = arith.constant 8 : i32
    %dma_start3A_18 = arith.constant 0 : i32
    %dma_start3A_19 = arith.constant 0 : i32
    %dma_start3A_20 = tpu.memref_slice %arg9[%dma_start3A_17, %dma_start3A_18, %dma_start3A_19] : memref<16x64x64xf32, #tpu.memory_space<vmem>> -> memref<1x64x64xf32, #tpu.memory_space<vmem>>
    %dma_start3A_21 = tpu.memref_squeeze %dma_start3A_20 : memref<1x64x64xf32, #tpu.memory_space<vmem>> -> memref<64x64xf32, #tpu.memory_space<vmem>>
    %dma_start3A_22 = arith.constant 0 : i32
    %dma_start3A_23 = tpu.memref_slice %arg7[%dma_start3A_16, %dma_start3A_22] : memref<160x64xi32, #tpu.memory_space<vmem>> -> memref<1x64xi32, #tpu.memory_space<vmem>>
    %dma_start3A_24 = tpu.memref_squeeze %dma_start3A_23 : memref<1x64xi32, #tpu.memory_space<vmem>> -> memref<64xi32, #tpu.memory_space<vmem>>
    %dma_start3A_25 = arith.constant 0 : i32
    %dma_start3A_26 = arith.constant 0 : i32
    %dma_start3A_27 = tpu.memref_slice %arg2[%dma_start3A_25, %dma_start3A_26] : memref<10112x64xf32, #tpu.memory_space<hbm>> -> memref<10112x64xf32, #tpu.memory_space<hbm>>
    tpu.enqueue_indirect_dma source(%dma_start3A_27 : memref<10112x64xf32, #tpu.memory_space<hbm>>) target(%dma_start3A_21 : memref<64x64xf32, #tpu.memory_space<vmem>>) offsets(%dma_start3A_24 : memref<64xi32, #tpu.memory_space<vmem>>) semaphore(%arg12 : memref<!tpu.dma_semaphore, #tpu.memory_space<semaphore_mem>>)
    %dma_start3A_28 = arith.constant 1 : i32
    %dma_start3A_29 = arith.constant 1 : i32
    %dma_start3A_30 = arith.constant 0 : i32
    %dma_start3A_31 = arith.constant 0 : i32
    %dma_start3A_32 = tpu.memref_slice %arg9[%dma_start3A_29, %dma_start3A_30, %dma_start3A_31] : memref<16x64x64xf32, #tpu.memory_space<vmem>> -> memref<1x64x64xf32, #tpu.memory_space<vmem>>
    %dma_start3A_33 = tpu.memref_squeeze %dma_start3A_32 : memref<1x64x64xf32, #tpu.memory_space<vmem>> -> memref<64x64xf32, #tpu.memory_space<vmem>>
    %dma_start3A_34 = arith.constant 0 : i32
    %dma_start3A_35 = tpu.memref_slice %arg7[%dma_start3A_28, %dma_start3A_34] : memref<160x64xi32, #tpu.memory_space<vmem>> -> memref<1x64xi32, #tpu.memory_space<vmem>>
    %dma_start3A_36 = tpu.memref_squeeze %dma_start3A_35 : memref<1x64xi32, #tpu.memory_space<vmem>> -> memref<64xi32, #tpu.memory_space<vmem>>
    %dma_start3A_37 = arith.constant 0 : i32
    %dma_start3A_38 = arith.constant 0 : i32
    %dma_start3A_39 = tpu.memref_slice %arg2[%dma_start3A_37, %dma_start3A_38] : memref<10112x64xf32, #tpu.memory_space<hbm>> -> memref<10112x64xf32, #tpu.memory_space<hbm>>
    tpu.enqueue_indirect_dma source(%dma_start3A_39 : memref<10112x64xf32, #tpu.memory_space<hbm>>) target(%dma_start3A_33 : memref<64x64xf32, #tpu.memory_space<vmem>>) offsets(%dma_start3A_36 : memref<64xi32, #tpu.memory_space<vmem>>) semaphore(%arg11 : memref<!tpu.dma_semaphore, #tpu.memory_space<semaphore_mem>>)
    %dma_start3A_40 = arith.constant 9 : i32
    %dma_start3A_41 = arith.constant 9 : i32
    %dma_start3A_42 = arith.constant 0 : i32
    %dma_start3A_43 = arith.constant 0 : i32
    %dma_start3A_44 = tpu.memref_slice %arg9[%dma_start3A_41, %dma_start3A_42, %dma_start3A_43] : memref<16x64x64xf32, #tpu.memory_space<vmem>> -> memref<1x64x64xf32, #tpu.memory_space<vmem>>
    %dma_start3A_45 = tpu.memref_squeeze %dma_start3A_44 : memref<1x64x64xf32, #tpu.memory_space<vmem>> -> memref<64x64xf32, #tpu.memory_space<vmem>>
    %dma_start3A_46 = arith.constant 0 : i32
    %dma_start3A_47 = tpu.memref_slice %arg7[%dma_start3A_40, %dma_start3A_46] : memref<160x64xi32, #tpu.memory_space<vmem>> -> memref<1x64xi32, #tpu.memory_space<vmem>>
    %dma_start3A_48 = tpu.memref_squeeze %dma_start3A_47 : memref<1x64xi32, #tpu.memory_space<vmem>> -> memref<64xi32, #tpu.memory_space<vmem>>
    %dma_start3A_49 = arith.constant 0 : i32
    %dma_start3A_50 = arith.constant 0 : i32
    %dma_start3A_51 = tpu.memref_slice %arg2[%dma_start3A_49, %dma_start3A_50] : memref<10112x64xf32, #tpu.memory_space<hbm>> -> memref<10112x64xf32, #tpu.memory_space<hbm>>
    tpu.enqueue_indirect_dma source(%dma_start3A_51 : memref<10112x64xf32, #tpu.memory_space<hbm>>) target(%dma_start3A_45 : memref<64x64xf32, #tpu.memory_space<vmem>>) offsets(%dma_start3A_48 : memref<64xi32, #tpu.memory_space<vmem>>) semaphore(%arg12 : memref<!tpu.dma_semaphore, #tpu.memory_space<semaphore_mem>>)
    %dma_start3A_52 = arith.constant 2 : i32
    %dma_start3A_53 = arith.constant 2 : i32
    %dma_start3A_54 = arith.constant 0 : i32
    %dma_start3A_55 = arith.constant 0 : i32
    %dma_start3A_56 = tpu.memref_slice %arg9[%dma_start3A_53, %dma_start3A_54, %dma_start3A_55] : memref<16x64x64xf32, #tpu.memory_space<vmem>> -> memref<1x64x64xf32, #tpu.memory_space<vmem>>
    %dma_start3A_57 = tpu.memref_squeeze %dma_start3A_56 : memref<1x64x64xf32, #tpu.memory_space<vmem>> -> memref<64x64xf32, #tpu.memory_space<vmem>>
    %dma_start3A_58 = arith.constant 0 : i32
    %dma_start3A_59 = tpu.memref_slice %arg7[%dma_start3A_52, %dma_start3A_58] : memref<160x64xi32, #tpu.memory_space<vmem>> -> memref<1x64xi32, #tpu.memory_space<vmem>>
    %dma_start3A_60 = tpu.memref_squeeze %dma_start3A_59 : memref<1x64xi32, #tpu.memory_space<vmem>> -> memref<64xi32, #tpu.memory_space<vmem>>
    %dma_start3A_61 = arith.constant 0 : i32
    %dma_start3A_62 = arith.constant 0 : i32
    %dma_start3A_63 = tpu.memref_slice %arg2[%dma_start3A_61, %dma_start3A_62] : memref<10112x64xf32, #tpu.memory_space<hbm>> -> memref<10112x64xf32, #tpu.memory_space<hbm>>
    tpu.enqueue_indirect_dma source(%dma_start3A_63 : memref<10112x64xf32, #tpu.memory_space<hbm>>) target(%dma_start3A_57 : memref<64x64xf32, #tpu.memory_space<vmem>>) offsets(%dma_start3A_60 : memref<64xi32, #tpu.memory_space<vmem>>) semaphore(%arg11 : memref<!tpu.dma_semaphore, #tpu.memory_space<semaphore_mem>>)
    %dma_start3A_64 = arith.constant 10 : i32
    %dma_start3A_65 = arith.constant 10 : i32
    %dma_start3A_66 = arith.constant 0 : i32
    %dma_start3A_67 = arith.constant 0 : i32
    %dma_start3A_68 = tpu.memref_slice %arg9[%dma_start3A_65, %dma_start3A_66, %dma_start3A_67] : memref<16x64x64xf32, #tpu.memory_space<vmem>> -> memref<1x64x64xf32, #tpu.memory_space<vmem>>
    %dma_start3A_69 = tpu.memref_squeeze %dma_start3A_68 : memref<1x64x64xf32, #tpu.memory_space<vmem>> -> memref<64x64xf32, #tpu.memory_space<vmem>>
    %dma_start3A_70 = arith.constant 0 : i32
    %dma_start3A_71 = tpu.memref_slice %arg7[%dma_start3A_64, %dma_start3A_70] : memref<160x64xi32, #tpu.memory_space<vmem>> -> memref<1x64xi32, #tpu.memory_space<vmem>>
    %dma_start3A_72 = tpu.memref_squeeze %dma_start3A_71 : memref<1x64xi32, #tpu.memory_space<vmem>> -> memref<64xi32, #tpu.memory_space<vmem>>
    %dma_start3A_73 = arith.constant 0 : i32
    %dma_start3A_74 = arith.constant 0 : i32
    %dma_start3A_75 = tpu.memref_slice %arg2[%dma_start3A_73, %dma_start3A_74] : memref<10112x64xf32, #tpu.memory_space<hbm>> -> memref<10112x64xf32, #tpu.memory_space<hbm>>
    tpu.enqueue_indirect_dma source(%dma_start3A_75 : memref<10112x64xf32, #tpu.memory_space<hbm>>) target(%dma_start3A_69 : memref<64x64xf32, #tpu.memory_space<vmem>>) offsets(%dma_start3A_72 : memref<64xi32, #tpu.memory_space<vmem>>) semaphore(%arg12 : memref<!tpu.dma_semaphore, #tpu.memory_space<semaphore_mem>>)
    %dma_start3A_76 = arith.constant 3 : i32
    %dma_start3A_77 = arith.constant 3 : i32
    %dma_start3A_78 = arith.constant 0 : i32
    %dma_start3A_79 = arith.constant 0 : i32
    %dma_start3A_80 = tpu.memref_slice %arg9[%dma_start3A_77, %dma_start3A_78, %dma_start3A_79] : memref<16x64x64xf32, #tpu.memory_space<vmem>> -> memref<1x64x64xf32, #tpu.memory_space<vmem>>
    %dma_start3A_81 = tpu.memref_squeeze %dma_start3A_80 : memref<1x64x64xf32, #tpu.memory_space<vmem>> -> memref<64x64xf32, #tpu.memory_space<vmem>>
    %dma_start3A_82 = arith.constant 0 : i32
    %dma_start3A_83 = tpu.memref_slice %arg7[%dma_start3A_76, %dma_start3A_82] : memref<160x64xi32, #tpu.memory_space<vmem>> -> memref<1x64xi32, #tpu.memory_space<vmem>>
    %dma_start3A_84 = tpu.memref_squeeze %dma_start3A_83 : memref<1x64xi32, #tpu.memory_space<vmem>> -> memref<64xi32, #tpu.memory_space<vmem>>
    %dma_start3A_85 = arith.constant 0 : i32
    %dma_start3A_86 = arith.constant 0 : i32
    %dma_start3A_87 = tpu.memref_slice %arg2[%dma_start3A_85, %dma_start3A_86] : memref<10112x64xf32, #tpu.memory_space<hbm>> -> memref<10112x64xf32, #tpu.memory_space<hbm>>
    tpu.enqueue_indirect_dma source(%dma_start3A_87 : memref<10112x64xf32, #tpu.memory_space<hbm>>) target(%dma_start3A_81 : memref<64x64xf32, #tpu.memory_space<vmem>>) offsets(%dma_start3A_84 : memref<64xi32, #tpu.memory_space<vmem>>) semaphore(%arg11 : memref<!tpu.dma_semaphore, #tpu.memory_space<semaphore_mem>>)
    %dma_start3A_88 = arith.constant 11 : i32
    %dma_start3A_89 = arith.constant 11 : i32
    %dma_start3A_90 = arith.constant 0 : i32
    %dma_start3A_91 = arith.constant 0 : i32
    %dma_start3A_92 = tpu.memref_slice %arg9[%dma_start3A_89, %dma_start3A_90, %dma_start3A_91] : memref<16x64x64xf32, #tpu.memory_space<vmem>> -> memref<1x64x64xf32, #tpu.memory_space<vmem>>
    %dma_start3A_93 = tpu.memref_squeeze %dma_start3A_92 : memref<1x64x64xf32, #tpu.memory_space<vmem>> -> memref<64x64xf32, #tpu.memory_space<vmem>>
    %dma_start3A_94 = arith.constant 0 : i32
    %dma_start3A_95 = tpu.memref_slice %arg7[%dma_start3A_88, %dma_start3A_94] : memref<160x64xi32, #tpu.memory_space<vmem>> -> memref<1x64xi32, #tpu.memory_space<vmem>>
    %dma_start3A_96 = tpu.memref_squeeze %dma_start3A_95 : memref<1x64xi32, #tpu.memory_space<vmem>> -> memref<64xi32, #tpu.memory_space<vmem>>
    %dma_start3A_97 = arith.constant 0 : i32
    %dma_start3A_98 = arith.constant 0 : i32
    %dma_start3A_99 = tpu.memref_slice %arg2[%dma_start3A_97, %dma_start3A_98] : memref<10112x64xf32, #tpu.memory_space<hbm>> -> memref<10112x64xf32, #tpu.memory_space<hbm>>
    tpu.enqueue_indirect_dma source(%dma_start3A_99 : memref<10112x64xf32, #tpu.memory_space<hbm>>) target(%dma_start3A_93 : memref<64x64xf32, #tpu.memory_space<vmem>>) offsets(%dma_start3A_96 : memref<64xi32, #tpu.memory_space<vmem>>) semaphore(%arg12 : memref<!tpu.dma_semaphore, #tpu.memory_space<semaphore_mem>>)
    %dma_start3A_100 = arith.constant 4 : i32
    %dma_start3A_101 = arith.constant 4 : i32
    %dma_start3A_102 = arith.constant 0 : i32
    %dma_start3A_103 = arith.constant 0 : i32
    %dma_start3A_104 = tpu.memref_slice %arg9[%dma_start3A_101, %dma_start3A_102, %dma_start3A_103] : memref<16x64x64xf32, #tpu.memory_space<vmem>> -> memref<1x64x64xf32, #tpu.memory_space<vmem>>
    %dma_start3A_105 = tpu.memref_squeeze %dma_start3A_104 : memref<1x64x64xf32, #tpu.memory_space<vmem>> -> memref<64x64xf32, #tpu.memory_space<vmem>>
    %dma_start3A_106 = arith.constant 0 : i32
    %dma_start3A_107 = tpu.memref_slice %arg7[%dma_start3A_100, %dma_start3A_106] : memref<160x64xi32, #tpu.memory_space<vmem>> -> memref<1x64xi32, #tpu.memory_space<vmem>>
    %dma_start3A_108 = tpu.memref_squeeze %dma_start3A_107 : memref<1x64xi32, #tpu.memory_space<vmem>> -> memref<64xi32, #tpu.memory_space<vmem>>
    %dma_start3A_109 = arith.constant 0 : i32
    %dma_start3A_110 = arith.constant 0 : i32
    %dma_start3A_111 = tpu.memref_slice %arg2[%dma_start3A_109, %dma_start3A_110] : memref<10112x64xf32, #tpu.memory_space<hbm>> -> memref<10112x64xf32, #tpu.memory_space<hbm>>
    tpu.enqueue_indirect_dma source(%dma_start3A_111 : memref<10112x64xf32, #tpu.memory_space<hbm>>) target(%dma_start3A_105 : memref<64x64xf32, #tpu.memory_space<vmem>>) offsets(%dma_start3A_108 : memref<64xi32, #tpu.memory_space<vmem>>) semaphore(%arg11 : memref<!tpu.dma_semaphore, #tpu.memory_space<semaphore_mem>>)
    %dma_start3A_112 = arith.constant 12 : i32
    %dma_start3A_113 = arith.constant 12 : i32
    %dma_start3A_114 = arith.constant 0 : i32
    %dma_start3A_115 = arith.constant 0 : i32
    %dma_start3A_116 = tpu.memref_slice %arg9[%dma_start3A_113, %dma_start3A_114, %dma_start3A_115] : memref<16x64x64xf32, #tpu.memory_space<vmem>> -> memref<1x64x64xf32, #tpu.memory_space<vmem>>
    %dma_start3A_117 = tpu.memref_squeeze %dma_start3A_116 : memref<1x64x64xf32, #tpu.memory_space<vmem>> -> memref<64x64xf32, #tpu.memory_space<vmem>>
    %dma_start3A_118 = arith.constant 0 : i32
    %dma_start3A_119 = tpu.memref_slice %arg7[%dma_start3A_112, %dma_start3A_118] : memref<160x64xi32, #tpu.memory_space<vmem>> -> memref<1x64xi32, #tpu.memory_space<vmem>>
    %dma_start3A_120 = tpu.memref_squeeze %dma_start3A_119 : memref<1x64xi32, #tpu.memory_space<vmem>> -> memref<64xi32, #tpu.memory_space<vmem>>
    %dma_start3A_121 = arith.constant 0 : i32
    %dma_start3A_122 = arith.constant 0 : i32
    %dma_start3A_123 = tpu.memref_slice %arg2[%dma_start3A_121, %dma_start3A_122] : memref<10112x64xf32, #tpu.memory_space<hbm>> -> memref<10112x64xf32, #tpu.memory_space<hbm>>
    tpu.enqueue_indirect_dma source(%dma_start3A_123 : memref<10112x64xf32, #tpu.memory_space<hbm>>) target(%dma_start3A_117 : memref<64x64xf32, #tpu.memory_space<vmem>>) offsets(%dma_start3A_120 : memref<64xi32, #tpu.memory_space<vmem>>) semaphore(%arg12 : memref<!tpu.dma_semaphore, #tpu.memory_space<semaphore_mem>>)
    %dma_start3A_124 = arith.constant 5 : i32
    %dma_start3A_125 = arith.constant 5 : i32
    %dma_start3A_126 = arith.constant 0 : i32
    %dma_start3A_127 = arith.constant 0 : i32
    %dma_start3A_128 = tpu.memref_slice %arg9[%dma_start3A_125, %dma_start3A_126, %dma_start3A_127] : memref<16x64x64xf32, #tpu.memory_space<vmem>> -> memref<1x64x64xf32, #tpu.memory_space<vmem>>
    %dma_start3A_129 = tpu.memref_squeeze %dma_start3A_128 : memref<1x64x64xf32, #tpu.memory_space<vmem>> -> memref<64x64xf32, #tpu.memory_space<vmem>>
    %dma_start3A_130 = arith.constant 0 : i32
    %dma_start3A_131 = tpu.memref_slice %arg7[%dma_start3A_124, %dma_start3A_130] : memref<160x64xi32, #tpu.memory_space<vmem>> -> memref<1x64xi32, #tpu.memory_space<vmem>>
    %dma_start3A_132 = tpu.memref_squeeze %dma_start3A_131 : memref<1x64xi32, #tpu.memory_space<vmem>> -> memref<64xi32, #tpu.memory_space<vmem>>
    %dma_start3A_133 = arith.constant 0 : i32
    %dma_start3A_134 = arith.constant 0 : i32
    %dma_start3A_135 = tpu.memref_slice %arg2[%dma_start3A_133, %dma_start3A_134] : memref<10112x64xf32, #tpu.memory_space<hbm>> -> memref<10112x64xf32, #tpu.memory_space<hbm>>
    tpu.enqueue_indirect_dma source(%dma_start3A_135 : memref<10112x64xf32, #tpu.memory_space<hbm>>) target(%dma_start3A_129 : memref<64x64xf32, #tpu.memory_space<vmem>>) offsets(%dma_start3A_132 : memref<64xi32, #tpu.memory_space<vmem>>) semaphore(%arg11 : memref<!tpu.dma_semaphore, #tpu.memory_space<semaphore_mem>>)
    %dma_start3A_136 = arith.constant 13 : i32
    %dma_start3A_137 = arith.constant 13 : i32
    %dma_start3A_138 = arith.constant 0 : i32
    %dma_start3A_139 = arith.constant 0 : i32
    %dma_start3A_140 = tpu.memref_slice %arg9[%dma_start3A_137, %dma_start3A_138, %dma_start3A_139] : memref<16x64x64xf32, #tpu.memory_space<vmem>> -> memref<1x64x64xf32, #tpu.memory_space<vmem>>
    %dma_start3A_141 = tpu.memref_squeeze %dma_start3A_140 : memref<1x64x64xf32, #tpu.memory_space<vmem>> -> memref<64x64xf32, #tpu.memory_space<vmem>>
    %dma_start3A_142 = arith.constant 0 : i32
    %dma_start3A_143 = tpu.memref_slice %arg7[%dma_start3A_136, %dma_start3A_142] : memref<160x64xi32, #tpu.memory_space<vmem>> -> memref<1x64xi32, #tpu.memory_space<vmem>>
    %dma_start3A_144 = tpu.memref_squeeze %dma_start3A_143 : memref<1x64xi32, #tpu.memory_space<vmem>> -> memref<64xi32, #tpu.memory_space<vmem>>
    %dma_start3A_145 = arith.constant 0 : i32
    %dma_start3A_146 = arith.constant 0 : i32
    %dma_start3A_147 = tpu.memref_slice %arg2[%dma_start3A_145, %dma_start3A_146] : memref<10112x64xf32, #tpu.memory_space<hbm>> -> memref<10112x64xf32, #tpu.memory_space<hbm>>
    tpu.enqueue_indirect_dma source(%dma_start3A_147 : memref<10112x64xf32, #tpu.memory_space<hbm>>) target(%dma_start3A_141 : memref<64x64xf32, #tpu.memory_space<vmem>>) offsets(%dma_start3A_144 : memref<64xi32, #tpu.memory_space<vmem>>) semaphore(%arg12 : memref<!tpu.dma_semaphore, #tpu.memory_space<semaphore_mem>>)
    %dma_start3A_148 = arith.constant 6 : i32
    %dma_start3A_149 = arith.constant 6 : i32
    %dma_start3A_150 = arith.constant 0 : i32
    %dma_start3A_151 = arith.constant 0 : i32
    %dma_start3A_152 = tpu.memref_slice %arg9[%dma_start3A_149, %dma_start3A_150, %dma_start3A_151] : memref<16x64x64xf32, #tpu.memory_space<vmem>> -> memref<1x64x64xf32, #tpu.memory_space<vmem>>
    %dma_start3A_153 = tpu.memref_squeeze %dma_start3A_152 : memref<1x64x64xf32, #tpu.memory_space<vmem>> -> memref<64x64xf32, #tpu.memory_space<vmem>>
    %dma_start3A_154 = arith.constant 0 : i32
    %dma_start3A_155 = tpu.memref_slice %arg7[%dma_start3A_148, %dma_start3A_154] : memref<160x64xi32, #tpu.memory_space<vmem>> -> memref<1x64xi32, #tpu.memory_space<vmem>>
    %dma_start3A_156 = tpu.memref_squeeze %dma_start3A_155 : memref<1x64xi32, #tpu.memory_space<vmem>> -> memref<64xi32, #tpu.memory_space<vmem>>
    %dma_start3A_157 = arith.constant 0 : i32
    %dma_start3A_158 = arith.constant 0 : i32
    %dma_start3A_159 = tpu.memref_slice %arg2[%dma_start3A_157, %dma_start3A_158] : memref<10112x64xf32, #tpu.memory_space<hbm>> -> memref<10112x64xf32, #tpu.memory_space<hbm>>
    tpu.enqueue_indirect_dma source(%dma_start3A_159 : memref<10112x64xf32, #tpu.memory_space<hbm>>) target(%dma_start3A_153 : memref<64x64xf32, #tpu.memory_space<vmem>>) offsets(%dma_start3A_156 : memref<64xi32, #tpu.memory_space<vmem>>) semaphore(%arg11 : memref<!tpu.dma_semaphore, #tpu.memory_space<semaphore_mem>>)
    %dma_start3A_160 = arith.constant 14 : i32
    %dma_start3A_161 = arith.constant 14 : i32
    %dma_start3A_162 = arith.constant 0 : i32
    %dma_start3A_163 = arith.constant 0 : i32
    %dma_start3A_164 = tpu.memref_slice %arg9[%dma_start3A_161, %dma_start3A_162, %dma_start3A_163] : memref<16x64x64xf32, #tpu.memory_space<vmem>> -> memref<1x64x64xf32, #tpu.memory_space<vmem>>
    %dma_start3A_165 = tpu.memref_squeeze %dma_start3A_164 : memref<1x64x64xf32, #tpu.memory_space<vmem>> -> memref<64x64xf32, #tpu.memory_space<vmem>>
    %dma_start3A_166 = arith.constant 0 : i32
    %dma_start3A_167 = tpu.memref_slice %arg7[%dma_start3A_160, %dma_start3A_166] : memref<160x64xi32, #tpu.memory_space<vmem>> -> memref<1x64xi32, #tpu.memory_space<vmem>>
    %dma_start3A_168 = tpu.memref_squeeze %dma_start3A_167 : memref<1x64xi32, #tpu.memory_space<vmem>> -> memref<64xi32, #tpu.memory_space<vmem>>
    %dma_start3A_169 = arith.constant 0 : i32
    %dma_start3A_170 = arith.constant 0 : i32
    %dma_start3A_171 = tpu.memref_slice %arg2[%dma_start3A_169, %dma_start3A_170] : memref<10112x64xf32, #tpu.memory_space<hbm>> -> memref<10112x64xf32, #tpu.memory_space<hbm>>
    tpu.enqueue_indirect_dma source(%dma_start3A_171 : memref<10112x64xf32, #tpu.memory_space<hbm>>) target(%dma_start3A_165 : memref<64x64xf32, #tpu.memory_space<vmem>>) offsets(%dma_start3A_168 : memref<64xi32, #tpu.memory_space<vmem>>) semaphore(%arg12 : memref<!tpu.dma_semaphore, #tpu.memory_space<semaphore_mem>>)
    %dma_start3A_172 = arith.constant 7 : i32
    %dma_start3A_173 = arith.constant 7 : i32
    %dma_start3A_174 = arith.constant 0 : i32
    %dma_start3A_175 = arith.constant 0 : i32
    %dma_start3A_176 = tpu.memref_slice %arg9[%dma_start3A_173, %dma_start3A_174, %dma_start3A_175] : memref<16x64x64xf32, #tpu.memory_space<vmem>> -> memref<1x64x64xf32, #tpu.memory_space<vmem>>
    %dma_start3A_177 = tpu.memref_squeeze %dma_start3A_176 : memref<1x64x64xf32, #tpu.memory_space<vmem>> -> memref<64x64xf32, #tpu.memory_space<vmem>>
    %dma_start3A_178 = arith.constant 0 : i32
    %dma_start3A_179 = tpu.memref_slice %arg7[%dma_start3A_172, %dma_start3A_178] : memref<160x64xi32, #tpu.memory_space<vmem>> -> memref<1x64xi32, #tpu.memory_space<vmem>>
    %dma_start3A_180 = tpu.memref_squeeze %dma_start3A_179 : memref<1x64xi32, #tpu.memory_space<vmem>> -> memref<64xi32, #tpu.memory_space<vmem>>
    %dma_start3A_181 = arith.constant 0 : i32
    %dma_start3A_182 = arith.constant 0 : i32
    %dma_start3A_183 = tpu.memref_slice %arg2[%dma_start3A_181, %dma_start3A_182] : memref<10112x64xf32, #tpu.memory_space<hbm>> -> memref<10112x64xf32, #tpu.memory_space<hbm>>
    tpu.enqueue_indirect_dma source(%dma_start3A_183 : memref<10112x64xf32, #tpu.memory_space<hbm>>) target(%dma_start3A_177 : memref<64x64xf32, #tpu.memory_space<vmem>>) offsets(%dma_start3A_180 : memref<64xi32, #tpu.memory_space<vmem>>) semaphore(%arg11 : memref<!tpu.dma_semaphore, #tpu.memory_space<semaphore_mem>>)
    %dma_start3A_184 = arith.constant 15 : i32
    %dma_start3A_185 = arith.constant 15 : i32
    %dma_start3A_186 = arith.constant 0 : i32
    %dma_start3A_187 = arith.constant 0 : i32
    %dma_start3A_188 = tpu.memref_slice %arg9[%dma_start3A_185, %dma_start3A_186, %dma_start3A_187] : memref<16x64x64xf32, #tpu.memory_space<vmem>> -> memref<1x64x64xf32, #tpu.memory_space<vmem>>
    %dma_start3A_189 = tpu.memref_squeeze %dma_start3A_188 : memref<1x64x64xf32, #tpu.memory_space<vmem>> -> memref<64x64xf32, #tpu.memory_space<vmem>>
    %dma_start3A_190 = arith.constant 0 : i32
    %dma_start3A_191 = tpu.memref_slice %arg7[%dma_start3A_184, %dma_start3A_190] : memref<160x64xi32, #tpu.memory_space<vmem>> -> memref<1x64xi32, #tpu.memory_space<vmem>>
    %dma_start3A_192 = tpu.memref_squeeze %dma_start3A_191 : memref<1x64xi32, #tpu.memory_space<vmem>> -> memref<64xi32, #tpu.memory_space<vmem>>
    %dma_start3A_193 = arith.constant 0 : i32
    %dma_start3A_194 = arith.constant 0 : i32
    %dma_start3A_195 = tpu.memref_slice %arg2[%dma_start3A_193, %dma_start3A_194] : memref<10112x64xf32, #tpu.memory_space<hbm>> -> memref<10112x64xf32, #tpu.memory_space<hbm>>
    tpu.enqueue_indirect_dma source(%dma_start3A_195 : memref<10112x64xf32, #tpu.memory_space<hbm>>) target(%dma_start3A_189 : memref<64x64xf32, #tpu.memory_space<vmem>>) offsets(%dma_start3A_192 : memref<64xi32, #tpu.memory_space<vmem>>) semaphore(%arg12 : memref<!tpu.dma_semaphore, #tpu.memory_space<semaphore_mem>>)
    %scan3A = arith.constant 0 : i32
    %scan3A_196 = arith.constant 0 : i32
    %scan3A_197 = arith.constant 10 : i32
    %scan3A_198 = arith.addi %scan3A_196, %scan3A_197 : i32
    %scan3A_199 = arith.constant 1 : i32
    scf.for %scan3A_206 = %scan3A_196 to %scan3A_198 step %scan3A_199  : i32 {
      %mul3A_207 = arith.constant 2 : i32
      %mul3A_208 = arith.muli %scan3A_206, %mul3A_207 : i32
      %mul3A_209 = arith.constant 8 : i32
      %mul3A_210 = arith.muli %mul3A_208, %mul3A_209 : i32
      %add3A_211 = arith.constant 0 : i32
      %add3A_212 = arith.addi %mul3A_210, %add3A_211 : i32
      %dma_wait3A = arith.constant 0 : i32
      %dma_wait3A_213 = arith.constant 0 : i32
      %dma_wait3A_214 = arith.constant 0 : i32
      %dma_wait3A_215 = tpu.memref_slice %arg9[%dma_wait3A, %dma_wait3A_213, %dma_wait3A_214] : memref<16x64x64xf32, #tpu.memory_space<vmem>> -> memref<1x64x64xf32, #tpu.memory_space<vmem>>
      %dma_wait3A_216 = tpu.memref_squeeze %dma_wait3A_215 : memref<1x64x64xf32, #tpu.memory_space<vmem>> -> memref<64x64xf32, #tpu.memory_space<vmem>>
      %dma_wait3A_217 = arith.constant 0 : i32
      %dma_wait3A_218 = tpu.memref_slice %arg7[%add3A_212, %dma_wait3A_217] : memref<160x64xi32, #tpu.memory_space<vmem>> -> memref<1x64xi32, #tpu.memory_space<vmem>>
      %dma_wait3A_219 = tpu.memref_squeeze %dma_wait3A_218 : memref<1x64xi32, #tpu.memory_space<vmem>> -> memref<64xi32, #tpu.memory_space<vmem>>
      %dma_wait3A_220 = arith.constant 0 : i32
      %dma_wait3A_221 = arith.constant 0 : i32
      %dma_wait3A_222 = tpu.memref_slice %arg2[%dma_wait3A_220, %dma_wait3A_221] : memref<10112x64xf32, #tpu.memory_space<hbm>> -> memref<10112x64xf32, #tpu.memory_space<hbm>>
      tpu.wait_indirect_dma semaphore(%arg11 : memref<!tpu.dma_semaphore, #tpu.memory_space<semaphore_mem>>) src(%dma_wait3A_222 : memref<10112x64xf32, #tpu.memory_space<hbm>>) dst(%dma_wait3A_216 : memref<64x64xf32, #tpu.memory_space<vmem>>)
      %add3A_223 = arith.constant 1 : i32
      %add3A_224 = arith.addi %mul3A_210, %add3A_223 : i32
      %dma_wait3A_225 = arith.constant 1 : i32
      %dma_wait3A_226 = arith.constant 0 : i32
      %dma_wait3A_227 = arith.constant 0 : i32
      %dma_wait3A_228 = tpu.memref_slice %arg9[%dma_wait3A_225, %dma_wait3A_226, %dma_wait3A_227] : memref<16x64x64xf32, #tpu.memory_space<vmem>> -> memref<1x64x64xf32, #tpu.memory_space<vmem>>
      %dma_wait3A_229 = tpu.memref_squeeze %dma_wait3A_228 : memref<1x64x64xf32, #tpu.memory_space<vmem>> -> memref<64x64xf32, #tpu.memory_space<vmem>>
      %dma_wait3A_230 = arith.constant 0 : i32
      %dma_wait3A_231 = tpu.memref_slice %arg7[%add3A_224, %dma_wait3A_230] : memref<160x64xi32, #tpu.memory_space<vmem>> -> memref<1x64xi32, #tpu.memory_space<vmem>>
      %dma_wait3A_232 = tpu.memref_squeeze %dma_wait3A_231 : memref<1x64xi32, #tpu.memory_space<vmem>> -> memref<64xi32, #tpu.memory_space<vmem>>
      %dma_wait3A_233 = arith.constant 0 : i32
      %dma_wait3A_234 = arith.constant 0 : i32
      %dma_wait3A_235 = tpu.memref_slice %arg2[%dma_wait3A_233, %dma_wait3A_234] : memref<10112x64xf32, #tpu.memory_space<hbm>> -> memref<10112x64xf32, #tpu.memory_space<hbm>>
      tpu.wait_indirect_dma semaphore(%arg11 : memref<!tpu.dma_semaphore, #tpu.memory_space<semaphore_mem>>) src(%dma_wait3A_235 : memref<10112x64xf32, #tpu.memory_space<hbm>>) dst(%dma_wait3A_229 : memref<64x64xf32, #tpu.memory_space<vmem>>)
      %add3A_236 = arith.constant 2 : i32
      %add3A_237 = arith.addi %mul3A_210, %add3A_236 : i32
      %dma_wait3A_238 = arith.constant 2 : i32
      %dma_wait3A_239 = arith.constant 0 : i32
      %dma_wait3A_240 = arith.constant 0 : i32
      %dma_wait3A_241 = tpu.memref_slice %arg9[%dma_wait3A_238, %dma_wait3A_239, %dma_wait3A_240] : memref<16x64x64xf32, #tpu.memory_space<vmem>> -> memref<1x64x64xf32, #tpu.memory_space<vmem>>
      %dma_wait3A_242 = tpu.memref_squeeze %dma_wait3A_241 : memref<1x64x64xf32, #tpu.memory_space<vmem>> -> memref<64x64xf32, #tpu.memory_space<vmem>>
      %dma_wait3A_243 = arith.constant 0 : i32
      %dma_wait3A_244 = tpu.memref_slice %arg7[%add3A_237, %dma_wait3A_243] : memref<160x64xi32, #tpu.memory_space<vmem>> -> memref<1x64xi32, #tpu.memory_space<vmem>>
      %dma_wait3A_245 = tpu.memref_squeeze %dma_wait3A_244 : memref<1x64xi32, #tpu.memory_space<vmem>> -> memref<64xi32, #tpu.memory_space<vmem>>
      %dma_wait3A_246 = arith.constant 0 : i32
      %dma_wait3A_247 = arith.constant 0 : i32
      %dma_wait3A_248 = tpu.memref_slice %arg2[%dma_wait3A_246, %dma_wait3A_247] : memref<10112x64xf32, #tpu.memory_space<hbm>> -> memref<10112x64xf32, #tpu.memory_space<hbm>>
      tpu.wait_indirect_dma semaphore(%arg11 : memref<!tpu.dma_semaphore, #tpu.memory_space<semaphore_mem>>) src(%dma_wait3A_248 : memref<10112x64xf32, #tpu.memory_space<hbm>>) dst(%dma_wait3A_242 : memref<64x64xf32, #tpu.memory_space<vmem>>)
      %add3A_249 = arith.constant 3 : i32
      %add3A_250 = arith.addi %mul3A_210, %add3A_249 : i32
      %dma_wait3A_251 = arith.constant 3 : i32
      %dma_wait3A_252 = arith.constant 0 : i32
      %dma_wait3A_253 = arith.constant 0 : i32
      %dma_wait3A_254 = tpu.memref_slice %arg9[%dma_wait3A_251, %dma_wait3A_252, %dma_wait3A_253] : memref<16x64x64xf32, #tpu.memory_space<vmem>> -> memref<1x64x64xf32, #tpu.memory_space<vmem>>
      %dma_wait3A_255 = tpu.memref_squeeze %dma_wait3A_254 : memref<1x64x64xf32, #tpu.memory_space<vmem>> -> memref<64x64xf32, #tpu.memory_space<vmem>>
      %dma_wait3A_256 = arith.constant 0 : i32
      %dma_wait3A_257 = tpu.memref_slice %arg7[%add3A_250, %dma_wait3A_256] : memref<160x64xi32, #tpu.memory_space<vmem>> -> memref<1x64xi32, #tpu.memory_space<vmem>>
      %dma_wait3A_258 = tpu.memref_squeeze %dma_wait3A_257 : memref<1x64xi32, #tpu.memory_space<vmem>> -> memref<64xi32, #tpu.memory_space<vmem>>
      %dma_wait3A_259 = arith.constant 0 : i32
      %dma_wait3A_260 = arith.constant 0 : i32
      %dma_wait3A_261 = tpu.memref_slice %arg2[%dma_wait3A_259, %dma_wait3A_260] : memref<10112x64xf32, #tpu.memory_space<hbm>> -> memref<10112x64xf32, #tpu.memory_space<hbm>>
      tpu.wait_indirect_dma semaphore(%arg11 : memref<!tpu.dma_semaphore, #tpu.memory_space<semaphore_mem>>) src(%dma_wait3A_261 : memref<10112x64xf32, #tpu.memory_space<hbm>>) dst(%dma_wait3A_255 : memref<64x64xf32, #tpu.memory_space<vmem>>)
      %add3A_262 = arith.constant 4 : i32
      %add3A_263 = arith.addi %mul3A_210, %add3A_262 : i32
      %dma_wait3A_264 = arith.constant 4 : i32
      %dma_wait3A_265 = arith.constant 0 : i32
      %dma_wait3A_266 = arith.constant 0 : i32
      %dma_wait3A_267 = tpu.memref_slice %arg9[%dma_wait3A_264, %dma_wait3A_265, %dma_wait3A_266] : memref<16x64x64xf32, #tpu.memory_space<vmem>> -> memref<1x64x64xf32, #tpu.memory_space<vmem>>
      %dma_wait3A_268 = tpu.memref_squeeze %dma_wait3A_267 : memref<1x64x64xf32, #tpu.memory_space<vmem>> -> memref<64x64xf32, #tpu.memory_space<vmem>>
      %dma_wait3A_269 = arith.constant 0 : i32
      %dma_wait3A_270 = tpu.memref_slice %arg7[%add3A_263, %dma_wait3A_269] : memref<160x64xi32, #tpu.memory_space<vmem>> -> memref<1x64xi32, #tpu.memory_space<vmem>>
      %dma_wait3A_271 = tpu.memref_squeeze %dma_wait3A_270 : memref<1x64xi32, #tpu.memory_space<vmem>> -> memref<64xi32, #tpu.memory_space<vmem>>
      %dma_wait3A_272 = arith.constant 0 : i32
      %dma_wait3A_273 = arith.constant 0 : i32
      %dma_wait3A_274 = tpu.memref_slice %arg2[%dma_wait3A_272, %dma_wait3A_273] : memref<10112x64xf32, #tpu.memory_space<hbm>> -> memref<10112x64xf32, #tpu.memory_space<hbm>>
      tpu.wait_indirect_dma semaphore(%arg11 : memref<!tpu.dma_semaphore, #tpu.memory_space<semaphore_mem>>) src(%dma_wait3A_274 : memref<10112x64xf32, #tpu.memory_space<hbm>>) dst(%dma_wait3A_268 : memref<64x64xf32, #tpu.memory_space<vmem>>)
      %add3A_275 = arith.constant 5 : i32
      %add3A_276 = arith.addi %mul3A_210, %add3A_275 : i32
      %dma_wait3A_277 = arith.constant 5 : i32
      %dma_wait3A_278 = arith.constant 0 : i32
      %dma_wait3A_279 = arith.constant 0 : i32
      %dma_wait3A_280 = tpu.memref_slice %arg9[%dma_wait3A_277, %dma_wait3A_278, %dma_wait3A_279] : memref<16x64x64xf32, #tpu.memory_space<vmem>> -> memref<1x64x64xf32, #tpu.memory_space<vmem>>
      %dma_wait3A_281 = tpu.memref_squeeze %dma_wait3A_280 : memref<1x64x64xf32, #tpu.memory_space<vmem>> -> memref<64x64xf32, #tpu.memory_space<vmem>>
      %dma_wait3A_282 = arith.constant 0 : i32
      %dma_wait3A_283 = tpu.memref_slice %arg7[%add3A_276, %dma_wait3A_282] : memref<160x64xi32, #tpu.memory_space<vmem>> -> memref<1x64xi32, #tpu.memory_space<vmem>>
      %dma_wait3A_284 = tpu.memref_squeeze %dma_wait3A_283 : memref<1x64xi32, #tpu.memory_space<vmem>> -> memref<64xi32, #tpu.memory_space<vmem>>
      %dma_wait3A_285 = arith.constant 0 : i32
      %dma_wait3A_286 = arith.constant 0 : i32
      %dma_wait3A_287 = tpu.memref_slice %arg2[%dma_wait3A_285, %dma_wait3A_286] : memref<10112x64xf32, #tpu.memory_space<hbm>> -> memref<10112x64xf32, #tpu.memory_space<hbm>>
      tpu.wait_indirect_dma semaphore(%arg11 : memref<!tpu.dma_semaphore, #tpu.memory_space<semaphore_mem>>) src(%dma_wait3A_287 : memref<10112x64xf32, #tpu.memory_space<hbm>>) dst(%dma_wait3A_281 : memref<64x64xf32, #tpu.memory_space<vmem>>)
      %add3A_288 = arith.constant 6 : i32
      %add3A_289 = arith.addi %mul3A_210, %add3A_288 : i32
      %dma_wait3A_290 = arith.constant 6 : i32
      %dma_wait3A_291 = arith.constant 0 : i32
      %dma_wait3A_292 = arith.constant 0 : i32
      %dma_wait3A_293 = tpu.memref_slice %arg9[%dma_wait3A_290, %dma_wait3A_291, %dma_wait3A_292] : memref<16x64x64xf32, #tpu.memory_space<vmem>> -> memref<1x64x64xf32, #tpu.memory_space<vmem>>
      %dma_wait3A_294 = tpu.memref_squeeze %dma_wait3A_293 : memref<1x64x64xf32, #tpu.memory_space<vmem>> -> memref<64x64xf32, #tpu.memory_space<vmem>>
      %dma_wait3A_295 = arith.constant 0 : i32
      %dma_wait3A_296 = tpu.memref_slice %arg7[%add3A_289, %dma_wait3A_295] : memref<160x64xi32, #tpu.memory_space<vmem>> -> memref<1x64xi32, #tpu.memory_space<vmem>>
      %dma_wait3A_297 = tpu.memref_squeeze %dma_wait3A_296 : memref<1x64xi32, #tpu.memory_space<vmem>> -> memref<64xi32, #tpu.memory_space<vmem>>
      %dma_wait3A_298 = arith.constant 0 : i32
      %dma_wait3A_299 = arith.constant 0 : i32
      %dma_wait3A_300 = tpu.memref_slice %arg2[%dma_wait3A_298, %dma_wait3A_299] : memref<10112x64xf32, #tpu.memory_space<hbm>> -> memref<10112x64xf32, #tpu.memory_space<hbm>>
      tpu.wait_indirect_dma semaphore(%arg11 : memref<!tpu.dma_semaphore, #tpu.memory_space<semaphore_mem>>) src(%dma_wait3A_300 : memref<10112x64xf32, #tpu.memory_space<hbm>>) dst(%dma_wait3A_294 : memref<64x64xf32, #tpu.memory_space<vmem>>)
      %add3A_301 = arith.constant 7 : i32
      %add3A_302 = arith.addi %mul3A_210, %add3A_301 : i32
      %dma_wait3A_303 = arith.constant 7 : i32
      %dma_wait3A_304 = arith.constant 0 : i32
      %dma_wait3A_305 = arith.constant 0 : i32
      %dma_wait3A_306 = tpu.memref_slice %arg9[%dma_wait3A_303, %dma_wait3A_304, %dma_wait3A_305] : memref<16x64x64xf32, #tpu.memory_space<vmem>> -> memref<1x64x64xf32, #tpu.memory_space<vmem>>
      %dma_wait3A_307 = tpu.memref_squeeze %dma_wait3A_306 : memref<1x64x64xf32, #tpu.memory_space<vmem>> -> memref<64x64xf32, #tpu.memory_space<vmem>>
      %dma_wait3A_308 = arith.constant 0 : i32
      %dma_wait3A_309 = tpu.memref_slice %arg7[%add3A_302, %dma_wait3A_308] : memref<160x64xi32, #tpu.memory_space<vmem>> -> memref<1x64xi32, #tpu.memory_space<vmem>>
      %dma_wait3A_310 = tpu.memref_squeeze %dma_wait3A_309 : memref<1x64xi32, #tpu.memory_space<vmem>> -> memref<64xi32, #tpu.memory_space<vmem>>
      %dma_wait3A_311 = arith.constant 0 : i32
      %dma_wait3A_312 = arith.constant 0 : i32
      %dma_wait3A_313 = tpu.memref_slice %arg2[%dma_wait3A_311, %dma_wait3A_312] : memref<10112x64xf32, #tpu.memory_space<hbm>> -> memref<10112x64xf32, #tpu.memory_space<hbm>>
      tpu.wait_indirect_dma semaphore(%arg11 : memref<!tpu.dma_semaphore, #tpu.memory_space<semaphore_mem>>) src(%dma_wait3A_313 : memref<10112x64xf32, #tpu.memory_space<hbm>>) dst(%dma_wait3A_307 : memref<64x64xf32, #tpu.memory_space<vmem>>)
      %add3A_314 = arith.constant 0 : i32
      %add3A_315 = arith.addi %mul3A_210, %add3A_314 : i32
      %dma_start3A_316 = arith.constant 0 : i32
      %dma_start3A_317 = arith.constant 0 : i32
      %dma_start3A_318 = arith.constant 0 : i32
      %dma_start3A_319 = tpu.memref_slice %arg9[%dma_start3A_316, %dma_start3A_317, %dma_start3A_318] : memref<16x64x64xf32, #tpu.memory_space<vmem>> -> memref<1x64x64xf32, #tpu.memory_space<vmem>>
      %dma_start3A_320 = tpu.memref_squeeze %dma_start3A_319 : memref<1x64x64xf32, #tpu.memory_space<vmem>> -> memref<64x64xf32, #tpu.memory_space<vmem>>
      %dma_start3A_321 = arith.constant 0 : i32
      %dma_start3A_322 = tpu.memref_slice %arg8[%add3A_315, %dma_start3A_321] : memref<160x64xi32, #tpu.memory_space<vmem>> -> memref<1x64xi32, #tpu.memory_space<vmem>>
      %dma_start3A_323 = tpu.memref_squeeze %dma_start3A_322 : memref<1x64xi32, #tpu.memory_space<vmem>> -> memref<64xi32, #tpu.memory_space<vmem>>
      %dma_start3A_324 = arith.constant 0 : i32
      %dma_start3A_325 = arith.constant 0 : i32
      %dma_start3A_326 = tpu.memref_slice %arg10[%dma_start3A_324, %dma_start3A_325] : memref<10112x64xf32, #tpu.memory_space<vmem_shared>> -> memref<10112x64xf32, #tpu.memory_space<vmem_shared>>
      tpu.enqueue_indirect_dma source(%dma_start3A_320 : memref<64x64xf32, #tpu.memory_space<vmem>>) target(%dma_start3A_326 : memref<10112x64xf32, #tpu.memory_space<vmem_shared>>) offsets(%dma_start3A_323 : memref<64xi32, #tpu.memory_space<vmem>>) semaphore(%arg13 : memref<!tpu.dma_semaphore, #tpu.memory_space<semaphore_mem>>) {add = true}
      %add3A_327 = arith.constant 1 : i32
      %add3A_328 = arith.addi %mul3A_210, %add3A_327 : i32
      %dma_start3A_329 = arith.constant 1 : i32
      %dma_start3A_330 = arith.constant 0 : i32
      %dma_start3A_331 = arith.constant 0 : i32
      %dma_start3A_332 = tpu.memref_slice %arg9[%dma_start3A_329, %dma_start3A_330, %dma_start3A_331] : memref<16x64x64xf32, #tpu.memory_space<vmem>> -> memref<1x64x64xf32, #tpu.memory_space<vmem>>
      %dma_start3A_333 = tpu.memref_squeeze %dma_start3A_332 : memref<1x64x64xf32, #tpu.memory_space<vmem>> -> memref<64x64xf32, #tpu.memory_space<vmem>>
      %dma_start3A_334 = arith.constant 0 : i32
      %dma_start3A_335 = tpu.memref_slice %arg8[%add3A_328, %dma_start3A_334] : memref<160x64xi32, #tpu.memory_space<vmem>> -> memref<1x64xi32, #tpu.memory_space<vmem>>
      %dma_start3A_336 = tpu.memref_squeeze %dma_start3A_335 : memref<1x64xi32, #tpu.memory_space<vmem>> -> memref<64xi32, #tpu.memory_space<vmem>>
      %dma_start3A_337 = arith.constant 0 : i32
      %dma_start3A_338 = arith.constant 0 : i32
      %dma_start3A_339 = tpu.memref_slice %arg10[%dma_start3A_337, %dma_start3A_338] : memref<10112x64xf32, #tpu.memory_space<vmem_shared>> -> memref<10112x64xf32, #tpu.memory_space<vmem_shared>>
      tpu.enqueue_indirect_dma source(%dma_start3A_333 : memref<64x64xf32, #tpu.memory_space<vmem>>) target(%dma_start3A_339 : memref<10112x64xf32, #tpu.memory_space<vmem_shared>>) offsets(%dma_start3A_336 : memref<64xi32, #tpu.memory_space<vmem>>) semaphore(%arg13 : memref<!tpu.dma_semaphore, #tpu.memory_space<semaphore_mem>>) {add = true}
      %add3A_340 = arith.constant 2 : i32
      %add3A_341 = arith.addi %mul3A_210, %add3A_340 : i32
      %dma_start3A_342 = arith.constant 2 : i32
      %dma_start3A_343 = arith.constant 0 : i32
      %dma_start3A_344 = arith.constant 0 : i32
      %dma_start3A_345 = tpu.memref_slice %arg9[%dma_start3A_342, %dma_start3A_343, %dma_start3A_344] : memref<16x64x64xf32, #tpu.memory_space<vmem>> -> memref<1x64x64xf32, #tpu.memory_space<vmem>>
      %dma_start3A_346 = tpu.memref_squeeze %dma_start3A_345 : memref<1x64x64xf32, #tpu.memory_space<vmem>> -> memref<64x64xf32, #tpu.memory_space<vmem>>
      %dma_start3A_347 = arith.constant 0 : i32
      %dma_start3A_348 = tpu.memref_slice %arg8[%add3A_341, %dma_start3A_347] : memref<160x64xi32, #tpu.memory_space<vmem>> -> memref<1x64xi32, #tpu.memory_space<vmem>>
      %dma_start3A_349 = tpu.memref_squeeze %dma_start3A_348 : memref<1x64xi32, #tpu.memory_space<vmem>> -> memref<64xi32, #tpu.memory_space<vmem>>
      %dma_start3A_350 = arith.constant 0 : i32
      %dma_start3A_351 = arith.constant 0 : i32
      %dma_start3A_352 = tpu.memref_slice %arg10[%dma_start3A_350, %dma_start3A_351] : memref<10112x64xf32, #tpu.memory_space<vmem_shared>> -> memref<10112x64xf32, #tpu.memory_space<vmem_shared>>
      tpu.enqueue_indirect_dma source(%dma_start3A_346 : memref<64x64xf32, #tpu.memory_space<vmem>>) target(%dma_start3A_352 : memref<10112x64xf32, #tpu.memory_space<vmem_shared>>) offsets(%dma_start3A_349 : memref<64xi32, #tpu.memory_space<vmem>>) semaphore(%arg13 : memref<!tpu.dma_semaphore, #tpu.memory_space<semaphore_mem>>) {add = true}
      %add3A_353 = arith.constant 3 : i32
      %add3A_354 = arith.addi %mul3A_210, %add3A_353 : i32
      %dma_start3A_355 = arith.constant 3 : i32
      %dma_start3A_356 = arith.constant 0 : i32
      %dma_start3A_357 = arith.constant 0 : i32
      %dma_start3A_358 = tpu.memref_slice %arg9[%dma_start3A_355, %dma_start3A_356, %dma_start3A_357] : memref<16x64x64xf32, #tpu.memory_space<vmem>> -> memref<1x64x64xf32, #tpu.memory_space<vmem>>
      %dma_start3A_359 = tpu.memref_squeeze %dma_start3A_358 : memref<1x64x64xf32, #tpu.memory_space<vmem>> -> memref<64x64xf32, #tpu.memory_space<vmem>>
      %dma_start3A_360 = arith.constant 0 : i32
      %dma_start3A_361 = tpu.memref_slice %arg8[%add3A_354, %dma_start3A_360] : memref<160x64xi32, #tpu.memory_space<vmem>> -> memref<1x64xi32, #tpu.memory_space<vmem>>
      %dma_start3A_362 = tpu.memref_squeeze %dma_start3A_361 : memref<1x64xi32, #tpu.memory_space<vmem>> -> memref<64xi32, #tpu.memory_space<vmem>>
      %dma_start3A_363 = arith.constant 0 : i32
      %dma_start3A_364 = arith.constant 0 : i32
      %dma_start3A_365 = tpu.memref_slice %arg10[%dma_start3A_363, %dma_start3A_364] : memref<10112x64xf32, #tpu.memory_space<vmem_shared>> -> memref<10112x64xf32, #tpu.memory_space<vmem_shared>>
      tpu.enqueue_indirect_dma source(%dma_start3A_359 : memref<64x64xf32, #tpu.memory_space<vmem>>) target(%dma_start3A_365 : memref<10112x64xf32, #tpu.memory_space<vmem_shared>>) offsets(%dma_start3A_362 : memref<64xi32, #tpu.memory_space<vmem>>) semaphore(%arg13 : memref<!tpu.dma_semaphore, #tpu.memory_space<semaphore_mem>>) {add = true}
      %add3A_366 = arith.constant 4 : i32
      %add3A_367 = arith.addi %mul3A_210, %add3A_366 : i32
      %dma_start3A_368 = arith.constant 4 : i32
      %dma_start3A_369 = arith.constant 0 : i32
      %dma_start3A_370 = arith.constant 0 : i32
      %dma_start3A_371 = tpu.memref_slice %arg9[%dma_start3A_368, %dma_start3A_369, %dma_start3A_370] : memref<16x64x64xf32, #tpu.memory_space<vmem>> -> memref<1x64x64xf32, #tpu.memory_space<vmem>>
      %dma_start3A_372 = tpu.memref_squeeze %dma_start3A_371 : memref<1x64x64xf32, #tpu.memory_space<vmem>> -> memref<64x64xf32, #tpu.memory_space<vmem>>
      %dma_start3A_373 = arith.constant 0 : i32
      %dma_start3A_374 = tpu.memref_slice %arg8[%add3A_367, %dma_start3A_373] : memref<160x64xi32, #tpu.memory_space<vmem>> -> memref<1x64xi32, #tpu.memory_space<vmem>>
      %dma_start3A_375 = tpu.memref_squeeze %dma_start3A_374 : memref<1x64xi32, #tpu.memory_space<vmem>> -> memref<64xi32, #tpu.memory_space<vmem>>
      %dma_start3A_376 = arith.constant 0 : i32
      %dma_start3A_377 = arith.constant 0 : i32
      %dma_start3A_378 = tpu.memref_slice %arg10[%dma_start3A_376, %dma_start3A_377] : memref<10112x64xf32, #tpu.memory_space<vmem_shared>> -> memref<10112x64xf32, #tpu.memory_space<vmem_shared>>
      tpu.enqueue_indirect_dma source(%dma_start3A_372 : memref<64x64xf32, #tpu.memory_space<vmem>>) target(%dma_start3A_378 : memref<10112x64xf32, #tpu.memory_space<vmem_shared>>) offsets(%dma_start3A_375 : memref<64xi32, #tpu.memory_space<vmem>>) semaphore(%arg13 : memref<!tpu.dma_semaphore, #tpu.memory_space<semaphore_mem>>) {add = true}
      %add3A_379 = arith.constant 5 : i32
      %add3A_380 = arith.addi %mul3A_210, %add3A_379 : i32
      %dma_start3A_381 = arith.constant 5 : i32
      %dma_start3A_382 = arith.constant 0 : i32
      %dma_start3A_383 = arith.constant 0 : i32
      %dma_start3A_384 = tpu.memref_slice %arg9[%dma_start3A_381, %dma_start3A_382, %dma_start3A_383] : memref<16x64x64xf32, #tpu.memory_space<vmem>> -> memref<1x64x64xf32, #tpu.memory_space<vmem>>
      %dma_start3A_385 = tpu.memref_squeeze %dma_start3A_384 : memref<1x64x64xf32, #tpu.memory_space<vmem>> -> memref<64x64xf32, #tpu.memory_space<vmem>>
      %dma_start3A_386 = arith.constant 0 : i32
      %dma_start3A_387 = tpu.memref_slice %arg8[%add3A_380, %dma_start3A_386] : memref<160x64xi32, #tpu.memory_space<vmem>> -> memref<1x64xi32, #tpu.memory_space<vmem>>
      %dma_start3A_388 = tpu.memref_squeeze %dma_start3A_387 : memref<1x64xi32, #tpu.memory_space<vmem>> -> memref<64xi32, #tpu.memory_space<vmem>>
      %dma_start3A_389 = arith.constant 0 : i32
      %dma_start3A_390 = arith.constant 0 : i32
      %dma_start3A_391 = tpu.memref_slice %arg10[%dma_start3A_389, %dma_start3A_390] : memref<10112x64xf32, #tpu.memory_space<vmem_shared>> -> memref<10112x64xf32, #tpu.memory_space<vmem_shared>>
      tpu.enqueue_indirect_dma source(%dma_start3A_385 : memref<64x64xf32, #tpu.memory_space<vmem>>) target(%dma_start3A_391 : memref<10112x64xf32, #tpu.memory_space<vmem_shared>>) offsets(%dma_start3A_388 : memref<64xi32, #tpu.memory_space<vmem>>) semaphore(%arg13 : memref<!tpu.dma_semaphore, #tpu.memory_space<semaphore_mem>>) {add = true}
      %add3A_392 = arith.constant 6 : i32
      %add3A_393 = arith.addi %mul3A_210, %add3A_392 : i32
      %dma_start3A_394 = arith.constant 6 : i32
      %dma_start3A_395 = arith.constant 0 : i32
      %dma_start3A_396 = arith.constant 0 : i32
      %dma_start3A_397 = tpu.memref_slice %arg9[%dma_start3A_394, %dma_start3A_395, %dma_start3A_396] : memref<16x64x64xf32, #tpu.memory_space<vmem>> -> memref<1x64x64xf32, #tpu.memory_space<vmem>>
      %dma_start3A_398 = tpu.memref_squeeze %dma_start3A_397 : memref<1x64x64xf32, #tpu.memory_space<vmem>> -> memref<64x64xf32, #tpu.memory_space<vmem>>
      %dma_start3A_399 = arith.constant 0 : i32
      %dma_start3A_400 = tpu.memref_slice %arg8[%add3A_393, %dma_start3A_399] : memref<160x64xi32, #tpu.memory_space<vmem>> -> memref<1x64xi32, #tpu.memory_space<vmem>>
      %dma_start3A_401 = tpu.memref_squeeze %dma_start3A_400 : memref<1x64xi32, #tpu.memory_space<vmem>> -> memref<64xi32, #tpu.memory_space<vmem>>
      %dma_start3A_402 = arith.constant 0 : i32
      %dma_start3A_403 = arith.constant 0 : i32
      %dma_start3A_404 = tpu.memref_slice %arg10[%dma_start3A_402, %dma_start3A_403] : memref<10112x64xf32, #tpu.memory_space<vmem_shared>> -> memref<10112x64xf32, #tpu.memory_space<vmem_shared>>
      tpu.enqueue_indirect_dma source(%dma_start3A_398 : memref<64x64xf32, #tpu.memory_space<vmem>>) target(%dma_start3A_404 : memref<10112x64xf32, #tpu.memory_space<vmem_shared>>) offsets(%dma_start3A_401 : memref<64xi32, #tpu.memory_space<vmem>>) semaphore(%arg13 : memref<!tpu.dma_semaphore, #tpu.memory_space<semaphore_mem>>) {add = true}
      %add3A_405 = arith.constant 7 : i32
      %add3A_406 = arith.addi %mul3A_210, %add3A_405 : i32
      %dma_start3A_407 = arith.constant 7 : i32
      %dma_start3A_408 = arith.constant 0 : i32
      %dma_start3A_409 = arith.constant 0 : i32
      %dma_start3A_410 = tpu.memref_slice %arg9[%dma_start3A_407, %dma_start3A_408, %dma_start3A_409] : memref<16x64x64xf32, #tpu.memory_space<vmem>> -> memref<1x64x64xf32, #tpu.memory_space<vmem>>
      %dma_start3A_411 = tpu.memref_squeeze %dma_start3A_410 : memref<1x64x64xf32, #tpu.memory_space<vmem>> -> memref<64x64xf32, #tpu.memory_space<vmem>>
      %dma_start3A_412 = arith.constant 0 : i32
      %dma_start3A_413 = tpu.memref_slice %arg8[%add3A_406, %dma_start3A_412] : memref<160x64xi32, #tpu.memory_space<vmem>> -> memref<1x64xi32, #tpu.memory_space<vmem>>
      %dma_start3A_414 = tpu.memref_squeeze %dma_start3A_413 : memref<1x64xi32, #tpu.memory_space<vmem>> -> memref<64xi32, #tpu.memory_space<vmem>>
      %dma_start3A_415 = arith.constant 0 : i32
      %dma_start3A_416 = arith.constant 0 : i32
      %dma_start3A_417 = tpu.memref_slice %arg10[%dma_start3A_415, %dma_start3A_416] : memref<10112x64xf32, #tpu.memory_space<vmem_shared>> -> memref<10112x64xf32, #tpu.memory_space<vmem_shared>>
      tpu.enqueue_indirect_dma source(%dma_start3A_411 : memref<64x64xf32, #tpu.memory_space<vmem>>) target(%dma_start3A_417 : memref<10112x64xf32, #tpu.memory_space<vmem_shared>>) offsets(%dma_start3A_414 : memref<64xi32, #tpu.memory_space<vmem>>) semaphore(%arg13 : memref<!tpu.dma_semaphore, #tpu.memory_space<semaphore_mem>>) {add = true}
      %add3A_418 = arith.constant 0 : i32
      %add3A_419 = arith.addi %mul3A_210, %add3A_418 : i32
      %dma_wait3A_420 = arith.constant 0 : i32
      %dma_wait3A_421 = arith.constant 0 : i32
      %dma_wait3A_422 = arith.constant 0 : i32
      %dma_wait3A_423 = tpu.memref_slice %arg9[%dma_wait3A_420, %dma_wait3A_421, %dma_wait3A_422] : memref<16x64x64xf32, #tpu.memory_space<vmem>> -> memref<1x64x64xf32, #tpu.memory_space<vmem>>
      %dma_wait3A_424 = tpu.memref_squeeze %dma_wait3A_423 : memref<1x64x64xf32, #tpu.memory_space<vmem>> -> memref<64x64xf32, #tpu.memory_space<vmem>>
      %dma_wait3A_425 = arith.constant 0 : i32
      %dma_wait3A_426 = tpu.memref_slice %arg8[%add3A_419, %dma_wait3A_425] : memref<160x64xi32, #tpu.memory_space<vmem>> -> memref<1x64xi32, #tpu.memory_space<vmem>>
      %dma_wait3A_427 = tpu.memref_squeeze %dma_wait3A_426 : memref<1x64xi32, #tpu.memory_space<vmem>> -> memref<64xi32, #tpu.memory_space<vmem>>
      %dma_wait3A_428 = arith.constant 0 : i32
      %dma_wait3A_429 = arith.constant 0 : i32
      %dma_wait3A_430 = tpu.memref_slice %arg10[%dma_wait3A_428, %dma_wait3A_429] : memref<10112x64xf32, #tpu.memory_space<vmem_shared>> -> memref<10112x64xf32, #tpu.memory_space<vmem_shared>>
      tpu.wait_indirect_dma semaphore(%arg13 : memref<!tpu.dma_semaphore, #tpu.memory_space<semaphore_mem>>) src(%dma_wait3A_424 : memref<64x64xf32, #tpu.memory_space<vmem>>) dst(%dma_wait3A_430 : memref<10112x64xf32, #tpu.memory_space<vmem_shared>>)
      %add3A_431 = arith.constant 1 : i32
      %add3A_432 = arith.addi %mul3A_210, %add3A_431 : i32
      %dma_wait3A_433 = arith.constant 1 : i32
      %dma_wait3A_434 = arith.constant 0 : i32
      %dma_wait3A_435 = arith.constant 0 : i32
      %dma_wait3A_436 = tpu.memref_slice %arg9[%dma_wait3A_433, %dma_wait3A_434, %dma_wait3A_435] : memref<16x64x64xf32, #tpu.memory_space<vmem>> -> memref<1x64x64xf32, #tpu.memory_space<vmem>>
      %dma_wait3A_437 = tpu.memref_squeeze %dma_wait3A_436 : memref<1x64x64xf32, #tpu.memory_space<vmem>> -> memref<64x64xf32, #tpu.memory_space<vmem>>
      %dma_wait3A_438 = arith.constant 0 : i32
      %dma_wait3A_439 = tpu.memref_slice %arg8[%add3A_432, %dma_wait3A_438] : memref<160x64xi32, #tpu.memory_space<vmem>> -> memref<1x64xi32, #tpu.memory_space<vmem>>
      %dma_wait3A_440 = tpu.memref_squeeze %dma_wait3A_439 : memref<1x64xi32, #tpu.memory_space<vmem>> -> memref<64xi32, #tpu.memory_space<vmem>>
      %dma_wait3A_441 = arith.constant 0 : i32
      %dma_wait3A_442 = arith.constant 0 : i32
      %dma_wait3A_443 = tpu.memref_slice %arg10[%dma_wait3A_441, %dma_wait3A_442] : memref<10112x64xf32, #tpu.memory_space<vmem_shared>> -> memref<10112x64xf32, #tpu.memory_space<vmem_shared>>
      tpu.wait_indirect_dma semaphore(%arg13 : memref<!tpu.dma_semaphore, #tpu.memory_space<semaphore_mem>>) src(%dma_wait3A_437 : memref<64x64xf32, #tpu.memory_space<vmem>>) dst(%dma_wait3A_443 : memref<10112x64xf32, #tpu.memory_space<vmem_shared>>)
      %add3A_444 = arith.constant 2 : i32
      %add3A_445 = arith.addi %mul3A_210, %add3A_444 : i32
      %dma_wait3A_446 = arith.constant 2 : i32
      %dma_wait3A_447 = arith.constant 0 : i32
      %dma_wait3A_448 = arith.constant 0 : i32
      %dma_wait3A_449 = tpu.memref_slice %arg9[%dma_wait3A_446, %dma_wait3A_447, %dma_wait3A_448] : memref<16x64x64xf32, #tpu.memory_space<vmem>> -> memref<1x64x64xf32, #tpu.memory_space<vmem>>
      %dma_wait3A_450 = tpu.memref_squeeze %dma_wait3A_449 : memref<1x64x64xf32, #tpu.memory_space<vmem>> -> memref<64x64xf32, #tpu.memory_space<vmem>>
      %dma_wait3A_451 = arith.constant 0 : i32
      %dma_wait3A_452 = tpu.memref_slice %arg8[%add3A_445, %dma_wait3A_451] : memref<160x64xi32, #tpu.memory_space<vmem>> -> memref<1x64xi32, #tpu.memory_space<vmem>>
      %dma_wait3A_453 = tpu.memref_squeeze %dma_wait3A_452 : memref<1x64xi32, #tpu.memory_space<vmem>> -> memref<64xi32, #tpu.memory_space<vmem>>
      %dma_wait3A_454 = arith.constant 0 : i32
      %dma_wait3A_455 = arith.constant 0 : i32
      %dma_wait3A_456 = tpu.memref_slice %arg10[%dma_wait3A_454, %dma_wait3A_455] : memref<10112x64xf32, #tpu.memory_space<vmem_shared>> -> memref<10112x64xf32, #tpu.memory_space<vmem_shared>>
      tpu.wait_indirect_dma semaphore(%arg13 : memref<!tpu.dma_semaphore, #tpu.memory_space<semaphore_mem>>) src(%dma_wait3A_450 : memref<64x64xf32, #tpu.memory_space<vmem>>) dst(%dma_wait3A_456 : memref<10112x64xf32, #tpu.memory_space<vmem_shared>>)
      %add3A_457 = arith.constant 3 : i32
      %add3A_458 = arith.addi %mul3A_210, %add3A_457 : i32
      %dma_wait3A_459 = arith.constant 3 : i32
      %dma_wait3A_460 = arith.constant 0 : i32
      %dma_wait3A_461 = arith.constant 0 : i32
      %dma_wait3A_462 = tpu.memref_slice %arg9[%dma_wait3A_459, %dma_wait3A_460, %dma_wait3A_461] : memref<16x64x64xf32, #tpu.memory_space<vmem>> -> memref<1x64x64xf32, #tpu.memory_space<vmem>>
      %dma_wait3A_463 = tpu.memref_squeeze %dma_wait3A_462 : memref<1x64x64xf32, #tpu.memory_space<vmem>> -> memref<64x64xf32, #tpu.memory_space<vmem>>
      %dma_wait3A_464 = arith.constant 0 : i32
      %dma_wait3A_465 = tpu.memref_slice %arg8[%add3A_458, %dma_wait3A_464] : memref<160x64xi32, #tpu.memory_space<vmem>> -> memref<1x64xi32, #tpu.memory_space<vmem>>
      %dma_wait3A_466 = tpu.memref_squeeze %dma_wait3A_465 : memref<1x64xi32, #tpu.memory_space<vmem>> -> memref<64xi32, #tpu.memory_space<vmem>>
      %dma_wait3A_467 = arith.constant 0 : i32
      %dma_wait3A_468 = arith.constant 0 : i32
      %dma_wait3A_469 = tpu.memref_slice %arg10[%dma_wait3A_467, %dma_wait3A_468] : memref<10112x64xf32, #tpu.memory_space<vmem_shared>> -> memref<10112x64xf32, #tpu.memory_space<vmem_shared>>
      tpu.wait_indirect_dma semaphore(%arg13 : memref<!tpu.dma_semaphore, #tpu.memory_space<semaphore_mem>>) src(%dma_wait3A_463 : memref<64x64xf32, #tpu.memory_space<vmem>>) dst(%dma_wait3A_469 : memref<10112x64xf32, #tpu.memory_space<vmem_shared>>)
      %add3A_470 = arith.constant 4 : i32
      %add3A_471 = arith.addi %mul3A_210, %add3A_470 : i32
      %dma_wait3A_472 = arith.constant 4 : i32
      %dma_wait3A_473 = arith.constant 0 : i32
      %dma_wait3A_474 = arith.constant 0 : i32
      %dma_wait3A_475 = tpu.memref_slice %arg9[%dma_wait3A_472, %dma_wait3A_473, %dma_wait3A_474] : memref<16x64x64xf32, #tpu.memory_space<vmem>> -> memref<1x64x64xf32, #tpu.memory_space<vmem>>
      %dma_wait3A_476 = tpu.memref_squeeze %dma_wait3A_475 : memref<1x64x64xf32, #tpu.memory_space<vmem>> -> memref<64x64xf32, #tpu.memory_space<vmem>>
      %dma_wait3A_477 = arith.constant 0 : i32
      %dma_wait3A_478 = tpu.memref_slice %arg8[%add3A_471, %dma_wait3A_477] : memref<160x64xi32, #tpu.memory_space<vmem>> -> memref<1x64xi32, #tpu.memory_space<vmem>>
      %dma_wait3A_479 = tpu.memref_squeeze %dma_wait3A_478 : memref<1x64xi32, #tpu.memory_space<vmem>> -> memref<64xi32, #tpu.memory_space<vmem>>
      %dma_wait3A_480 = arith.constant 0 : i32
      %dma_wait3A_481 = arith.constant 0 : i32
      %dma_wait3A_482 = tpu.memref_slice %arg10[%dma_wait3A_480, %dma_wait3A_481] : memref<10112x64xf32, #tpu.memory_space<vmem_shared>> -> memref<10112x64xf32, #tpu.memory_space<vmem_shared>>
      tpu.wait_indirect_dma semaphore(%arg13 : memref<!tpu.dma_semaphore, #tpu.memory_space<semaphore_mem>>) src(%dma_wait3A_476 : memref<64x64xf32, #tpu.memory_space<vmem>>) dst(%dma_wait3A_482 : memref<10112x64xf32, #tpu.memory_space<vmem_shared>>)
      %add3A_483 = arith.constant 5 : i32
      %add3A_484 = arith.addi %mul3A_210, %add3A_483 : i32
      %dma_wait3A_485 = arith.constant 5 : i32
      %dma_wait3A_486 = arith.constant 0 : i32
      %dma_wait3A_487 = arith.constant 0 : i32
      %dma_wait3A_488 = tpu.memref_slice %arg9[%dma_wait3A_485, %dma_wait3A_486, %dma_wait3A_487] : memref<16x64x64xf32, #tpu.memory_space<vmem>> -> memref<1x64x64xf32, #tpu.memory_space<vmem>>
      %dma_wait3A_489 = tpu.memref_squeeze %dma_wait3A_488 : memref<1x64x64xf32, #tpu.memory_space<vmem>> -> memref<64x64xf32, #tpu.memory_space<vmem>>
      %dma_wait3A_490 = arith.constant 0 : i32
      %dma_wait3A_491 = tpu.memref_slice %arg8[%add3A_484, %dma_wait3A_490] : memref<160x64xi32, #tpu.memory_space<vmem>> -> memref<1x64xi32, #tpu.memory_space<vmem>>
      %dma_wait3A_492 = tpu.memref_squeeze %dma_wait3A_491 : memref<1x64xi32, #tpu.memory_space<vmem>> -> memref<64xi32, #tpu.memory_space<vmem>>
      %dma_wait3A_493 = arith.constant 0 : i32
      %dma_wait3A_494 = arith.constant 0 : i32
      %dma_wait3A_495 = tpu.memref_slice %arg10[%dma_wait3A_493, %dma_wait3A_494] : memref<10112x64xf32, #tpu.memory_space<vmem_shared>> -> memref<10112x64xf32, #tpu.memory_space<vmem_shared>>
      tpu.wait_indirect_dma semaphore(%arg13 : memref<!tpu.dma_semaphore, #tpu.memory_space<semaphore_mem>>) src(%dma_wait3A_489 : memref<64x64xf32, #tpu.memory_space<vmem>>) dst(%dma_wait3A_495 : memref<10112x64xf32, #tpu.memory_space<vmem_shared>>)
      %add3A_496 = arith.constant 6 : i32
      %add3A_497 = arith.addi %mul3A_210, %add3A_496 : i32
      %dma_wait3A_498 = arith.constant 6 : i32
      %dma_wait3A_499 = arith.constant 0 : i32
      %dma_wait3A_500 = arith.constant 0 : i32
      %dma_wait3A_501 = tpu.memref_slice %arg9[%dma_wait3A_498, %dma_wait3A_499, %dma_wait3A_500] : memref<16x64x64xf32, #tpu.memory_space<vmem>> -> memref<1x64x64xf32, #tpu.memory_space<vmem>>
      %dma_wait3A_502 = tpu.memref_squeeze %dma_wait3A_501 : memref<1x64x64xf32, #tpu.memory_space<vmem>> -> memref<64x64xf32, #tpu.memory_space<vmem>>
      %dma_wait3A_503 = arith.constant 0 : i32
      %dma_wait3A_504 = tpu.memref_slice %arg8[%add3A_497, %dma_wait3A_503] : memref<160x64xi32, #tpu.memory_space<vmem>> -> memref<1x64xi32, #tpu.memory_space<vmem>>
      %dma_wait3A_505 = tpu.memref_squeeze %dma_wait3A_504 : memref<1x64xi32, #tpu.memory_space<vmem>> -> memref<64xi32, #tpu.memory_space<vmem>>
      %dma_wait3A_506 = arith.constant 0 : i32
      %dma_wait3A_507 = arith.constant 0 : i32
      %dma_wait3A_508 = tpu.memref_slice %arg10[%dma_wait3A_506, %dma_wait3A_507] : memref<10112x64xf32, #tpu.memory_space<vmem_shared>> -> memref<10112x64xf32, #tpu.memory_space<vmem_shared>>
      tpu.wait_indirect_dma semaphore(%arg13 : memref<!tpu.dma_semaphore, #tpu.memory_space<semaphore_mem>>) src(%dma_wait3A_502 : memref<64x64xf32, #tpu.memory_space<vmem>>) dst(%dma_wait3A_508 : memref<10112x64xf32, #tpu.memory_space<vmem_shared>>)
      %add3A_509 = arith.constant 7 : i32
      %add3A_510 = arith.addi %mul3A_210, %add3A_509 : i32
      %dma_wait3A_511 = arith.constant 7 : i32
      %dma_wait3A_512 = arith.constant 0 : i32
      %dma_wait3A_513 = arith.constant 0 : i32
      %dma_wait3A_514 = tpu.memref_slice %arg9[%dma_wait3A_511, %dma_wait3A_512, %dma_wait3A_513] : memref<16x64x64xf32, #tpu.memory_space<vmem>> -> memref<1x64x64xf32, #tpu.memory_space<vmem>>
      %dma_wait3A_515 = tpu.memref_squeeze %dma_wait3A_514 : memref<1x64x64xf32, #tpu.memory_space<vmem>> -> memref<64x64xf32, #tpu.memory_space<vmem>>
      %dma_wait3A_516 = arith.constant 0 : i32
      %dma_wait3A_517 = tpu.memref_slice %arg8[%add3A_510, %dma_wait3A_516] : memref<160x64xi32, #tpu.memory_space<vmem>> -> memref<1x64xi32, #tpu.memory_space<vmem>>
      %dma_wait3A_518 = tpu.memref_squeeze %dma_wait3A_517 : memref<1x64xi32, #tpu.memory_space<vmem>> -> memref<64xi32, #tpu.memory_space<vmem>>
      %dma_wait3A_519 = arith.constant 0 : i32
      %dma_wait3A_520 = arith.constant 0 : i32
      %dma_wait3A_521 = tpu.memref_slice %arg10[%dma_wait3A_519, %dma_wait3A_520] : memref<10112x64xf32, #tpu.memory_space<vmem_shared>> -> memref<10112x64xf32, #tpu.memory_space<vmem_shared>>
      tpu.wait_indirect_dma semaphore(%arg13 : memref<!tpu.dma_semaphore, #tpu.memory_space<semaphore_mem>>) src(%dma_wait3A_515 : memref<64x64xf32, #tpu.memory_space<vmem>>) dst(%dma_wait3A_521 : memref<10112x64xf32, #tpu.memory_space<vmem_shared>>)
      %add3A_522 = arith.constant 16 : i32
      %add3A_523 = arith.addi %mul3A_210, %add3A_522 : i32
      %lt3A = arith.constant 160 : i32
      %lt3A_524 = arith.cmpi slt, %add3A_523, %lt3A : i32
      %convert_element_type3A = arith.extui %lt3A_524 : i1 to i32
      %cond3A = arith.constant 0 : i32
      %cond3A_525 = arith.cmpi ne, %convert_element_type3A, %cond3A : i32
      scf.if %cond3A_525 {
        %add3A_847 = arith.constant 16 : i32
        %add3A_848 = arith.addi %mul3A_210, %add3A_847 : i32
        %add3A_849 = arith.constant 0 : i32
        %add3A_850 = arith.addi %add3A_848, %add3A_849 : i32
        %dma_start3A_851 = arith.constant 0 : i32
        %dma_start3A_852 = arith.constant 0 : i32
        %dma_start3A_853 = arith.constant 0 : i32
        %dma_start3A_854 = tpu.memref_slice %arg9[%dma_start3A_851, %dma_start3A_852, %dma_start3A_853] : memref<16x64x64xf32, #tpu.memory_space<vmem>> -> memref<1x64x64xf32, #tpu.memory_space<vmem>>
        %dma_start3A_855 = tpu.memref_squeeze %dma_start3A_854 : memref<1x64x64xf32, #tpu.memory_space<vmem>> -> memref<64x64xf32, #tpu.memory_space<vmem>>
        %dma_start3A_856 = arith.constant 0 : i32
        %dma_start3A_857 = tpu.memref_slice %arg7[%add3A_850, %dma_start3A_856] : memref<160x64xi32, #tpu.memory_space<vmem>> -> memref<1x64xi32, #tpu.memory_space<vmem>>
        %dma_start3A_858 = tpu.memref_squeeze %dma_start3A_857 : memref<1x64xi32, #tpu.memory_space<vmem>> -> memref<64xi32, #tpu.memory_space<vmem>>
        %dma_start3A_859 = arith.constant 0 : i32
        %dma_start3A_860 = arith.constant 0 : i32
        %dma_start3A_861 = tpu.memref_slice %arg2[%dma_start3A_859, %dma_start3A_860] : memref<10112x64xf32, #tpu.memory_space<hbm>> -> memref<10112x64xf32, #tpu.memory_space<hbm>>
        tpu.enqueue_indirect_dma source(%dma_start3A_861 : memref<10112x64xf32, #tpu.memory_space<hbm>>) target(%dma_start3A_855 : memref<64x64xf32, #tpu.memory_space<vmem>>) offsets(%dma_start3A_858 : memref<64xi32, #tpu.memory_space<vmem>>) semaphore(%arg11 : memref<!tpu.dma_semaphore, #tpu.memory_space<semaphore_mem>>)
        %add3A_862 = arith.constant 16 : i32
        %add3A_863 = arith.addi %mul3A_210, %add3A_862 : i32
        %add3A_864 = arith.constant 1 : i32
        %add3A_865 = arith.addi %add3A_863, %add3A_864 : i32
        %dma_start3A_866 = arith.constant 1 : i32
        %dma_start3A_867 = arith.constant 0 : i32
        %dma_start3A_868 = arith.constant 0 : i32
        %dma_start3A_869 = tpu.memref_slice %arg9[%dma_start3A_866, %dma_start3A_867, %dma_start3A_868] : memref<16x64x64xf32, #tpu.memory_space<vmem>> -> memref<1x64x64xf32, #tpu.memory_space<vmem>>
        %dma_start3A_870 = tpu.memref_squeeze %dma_start3A_869 : memref<1x64x64xf32, #tpu.memory_space<vmem>> -> memref<64x64xf32, #tpu.memory_space<vmem>>
        %dma_start3A_871 = arith.constant 0 : i32
        %dma_start3A_872 = tpu.memref_slice %arg7[%add3A_865, %dma_start3A_871] : memref<160x64xi32, #tpu.memory_space<vmem>> -> memref<1x64xi32, #tpu.memory_space<vmem>>
        %dma_start3A_873 = tpu.memref_squeeze %dma_start3A_872 : memref<1x64xi32, #tpu.memory_space<vmem>> -> memref<64xi32, #tpu.memory_space<vmem>>
        %dma_start3A_874 = arith.constant 0 : i32
        %dma_start3A_875 = arith.constant 0 : i32
        %dma_start3A_876 = tpu.memref_slice %arg2[%dma_start3A_874, %dma_start3A_875] : memref<10112x64xf32, #tpu.memory_space<hbm>> -> memref<10112x64xf32, #tpu.memory_space<hbm>>
        tpu.enqueue_indirect_dma source(%dma_start3A_876 : memref<10112x64xf32, #tpu.memory_space<hbm>>) target(%dma_start3A_870 : memref<64x64xf32, #tpu.memory_space<vmem>>) offsets(%dma_start3A_873 : memref<64xi32, #tpu.memory_space<vmem>>) semaphore(%arg11 : memref<!tpu.dma_semaphore, #tpu.memory_space<semaphore_mem>>)
        %add3A_877 = arith.constant 16 : i32
        %add3A_878 = arith.addi %mul3A_210, %add3A_877 : i32
        %add3A_879 = arith.constant 2 : i32
        %add3A_880 = arith.addi %add3A_878, %add3A_879 : i32
        %dma_start3A_881 = arith.constant 2 : i32
        %dma_start3A_882 = arith.constant 0 : i32
        %dma_start3A_883 = arith.constant 0 : i32
        %dma_start3A_884 = tpu.memref_slice %arg9[%dma_start3A_881, %dma_start3A_882, %dma_start3A_883] : memref<16x64x64xf32, #tpu.memory_space<vmem>> -> memref<1x64x64xf32, #tpu.memory_space<vmem>>
        %dma_start3A_885 = tpu.memref_squeeze %dma_start3A_884 : memref<1x64x64xf32, #tpu.memory_space<vmem>> -> memref<64x64xf32, #tpu.memory_space<vmem>>
        %dma_start3A_886 = arith.constant 0 : i32
        %dma_start3A_887 = tpu.memref_slice %arg7[%add3A_880, %dma_start3A_886] : memref<160x64xi32, #tpu.memory_space<vmem>> -> memref<1x64xi32, #tpu.memory_space<vmem>>
        %dma_start3A_888 = tpu.memref_squeeze %dma_start3A_887 : memref<1x64xi32, #tpu.memory_space<vmem>> -> memref<64xi32, #tpu.memory_space<vmem>>
        %dma_start3A_889 = arith.constant 0 : i32
        %dma_start3A_890 = arith.constant 0 : i32
        %dma_start3A_891 = tpu.memref_slice %arg2[%dma_start3A_889, %dma_start3A_890] : memref<10112x64xf32, #tpu.memory_space<hbm>> -> memref<10112x64xf32, #tpu.memory_space<hbm>>
        tpu.enqueue_indirect_dma source(%dma_start3A_891 : memref<10112x64xf32, #tpu.memory_space<hbm>>) target(%dma_start3A_885 : memref<64x64xf32, #tpu.memory_space<vmem>>) offsets(%dma_start3A_888 : memref<64xi32, #tpu.memory_space<vmem>>) semaphore(%arg11 : memref<!tpu.dma_semaphore, #tpu.memory_space<semaphore_mem>>)
        %add3A_892 = arith.constant 16 : i32
        %add3A_893 = arith.addi %mul3A_210, %add3A_892 : i32
        %add3A_894 = arith.constant 3 : i32
        %add3A_895 = arith.addi %add3A_893, %add3A_894 : i32
        %dma_start3A_896 = arith.constant 3 : i32
        %dma_start3A_897 = arith.constant 0 : i32
        %dma_start3A_898 = arith.constant 0 : i32
        %dma_start3A_899 = tpu.memref_slice %arg9[%dma_start3A_896, %dma_start3A_897, %dma_start3A_898] : memref<16x64x64xf32, #tpu.memory_space<vmem>> -> memref<1x64x64xf32, #tpu.memory_space<vmem>>
        %dma_start3A_900 = tpu.memref_squeeze %dma_start3A_899 : memref<1x64x64xf32, #tpu.memory_space<vmem>> -> memref<64x64xf32, #tpu.memory_space<vmem>>
        %dma_start3A_901 = arith.constant 0 : i32
        %dma_start3A_902 = tpu.memref_slice %arg7[%add3A_895, %dma_start3A_901] : memref<160x64xi32, #tpu.memory_space<vmem>> -> memref<1x64xi32, #tpu.memory_space<vmem>>
        %dma_start3A_903 = tpu.memref_squeeze %dma_start3A_902 : memref<1x64xi32, #tpu.memory_space<vmem>> -> memref<64xi32, #tpu.memory_space<vmem>>
        %dma_start3A_904 = arith.constant 0 : i32
        %dma_start3A_905 = arith.constant 0 : i32
        %dma_start3A_906 = tpu.memref_slice %arg2[%dma_start3A_904, %dma_start3A_905] : memref<10112x64xf32, #tpu.memory_space<hbm>> -> memref<10112x64xf32, #tpu.memory_space<hbm>>
        tpu.enqueue_indirect_dma source(%dma_start3A_906 : memref<10112x64xf32, #tpu.memory_space<hbm>>) target(%dma_start3A_900 : memref<64x64xf32, #tpu.memory_space<vmem>>) offsets(%dma_start3A_903 : memref<64xi32, #tpu.memory_space<vmem>>) semaphore(%arg11 : memref<!tpu.dma_semaphore, #tpu.memory_space<semaphore_mem>>)
        %add3A_907 = arith.constant 16 : i32
        %add3A_908 = arith.addi %mul3A_210, %add3A_907 : i32
        %add3A_909 = arith.constant 4 : i32
        %add3A_910 = arith.addi %add3A_908, %add3A_909 : i32
        %dma_start3A_911 = arith.constant 4 : i32
        %dma_start3A_912 = arith.constant 0 : i32
        %dma_start3A_913 = arith.constant 0 : i32
        %dma_start3A_914 = tpu.memref_slice %arg9[%dma_start3A_911, %dma_start3A_912, %dma_start3A_913] : memref<16x64x64xf32, #tpu.memory_space<vmem>> -> memref<1x64x64xf32, #tpu.memory_space<vmem>>
        %dma_start3A_915 = tpu.memref_squeeze %dma_start3A_914 : memref<1x64x64xf32, #tpu.memory_space<vmem>> -> memref<64x64xf32, #tpu.memory_space<vmem>>
        %dma_start3A_916 = arith.constant 0 : i32
        %dma_start3A_917 = tpu.memref_slice %arg7[%add3A_910, %dma_start3A_916] : memref<160x64xi32, #tpu.memory_space<vmem>> -> memref<1x64xi32, #tpu.memory_space<vmem>>
        %dma_start3A_918 = tpu.memref_squeeze %dma_start3A_917 : memref<1x64xi32, #tpu.memory_space<vmem>> -> memref<64xi32, #tpu.memory_space<vmem>>
        %dma_start3A_919 = arith.constant 0 : i32
        %dma_start3A_920 = arith.constant 0 : i32
        %dma_start3A_921 = tpu.memref_slice %arg2[%dma_start3A_919, %dma_start3A_920] : memref<10112x64xf32, #tpu.memory_space<hbm>> -> memref<10112x64xf32, #tpu.memory_space<hbm>>
        tpu.enqueue_indirect_dma source(%dma_start3A_921 : memref<10112x64xf32, #tpu.memory_space<hbm>>) target(%dma_start3A_915 : memref<64x64xf32, #tpu.memory_space<vmem>>) offsets(%dma_start3A_918 : memref<64xi32, #tpu.memory_space<vmem>>) semaphore(%arg11 : memref<!tpu.dma_semaphore, #tpu.memory_space<semaphore_mem>>)
        %add3A_922 = arith.constant 16 : i32
        %add3A_923 = arith.addi %mul3A_210, %add3A_922 : i32
        %add3A_924 = arith.constant 5 : i32
        %add3A_925 = arith.addi %add3A_923, %add3A_924 : i32
        %dma_start3A_926 = arith.constant 5 : i32
        %dma_start3A_927 = arith.constant 0 : i32
        %dma_start3A_928 = arith.constant 0 : i32
        %dma_start3A_929 = tpu.memref_slice %arg9[%dma_start3A_926, %dma_start3A_927, %dma_start3A_928] : memref<16x64x64xf32, #tpu.memory_space<vmem>> -> memref<1x64x64xf32, #tpu.memory_space<vmem>>
        %dma_start3A_930 = tpu.memref_squeeze %dma_start3A_929 : memref<1x64x64xf32, #tpu.memory_space<vmem>> -> memref<64x64xf32, #tpu.memory_space<vmem>>
        %dma_start3A_931 = arith.constant 0 : i32
        %dma_start3A_932 = tpu.memref_slice %arg7[%add3A_925, %dma_start3A_931] : memref<160x64xi32, #tpu.memory_space<vmem>> -> memref<1x64xi32, #tpu.memory_space<vmem>>
        %dma_start3A_933 = tpu.memref_squeeze %dma_start3A_932 : memref<1x64xi32, #tpu.memory_space<vmem>> -> memref<64xi32, #tpu.memory_space<vmem>>
        %dma_start3A_934 = arith.constant 0 : i32
        %dma_start3A_935 = arith.constant 0 : i32
        %dma_start3A_936 = tpu.memref_slice %arg2[%dma_start3A_934, %dma_start3A_935] : memref<10112x64xf32, #tpu.memory_space<hbm>> -> memref<10112x64xf32, #tpu.memory_space<hbm>>
        tpu.enqueue_indirect_dma source(%dma_start3A_936 : memref<10112x64xf32, #tpu.memory_space<hbm>>) target(%dma_start3A_930 : memref<64x64xf32, #tpu.memory_space<vmem>>) offsets(%dma_start3A_933 : memref<64xi32, #tpu.memory_space<vmem>>) semaphore(%arg11 : memref<!tpu.dma_semaphore, #tpu.memory_space<semaphore_mem>>)
        %add3A_937 = arith.constant 16 : i32
        %add3A_938 = arith.addi %mul3A_210, %add3A_937 : i32
        %add3A_939 = arith.constant 6 : i32
        %add3A_940 = arith.addi %add3A_938, %add3A_939 : i32
        %dma_start3A_941 = arith.constant 6 : i32
        %dma_start3A_942 = arith.constant 0 : i32
        %dma_start3A_943 = arith.constant 0 : i32
        %dma_start3A_944 = tpu.memref_slice %arg9[%dma_start3A_941, %dma_start3A_942, %dma_start3A_943] : memref<16x64x64xf32, #tpu.memory_space<vmem>> -> memref<1x64x64xf32, #tpu.memory_space<vmem>>
        %dma_start3A_945 = tpu.memref_squeeze %dma_start3A_944 : memref<1x64x64xf32, #tpu.memory_space<vmem>> -> memref<64x64xf32, #tpu.memory_space<vmem>>
        %dma_start3A_946 = arith.constant 0 : i32
        %dma_start3A_947 = tpu.memref_slice %arg7[%add3A_940, %dma_start3A_946] : memref<160x64xi32, #tpu.memory_space<vmem>> -> memref<1x64xi32, #tpu.memory_space<vmem>>
        %dma_start3A_948 = tpu.memref_squeeze %dma_start3A_947 : memref<1x64xi32, #tpu.memory_space<vmem>> -> memref<64xi32, #tpu.memory_space<vmem>>
        %dma_start3A_949 = arith.constant 0 : i32
        %dma_start3A_950 = arith.constant 0 : i32
        %dma_start3A_951 = tpu.memref_slice %arg2[%dma_start3A_949, %dma_start3A_950] : memref<10112x64xf32, #tpu.memory_space<hbm>> -> memref<10112x64xf32, #tpu.memory_space<hbm>>
        tpu.enqueue_indirect_dma source(%dma_start3A_951 : memref<10112x64xf32, #tpu.memory_space<hbm>>) target(%dma_start3A_945 : memref<64x64xf32, #tpu.memory_space<vmem>>) offsets(%dma_start3A_948 : memref<64xi32, #tpu.memory_space<vmem>>) semaphore(%arg11 : memref<!tpu.dma_semaphore, #tpu.memory_space<semaphore_mem>>)
        %add3A_952 = arith.constant 16 : i32
        %add3A_953 = arith.addi %mul3A_210, %add3A_952 : i32
        %add3A_954 = arith.constant 7 : i32
        %add3A_955 = arith.addi %add3A_953, %add3A_954 : i32
        %dma_start3A_956 = arith.constant 7 : i32
        %dma_start3A_957 = arith.constant 0 : i32
        %dma_start3A_958 = arith.constant 0 : i32
        %dma_start3A_959 = tpu.memref_slice %arg9[%dma_start3A_956, %dma_start3A_957, %dma_start3A_958] : memref<16x64x64xf32, #tpu.memory_space<vmem>> -> memref<1x64x64xf32, #tpu.memory_space<vmem>>
        %dma_start3A_960 = tpu.memref_squeeze %dma_start3A_959 : memref<1x64x64xf32, #tpu.memory_space<vmem>> -> memref<64x64xf32, #tpu.memory_space<vmem>>
        %dma_start3A_961 = arith.constant 0 : i32
        %dma_start3A_962 = tpu.memref_slice %arg7[%add3A_955, %dma_start3A_961] : memref<160x64xi32, #tpu.memory_space<vmem>> -> memref<1x64xi32, #tpu.memory_space<vmem>>
        %dma_start3A_963 = tpu.memref_squeeze %dma_start3A_962 : memref<1x64xi32, #tpu.memory_space<vmem>> -> memref<64xi32, #tpu.memory_space<vmem>>
        %dma_start3A_964 = arith.constant 0 : i32
        %dma_start3A_965 = arith.constant 0 : i32
        %dma_start3A_966 = tpu.memref_slice %arg2[%dma_start3A_964, %dma_start3A_965] : memref<10112x64xf32, #tpu.memory_space<hbm>> -> memref<10112x64xf32, #tpu.memory_space<hbm>>
        tpu.enqueue_indirect_dma source(%dma_start3A_966 : memref<10112x64xf32, #tpu.memory_space<hbm>>) target(%dma_start3A_960 : memref<64x64xf32, #tpu.memory_space<vmem>>) offsets(%dma_start3A_963 : memref<64xi32, #tpu.memory_space<vmem>>) semaphore(%arg11 : memref<!tpu.dma_semaphore, #tpu.memory_space<semaphore_mem>>)
      } else {
      }
      %add3A_526 = arith.constant 8 : i32
      %add3A_527 = arith.addi %mul3A_210, %add3A_526 : i32
      %add3A_528 = arith.constant 0 : i32
      %add3A_529 = arith.addi %add3A_527, %add3A_528 : i32
      %dma_wait3A_530 = arith.constant 8 : i32
      %dma_wait3A_531 = arith.constant 0 : i32
      %dma_wait3A_532 = arith.constant 0 : i32
      %dma_wait3A_533 = tpu.memref_slice %arg9[%dma_wait3A_530, %dma_wait3A_531, %dma_wait3A_532] : memref<16x64x64xf32, #tpu.memory_space<vmem>> -> memref<1x64x64xf32, #tpu.memory_space<vmem>>
      %dma_wait3A_534 = tpu.memref_squeeze %dma_wait3A_533 : memref<1x64x64xf32, #tpu.memory_space<vmem>> -> memref<64x64xf32, #tpu.memory_space<vmem>>
      %dma_wait3A_535 = arith.constant 0 : i32
      %dma_wait3A_536 = tpu.memref_slice %arg7[%add3A_529, %dma_wait3A_535] : memref<160x64xi32, #tpu.memory_space<vmem>> -> memref<1x64xi32, #tpu.memory_space<vmem>>
      %dma_wait3A_537 = tpu.memref_squeeze %dma_wait3A_536 : memref<1x64xi32, #tpu.memory_space<vmem>> -> memref<64xi32, #tpu.memory_space<vmem>>
      %dma_wait3A_538 = arith.constant 0 : i32
      %dma_wait3A_539 = arith.constant 0 : i32
      %dma_wait3A_540 = tpu.memref_slice %arg2[%dma_wait3A_538, %dma_wait3A_539] : memref<10112x64xf32, #tpu.memory_space<hbm>> -> memref<10112x64xf32, #tpu.memory_space<hbm>>
      tpu.wait_indirect_dma semaphore(%arg12 : memref<!tpu.dma_semaphore, #tpu.memory_space<semaphore_mem>>) src(%dma_wait3A_540 : memref<10112x64xf32, #tpu.memory_space<hbm>>) dst(%dma_wait3A_534 : memref<64x64xf32, #tpu.memory_space<vmem>>)
      %add3A_541 = arith.constant 1 : i32
      %add3A_542 = arith.addi %add3A_527, %add3A_541 : i32
      %dma_wait3A_543 = arith.constant 9 : i32
      %dma_wait3A_544 = arith.constant 0 : i32
      %dma_wait3A_545 = arith.constant 0 : i32
      %dma_wait3A_546 = tpu.memref_slice %arg9[%dma_wait3A_543, %dma_wait3A_544, %dma_wait3A_545] : memref<16x64x64xf32, #tpu.memory_space<vmem>> -> memref<1x64x64xf32, #tpu.memory_space<vmem>>
      %dma_wait3A_547 = tpu.memref_squeeze %dma_wait3A_546 : memref<1x64x64xf32, #tpu.memory_space<vmem>> -> memref<64x64xf32, #tpu.memory_space<vmem>>
      %dma_wait3A_548 = arith.constant 0 : i32
      %dma_wait3A_549 = tpu.memref_slice %arg7[%add3A_542, %dma_wait3A_548] : memref<160x64xi32, #tpu.memory_space<vmem>> -> memref<1x64xi32, #tpu.memory_space<vmem>>
      %dma_wait3A_550 = tpu.memref_squeeze %dma_wait3A_549 : memref<1x64xi32, #tpu.memory_space<vmem>> -> memref<64xi32, #tpu.memory_space<vmem>>
      %dma_wait3A_551 = arith.constant 0 : i32
      %dma_wait3A_552 = arith.constant 0 : i32
      %dma_wait3A_553 = tpu.memref_slice %arg2[%dma_wait3A_551, %dma_wait3A_552] : memref<10112x64xf32, #tpu.memory_space<hbm>> -> memref<10112x64xf32, #tpu.memory_space<hbm>>
      tpu.wait_indirect_dma semaphore(%arg12 : memref<!tpu.dma_semaphore, #tpu.memory_space<semaphore_mem>>) src(%dma_wait3A_553 : memref<10112x64xf32, #tpu.memory_space<hbm>>) dst(%dma_wait3A_547 : memref<64x64xf32, #tpu.memory_space<vmem>>)
      %add3A_554 = arith.constant 2 : i32
      %add3A_555 = arith.addi %add3A_527, %add3A_554 : i32
      %dma_wait3A_556 = arith.constant 10 : i32
      %dma_wait3A_557 = arith.constant 0 : i32
      %dma_wait3A_558 = arith.constant 0 : i32
      %dma_wait3A_559 = tpu.memref_slice %arg9[%dma_wait3A_556, %dma_wait3A_557, %dma_wait3A_558] : memref<16x64x64xf32, #tpu.memory_space<vmem>> -> memref<1x64x64xf32, #tpu.memory_space<vmem>>
      %dma_wait3A_560 = tpu.memref_squeeze %dma_wait3A_559 : memref<1x64x64xf32, #tpu.memory_space<vmem>> -> memref<64x64xf32, #tpu.memory_space<vmem>>
      %dma_wait3A_561 = arith.constant 0 : i32
      %dma_wait3A_562 = tpu.memref_slice %arg7[%add3A_555, %dma_wait3A_561] : memref<160x64xi32, #tpu.memory_space<vmem>> -> memref<1x64xi32, #tpu.memory_space<vmem>>
      %dma_wait3A_563 = tpu.memref_squeeze %dma_wait3A_562 : memref<1x64xi32, #tpu.memory_space<vmem>> -> memref<64xi32, #tpu.memory_space<vmem>>
      %dma_wait3A_564 = arith.constant 0 : i32
      %dma_wait3A_565 = arith.constant 0 : i32
      %dma_wait3A_566 = tpu.memref_slice %arg2[%dma_wait3A_564, %dma_wait3A_565] : memref<10112x64xf32, #tpu.memory_space<hbm>> -> memref<10112x64xf32, #tpu.memory_space<hbm>>
      tpu.wait_indirect_dma semaphore(%arg12 : memref<!tpu.dma_semaphore, #tpu.memory_space<semaphore_mem>>) src(%dma_wait3A_566 : memref<10112x64xf32, #tpu.memory_space<hbm>>) dst(%dma_wait3A_560 : memref<64x64xf32, #tpu.memory_space<vmem>>)
      %add3A_567 = arith.constant 3 : i32
      %add3A_568 = arith.addi %add3A_527, %add3A_567 : i32
      %dma_wait3A_569 = arith.constant 11 : i32
      %dma_wait3A_570 = arith.constant 0 : i32
      %dma_wait3A_571 = arith.constant 0 : i32
      %dma_wait3A_572 = tpu.memref_slice %arg9[%dma_wait3A_569, %dma_wait3A_570, %dma_wait3A_571] : memref<16x64x64xf32, #tpu.memory_space<vmem>> -> memref<1x64x64xf32, #tpu.memory_space<vmem>>
      %dma_wait3A_573 = tpu.memref_squeeze %dma_wait3A_572 : memref<1x64x64xf32, #tpu.memory_space<vmem>> -> memref<64x64xf32, #tpu.memory_space<vmem>>
      %dma_wait3A_574 = arith.constant 0 : i32
      %dma_wait3A_575 = tpu.memref_slice %arg7[%add3A_568, %dma_wait3A_574] : memref<160x64xi32, #tpu.memory_space<vmem>> -> memref<1x64xi32, #tpu.memory_space<vmem>>
      %dma_wait3A_576 = tpu.memref_squeeze %dma_wait3A_575 : memref<1x64xi32, #tpu.memory_space<vmem>> -> memref<64xi32, #tpu.memory_space<vmem>>
      %dma_wait3A_577 = arith.constant 0 : i32
      %dma_wait3A_578 = arith.constant 0 : i32
      %dma_wait3A_579 = tpu.memref_slice %arg2[%dma_wait3A_577, %dma_wait3A_578] : memref<10112x64xf32, #tpu.memory_space<hbm>> -> memref<10112x64xf32, #tpu.memory_space<hbm>>
      tpu.wait_indirect_dma semaphore(%arg12 : memref<!tpu.dma_semaphore, #tpu.memory_space<semaphore_mem>>) src(%dma_wait3A_579 : memref<10112x64xf32, #tpu.memory_space<hbm>>) dst(%dma_wait3A_573 : memref<64x64xf32, #tpu.memory_space<vmem>>)
      %add3A_580 = arith.constant 4 : i32
      %add3A_581 = arith.addi %add3A_527, %add3A_580 : i32
      %dma_wait3A_582 = arith.constant 12 : i32
      %dma_wait3A_583 = arith.constant 0 : i32
      %dma_wait3A_584 = arith.constant 0 : i32
      %dma_wait3A_585 = tpu.memref_slice %arg9[%dma_wait3A_582, %dma_wait3A_583, %dma_wait3A_584] : memref<16x64x64xf32, #tpu.memory_space<vmem>> -> memref<1x64x64xf32, #tpu.memory_space<vmem>>
      %dma_wait3A_586 = tpu.memref_squeeze %dma_wait3A_585 : memref<1x64x64xf32, #tpu.memory_space<vmem>> -> memref<64x64xf32, #tpu.memory_space<vmem>>
      %dma_wait3A_587 = arith.constant 0 : i32
      %dma_wait3A_588 = tpu.memref_slice %arg7[%add3A_581, %dma_wait3A_587] : memref<160x64xi32, #tpu.memory_space<vmem>> -> memref<1x64xi32, #tpu.memory_space<vmem>>
      %dma_wait3A_589 = tpu.memref_squeeze %dma_wait3A_588 : memref<1x64xi32, #tpu.memory_space<vmem>> -> memref<64xi32, #tpu.memory_space<vmem>>
      %dma_wait3A_590 = arith.constant 0 : i32
      %dma_wait3A_591 = arith.constant 0 : i32
      %dma_wait3A_592 = tpu.memref_slice %arg2[%dma_wait3A_590, %dma_wait3A_591] : memref<10112x64xf32, #tpu.memory_space<hbm>> -> memref<10112x64xf32, #tpu.memory_space<hbm>>
      tpu.wait_indirect_dma semaphore(%arg12 : memref<!tpu.dma_semaphore, #tpu.memory_space<semaphore_mem>>) src(%dma_wait3A_592 : memref<10112x64xf32, #tpu.memory_space<hbm>>) dst(%dma_wait3A_586 : memref<64x64xf32, #tpu.memory_space<vmem>>)
      %add3A_593 = arith.constant 5 : i32
      %add3A_594 = arith.addi %add3A_527, %add3A_593 : i32
      %dma_wait3A_595 = arith.constant 13 : i32
      %dma_wait3A_596 = arith.constant 0 : i32
      %dma_wait3A_597 = arith.constant 0 : i32
      %dma_wait3A_598 = tpu.memref_slice %arg9[%dma_wait3A_595, %dma_wait3A_596, %dma_wait3A_597] : memref<16x64x64xf32, #tpu.memory_space<vmem>> -> memref<1x64x64xf32, #tpu.memory_space<vmem>>
      %dma_wait3A_599 = tpu.memref_squeeze %dma_wait3A_598 : memref<1x64x64xf32, #tpu.memory_space<vmem>> -> memref<64x64xf32, #tpu.memory_space<vmem>>
      %dma_wait3A_600 = arith.constant 0 : i32
      %dma_wait3A_601 = tpu.memref_slice %arg7[%add3A_594, %dma_wait3A_600] : memref<160x64xi32, #tpu.memory_space<vmem>> -> memref<1x64xi32, #tpu.memory_space<vmem>>
      %dma_wait3A_602 = tpu.memref_squeeze %dma_wait3A_601 : memref<1x64xi32, #tpu.memory_space<vmem>> -> memref<64xi32, #tpu.memory_space<vmem>>
      %dma_wait3A_603 = arith.constant 0 : i32
      %dma_wait3A_604 = arith.constant 0 : i32
      %dma_wait3A_605 = tpu.memref_slice %arg2[%dma_wait3A_603, %dma_wait3A_604] : memref<10112x64xf32, #tpu.memory_space<hbm>> -> memref<10112x64xf32, #tpu.memory_space<hbm>>
      tpu.wait_indirect_dma semaphore(%arg12 : memref<!tpu.dma_semaphore, #tpu.memory_space<semaphore_mem>>) src(%dma_wait3A_605 : memref<10112x64xf32, #tpu.memory_space<hbm>>) dst(%dma_wait3A_599 : memref<64x64xf32, #tpu.memory_space<vmem>>)
      %add3A_606 = arith.constant 6 : i32
      %add3A_607 = arith.addi %add3A_527, %add3A_606 : i32
      %dma_wait3A_608 = arith.constant 14 : i32
      %dma_wait3A_609 = arith.constant 0 : i32
      %dma_wait3A_610 = arith.constant 0 : i32
      %dma_wait3A_611 = tpu.memref_slice %arg9[%dma_wait3A_608, %dma_wait3A_609, %dma_wait3A_610] : memref<16x64x64xf32, #tpu.memory_space<vmem>> -> memref<1x64x64xf32, #tpu.memory_space<vmem>>
      %dma_wait3A_612 = tpu.memref_squeeze %dma_wait3A_611 : memref<1x64x64xf32, #tpu.memory_space<vmem>> -> memref<64x64xf32, #tpu.memory_space<vmem>>
      %dma_wait3A_613 = arith.constant 0 : i32
      %dma_wait3A_614 = tpu.memref_slice %arg7[%add3A_607, %dma_wait3A_613] : memref<160x64xi32, #tpu.memory_space<vmem>> -> memref<1x64xi32, #tpu.memory_space<vmem>>
      %dma_wait3A_615 = tpu.memref_squeeze %dma_wait3A_614 : memref<1x64xi32, #tpu.memory_space<vmem>> -> memref<64xi32, #tpu.memory_space<vmem>>
      %dma_wait3A_616 = arith.constant 0 : i32
      %dma_wait3A_617 = arith.constant 0 : i32
      %dma_wait3A_618 = tpu.memref_slice %arg2[%dma_wait3A_616, %dma_wait3A_617] : memref<10112x64xf32, #tpu.memory_space<hbm>> -> memref<10112x64xf32, #tpu.memory_space<hbm>>
      tpu.wait_indirect_dma semaphore(%arg12 : memref<!tpu.dma_semaphore, #tpu.memory_space<semaphore_mem>>) src(%dma_wait3A_618 : memref<10112x64xf32, #tpu.memory_space<hbm>>) dst(%dma_wait3A_612 : memref<64x64xf32, #tpu.memory_space<vmem>>)
      %add3A_619 = arith.constant 7 : i32
      %add3A_620 = arith.addi %add3A_527, %add3A_619 : i32
      %dma_wait3A_621 = arith.constant 15 : i32
      %dma_wait3A_622 = arith.constant 0 : i32
      %dma_wait3A_623 = arith.constant 0 : i32
      %dma_wait3A_624 = tpu.memref_slice %arg9[%dma_wait3A_621, %dma_wait3A_622, %dma_wait3A_623] : memref<16x64x64xf32, #tpu.memory_space<vmem>> -> memref<1x64x64xf32, #tpu.memory_space<vmem>>
      %dma_wait3A_625 = tpu.memref_squeeze %dma_wait3A_624 : memref<1x64x64xf32, #tpu.memory_space<vmem>> -> memref<64x64xf32, #tpu.memory_space<vmem>>
      %dma_wait3A_626 = arith.constant 0 : i32
      %dma_wait3A_627 = tpu.memref_slice %arg7[%add3A_620, %dma_wait3A_626] : memref<160x64xi32, #tpu.memory_space<vmem>> -> memref<1x64xi32, #tpu.memory_space<vmem>>
      %dma_wait3A_628 = tpu.memref_squeeze %dma_wait3A_627 : memref<1x64xi32, #tpu.memory_space<vmem>> -> memref<64xi32, #tpu.memory_space<vmem>>
      %dma_wait3A_629 = arith.constant 0 : i32
      %dma_wait3A_630 = arith.constant 0 : i32
      %dma_wait3A_631 = tpu.memref_slice %arg2[%dma_wait3A_629, %dma_wait3A_630] : memref<10112x64xf32, #tpu.memory_space<hbm>> -> memref<10112x64xf32, #tpu.memory_space<hbm>>
      tpu.wait_indirect_dma semaphore(%arg12 : memref<!tpu.dma_semaphore, #tpu.memory_space<semaphore_mem>>) src(%dma_wait3A_631 : memref<10112x64xf32, #tpu.memory_space<hbm>>) dst(%dma_wait3A_625 : memref<64x64xf32, #tpu.memory_space<vmem>>)
      %add3A_632 = arith.constant 0 : i32
      %add3A_633 = arith.addi %add3A_527, %add3A_632 : i32
      %dma_start3A_634 = arith.constant 8 : i32
      %dma_start3A_635 = arith.constant 0 : i32
      %dma_start3A_636 = arith.constant 0 : i32
      %dma_start3A_637 = tpu.memref_slice %arg9[%dma_start3A_634, %dma_start3A_635, %dma_start3A_636] : memref<16x64x64xf32, #tpu.memory_space<vmem>> -> memref<1x64x64xf32, #tpu.memory_space<vmem>>
      %dma_start3A_638 = tpu.memref_squeeze %dma_start3A_637 : memref<1x64x64xf32, #tpu.memory_space<vmem>> -> memref<64x64xf32, #tpu.memory_space<vmem>>
      %dma_start3A_639 = arith.constant 0 : i32
      %dma_start3A_640 = tpu.memref_slice %arg8[%add3A_633, %dma_start3A_639] : memref<160x64xi32, #tpu.memory_space<vmem>> -> memref<1x64xi32, #tpu.memory_space<vmem>>
      %dma_start3A_641 = tpu.memref_squeeze %dma_start3A_640 : memref<1x64xi32, #tpu.memory_space<vmem>> -> memref<64xi32, #tpu.memory_space<vmem>>
      %dma_start3A_642 = arith.constant 0 : i32
      %dma_start3A_643 = arith.constant 0 : i32
      %dma_start3A_644 = tpu.memref_slice %arg10[%dma_start3A_642, %dma_start3A_643] : memref<10112x64xf32, #tpu.memory_space<vmem_shared>> -> memref<10112x64xf32, #tpu.memory_space<vmem_shared>>
      tpu.enqueue_indirect_dma source(%dma_start3A_638 : memref<64x64xf32, #tpu.memory_space<vmem>>) target(%dma_start3A_644 : memref<10112x64xf32, #tpu.memory_space<vmem_shared>>) offsets(%dma_start3A_641 : memref<64xi32, #tpu.memory_space<vmem>>) semaphore(%arg14 : memref<!tpu.dma_semaphore, #tpu.memory_space<semaphore_mem>>) {add = true}
      %add3A_645 = arith.constant 1 : i32
      %add3A_646 = arith.addi %add3A_527, %add3A_645 : i32
      %dma_start3A_647 = arith.constant 9 : i32
      %dma_start3A_648 = arith.constant 0 : i32
      %dma_start3A_649 = arith.constant 0 : i32
      %dma_start3A_650 = tpu.memref_slice %arg9[%dma_start3A_647, %dma_start3A_648, %dma_start3A_649] : memref<16x64x64xf32, #tpu.memory_space<vmem>> -> memref<1x64x64xf32, #tpu.memory_space<vmem>>
      %dma_start3A_651 = tpu.memref_squeeze %dma_start3A_650 : memref<1x64x64xf32, #tpu.memory_space<vmem>> -> memref<64x64xf32, #tpu.memory_space<vmem>>
      %dma_start3A_652 = arith.constant 0 : i32
      %dma_start3A_653 = tpu.memref_slice %arg8[%add3A_646, %dma_start3A_652] : memref<160x64xi32, #tpu.memory_space<vmem>> -> memref<1x64xi32, #tpu.memory_space<vmem>>
      %dma_start3A_654 = tpu.memref_squeeze %dma_start3A_653 : memref<1x64xi32, #tpu.memory_space<vmem>> -> memref<64xi32, #tpu.memory_space<vmem>>
      %dma_start3A_655 = arith.constant 0 : i32
      %dma_start3A_656 = arith.constant 0 : i32
      %dma_start3A_657 = tpu.memref_slice %arg10[%dma_start3A_655, %dma_start3A_656] : memref<10112x64xf32, #tpu.memory_space<vmem_shared>> -> memref<10112x64xf32, #tpu.memory_space<vmem_shared>>
      tpu.enqueue_indirect_dma source(%dma_start3A_651 : memref<64x64xf32, #tpu.memory_space<vmem>>) target(%dma_start3A_657 : memref<10112x64xf32, #tpu.memory_space<vmem_shared>>) offsets(%dma_start3A_654 : memref<64xi32, #tpu.memory_space<vmem>>) semaphore(%arg14 : memref<!tpu.dma_semaphore, #tpu.memory_space<semaphore_mem>>) {add = true}
      %add3A_658 = arith.constant 2 : i32
      %add3A_659 = arith.addi %add3A_527, %add3A_658 : i32
      %dma_start3A_660 = arith.constant 10 : i32
      %dma_start3A_661 = arith.constant 0 : i32
      %dma_start3A_662 = arith.constant 0 : i32
      %dma_start3A_663 = tpu.memref_slice %arg9[%dma_start3A_660, %dma_start3A_661, %dma_start3A_662] : memref<16x64x64xf32, #tpu.memory_space<vmem>> -> memref<1x64x64xf32, #tpu.memory_space<vmem>>
      %dma_start3A_664 = tpu.memref_squeeze %dma_start3A_663 : memref<1x64x64xf32, #tpu.memory_space<vmem>> -> memref<64x64xf32, #tpu.memory_space<vmem>>
      %dma_start3A_665 = arith.constant 0 : i32
      %dma_start3A_666 = tpu.memref_slice %arg8[%add3A_659, %dma_start3A_665] : memref<160x64xi32, #tpu.memory_space<vmem>> -> memref<1x64xi32, #tpu.memory_space<vmem>>
      %dma_start3A_667 = tpu.memref_squeeze %dma_start3A_666 : memref<1x64xi32, #tpu.memory_space<vmem>> -> memref<64xi32, #tpu.memory_space<vmem>>
      %dma_start3A_668 = arith.constant 0 : i32
      %dma_start3A_669 = arith.constant 0 : i32
      %dma_start3A_670 = tpu.memref_slice %arg10[%dma_start3A_668, %dma_start3A_669] : memref<10112x64xf32, #tpu.memory_space<vmem_shared>> -> memref<10112x64xf32, #tpu.memory_space<vmem_shared>>
      tpu.enqueue_indirect_dma source(%dma_start3A_664 : memref<64x64xf32, #tpu.memory_space<vmem>>) target(%dma_start3A_670 : memref<10112x64xf32, #tpu.memory_space<vmem_shared>>) offsets(%dma_start3A_667 : memref<64xi32, #tpu.memory_space<vmem>>) semaphore(%arg14 : memref<!tpu.dma_semaphore, #tpu.memory_space<semaphore_mem>>) {add = true}
      %add3A_671 = arith.constant 3 : i32
      %add3A_672 = arith.addi %add3A_527, %add3A_671 : i32
      %dma_start3A_673 = arith.constant 11 : i32
      %dma_start3A_674 = arith.constant 0 : i32
      %dma_start3A_675 = arith.constant 0 : i32
      %dma_start3A_676 = tpu.memref_slice %arg9[%dma_start3A_673, %dma_start3A_674, %dma_start3A_675] : memref<16x64x64xf32, #tpu.memory_space<vmem>> -> memref<1x64x64xf32, #tpu.memory_space<vmem>>
      %dma_start3A_677 = tpu.memref_squeeze %dma_start3A_676 : memref<1x64x64xf32, #tpu.memory_space<vmem>> -> memref<64x64xf32, #tpu.memory_space<vmem>>
      %dma_start3A_678 = arith.constant 0 : i32
      %dma_start3A_679 = tpu.memref_slice %arg8[%add3A_672, %dma_start3A_678] : memref<160x64xi32, #tpu.memory_space<vmem>> -> memref<1x64xi32, #tpu.memory_space<vmem>>
      %dma_start3A_680 = tpu.memref_squeeze %dma_start3A_679 : memref<1x64xi32, #tpu.memory_space<vmem>> -> memref<64xi32, #tpu.memory_space<vmem>>
      %dma_start3A_681 = arith.constant 0 : i32
      %dma_start3A_682 = arith.constant 0 : i32
      %dma_start3A_683 = tpu.memref_slice %arg10[%dma_start3A_681, %dma_start3A_682] : memref<10112x64xf32, #tpu.memory_space<vmem_shared>> -> memref<10112x64xf32, #tpu.memory_space<vmem_shared>>
      tpu.enqueue_indirect_dma source(%dma_start3A_677 : memref<64x64xf32, #tpu.memory_space<vmem>>) target(%dma_start3A_683 : memref<10112x64xf32, #tpu.memory_space<vmem_shared>>) offsets(%dma_start3A_680 : memref<64xi32, #tpu.memory_space<vmem>>) semaphore(%arg14 : memref<!tpu.dma_semaphore, #tpu.memory_space<semaphore_mem>>) {add = true}
      %add3A_684 = arith.constant 4 : i32
      %add3A_685 = arith.addi %add3A_527, %add3A_684 : i32
      %dma_start3A_686 = arith.constant 12 : i32
      %dma_start3A_687 = arith.constant 0 : i32
      %dma_start3A_688 = arith.constant 0 : i32
      %dma_start3A_689 = tpu.memref_slice %arg9[%dma_start3A_686, %dma_start3A_687, %dma_start3A_688] : memref<16x64x64xf32, #tpu.memory_space<vmem>> -> memref<1x64x64xf32, #tpu.memory_space<vmem>>
      %dma_start3A_690 = tpu.memref_squeeze %dma_start3A_689 : memref<1x64x64xf32, #tpu.memory_space<vmem>> -> memref<64x64xf32, #tpu.memory_space<vmem>>
      %dma_start3A_691 = arith.constant 0 : i32
      %dma_start3A_692 = tpu.memref_slice %arg8[%add3A_685, %dma_start3A_691] : memref<160x64xi32, #tpu.memory_space<vmem>> -> memref<1x64xi32, #tpu.memory_space<vmem>>
      %dma_start3A_693 = tpu.memref_squeeze %dma_start3A_692 : memref<1x64xi32, #tpu.memory_space<vmem>> -> memref<64xi32, #tpu.memory_space<vmem>>
      %dma_start3A_694 = arith.constant 0 : i32
      %dma_start3A_695 = arith.constant 0 : i32
      %dma_start3A_696 = tpu.memref_slice %arg10[%dma_start3A_694, %dma_start3A_695] : memref<10112x64xf32, #tpu.memory_space<vmem_shared>> -> memref<10112x64xf32, #tpu.memory_space<vmem_shared>>
      tpu.enqueue_indirect_dma source(%dma_start3A_690 : memref<64x64xf32, #tpu.memory_space<vmem>>) target(%dma_start3A_696 : memref<10112x64xf32, #tpu.memory_space<vmem_shared>>) offsets(%dma_start3A_693 : memref<64xi32, #tpu.memory_space<vmem>>) semaphore(%arg14 : memref<!tpu.dma_semaphore, #tpu.memory_space<semaphore_mem>>) {add = true}
      %add3A_697 = arith.constant 5 : i32
      %add3A_698 = arith.addi %add3A_527, %add3A_697 : i32
      %dma_start3A_699 = arith.constant 13 : i32
      %dma_start3A_700 = arith.constant 0 : i32
      %dma_start3A_701 = arith.constant 0 : i32
      %dma_start3A_702 = tpu.memref_slice %arg9[%dma_start3A_699, %dma_start3A_700, %dma_start3A_701] : memref<16x64x64xf32, #tpu.memory_space<vmem>> -> memref<1x64x64xf32, #tpu.memory_space<vmem>>
      %dma_start3A_703 = tpu.memref_squeeze %dma_start3A_702 : memref<1x64x64xf32, #tpu.memory_space<vmem>> -> memref<64x64xf32, #tpu.memory_space<vmem>>
      %dma_start3A_704 = arith.constant 0 : i32
      %dma_start3A_705 = tpu.memref_slice %arg8[%add3A_698, %dma_start3A_704] : memref<160x64xi32, #tpu.memory_space<vmem>> -> memref<1x64xi32, #tpu.memory_space<vmem>>
      %dma_start3A_706 = tpu.memref_squeeze %dma_start3A_705 : memref<1x64xi32, #tpu.memory_space<vmem>> -> memref<64xi32, #tpu.memory_space<vmem>>
      %dma_start3A_707 = arith.constant 0 : i32
      %dma_start3A_708 = arith.constant 0 : i32
      %dma_start3A_709 = tpu.memref_slice %arg10[%dma_start3A_707, %dma_start3A_708] : memref<10112x64xf32, #tpu.memory_space<vmem_shared>> -> memref<10112x64xf32, #tpu.memory_space<vmem_shared>>
      tpu.enqueue_indirect_dma source(%dma_start3A_703 : memref<64x64xf32, #tpu.memory_space<vmem>>) target(%dma_start3A_709 : memref<10112x64xf32, #tpu.memory_space<vmem_shared>>) offsets(%dma_start3A_706 : memref<64xi32, #tpu.memory_space<vmem>>) semaphore(%arg14 : memref<!tpu.dma_semaphore, #tpu.memory_space<semaphore_mem>>) {add = true}
      %add3A_710 = arith.constant 6 : i32
      %add3A_711 = arith.addi %add3A_527, %add3A_710 : i32
      %dma_start3A_712 = arith.constant 14 : i32
      %dma_start3A_713 = arith.constant 0 : i32
      %dma_start3A_714 = arith.constant 0 : i32
      %dma_start3A_715 = tpu.memref_slice %arg9[%dma_start3A_712, %dma_start3A_713, %dma_start3A_714] : memref<16x64x64xf32, #tpu.memory_space<vmem>> -> memref<1x64x64xf32, #tpu.memory_space<vmem>>
      %dma_start3A_716 = tpu.memref_squeeze %dma_start3A_715 : memref<1x64x64xf32, #tpu.memory_space<vmem>> -> memref<64x64xf32, #tpu.memory_space<vmem>>
      %dma_start3A_717 = arith.constant 0 : i32
      %dma_start3A_718 = tpu.memref_slice %arg8[%add3A_711, %dma_start3A_717] : memref<160x64xi32, #tpu.memory_space<vmem>> -> memref<1x64xi32, #tpu.memory_space<vmem>>
      %dma_start3A_719 = tpu.memref_squeeze %dma_start3A_718 : memref<1x64xi32, #tpu.memory_space<vmem>> -> memref<64xi32, #tpu.memory_space<vmem>>
      %dma_start3A_720 = arith.constant 0 : i32
      %dma_start3A_721 = arith.constant 0 : i32
      %dma_start3A_722 = tpu.memref_slice %arg10[%dma_start3A_720, %dma_start3A_721] : memref<10112x64xf32, #tpu.memory_space<vmem_shared>> -> memref<10112x64xf32, #tpu.memory_space<vmem_shared>>
      tpu.enqueue_indirect_dma source(%dma_start3A_716 : memref<64x64xf32, #tpu.memory_space<vmem>>) target(%dma_start3A_722 : memref<10112x64xf32, #tpu.memory_space<vmem_shared>>) offsets(%dma_start3A_719 : memref<64xi32, #tpu.memory_space<vmem>>) semaphore(%arg14 : memref<!tpu.dma_semaphore, #tpu.memory_space<semaphore_mem>>) {add = true}
      %add3A_723 = arith.constant 7 : i32
      %add3A_724 = arith.addi %add3A_527, %add3A_723 : i32
      %dma_start3A_725 = arith.constant 15 : i32
      %dma_start3A_726 = arith.constant 0 : i32
      %dma_start3A_727 = arith.constant 0 : i32
      %dma_start3A_728 = tpu.memref_slice %arg9[%dma_start3A_725, %dma_start3A_726, %dma_start3A_727] : memref<16x64x64xf32, #tpu.memory_space<vmem>> -> memref<1x64x64xf32, #tpu.memory_space<vmem>>
      %dma_start3A_729 = tpu.memref_squeeze %dma_start3A_728 : memref<1x64x64xf32, #tpu.memory_space<vmem>> -> memref<64x64xf32, #tpu.memory_space<vmem>>
      %dma_start3A_730 = arith.constant 0 : i32
      %dma_start3A_731 = tpu.memref_slice %arg8[%add3A_724, %dma_start3A_730] : memref<160x64xi32, #tpu.memory_space<vmem>> -> memref<1x64xi32, #tpu.memory_space<vmem>>
      %dma_start3A_732 = tpu.memref_squeeze %dma_start3A_731 : memref<1x64xi32, #tpu.memory_space<vmem>> -> memref<64xi32, #tpu.memory_space<vmem>>
      %dma_start3A_733 = arith.constant 0 : i32
      %dma_start3A_734 = arith.constant 0 : i32
      %dma_start3A_735 = tpu.memref_slice %arg10[%dma_start3A_733, %dma_start3A_734] : memref<10112x64xf32, #tpu.memory_space<vmem_shared>> -> memref<10112x64xf32, #tpu.memory_space<vmem_shared>>
      tpu.enqueue_indirect_dma source(%dma_start3A_729 : memref<64x64xf32, #tpu.memory_space<vmem>>) target(%dma_start3A_735 : memref<10112x64xf32, #tpu.memory_space<vmem_shared>>) offsets(%dma_start3A_732 : memref<64xi32, #tpu.memory_space<vmem>>) semaphore(%arg14 : memref<!tpu.dma_semaphore, #tpu.memory_space<semaphore_mem>>) {add = true}
      %add3A_736 = arith.constant 0 : i32
      %add3A_737 = arith.addi %add3A_527, %add3A_736 : i32
      %dma_wait3A_738 = arith.constant 8 : i32
      %dma_wait3A_739 = arith.constant 0 : i32
      %dma_wait3A_740 = arith.constant 0 : i32
      %dma_wait3A_741 = tpu.memref_slice %arg9[%dma_wait3A_738, %dma_wait3A_739, %dma_wait3A_740] : memref<16x64x64xf32, #tpu.memory_space<vmem>> -> memref<1x64x64xf32, #tpu.memory_space<vmem>>
      %dma_wait3A_742 = tpu.memref_squeeze %dma_wait3A_741 : memref<1x64x64xf32, #tpu.memory_space<vmem>> -> memref<64x64xf32, #tpu.memory_space<vmem>>
      %dma_wait3A_743 = arith.constant 0 : i32
      %dma_wait3A_744 = tpu.memref_slice %arg8[%add3A_737, %dma_wait3A_743] : memref<160x64xi32, #tpu.memory_space<vmem>> -> memref<1x64xi32, #tpu.memory_space<vmem>>
      %dma_wait3A_745 = tpu.memref_squeeze %dma_wait3A_744 : memref<1x64xi32, #tpu.memory_space<vmem>> -> memref<64xi32, #tpu.memory_space<vmem>>
      %dma_wait3A_746 = arith.constant 0 : i32
      %dma_wait3A_747 = arith.constant 0 : i32
      %dma_wait3A_748 = tpu.memref_slice %arg10[%dma_wait3A_746, %dma_wait3A_747] : memref<10112x64xf32, #tpu.memory_space<vmem_shared>> -> memref<10112x64xf32, #tpu.memory_space<vmem_shared>>
      tpu.wait_indirect_dma semaphore(%arg14 : memref<!tpu.dma_semaphore, #tpu.memory_space<semaphore_mem>>) src(%dma_wait3A_742 : memref<64x64xf32, #tpu.memory_space<vmem>>) dst(%dma_wait3A_748 : memref<10112x64xf32, #tpu.memory_space<vmem_shared>>)
      %add3A_749 = arith.constant 1 : i32
      %add3A_750 = arith.addi %add3A_527, %add3A_749 : i32
      %dma_wait3A_751 = arith.constant 9 : i32
      %dma_wait3A_752 = arith.constant 0 : i32
      %dma_wait3A_753 = arith.constant 0 : i32
      %dma_wait3A_754 = tpu.memref_slice %arg9[%dma_wait3A_751, %dma_wait3A_752, %dma_wait3A_753] : memref<16x64x64xf32, #tpu.memory_space<vmem>> -> memref<1x64x64xf32, #tpu.memory_space<vmem>>
      %dma_wait3A_755 = tpu.memref_squeeze %dma_wait3A_754 : memref<1x64x64xf32, #tpu.memory_space<vmem>> -> memref<64x64xf32, #tpu.memory_space<vmem>>
      %dma_wait3A_756 = arith.constant 0 : i32
      %dma_wait3A_757 = tpu.memref_slice %arg8[%add3A_750, %dma_wait3A_756] : memref<160x64xi32, #tpu.memory_space<vmem>> -> memref<1x64xi32, #tpu.memory_space<vmem>>
      %dma_wait3A_758 = tpu.memref_squeeze %dma_wait3A_757 : memref<1x64xi32, #tpu.memory_space<vmem>> -> memref<64xi32, #tpu.memory_space<vmem>>
      %dma_wait3A_759 = arith.constant 0 : i32
      %dma_wait3A_760 = arith.constant 0 : i32
      %dma_wait3A_761 = tpu.memref_slice %arg10[%dma_wait3A_759, %dma_wait3A_760] : memref<10112x64xf32, #tpu.memory_space<vmem_shared>> -> memref<10112x64xf32, #tpu.memory_space<vmem_shared>>
      tpu.wait_indirect_dma semaphore(%arg14 : memref<!tpu.dma_semaphore, #tpu.memory_space<semaphore_mem>>) src(%dma_wait3A_755 : memref<64x64xf32, #tpu.memory_space<vmem>>) dst(%dma_wait3A_761 : memref<10112x64xf32, #tpu.memory_space<vmem_shared>>)
      %add3A_762 = arith.constant 2 : i32
      %add3A_763 = arith.addi %add3A_527, %add3A_762 : i32
      %dma_wait3A_764 = arith.constant 10 : i32
      %dma_wait3A_765 = arith.constant 0 : i32
      %dma_wait3A_766 = arith.constant 0 : i32
      %dma_wait3A_767 = tpu.memref_slice %arg9[%dma_wait3A_764, %dma_wait3A_765, %dma_wait3A_766] : memref<16x64x64xf32, #tpu.memory_space<vmem>> -> memref<1x64x64xf32, #tpu.memory_space<vmem>>
      %dma_wait3A_768 = tpu.memref_squeeze %dma_wait3A_767 : memref<1x64x64xf32, #tpu.memory_space<vmem>> -> memref<64x64xf32, #tpu.memory_space<vmem>>
      %dma_wait3A_769 = arith.constant 0 : i32
      %dma_wait3A_770 = tpu.memref_slice %arg8[%add3A_763, %dma_wait3A_769] : memref<160x64xi32, #tpu.memory_space<vmem>> -> memref<1x64xi32, #tpu.memory_space<vmem>>
      %dma_wait3A_771 = tpu.memref_squeeze %dma_wait3A_770 : memref<1x64xi32, #tpu.memory_space<vmem>> -> memref<64xi32, #tpu.memory_space<vmem>>
      %dma_wait3A_772 = arith.constant 0 : i32
      %dma_wait3A_773 = arith.constant 0 : i32
      %dma_wait3A_774 = tpu.memref_slice %arg10[%dma_wait3A_772, %dma_wait3A_773] : memref<10112x64xf32, #tpu.memory_space<vmem_shared>> -> memref<10112x64xf32, #tpu.memory_space<vmem_shared>>
      tpu.wait_indirect_dma semaphore(%arg14 : memref<!tpu.dma_semaphore, #tpu.memory_space<semaphore_mem>>) src(%dma_wait3A_768 : memref<64x64xf32, #tpu.memory_space<vmem>>) dst(%dma_wait3A_774 : memref<10112x64xf32, #tpu.memory_space<vmem_shared>>)
      %add3A_775 = arith.constant 3 : i32
      %add3A_776 = arith.addi %add3A_527, %add3A_775 : i32
      %dma_wait3A_777 = arith.constant 11 : i32
      %dma_wait3A_778 = arith.constant 0 : i32
      %dma_wait3A_779 = arith.constant 0 : i32
      %dma_wait3A_780 = tpu.memref_slice %arg9[%dma_wait3A_777, %dma_wait3A_778, %dma_wait3A_779] : memref<16x64x64xf32, #tpu.memory_space<vmem>> -> memref<1x64x64xf32, #tpu.memory_space<vmem>>
      %dma_wait3A_781 = tpu.memref_squeeze %dma_wait3A_780 : memref<1x64x64xf32, #tpu.memory_space<vmem>> -> memref<64x64xf32, #tpu.memory_space<vmem>>
      %dma_wait3A_782 = arith.constant 0 : i32
      %dma_wait3A_783 = tpu.memref_slice %arg8[%add3A_776, %dma_wait3A_782] : memref<160x64xi32, #tpu.memory_space<vmem>> -> memref<1x64xi32, #tpu.memory_space<vmem>>
      %dma_wait3A_784 = tpu.memref_squeeze %dma_wait3A_783 : memref<1x64xi32, #tpu.memory_space<vmem>> -> memref<64xi32, #tpu.memory_space<vmem>>
      %dma_wait3A_785 = arith.constant 0 : i32
      %dma_wait3A_786 = arith.constant 0 : i32
      %dma_wait3A_787 = tpu.memref_slice %arg10[%dma_wait3A_785, %dma_wait3A_786] : memref<10112x64xf32, #tpu.memory_space<vmem_shared>> -> memref<10112x64xf32, #tpu.memory_space<vmem_shared>>
      tpu.wait_indirect_dma semaphore(%arg14 : memref<!tpu.dma_semaphore, #tpu.memory_space<semaphore_mem>>) src(%dma_wait3A_781 : memref<64x64xf32, #tpu.memory_space<vmem>>) dst(%dma_wait3A_787 : memref<10112x64xf32, #tpu.memory_space<vmem_shared>>)
      %add3A_788 = arith.constant 4 : i32
      %add3A_789 = arith.addi %add3A_527, %add3A_788 : i32
      %dma_wait3A_790 = arith.constant 12 : i32
      %dma_wait3A_791 = arith.constant 0 : i32
      %dma_wait3A_792 = arith.constant 0 : i32
      %dma_wait3A_793 = tpu.memref_slice %arg9[%dma_wait3A_790, %dma_wait3A_791, %dma_wait3A_792] : memref<16x64x64xf32, #tpu.memory_space<vmem>> -> memref<1x64x64xf32, #tpu.memory_space<vmem>>
      %dma_wait3A_794 = tpu.memref_squeeze %dma_wait3A_793 : memref<1x64x64xf32, #tpu.memory_space<vmem>> -> memref<64x64xf32, #tpu.memory_space<vmem>>
      %dma_wait3A_795 = arith.constant 0 : i32
      %dma_wait3A_796 = tpu.memref_slice %arg8[%add3A_789, %dma_wait3A_795] : memref<160x64xi32, #tpu.memory_space<vmem>> -> memref<1x64xi32, #tpu.memory_space<vmem>>
      %dma_wait3A_797 = tpu.memref_squeeze %dma_wait3A_796 : memref<1x64xi32, #tpu.memory_space<vmem>> -> memref<64xi32, #tpu.memory_space<vmem>>
      %dma_wait3A_798 = arith.constant 0 : i32
      %dma_wait3A_799 = arith.constant 0 : i32
      %dma_wait3A_800 = tpu.memref_slice %arg10[%dma_wait3A_798, %dma_wait3A_799] : memref<10112x64xf32, #tpu.memory_space<vmem_shared>> -> memref<10112x64xf32, #tpu.memory_space<vmem_shared>>
      tpu.wait_indirect_dma semaphore(%arg14 : memref<!tpu.dma_semaphore, #tpu.memory_space<semaphore_mem>>) src(%dma_wait3A_794 : memref<64x64xf32, #tpu.memory_space<vmem>>) dst(%dma_wait3A_800 : memref<10112x64xf32, #tpu.memory_space<vmem_shared>>)
      %add3A_801 = arith.constant 5 : i32
      %add3A_802 = arith.addi %add3A_527, %add3A_801 : i32
      %dma_wait3A_803 = arith.constant 13 : i32
      %dma_wait3A_804 = arith.constant 0 : i32
      %dma_wait3A_805 = arith.constant 0 : i32
      %dma_wait3A_806 = tpu.memref_slice %arg9[%dma_wait3A_803, %dma_wait3A_804, %dma_wait3A_805] : memref<16x64x64xf32, #tpu.memory_space<vmem>> -> memref<1x64x64xf32, #tpu.memory_space<vmem>>
      %dma_wait3A_807 = tpu.memref_squeeze %dma_wait3A_806 : memref<1x64x64xf32, #tpu.memory_space<vmem>> -> memref<64x64xf32, #tpu.memory_space<vmem>>
      %dma_wait3A_808 = arith.constant 0 : i32
      %dma_wait3A_809 = tpu.memref_slice %arg8[%add3A_802, %dma_wait3A_808] : memref<160x64xi32, #tpu.memory_space<vmem>> -> memref<1x64xi32, #tpu.memory_space<vmem>>
      %dma_wait3A_810 = tpu.memref_squeeze %dma_wait3A_809 : memref<1x64xi32, #tpu.memory_space<vmem>> -> memref<64xi32, #tpu.memory_space<vmem>>
      %dma_wait3A_811 = arith.constant 0 : i32
      %dma_wait3A_812 = arith.constant 0 : i32
      %dma_wait3A_813 = tpu.memref_slice %arg10[%dma_wait3A_811, %dma_wait3A_812] : memref<10112x64xf32, #tpu.memory_space<vmem_shared>> -> memref<10112x64xf32, #tpu.memory_space<vmem_shared>>
      tpu.wait_indirect_dma semaphore(%arg14 : memref<!tpu.dma_semaphore, #tpu.memory_space<semaphore_mem>>) src(%dma_wait3A_807 : memref<64x64xf32, #tpu.memory_space<vmem>>) dst(%dma_wait3A_813 : memref<10112x64xf32, #tpu.memory_space<vmem_shared>>)
      %add3A_814 = arith.constant 6 : i32
      %add3A_815 = arith.addi %add3A_527, %add3A_814 : i32
      %dma_wait3A_816 = arith.constant 14 : i32
      %dma_wait3A_817 = arith.constant 0 : i32
      %dma_wait3A_818 = arith.constant 0 : i32
      %dma_wait3A_819 = tpu.memref_slice %arg9[%dma_wait3A_816, %dma_wait3A_817, %dma_wait3A_818] : memref<16x64x64xf32, #tpu.memory_space<vmem>> -> memref<1x64x64xf32, #tpu.memory_space<vmem>>
      %dma_wait3A_820 = tpu.memref_squeeze %dma_wait3A_819 : memref<1x64x64xf32, #tpu.memory_space<vmem>> -> memref<64x64xf32, #tpu.memory_space<vmem>>
      %dma_wait3A_821 = arith.constant 0 : i32
      %dma_wait3A_822 = tpu.memref_slice %arg8[%add3A_815, %dma_wait3A_821] : memref<160x64xi32, #tpu.memory_space<vmem>> -> memref<1x64xi32, #tpu.memory_space<vmem>>
      %dma_wait3A_823 = tpu.memref_squeeze %dma_wait3A_822 : memref<1x64xi32, #tpu.memory_space<vmem>> -> memref<64xi32, #tpu.memory_space<vmem>>
      %dma_wait3A_824 = arith.constant 0 : i32
      %dma_wait3A_825 = arith.constant 0 : i32
      %dma_wait3A_826 = tpu.memref_slice %arg10[%dma_wait3A_824, %dma_wait3A_825] : memref<10112x64xf32, #tpu.memory_space<vmem_shared>> -> memref<10112x64xf32, #tpu.memory_space<vmem_shared>>
      tpu.wait_indirect_dma semaphore(%arg14 : memref<!tpu.dma_semaphore, #tpu.memory_space<semaphore_mem>>) src(%dma_wait3A_820 : memref<64x64xf32, #tpu.memory_space<vmem>>) dst(%dma_wait3A_826 : memref<10112x64xf32, #tpu.memory_space<vmem_shared>>)
      %add3A_827 = arith.constant 7 : i32
      %add3A_828 = arith.addi %add3A_527, %add3A_827 : i32
      %dma_wait3A_829 = arith.constant 15 : i32
      %dma_wait3A_830 = arith.constant 0 : i32
      %dma_wait3A_831 = arith.constant 0 : i32
      %dma_wait3A_832 = tpu.memref_slice %arg9[%dma_wait3A_829, %dma_wait3A_830, %dma_wait3A_831] : memref<16x64x64xf32, #tpu.memory_space<vmem>> -> memref<1x64x64xf32, #tpu.memory_space<vmem>>
      %dma_wait3A_833 = tpu.memref_squeeze %dma_wait3A_832 : memref<1x64x64xf32, #tpu.memory_space<vmem>> -> memref<64x64xf32, #tpu.memory_space<vmem>>
      %dma_wait3A_834 = arith.constant 0 : i32
      %dma_wait3A_835 = tpu.memref_slice %arg8[%add3A_828, %dma_wait3A_834] : memref<160x64xi32, #tpu.memory_space<vmem>> -> memref<1x64xi32, #tpu.memory_space<vmem>>
      %dma_wait3A_836 = tpu.memref_squeeze %dma_wait3A_835 : memref<1x64xi32, #tpu.memory_space<vmem>> -> memref<64xi32, #tpu.memory_space<vmem>>
      %dma_wait3A_837 = arith.constant 0 : i32
      %dma_wait3A_838 = arith.constant 0 : i32
      %dma_wait3A_839 = tpu.memref_slice %arg10[%dma_wait3A_837, %dma_wait3A_838] : memref<10112x64xf32, #tpu.memory_space<vmem_shared>> -> memref<10112x64xf32, #tpu.memory_space<vmem_shared>>
      tpu.wait_indirect_dma semaphore(%arg14 : memref<!tpu.dma_semaphore, #tpu.memory_space<semaphore_mem>>) src(%dma_wait3A_833 : memref<64x64xf32, #tpu.memory_space<vmem>>) dst(%dma_wait3A_839 : memref<10112x64xf32, #tpu.memory_space<vmem_shared>>)
      %add3A_840 = arith.constant 16 : i32
      %add3A_841 = arith.addi %add3A_527, %add3A_840 : i32
      %lt3A_842 = arith.constant 160 : i32
      %lt3A_843 = arith.cmpi slt, %add3A_841, %lt3A_842 : i32
      %convert_element_type3A_844 = arith.extui %lt3A_843 : i1 to i32
      %cond3A_845 = arith.constant 0 : i32
      %cond3A_846 = arith.cmpi ne, %convert_element_type3A_844, %cond3A_845 : i32
      scf.if %cond3A_846 {
        %add3A_847 = arith.constant 16 : i32
        %add3A_848 = arith.addi %add3A_527, %add3A_847 : i32
        %add3A_849 = arith.constant 0 : i32
        %add3A_850 = arith.addi %add3A_848, %add3A_849 : i32
        %dma_start3A_851 = arith.constant 8 : i32
        %dma_start3A_852 = arith.constant 0 : i32
        %dma_start3A_853 = arith.constant 0 : i32
        %dma_start3A_854 = tpu.memref_slice %arg9[%dma_start3A_851, %dma_start3A_852, %dma_start3A_853] : memref<16x64x64xf32, #tpu.memory_space<vmem>> -> memref<1x64x64xf32, #tpu.memory_space<vmem>>
        %dma_start3A_855 = tpu.memref_squeeze %dma_start3A_854 : memref<1x64x64xf32, #tpu.memory_space<vmem>> -> memref<64x64xf32, #tpu.memory_space<vmem>>
        %dma_start3A_856 = arith.constant 0 : i32
        %dma_start3A_857 = tpu.memref_slice %arg7[%add3A_850, %dma_start3A_856] : memref<160x64xi32, #tpu.memory_space<vmem>> -> memref<1x64xi32, #tpu.memory_space<vmem>>
        %dma_start3A_858 = tpu.memref_squeeze %dma_start3A_857 : memref<1x64xi32, #tpu.memory_space<vmem>> -> memref<64xi32, #tpu.memory_space<vmem>>
        %dma_start3A_859 = arith.constant 0 : i32
        %dma_start3A_860 = arith.constant 0 : i32
        %dma_start3A_861 = tpu.memref_slice %arg2[%dma_start3A_859, %dma_start3A_860] : memref<10112x64xf32, #tpu.memory_space<hbm>> -> memref<10112x64xf32, #tpu.memory_space<hbm>>
        tpu.enqueue_indirect_dma source(%dma_start3A_861 : memref<10112x64xf32, #tpu.memory_space<hbm>>) target(%dma_start3A_855 : memref<64x64xf32, #tpu.memory_space<vmem>>) offsets(%dma_start3A_858 : memref<64xi32, #tpu.memory_space<vmem>>) semaphore(%arg12 : memref<!tpu.dma_semaphore, #tpu.memory_space<semaphore_mem>>)
        %add3A_862 = arith.constant 16 : i32
        %add3A_863 = arith.addi %add3A_527, %add3A_862 : i32
        %add3A_864 = arith.constant 1 : i32
        %add3A_865 = arith.addi %add3A_863, %add3A_864 : i32
        %dma_start3A_866 = arith.constant 9 : i32
        %dma_start3A_867 = arith.constant 0 : i32
        %dma_start3A_868 = arith.constant 0 : i32
        %dma_start3A_869 = tpu.memref_slice %arg9[%dma_start3A_866, %dma_start3A_867, %dma_start3A_868] : memref<16x64x64xf32, #tpu.memory_space<vmem>> -> memref<1x64x64xf32, #tpu.memory_space<vmem>>
        %dma_start3A_870 = tpu.memref_squeeze %dma_start3A_869 : memref<1x64x64xf32, #tpu.memory_space<vmem>> -> memref<64x64xf32, #tpu.memory_space<vmem>>
        %dma_start3A_871 = arith.constant 0 : i32
        %dma_start3A_872 = tpu.memref_slice %arg7[%add3A_865, %dma_start3A_871] : memref<160x64xi32, #tpu.memory_space<vmem>> -> memref<1x64xi32, #tpu.memory_space<vmem>>
        %dma_start3A_873 = tpu.memref_squeeze %dma_start3A_872 : memref<1x64xi32, #tpu.memory_space<vmem>> -> memref<64xi32, #tpu.memory_space<vmem>>
        %dma_start3A_874 = arith.constant 0 : i32
        %dma_start3A_875 = arith.constant 0 : i32
        %dma_start3A_876 = tpu.memref_slice %arg2[%dma_start3A_874, %dma_start3A_875] : memref<10112x64xf32, #tpu.memory_space<hbm>> -> memref<10112x64xf32, #tpu.memory_space<hbm>>
        tpu.enqueue_indirect_dma source(%dma_start3A_876 : memref<10112x64xf32, #tpu.memory_space<hbm>>) target(%dma_start3A_870 : memref<64x64xf32, #tpu.memory_space<vmem>>) offsets(%dma_start3A_873 : memref<64xi32, #tpu.memory_space<vmem>>) semaphore(%arg12 : memref<!tpu.dma_semaphore, #tpu.memory_space<semaphore_mem>>)
        %add3A_877 = arith.constant 16 : i32
        %add3A_878 = arith.addi %add3A_527, %add3A_877 : i32
        %add3A_879 = arith.constant 2 : i32
        %add3A_880 = arith.addi %add3A_878, %add3A_879 : i32
        %dma_start3A_881 = arith.constant 10 : i32
        %dma_start3A_882 = arith.constant 0 : i32
        %dma_start3A_883 = arith.constant 0 : i32
        %dma_start3A_884 = tpu.memref_slice %arg9[%dma_start3A_881, %dma_start3A_882, %dma_start3A_883] : memref<16x64x64xf32, #tpu.memory_space<vmem>> -> memref<1x64x64xf32, #tpu.memory_space<vmem>>
        %dma_start3A_885 = tpu.memref_squeeze %dma_start3A_884 : memref<1x64x64xf32, #tpu.memory_space<vmem>> -> memref<64x64xf32, #tpu.memory_space<vmem>>
        %dma_start3A_886 = arith.constant 0 : i32
        %dma_start3A_887 = tpu.memref_slice %arg7[%add3A_880, %dma_start3A_886] : memref<160x64xi32, #tpu.memory_space<vmem>> -> memref<1x64xi32, #tpu.memory_space<vmem>>
        %dma_start3A_888 = tpu.memref_squeeze %dma_start3A_887 : memref<1x64xi32, #tpu.memory_space<vmem>> -> memref<64xi32, #tpu.memory_space<vmem>>
        %dma_start3A_889 = arith.constant 0 : i32
        %dma_start3A_890 = arith.constant 0 : i32
        %dma_start3A_891 = tpu.memref_slice %arg2[%dma_start3A_889, %dma_start3A_890] : memref<10112x64xf32, #tpu.memory_space<hbm>> -> memref<10112x64xf32, #tpu.memory_space<hbm>>
        tpu.enqueue_indirect_dma source(%dma_start3A_891 : memref<10112x64xf32, #tpu.memory_space<hbm>>) target(%dma_start3A_885 : memref<64x64xf32, #tpu.memory_space<vmem>>) offsets(%dma_start3A_888 : memref<64xi32, #tpu.memory_space<vmem>>) semaphore(%arg12 : memref<!tpu.dma_semaphore, #tpu.memory_space<semaphore_mem>>)
        %add3A_892 = arith.constant 16 : i32
        %add3A_893 = arith.addi %add3A_527, %add3A_892 : i32
        %add3A_894 = arith.constant 3 : i32
        %add3A_895 = arith.addi %add3A_893, %add3A_894 : i32
        %dma_start3A_896 = arith.constant 11 : i32
        %dma_start3A_897 = arith.constant 0 : i32
        %dma_start3A_898 = arith.constant 0 : i32
        %dma_start3A_899 = tpu.memref_slice %arg9[%dma_start3A_896, %dma_start3A_897, %dma_start3A_898] : memref<16x64x64xf32, #tpu.memory_space<vmem>> -> memref<1x64x64xf32, #tpu.memory_space<vmem>>
        %dma_start3A_900 = tpu.memref_squeeze %dma_start3A_899 : memref<1x64x64xf32, #tpu.memory_space<vmem>> -> memref<64x64xf32, #tpu.memory_space<vmem>>
        %dma_start3A_901 = arith.constant 0 : i32
        %dma_start3A_902 = tpu.memref_slice %arg7[%add3A_895, %dma_start3A_901] : memref<160x64xi32, #tpu.memory_space<vmem>> -> memref<1x64xi32, #tpu.memory_space<vmem>>
        %dma_start3A_903 = tpu.memref_squeeze %dma_start3A_902 : memref<1x64xi32, #tpu.memory_space<vmem>> -> memref<64xi32, #tpu.memory_space<vmem>>
        %dma_start3A_904 = arith.constant 0 : i32
        %dma_start3A_905 = arith.constant 0 : i32
        %dma_start3A_906 = tpu.memref_slice %arg2[%dma_start3A_904, %dma_start3A_905] : memref<10112x64xf32, #tpu.memory_space<hbm>> -> memref<10112x64xf32, #tpu.memory_space<hbm>>
        tpu.enqueue_indirect_dma source(%dma_start3A_906 : memref<10112x64xf32, #tpu.memory_space<hbm>>) target(%dma_start3A_900 : memref<64x64xf32, #tpu.memory_space<vmem>>) offsets(%dma_start3A_903 : memref<64xi32, #tpu.memory_space<vmem>>) semaphore(%arg12 : memref<!tpu.dma_semaphore, #tpu.memory_space<semaphore_mem>>)
        %add3A_907 = arith.constant 16 : i32
        %add3A_908 = arith.addi %add3A_527, %add3A_907 : i32
        %add3A_909 = arith.constant 4 : i32
        %add3A_910 = arith.addi %add3A_908, %add3A_909 : i32
        %dma_start3A_911 = arith.constant 12 : i32
        %dma_start3A_912 = arith.constant 0 : i32
        %dma_start3A_913 = arith.constant 0 : i32
        %dma_start3A_914 = tpu.memref_slice %arg9[%dma_start3A_911, %dma_start3A_912, %dma_start3A_913] : memref<16x64x64xf32, #tpu.memory_space<vmem>> -> memref<1x64x64xf32, #tpu.memory_space<vmem>>
        %dma_start3A_915 = tpu.memref_squeeze %dma_start3A_914 : memref<1x64x64xf32, #tpu.memory_space<vmem>> -> memref<64x64xf32, #tpu.memory_space<vmem>>
        %dma_start3A_916 = arith.constant 0 : i32
        %dma_start3A_917 = tpu.memref_slice %arg7[%add3A_910, %dma_start3A_916] : memref<160x64xi32, #tpu.memory_space<vmem>> -> memref<1x64xi32, #tpu.memory_space<vmem>>
        %dma_start3A_918 = tpu.memref_squeeze %dma_start3A_917 : memref<1x64xi32, #tpu.memory_space<vmem>> -> memref<64xi32, #tpu.memory_space<vmem>>
        %dma_start3A_919 = arith.constant 0 : i32
        %dma_start3A_920 = arith.constant 0 : i32
        %dma_start3A_921 = tpu.memref_slice %arg2[%dma_start3A_919, %dma_start3A_920] : memref<10112x64xf32, #tpu.memory_space<hbm>> -> memref<10112x64xf32, #tpu.memory_space<hbm>>
        tpu.enqueue_indirect_dma source(%dma_start3A_921 : memref<10112x64xf32, #tpu.memory_space<hbm>>) target(%dma_start3A_915 : memref<64x64xf32, #tpu.memory_space<vmem>>) offsets(%dma_start3A_918 : memref<64xi32, #tpu.memory_space<vmem>>) semaphore(%arg12 : memref<!tpu.dma_semaphore, #tpu.memory_space<semaphore_mem>>)
        %add3A_922 = arith.constant 16 : i32
        %add3A_923 = arith.addi %add3A_527, %add3A_922 : i32
        %add3A_924 = arith.constant 5 : i32
        %add3A_925 = arith.addi %add3A_923, %add3A_924 : i32
        %dma_start3A_926 = arith.constant 13 : i32
        %dma_start3A_927 = arith.constant 0 : i32
        %dma_start3A_928 = arith.constant 0 : i32
        %dma_start3A_929 = tpu.memref_slice %arg9[%dma_start3A_926, %dma_start3A_927, %dma_start3A_928] : memref<16x64x64xf32, #tpu.memory_space<vmem>> -> memref<1x64x64xf32, #tpu.memory_space<vmem>>
        %dma_start3A_930 = tpu.memref_squeeze %dma_start3A_929 : memref<1x64x64xf32, #tpu.memory_space<vmem>> -> memref<64x64xf32, #tpu.memory_space<vmem>>
        %dma_start3A_931 = arith.constant 0 : i32
        %dma_start3A_932 = tpu.memref_slice %arg7[%add3A_925, %dma_start3A_931] : memref<160x64xi32, #tpu.memory_space<vmem>> -> memref<1x64xi32, #tpu.memory_space<vmem>>
        %dma_start3A_933 = tpu.memref_squeeze %dma_start3A_932 : memref<1x64xi32, #tpu.memory_space<vmem>> -> memref<64xi32, #tpu.memory_space<vmem>>
        %dma_start3A_934 = arith.constant 0 : i32
        %dma_start3A_935 = arith.constant 0 : i32
        %dma_start3A_936 = tpu.memref_slice %arg2[%dma_start3A_934, %dma_start3A_935] : memref<10112x64xf32, #tpu.memory_space<hbm>> -> memref<10112x64xf32, #tpu.memory_space<hbm>>
        tpu.enqueue_indirect_dma source(%dma_start3A_936 : memref<10112x64xf32, #tpu.memory_space<hbm>>) target(%dma_start3A_930 : memref<64x64xf32, #tpu.memory_space<vmem>>) offsets(%dma_start3A_933 : memref<64xi32, #tpu.memory_space<vmem>>) semaphore(%arg12 : memref<!tpu.dma_semaphore, #tpu.memory_space<semaphore_mem>>)
        %add3A_937 = arith.constant 16 : i32
        %add3A_938 = arith.addi %add3A_527, %add3A_937 : i32
        %add3A_939 = arith.constant 6 : i32
        %add3A_940 = arith.addi %add3A_938, %add3A_939 : i32
        %dma_start3A_941 = arith.constant 14 : i32
        %dma_start3A_942 = arith.constant 0 : i32
        %dma_start3A_943 = arith.constant 0 : i32
        %dma_start3A_944 = tpu.memref_slice %arg9[%dma_start3A_941, %dma_start3A_942, %dma_start3A_943] : memref<16x64x64xf32, #tpu.memory_space<vmem>> -> memref<1x64x64xf32, #tpu.memory_space<vmem>>
        %dma_start3A_945 = tpu.memref_squeeze %dma_start3A_944 : memref<1x64x64xf32, #tpu.memory_space<vmem>> -> memref<64x64xf32, #tpu.memory_space<vmem>>
        %dma_start3A_946 = arith.constant 0 : i32
        %dma_start3A_947 = tpu.memref_slice %arg7[%add3A_940, %dma_start3A_946] : memref<160x64xi32, #tpu.memory_space<vmem>> -> memref<1x64xi32, #tpu.memory_space<vmem>>
        %dma_start3A_948 = tpu.memref_squeeze %dma_start3A_947 : memref<1x64xi32, #tpu.memory_space<vmem>> -> memref<64xi32, #tpu.memory_space<vmem>>
        %dma_start3A_949 = arith.constant 0 : i32
        %dma_start3A_950 = arith.constant 0 : i32
        %dma_start3A_951 = tpu.memref_slice %arg2[%dma_start3A_949, %dma_start3A_950] : memref<10112x64xf32, #tpu.memory_space<hbm>> -> memref<10112x64xf32, #tpu.memory_space<hbm>>
        tpu.enqueue_indirect_dma source(%dma_start3A_951 : memref<10112x64xf32, #tpu.memory_space<hbm>>) target(%dma_start3A_945 : memref<64x64xf32, #tpu.memory_space<vmem>>) offsets(%dma_start3A_948 : memref<64xi32, #tpu.memory_space<vmem>>) semaphore(%arg12 : memref<!tpu.dma_semaphore, #tpu.memory_space<semaphore_mem>>)
        %add3A_952 = arith.constant 16 : i32
        %add3A_953 = arith.addi %add3A_527, %add3A_952 : i32
        %add3A_954 = arith.constant 7 : i32
        %add3A_955 = arith.addi %add3A_953, %add3A_954 : i32
        %dma_start3A_956 = arith.constant 15 : i32
        %dma_start3A_957 = arith.constant 0 : i32
        %dma_start3A_958 = arith.constant 0 : i32
        %dma_start3A_959 = tpu.memref_slice %arg9[%dma_start3A_956, %dma_start3A_957, %dma_start3A_958] : memref<16x64x64xf32, #tpu.memory_space<vmem>> -> memref<1x64x64xf32, #tpu.memory_space<vmem>>
        %dma_start3A_960 = tpu.memref_squeeze %dma_start3A_959 : memref<1x64x64xf32, #tpu.memory_space<vmem>> -> memref<64x64xf32, #tpu.memory_space<vmem>>
        %dma_start3A_961 = arith.constant 0 : i32
        %dma_start3A_962 = tpu.memref_slice %arg7[%add3A_955, %dma_start3A_961] : memref<160x64xi32, #tpu.memory_space<vmem>> -> memref<1x64xi32, #tpu.memory_space<vmem>>
        %dma_start3A_963 = tpu.memref_squeeze %dma_start3A_962 : memref<1x64xi32, #tpu.memory_space<vmem>> -> memref<64xi32, #tpu.memory_space<vmem>>
        %dma_start3A_964 = arith.constant 0 : i32
        %dma_start3A_965 = arith.constant 0 : i32
        %dma_start3A_966 = tpu.memref_slice %arg2[%dma_start3A_964, %dma_start3A_965] : memref<10112x64xf32, #tpu.memory_space<hbm>> -> memref<10112x64xf32, #tpu.memory_space<hbm>>
        tpu.enqueue_indirect_dma source(%dma_start3A_966 : memref<10112x64xf32, #tpu.memory_space<hbm>>) target(%dma_start3A_960 : memref<64x64xf32, #tpu.memory_space<vmem>>) offsets(%dma_start3A_963 : memref<64xi32, #tpu.memory_space<vmem>>) semaphore(%arg12 : memref<!tpu.dma_semaphore, #tpu.memory_space<semaphore_mem>>)
      } else {
      }
    }
    %scan3A_200 = arith.constant 10 : i32
    %barrier3A_201 = arith.constant 0 : index
    tpu.barrier barrier_id(%barrier3A_201)
    %mul3A_202 = arith.constant 632 : i32
    %mul3A_203 = arith.muli %arg1, %mul3A_202 : i32
    %mul3A_204 = arith.constant 632 : i32
    %mul3A_205 = arith.muli %arg1, %mul3A_204 : i32
    "tpu.region"() ({
      %run_scoped3A = tpu.sem_alloc : memref<!tpu.dma_semaphore, #tpu.memory_space<semaphore_mem>>
      %dma_start3A_206 = arith.constant 0 : i32
      %dma_start3A_207 = tpu.memref_slice %arg6[%arg0, %mul3A_205, %dma_start3A_206] : memref<2x10112x64xf32, #tpu.memory_space<hbm>> -> memref<1x632x64xf32, #tpu.memory_space<hbm>>
      %dma_start3A_208 = tpu.memref_squeeze %dma_start3A_207 : memref<1x632x64xf32, #tpu.memory_space<hbm>> -> memref<632x64xf32, #tpu.memory_space<hbm>>
      %dma_start3A_209 = arith.constant 0 : i32
      %dma_start3A_210 = tpu.memref_slice %arg10[%mul3A_203, %dma_start3A_209] : memref<10112x64xf32, #tpu.memory_space<vmem_shared>> -> memref<632x64xf32, #tpu.memory_space<vmem_shared>>
      tpu.enqueue_dma source(%dma_start3A_210 : memref<632x64xf32, #tpu.memory_space<vmem_shared>>) target(%dma_start3A_208 : memref<632x64xf32, #tpu.memory_space<hbm>>) target_semaphore(%run_scoped3A : memref<!tpu.dma_semaphore, #tpu.memory_space<semaphore_mem>>)
      %dma_wait3A = arith.constant 0 : i32
      %dma_wait3A_211 = tpu.memref_slice %arg6[%arg0, %mul3A_205, %dma_wait3A] : memref<2x10112x64xf32, #tpu.memory_space<hbm>> -> memref<1x632x64xf32, #tpu.memory_space<hbm>>
      %dma_wait3A_212 = tpu.memref_squeeze %dma_wait3A_211 : memref<1x632x64xf32, #tpu.memory_space<hbm>> -> memref<632x64xf32, #tpu.memory_space<hbm>>
      %dma_wait3A_213 = arith.constant 0 : i32
      %dma_wait3A_214 = tpu.memref_slice %arg10[%mul3A_203, %dma_wait3A_213] : memref<10112x64xf32, #tpu.memory_space<vmem_shared>> -> memref<632x64xf32, #tpu.memory_space<vmem_shared>>
      tpu.wait_dma2 semaphore(%run_scoped3A : memref<!tpu.dma_semaphore, #tpu.memory_space<semaphore_mem>>) src(%dma_wait3A_214 : memref<632x64xf32, #tpu.memory_space<vmem_shared>>) dst(%dma_wait3A_212 : memref<632x64xf32, #tpu.memory_space<hbm>>)
      tpu.yield
    }) : () -> ()
    return
  }
}

#map = affine_map<(d0, d1) -> (0, 0)>
#map1 = affine_map<(d0, d1) -> (0, 0, 0)>
module attributes {stable_mosaic.version = 14 : i64} {
  func.func @_prop(%arg0: i32, %arg1: i32, %arg2: memref<10112x64xf32, #tpu.memory_space<hbm>>, %arg3: memref<32x160x64xi32, #tpu.memory_space<hbm>>, %arg4: memref<32x160x64xi32, #tpu.memory_space<hbm>>, %arg5: memref<10112x64xf32, #tpu.memory_space<hbm>>, %arg6: memref<2x10112x64xf32, #tpu.memory_space<hbm>>, %arg7: memref<160x64xi32, #tpu.memory_space<vmem>>, %arg8: memref<160x64xi32, #tpu.memory_space<vmem>>, %arg9: memref<16x64x64xf32, #tpu.memory_space<vmem>>, %arg10: memref<10112x64xf32, #tpu.memory_space<vmem_shared>>, %arg11: memref<!tpu.dma_semaphore, #tpu.memory_space<semaphore_mem>>, %arg12: memref<!tpu.dma_semaphore, #tpu.memory_space<semaphore_mem>>, %arg13: memref<!tpu.dma_semaphore, #tpu.memory_space<semaphore_mem>>, %arg14: memref<!tpu.dma_semaphore, #tpu.memory_space<semaphore_mem>>) attributes {dimension_semantics = [#tpu.dimension_semantics<core_parallel>, #tpu.dimension_semantics<subcore_parallel>], iteration_bounds = array<i64: 2, 16>, scalar_prefetch = 0 : i64, scratch_operands = 8 : i64, tpu.core_type = #tpu.core_type<sc_vector_subcore>, window_params = [{transform_indices = #map}, {transform_indices = #map1}, {transform_indices = #map1}, {transform_indices = #map}, {transform_indices = #map1}]} {
    %mul3A = arith.constant 2 : i32
    %mul3A_0 = arith.muli %arg1, %mul3A : i32
    %add3A = arith.addi %mul3A_0, %arg0 : i32
    "tpu.region"() ({
      %run_scoped3A = tpu.sem_alloc : memref<!tpu.dma_semaphore, #tpu.memory_space<semaphore_mem>>
      %dma_start3A_206 = arith.constant 0 : i32
      %dma_start3A_207 = arith.constant 0 : i32
      %dma_start3A_208 = tpu.memref_slice %arg3[%add3A, %dma_start3A_206, %dma_start3A_207] : memref<32x160x64xi32, #tpu.memory_space<hbm>> -> memref<1x160x64xi32, #tpu.memory_space<hbm>>
      %dma_start3A_209 = tpu.memref_squeeze %dma_start3A_208 : memref<1x160x64xi32, #tpu.memory_space<hbm>> -> memref<160x64xi32, #tpu.memory_space<hbm>>
      %dma_start3A_210 = arith.constant 0 : i32
      %dma_start3A_211 = arith.constant 0 : i32
      %dma_start3A_212 = tpu.memref_slice %arg3[%add3A, %dma_start3A_210, %dma_start3A_211] : memref<32x160x64xi32, #tpu.memory_space<hbm>> -> memref<1x160x64xi32, #tpu.memory_space<hbm>>
      %dma_start3A_213 = tpu.memref_squeeze %dma_start3A_212 : memref<1x160x64xi32, #tpu.memory_space<hbm>> -> memref<160x64xi32, #tpu.memory_space<hbm>>
      tpu.enqueue_dma source(%dma_start3A_213 : memref<160x64xi32, #tpu.memory_space<hbm>>) target(%arg7 : memref<160x64xi32, #tpu.memory_space<vmem>>) target_semaphore(%run_scoped3A : memref<!tpu.dma_semaphore, #tpu.memory_space<semaphore_mem>>)
      %dma_wait3A = arith.constant 0 : i32
      %dma_wait3A_214 = arith.constant 0 : i32
      %dma_wait3A_215 = tpu.memref_slice %arg3[%add3A, %dma_wait3A, %dma_wait3A_214] : memref<32x160x64xi32, #tpu.memory_space<hbm>> -> memref<1x160x64xi32, #tpu.memory_space<hbm>>
      %dma_wait3A_216 = tpu.memref_squeeze %dma_wait3A_215 : memref<1x160x64xi32, #tpu.memory_space<hbm>> -> memref<160x64xi32, #tpu.memory_space<hbm>>
      %dma_wait3A_217 = arith.constant 0 : i32
      %dma_wait3A_218 = arith.constant 0 : i32
      %dma_wait3A_219 = tpu.memref_slice %arg3[%add3A, %dma_wait3A_217, %dma_wait3A_218] : memref<32x160x64xi32, #tpu.memory_space<hbm>> -> memref<1x160x64xi32, #tpu.memory_space<hbm>>
      %dma_wait3A_220 = tpu.memref_squeeze %dma_wait3A_219 : memref<1x160x64xi32, #tpu.memory_space<hbm>> -> memref<160x64xi32, #tpu.memory_space<hbm>>
      tpu.wait_dma2 semaphore(%run_scoped3A : memref<!tpu.dma_semaphore, #tpu.memory_space<semaphore_mem>>) src(%dma_wait3A_220 : memref<160x64xi32, #tpu.memory_space<hbm>>) dst(%arg7 : memref<160x64xi32, #tpu.memory_space<vmem>>)
      tpu.yield
    }) : () -> ()
    "tpu.region"() ({
      %run_scoped3A = tpu.sem_alloc : memref<!tpu.dma_semaphore, #tpu.memory_space<semaphore_mem>>
      %dma_start3A_206 = arith.constant 0 : i32
      %dma_start3A_207 = arith.constant 0 : i32
      %dma_start3A_208 = tpu.memref_slice %arg4[%add3A, %dma_start3A_206, %dma_start3A_207] : memref<32x160x64xi32, #tpu.memory_space<hbm>> -> memref<1x160x64xi32, #tpu.memory_space<hbm>>
      %dma_start3A_209 = tpu.memref_squeeze %dma_start3A_208 : memref<1x160x64xi32, #tpu.memory_space<hbm>> -> memref<160x64xi32, #tpu.memory_space<hbm>>
      %dma_start3A_210 = arith.constant 0 : i32
      %dma_start3A_211 = arith.constant 0 : i32
      %dma_start3A_212 = tpu.memref_slice %arg4[%add3A, %dma_start3A_210, %dma_start3A_211] : memref<32x160x64xi32, #tpu.memory_space<hbm>> -> memref<1x160x64xi32, #tpu.memory_space<hbm>>
      %dma_start3A_213 = tpu.memref_squeeze %dma_start3A_212 : memref<1x160x64xi32, #tpu.memory_space<hbm>> -> memref<160x64xi32, #tpu.memory_space<hbm>>
      tpu.enqueue_dma source(%dma_start3A_213 : memref<160x64xi32, #tpu.memory_space<hbm>>) target(%arg8 : memref<160x64xi32, #tpu.memory_space<vmem>>) target_semaphore(%run_scoped3A : memref<!tpu.dma_semaphore, #tpu.memory_space<semaphore_mem>>)
      %dma_wait3A = arith.constant 0 : i32
      %dma_wait3A_214 = arith.constant 0 : i32
      %dma_wait3A_215 = tpu.memref_slice %arg4[%add3A, %dma_wait3A, %dma_wait3A_214] : memref<32x160x64xi32, #tpu.memory_space<hbm>> -> memref<1x160x64xi32, #tpu.memory_space<hbm>>
      %dma_wait3A_216 = tpu.memref_squeeze %dma_wait3A_215 : memref<1x160x64xi32, #tpu.memory_space<hbm>> -> memref<160x64xi32, #tpu.memory_space<hbm>>
      %dma_wait3A_217 = arith.constant 0 : i32
      %dma_wait3A_218 = arith.constant 0 : i32
      %dma_wait3A_219 = tpu.memref_slice %arg4[%add3A, %dma_wait3A_217, %dma_wait3A_218] : memref<32x160x64xi32, #tpu.memory_space<hbm>> -> memref<1x160x64xi32, #tpu.memory_space<hbm>>
      %dma_wait3A_220 = tpu.memref_squeeze %dma_wait3A_219 : memref<1x160x64xi32, #tpu.memory_space<hbm>> -> memref<160x64xi32, #tpu.memory_space<hbm>>
      tpu.wait_dma2 semaphore(%run_scoped3A : memref<!tpu.dma_semaphore, #tpu.memory_space<semaphore_mem>>) src(%dma_wait3A_220 : memref<160x64xi32, #tpu.memory_space<hbm>>) dst(%arg8 : memref<160x64xi32, #tpu.memory_space<vmem>>)
      tpu.yield
    }) : () -> ()
    %mul3A_1 = arith.constant 632 : i32
    %mul3A_2 = arith.muli %arg1, %mul3A_1 : i32
    %mul3A_3 = arith.constant 632 : i32
    %mul3A_4 = arith.muli %arg1, %mul3A_3 : i32
    "tpu.region"() ({
      %run_scoped3A = tpu.sem_alloc : memref<!tpu.dma_semaphore, #tpu.memory_space<semaphore_mem>>
      %dma_start3A_206 = arith.constant 0 : i32
      %dma_start3A_207 = tpu.memref_slice %arg10[%mul3A_4, %dma_start3A_206] : memref<10112x64xf32, #tpu.memory_space<vmem_shared>> -> memref<632x64xf32, #tpu.memory_space<vmem_shared>>
      %dma_start3A_208 = arith.constant 0 : i32
      %dma_start3A_209 = tpu.memref_slice %arg5[%mul3A_2, %dma_start3A_208] : memref<10112x64xf32, #tpu.memory_space<hbm>> -> memref<632x64xf32, #tpu.memory_space<hbm>>
      tpu.enqueue_dma source(%dma_start3A_209 : memref<632x64xf32, #tpu.memory_space<hbm>>) target(%dma_start3A_207 : memref<632x64xf32, #tpu.memory_space<vmem_shared>>) target_semaphore(%run_scoped3A : memref<!tpu.dma_semaphore, #tpu.memory_space<semaphore_mem>>)
      %dma_wait3A = arith.constant 0 : i32
      %dma_wait3A_210 = tpu.memref_slice %arg10[%mul3A_4, %dma_wait3A] : memref<10112x64xf32, #tpu.memory_space<vmem_shared>> -> memref<632x64xf32, #tpu.memory_space<vmem_shared>>
      %dma_wait3A_211 = arith.constant 0 : i32
      %dma_wait3A_212 = tpu.memref_slice %arg5[%mul3A_2, %dma_wait3A_211] : memref<10112x64xf32, #tpu.memory_space<hbm>> -> memref<632x64xf32, #tpu.memory_space<hbm>>
      tpu.wait_dma2 semaphore(%run_scoped3A : memref<!tpu.dma_semaphore, #tpu.memory_space<semaphore_mem>>) src(%dma_wait3A_212 : memref<632x64xf32, #tpu.memory_space<hbm>>) dst(%dma_wait3A_210 : memref<632x64xf32, #tpu.memory_space<vmem_shared>>)
      tpu.yield
    }) : () -> ()
    %barrier3A = arith.constant 0 : index
    tpu.barrier barrier_id(%barrier3A)
    %dma_start3A = arith.constant 0 : i32
    %dma_start3A_5 = arith.constant 0 : i32
    %dma_start3A_6 = arith.constant 0 : i32
    %dma_start3A_7 = arith.constant 0 : i32
    %dma_start3A_8 = tpu.memref_slice %arg9[%dma_start3A_5, %dma_start3A_6, %dma_start3A_7] : memref<16x64x64xf32, #tpu.memory_space<vmem>> -> memref<1x64x64xf32, #tpu.memory_space<vmem>>
    %dma_start3A_9 = tpu.memref_squeeze %dma_start3A_8 : memref<1x64x64xf32, #tpu.memory_space<vmem>> -> memref<64x64xf32, #tpu.memory_space<vmem>>
    %dma_start3A_10 = arith.constant 0 : i32
    %dma_start3A_11 = tpu.memref_slice %arg7[%dma_start3A, %dma_start3A_10] : memref<160x64xi32, #tpu.memory_space<vmem>> -> memref<1x64xi32, #tpu.memory_space<vmem>>
    %dma_start3A_12 = tpu.memref_squeeze %dma_start3A_11 : memref<1x64xi32, #tpu.memory_space<vmem>> -> memref<64xi32, #tpu.memory_space<vmem>>
    %dma_start3A_13 = arith.constant 0 : i32
    %dma_start3A_14 = arith.constant 0 : i32
    %dma_start3A_15 = tpu.memref_slice %arg2[%dma_start3A_13, %dma_start3A_14] : memref<10112x64xf32, #tpu.memory_space<hbm>> -> memref<10112x64xf32, #tpu.memory_space<hbm>>
    tpu.enqueue_indirect_dma source(%dma_start3A_15 : memref<10112x64xf32, #tpu.memory_space<hbm>>) target(%dma_start3A_9 : memref<64x64xf32, #tpu.memory_space<vmem>>) offsets(%dma_start3A_12 : memref<64xi32, #tpu.memory_space<vmem>>) semaphore(%arg11 : memref<!tpu.dma_semaphore, #tpu.memory_space<semaphore_mem>>)
    %dma_start3A_16 = arith.constant 8 : i32
    %dma_start3A_17 = arith.constant 8 : i32
    %dma_start3A_18 = arith.constant 0 : i32
    %dma_start3A_19 = arith.constant 0 : i32
    %dma_start3A_20 = tpu.memref_slice %arg9[%dma_start3A_17, %dma_start3A_18, %dma_start3A_19] : memref<16x64x64xf32, #tpu.memory_space<vmem>> -> memref<1x64x64xf32, #tpu.memory_space<vmem>>
    %dma_start3A_21 = tpu.memref_squeeze %dma_start3A_20 : memref<1x64x64xf32, #tpu.memory_space<vmem>> -> memref<64x64xf32, #tpu.memory_space<vmem>>
    %dma_start3A_22 = arith.constant 0 : i32
    %dma_start3A_23 = tpu.memref_slice %arg7[%dma_start3A_16, %dma_start3A_22] : memref<160x64xi32, #tpu.memory_space<vmem>> -> memref<1x64xi32, #tpu.memory_space<vmem>>
    %dma_start3A_24 = tpu.memref_squeeze %dma_start3A_23 : memref<1x64xi32, #tpu.memory_space<vmem>> -> memref<64xi32, #tpu.memory_space<vmem>>
    %dma_start3A_25 = arith.constant 0 : i32
    %dma_start3A_26 = arith.constant 0 : i32
    %dma_start3A_27 = tpu.memref_slice %arg2[%dma_start3A_25, %dma_start3A_26] : memref<10112x64xf32, #tpu.memory_space<hbm>> -> memref<10112x64xf32, #tpu.memory_space<hbm>>
    tpu.enqueue_indirect_dma source(%dma_start3A_27 : memref<10112x64xf32, #tpu.memory_space<hbm>>) target(%dma_start3A_21 : memref<64x64xf32, #tpu.memory_space<vmem>>) offsets(%dma_start3A_24 : memref<64xi32, #tpu.memory_space<vmem>>) semaphore(%arg12 : memref<!tpu.dma_semaphore, #tpu.memory_space<semaphore_mem>>)
    %dma_start3A_28 = arith.constant 1 : i32
    %dma_start3A_29 = arith.constant 1 : i32
    %dma_start3A_30 = arith.constant 0 : i32
    %dma_start3A_31 = arith.constant 0 : i32
    %dma_start3A_32 = tpu.memref_slice %arg9[%dma_start3A_29, %dma_start3A_30, %dma_start3A_31] : memref<16x64x64xf32, #tpu.memory_space<vmem>> -> memref<1x64x64xf32, #tpu.memory_space<vmem>>
    %dma_start3A_33 = tpu.memref_squeeze %dma_start3A_32 : memref<1x64x64xf32, #tpu.memory_space<vmem>> -> memref<64x64xf32, #tpu.memory_space<vmem>>
    %dma_start3A_34 = arith.constant 0 : i32
    %dma_start3A_35 = tpu.memref_slice %arg7[%dma_start3A_28, %dma_start3A_34] : memref<160x64xi32, #tpu.memory_space<vmem>> -> memref<1x64xi32, #tpu.memory_space<vmem>>
    %dma_start3A_36 = tpu.memref_squeeze %dma_start3A_35 : memref<1x64xi32, #tpu.memory_space<vmem>> -> memref<64xi32, #tpu.memory_space<vmem>>
    %dma_start3A_37 = arith.constant 0 : i32
    %dma_start3A_38 = arith.constant 0 : i32
    %dma_start3A_39 = tpu.memref_slice %arg2[%dma_start3A_37, %dma_start3A_38] : memref<10112x64xf32, #tpu.memory_space<hbm>> -> memref<10112x64xf32, #tpu.memory_space<hbm>>
    tpu.enqueue_indirect_dma source(%dma_start3A_39 : memref<10112x64xf32, #tpu.memory_space<hbm>>) target(%dma_start3A_33 : memref<64x64xf32, #tpu.memory_space<vmem>>) offsets(%dma_start3A_36 : memref<64xi32, #tpu.memory_space<vmem>>) semaphore(%arg11 : memref<!tpu.dma_semaphore, #tpu.memory_space<semaphore_mem>>)
    %dma_start3A_40 = arith.constant 9 : i32
    %dma_start3A_41 = arith.constant 9 : i32
    %dma_start3A_42 = arith.constant 0 : i32
    %dma_start3A_43 = arith.constant 0 : i32
    %dma_start3A_44 = tpu.memref_slice %arg9[%dma_start3A_41, %dma_start3A_42, %dma_start3A_43] : memref<16x64x64xf32, #tpu.memory_space<vmem>> -> memref<1x64x64xf32, #tpu.memory_space<vmem>>
    %dma_start3A_45 = tpu.memref_squeeze %dma_start3A_44 : memref<1x64x64xf32, #tpu.memory_space<vmem>> -> memref<64x64xf32, #tpu.memory_space<vmem>>
    %dma_start3A_46 = arith.constant 0 : i32
    %dma_start3A_47 = tpu.memref_slice %arg7[%dma_start3A_40, %dma_start3A_46] : memref<160x64xi32, #tpu.memory_space<vmem>> -> memref<1x64xi32, #tpu.memory_space<vmem>>
    %dma_start3A_48 = tpu.memref_squeeze %dma_start3A_47 : memref<1x64xi32, #tpu.memory_space<vmem>> -> memref<64xi32, #tpu.memory_space<vmem>>
    %dma_start3A_49 = arith.constant 0 : i32
    %dma_start3A_50 = arith.constant 0 : i32
    %dma_start3A_51 = tpu.memref_slice %arg2[%dma_start3A_49, %dma_start3A_50] : memref<10112x64xf32, #tpu.memory_space<hbm>> -> memref<10112x64xf32, #tpu.memory_space<hbm>>
    tpu.enqueue_indirect_dma source(%dma_start3A_51 : memref<10112x64xf32, #tpu.memory_space<hbm>>) target(%dma_start3A_45 : memref<64x64xf32, #tpu.memory_space<vmem>>) offsets(%dma_start3A_48 : memref<64xi32, #tpu.memory_space<vmem>>) semaphore(%arg12 : memref<!tpu.dma_semaphore, #tpu.memory_space<semaphore_mem>>)
    %dma_start3A_52 = arith.constant 2 : i32
    %dma_start3A_53 = arith.constant 2 : i32
    %dma_start3A_54 = arith.constant 0 : i32
    %dma_start3A_55 = arith.constant 0 : i32
    %dma_start3A_56 = tpu.memref_slice %arg9[%dma_start3A_53, %dma_start3A_54, %dma_start3A_55] : memref<16x64x64xf32, #tpu.memory_space<vmem>> -> memref<1x64x64xf32, #tpu.memory_space<vmem>>
    %dma_start3A_57 = tpu.memref_squeeze %dma_start3A_56 : memref<1x64x64xf32, #tpu.memory_space<vmem>> -> memref<64x64xf32, #tpu.memory_space<vmem>>
    %dma_start3A_58 = arith.constant 0 : i32
    %dma_start3A_59 = tpu.memref_slice %arg7[%dma_start3A_52, %dma_start3A_58] : memref<160x64xi32, #tpu.memory_space<vmem>> -> memref<1x64xi32, #tpu.memory_space<vmem>>
    %dma_start3A_60 = tpu.memref_squeeze %dma_start3A_59 : memref<1x64xi32, #tpu.memory_space<vmem>> -> memref<64xi32, #tpu.memory_space<vmem>>
    %dma_start3A_61 = arith.constant 0 : i32
    %dma_start3A_62 = arith.constant 0 : i32
    %dma_start3A_63 = tpu.memref_slice %arg2[%dma_start3A_61, %dma_start3A_62] : memref<10112x64xf32, #tpu.memory_space<hbm>> -> memref<10112x64xf32, #tpu.memory_space<hbm>>
    tpu.enqueue_indirect_dma source(%dma_start3A_63 : memref<10112x64xf32, #tpu.memory_space<hbm>>) target(%dma_start3A_57 : memref<64x64xf32, #tpu.memory_space<vmem>>) offsets(%dma_start3A_60 : memref<64xi32, #tpu.memory_space<vmem>>) semaphore(%arg11 : memref<!tpu.dma_semaphore, #tpu.memory_space<semaphore_mem>>)
    %dma_start3A_64 = arith.constant 10 : i32
    %dma_start3A_65 = arith.constant 10 : i32
    %dma_start3A_66 = arith.constant 0 : i32
    %dma_start3A_67 = arith.constant 0 : i32
    %dma_start3A_68 = tpu.memref_slice %arg9[%dma_start3A_65, %dma_start3A_66, %dma_start3A_67] : memref<16x64x64xf32, #tpu.memory_space<vmem>> -> memref<1x64x64xf32, #tpu.memory_space<vmem>>
    %dma_start3A_69 = tpu.memref_squeeze %dma_start3A_68 : memref<1x64x64xf32, #tpu.memory_space<vmem>> -> memref<64x64xf32, #tpu.memory_space<vmem>>
    %dma_start3A_70 = arith.constant 0 : i32
    %dma_start3A_71 = tpu.memref_slice %arg7[%dma_start3A_64, %dma_start3A_70] : memref<160x64xi32, #tpu.memory_space<vmem>> -> memref<1x64xi32, #tpu.memory_space<vmem>>
    %dma_start3A_72 = tpu.memref_squeeze %dma_start3A_71 : memref<1x64xi32, #tpu.memory_space<vmem>> -> memref<64xi32, #tpu.memory_space<vmem>>
    %dma_start3A_73 = arith.constant 0 : i32
    %dma_start3A_74 = arith.constant 0 : i32
    %dma_start3A_75 = tpu.memref_slice %arg2[%dma_start3A_73, %dma_start3A_74] : memref<10112x64xf32, #tpu.memory_space<hbm>> -> memref<10112x64xf32, #tpu.memory_space<hbm>>
    tpu.enqueue_indirect_dma source(%dma_start3A_75 : memref<10112x64xf32, #tpu.memory_space<hbm>>) target(%dma_start3A_69 : memref<64x64xf32, #tpu.memory_space<vmem>>) offsets(%dma_start3A_72 : memref<64xi32, #tpu.memory_space<vmem>>) semaphore(%arg12 : memref<!tpu.dma_semaphore, #tpu.memory_space<semaphore_mem>>)
    %dma_start3A_76 = arith.constant 3 : i32
    %dma_start3A_77 = arith.constant 3 : i32
    %dma_start3A_78 = arith.constant 0 : i32
    %dma_start3A_79 = arith.constant 0 : i32
    %dma_start3A_80 = tpu.memref_slice %arg9[%dma_start3A_77, %dma_start3A_78, %dma_start3A_79] : memref<16x64x64xf32, #tpu.memory_space<vmem>> -> memref<1x64x64xf32, #tpu.memory_space<vmem>>
    %dma_start3A_81 = tpu.memref_squeeze %dma_start3A_80 : memref<1x64x64xf32, #tpu.memory_space<vmem>> -> memref<64x64xf32, #tpu.memory_space<vmem>>
    %dma_start3A_82 = arith.constant 0 : i32
    %dma_start3A_83 = tpu.memref_slice %arg7[%dma_start3A_76, %dma_start3A_82] : memref<160x64xi32, #tpu.memory_space<vmem>> -> memref<1x64xi32, #tpu.memory_space<vmem>>
    %dma_start3A_84 = tpu.memref_squeeze %dma_start3A_83 : memref<1x64xi32, #tpu.memory_space<vmem>> -> memref<64xi32, #tpu.memory_space<vmem>>
    %dma_start3A_85 = arith.constant 0 : i32
    %dma_start3A_86 = arith.constant 0 : i32
    %dma_start3A_87 = tpu.memref_slice %arg2[%dma_start3A_85, %dma_start3A_86] : memref<10112x64xf32, #tpu.memory_space<hbm>> -> memref<10112x64xf32, #tpu.memory_space<hbm>>
    tpu.enqueue_indirect_dma source(%dma_start3A_87 : memref<10112x64xf32, #tpu.memory_space<hbm>>) target(%dma_start3A_81 : memref<64x64xf32, #tpu.memory_space<vmem>>) offsets(%dma_start3A_84 : memref<64xi32, #tpu.memory_space<vmem>>) semaphore(%arg11 : memref<!tpu.dma_semaphore, #tpu.memory_space<semaphore_mem>>)
    %dma_start3A_88 = arith.constant 11 : i32
    %dma_start3A_89 = arith.constant 11 : i32
    %dma_start3A_90 = arith.constant 0 : i32
    %dma_start3A_91 = arith.constant 0 : i32
    %dma_start3A_92 = tpu.memref_slice %arg9[%dma_start3A_89, %dma_start3A_90, %dma_start3A_91] : memref<16x64x64xf32, #tpu.memory_space<vmem>> -> memref<1x64x64xf32, #tpu.memory_space<vmem>>
    %dma_start3A_93 = tpu.memref_squeeze %dma_start3A_92 : memref<1x64x64xf32, #tpu.memory_space<vmem>> -> memref<64x64xf32, #tpu.memory_space<vmem>>
    %dma_start3A_94 = arith.constant 0 : i32
    %dma_start3A_95 = tpu.memref_slice %arg7[%dma_start3A_88, %dma_start3A_94] : memref<160x64xi32, #tpu.memory_space<vmem>> -> memref<1x64xi32, #tpu.memory_space<vmem>>
    %dma_start3A_96 = tpu.memref_squeeze %dma_start3A_95 : memref<1x64xi32, #tpu.memory_space<vmem>> -> memref<64xi32, #tpu.memory_space<vmem>>
    %dma_start3A_97 = arith.constant 0 : i32
    %dma_start3A_98 = arith.constant 0 : i32
    %dma_start3A_99 = tpu.memref_slice %arg2[%dma_start3A_97, %dma_start3A_98] : memref<10112x64xf32, #tpu.memory_space<hbm>> -> memref<10112x64xf32, #tpu.memory_space<hbm>>
    tpu.enqueue_indirect_dma source(%dma_start3A_99 : memref<10112x64xf32, #tpu.memory_space<hbm>>) target(%dma_start3A_93 : memref<64x64xf32, #tpu.memory_space<vmem>>) offsets(%dma_start3A_96 : memref<64xi32, #tpu.memory_space<vmem>>) semaphore(%arg12 : memref<!tpu.dma_semaphore, #tpu.memory_space<semaphore_mem>>)
    %dma_start3A_100 = arith.constant 4 : i32
    %dma_start3A_101 = arith.constant 4 : i32
    %dma_start3A_102 = arith.constant 0 : i32
    %dma_start3A_103 = arith.constant 0 : i32
    %dma_start3A_104 = tpu.memref_slice %arg9[%dma_start3A_101, %dma_start3A_102, %dma_start3A_103] : memref<16x64x64xf32, #tpu.memory_space<vmem>> -> memref<1x64x64xf32, #tpu.memory_space<vmem>>
    %dma_start3A_105 = tpu.memref_squeeze %dma_start3A_104 : memref<1x64x64xf32, #tpu.memory_space<vmem>> -> memref<64x64xf32, #tpu.memory_space<vmem>>
    %dma_start3A_106 = arith.constant 0 : i32
    %dma_start3A_107 = tpu.memref_slice %arg7[%dma_start3A_100, %dma_start3A_106] : memref<160x64xi32, #tpu.memory_space<vmem>> -> memref<1x64xi32, #tpu.memory_space<vmem>>
    %dma_start3A_108 = tpu.memref_squeeze %dma_start3A_107 : memref<1x64xi32, #tpu.memory_space<vmem>> -> memref<64xi32, #tpu.memory_space<vmem>>
    %dma_start3A_109 = arith.constant 0 : i32
    %dma_start3A_110 = arith.constant 0 : i32
    %dma_start3A_111 = tpu.memref_slice %arg2[%dma_start3A_109, %dma_start3A_110] : memref<10112x64xf32, #tpu.memory_space<hbm>> -> memref<10112x64xf32, #tpu.memory_space<hbm>>
    tpu.enqueue_indirect_dma source(%dma_start3A_111 : memref<10112x64xf32, #tpu.memory_space<hbm>>) target(%dma_start3A_105 : memref<64x64xf32, #tpu.memory_space<vmem>>) offsets(%dma_start3A_108 : memref<64xi32, #tpu.memory_space<vmem>>) semaphore(%arg11 : memref<!tpu.dma_semaphore, #tpu.memory_space<semaphore_mem>>)
    %dma_start3A_112 = arith.constant 12 : i32
    %dma_start3A_113 = arith.constant 12 : i32
    %dma_start3A_114 = arith.constant 0 : i32
    %dma_start3A_115 = arith.constant 0 : i32
    %dma_start3A_116 = tpu.memref_slice %arg9[%dma_start3A_113, %dma_start3A_114, %dma_start3A_115] : memref<16x64x64xf32, #tpu.memory_space<vmem>> -> memref<1x64x64xf32, #tpu.memory_space<vmem>>
    %dma_start3A_117 = tpu.memref_squeeze %dma_start3A_116 : memref<1x64x64xf32, #tpu.memory_space<vmem>> -> memref<64x64xf32, #tpu.memory_space<vmem>>
    %dma_start3A_118 = arith.constant 0 : i32
    %dma_start3A_119 = tpu.memref_slice %arg7[%dma_start3A_112, %dma_start3A_118] : memref<160x64xi32, #tpu.memory_space<vmem>> -> memref<1x64xi32, #tpu.memory_space<vmem>>
    %dma_start3A_120 = tpu.memref_squeeze %dma_start3A_119 : memref<1x64xi32, #tpu.memory_space<vmem>> -> memref<64xi32, #tpu.memory_space<vmem>>
    %dma_start3A_121 = arith.constant 0 : i32
    %dma_start3A_122 = arith.constant 0 : i32
    %dma_start3A_123 = tpu.memref_slice %arg2[%dma_start3A_121, %dma_start3A_122] : memref<10112x64xf32, #tpu.memory_space<hbm>> -> memref<10112x64xf32, #tpu.memory_space<hbm>>
    tpu.enqueue_indirect_dma source(%dma_start3A_123 : memref<10112x64xf32, #tpu.memory_space<hbm>>) target(%dma_start3A_117 : memref<64x64xf32, #tpu.memory_space<vmem>>) offsets(%dma_start3A_120 : memref<64xi32, #tpu.memory_space<vmem>>) semaphore(%arg12 : memref<!tpu.dma_semaphore, #tpu.memory_space<semaphore_mem>>)
    %dma_start3A_124 = arith.constant 5 : i32
    %dma_start3A_125 = arith.constant 5 : i32
    %dma_start3A_126 = arith.constant 0 : i32
    %dma_start3A_127 = arith.constant 0 : i32
    %dma_start3A_128 = tpu.memref_slice %arg9[%dma_start3A_125, %dma_start3A_126, %dma_start3A_127] : memref<16x64x64xf32, #tpu.memory_space<vmem>> -> memref<1x64x64xf32, #tpu.memory_space<vmem>>
    %dma_start3A_129 = tpu.memref_squeeze %dma_start3A_128 : memref<1x64x64xf32, #tpu.memory_space<vmem>> -> memref<64x64xf32, #tpu.memory_space<vmem>>
    %dma_start3A_130 = arith.constant 0 : i32
    %dma_start3A_131 = tpu.memref_slice %arg7[%dma_start3A_124, %dma_start3A_130] : memref<160x64xi32, #tpu.memory_space<vmem>> -> memref<1x64xi32, #tpu.memory_space<vmem>>
    %dma_start3A_132 = tpu.memref_squeeze %dma_start3A_131 : memref<1x64xi32, #tpu.memory_space<vmem>> -> memref<64xi32, #tpu.memory_space<vmem>>
    %dma_start3A_133 = arith.constant 0 : i32
    %dma_start3A_134 = arith.constant 0 : i32
    %dma_start3A_135 = tpu.memref_slice %arg2[%dma_start3A_133, %dma_start3A_134] : memref<10112x64xf32, #tpu.memory_space<hbm>> -> memref<10112x64xf32, #tpu.memory_space<hbm>>
    tpu.enqueue_indirect_dma source(%dma_start3A_135 : memref<10112x64xf32, #tpu.memory_space<hbm>>) target(%dma_start3A_129 : memref<64x64xf32, #tpu.memory_space<vmem>>) offsets(%dma_start3A_132 : memref<64xi32, #tpu.memory_space<vmem>>) semaphore(%arg11 : memref<!tpu.dma_semaphore, #tpu.memory_space<semaphore_mem>>)
    %dma_start3A_136 = arith.constant 13 : i32
    %dma_start3A_137 = arith.constant 13 : i32
    %dma_start3A_138 = arith.constant 0 : i32
    %dma_start3A_139 = arith.constant 0 : i32
    %dma_start3A_140 = tpu.memref_slice %arg9[%dma_start3A_137, %dma_start3A_138, %dma_start3A_139] : memref<16x64x64xf32, #tpu.memory_space<vmem>> -> memref<1x64x64xf32, #tpu.memory_space<vmem>>
    %dma_start3A_141 = tpu.memref_squeeze %dma_start3A_140 : memref<1x64x64xf32, #tpu.memory_space<vmem>> -> memref<64x64xf32, #tpu.memory_space<vmem>>
    %dma_start3A_142 = arith.constant 0 : i32
    %dma_start3A_143 = tpu.memref_slice %arg7[%dma_start3A_136, %dma_start3A_142] : memref<160x64xi32, #tpu.memory_space<vmem>> -> memref<1x64xi32, #tpu.memory_space<vmem>>
    %dma_start3A_144 = tpu.memref_squeeze %dma_start3A_143 : memref<1x64xi32, #tpu.memory_space<vmem>> -> memref<64xi32, #tpu.memory_space<vmem>>
    %dma_start3A_145 = arith.constant 0 : i32
    %dma_start3A_146 = arith.constant 0 : i32
    %dma_start3A_147 = tpu.memref_slice %arg2[%dma_start3A_145, %dma_start3A_146] : memref<10112x64xf32, #tpu.memory_space<hbm>> -> memref<10112x64xf32, #tpu.memory_space<hbm>>
    tpu.enqueue_indirect_dma source(%dma_start3A_147 : memref<10112x64xf32, #tpu.memory_space<hbm>>) target(%dma_start3A_141 : memref<64x64xf32, #tpu.memory_space<vmem>>) offsets(%dma_start3A_144 : memref<64xi32, #tpu.memory_space<vmem>>) semaphore(%arg12 : memref<!tpu.dma_semaphore, #tpu.memory_space<semaphore_mem>>)
    %dma_start3A_148 = arith.constant 6 : i32
    %dma_start3A_149 = arith.constant 6 : i32
    %dma_start3A_150 = arith.constant 0 : i32
    %dma_start3A_151 = arith.constant 0 : i32
    %dma_start3A_152 = tpu.memref_slice %arg9[%dma_start3A_149, %dma_start3A_150, %dma_start3A_151] : memref<16x64x64xf32, #tpu.memory_space<vmem>> -> memref<1x64x64xf32, #tpu.memory_space<vmem>>
    %dma_start3A_153 = tpu.memref_squeeze %dma_start3A_152 : memref<1x64x64xf32, #tpu.memory_space<vmem>> -> memref<64x64xf32, #tpu.memory_space<vmem>>
    %dma_start3A_154 = arith.constant 0 : i32
    %dma_start3A_155 = tpu.memref_slice %arg7[%dma_start3A_148, %dma_start3A_154] : memref<160x64xi32, #tpu.memory_space<vmem>> -> memref<1x64xi32, #tpu.memory_space<vmem>>
    %dma_start3A_156 = tpu.memref_squeeze %dma_start3A_155 : memref<1x64xi32, #tpu.memory_space<vmem>> -> memref<64xi32, #tpu.memory_space<vmem>>
    %dma_start3A_157 = arith.constant 0 : i32
    %dma_start3A_158 = arith.constant 0 : i32
    %dma_start3A_159 = tpu.memref_slice %arg2[%dma_start3A_157, %dma_start3A_158] : memref<10112x64xf32, #tpu.memory_space<hbm>> -> memref<10112x64xf32, #tpu.memory_space<hbm>>
    tpu.enqueue_indirect_dma source(%dma_start3A_159 : memref<10112x64xf32, #tpu.memory_space<hbm>>) target(%dma_start3A_153 : memref<64x64xf32, #tpu.memory_space<vmem>>) offsets(%dma_start3A_156 : memref<64xi32, #tpu.memory_space<vmem>>) semaphore(%arg11 : memref<!tpu.dma_semaphore, #tpu.memory_space<semaphore_mem>>)
    %dma_start3A_160 = arith.constant 14 : i32
    %dma_start3A_161 = arith.constant 14 : i32
    %dma_start3A_162 = arith.constant 0 : i32
    %dma_start3A_163 = arith.constant 0 : i32
    %dma_start3A_164 = tpu.memref_slice %arg9[%dma_start3A_161, %dma_start3A_162, %dma_start3A_163] : memref<16x64x64xf32, #tpu.memory_space<vmem>> -> memref<1x64x64xf32, #tpu.memory_space<vmem>>
    %dma_start3A_165 = tpu.memref_squeeze %dma_start3A_164 : memref<1x64x64xf32, #tpu.memory_space<vmem>> -> memref<64x64xf32, #tpu.memory_space<vmem>>
    %dma_start3A_166 = arith.constant 0 : i32
    %dma_start3A_167 = tpu.memref_slice %arg7[%dma_start3A_160, %dma_start3A_166] : memref<160x64xi32, #tpu.memory_space<vmem>> -> memref<1x64xi32, #tpu.memory_space<vmem>>
    %dma_start3A_168 = tpu.memref_squeeze %dma_start3A_167 : memref<1x64xi32, #tpu.memory_space<vmem>> -> memref<64xi32, #tpu.memory_space<vmem>>
    %dma_start3A_169 = arith.constant 0 : i32
    %dma_start3A_170 = arith.constant 0 : i32
    %dma_start3A_171 = tpu.memref_slice %arg2[%dma_start3A_169, %dma_start3A_170] : memref<10112x64xf32, #tpu.memory_space<hbm>> -> memref<10112x64xf32, #tpu.memory_space<hbm>>
    tpu.enqueue_indirect_dma source(%dma_start3A_171 : memref<10112x64xf32, #tpu.memory_space<hbm>>) target(%dma_start3A_165 : memref<64x64xf32, #tpu.memory_space<vmem>>) offsets(%dma_start3A_168 : memref<64xi32, #tpu.memory_space<vmem>>) semaphore(%arg12 : memref<!tpu.dma_semaphore, #tpu.memory_space<semaphore_mem>>)
    %dma_start3A_172 = arith.constant 7 : i32
    %dma_start3A_173 = arith.constant 7 : i32
    %dma_start3A_174 = arith.constant 0 : i32
    %dma_start3A_175 = arith.constant 0 : i32
    %dma_start3A_176 = tpu.memref_slice %arg9[%dma_start3A_173, %dma_start3A_174, %dma_start3A_175] : memref<16x64x64xf32, #tpu.memory_space<vmem>> -> memref<1x64x64xf32, #tpu.memory_space<vmem>>
    %dma_start3A_177 = tpu.memref_squeeze %dma_start3A_176 : memref<1x64x64xf32, #tpu.memory_space<vmem>> -> memref<64x64xf32, #tpu.memory_space<vmem>>
    %dma_start3A_178 = arith.constant 0 : i32
    %dma_start3A_179 = tpu.memref_slice %arg7[%dma_start3A_172, %dma_start3A_178] : memref<160x64xi32, #tpu.memory_space<vmem>> -> memref<1x64xi32, #tpu.memory_space<vmem>>
    %dma_start3A_180 = tpu.memref_squeeze %dma_start3A_179 : memref<1x64xi32, #tpu.memory_space<vmem>> -> memref<64xi32, #tpu.memory_space<vmem>>
    %dma_start3A_181 = arith.constant 0 : i32
    %dma_start3A_182 = arith.constant 0 : i32
    %dma_start3A_183 = tpu.memref_slice %arg2[%dma_start3A_181, %dma_start3A_182] : memref<10112x64xf32, #tpu.memory_space<hbm>> -> memref<10112x64xf32, #tpu.memory_space<hbm>>
    tpu.enqueue_indirect_dma source(%dma_start3A_183 : memref<10112x64xf32, #tpu.memory_space<hbm>>) target(%dma_start3A_177 : memref<64x64xf32, #tpu.memory_space<vmem>>) offsets(%dma_start3A_180 : memref<64xi32, #tpu.memory_space<vmem>>) semaphore(%arg11 : memref<!tpu.dma_semaphore, #tpu.memory_space<semaphore_mem>>)
    %dma_start3A_184 = arith.constant 15 : i32
    %dma_start3A_185 = arith.constant 15 : i32
    %dma_start3A_186 = arith.constant 0 : i32
    %dma_start3A_187 = arith.constant 0 : i32
    %dma_start3A_188 = tpu.memref_slice %arg9[%dma_start3A_185, %dma_start3A_186, %dma_start3A_187] : memref<16x64x64xf32, #tpu.memory_space<vmem>> -> memref<1x64x64xf32, #tpu.memory_space<vmem>>
    %dma_start3A_189 = tpu.memref_squeeze %dma_start3A_188 : memref<1x64x64xf32, #tpu.memory_space<vmem>> -> memref<64x64xf32, #tpu.memory_space<vmem>>
    %dma_start3A_190 = arith.constant 0 : i32
    %dma_start3A_191 = tpu.memref_slice %arg7[%dma_start3A_184, %dma_start3A_190] : memref<160x64xi32, #tpu.memory_space<vmem>> -> memref<1x64xi32, #tpu.memory_space<vmem>>
    %dma_start3A_192 = tpu.memref_squeeze %dma_start3A_191 : memref<1x64xi32, #tpu.memory_space<vmem>> -> memref<64xi32, #tpu.memory_space<vmem>>
    %dma_start3A_193 = arith.constant 0 : i32
    %dma_start3A_194 = arith.constant 0 : i32
    %dma_start3A_195 = tpu.memref_slice %arg2[%dma_start3A_193, %dma_start3A_194] : memref<10112x64xf32, #tpu.memory_space<hbm>> -> memref<10112x64xf32, #tpu.memory_space<hbm>>
    tpu.enqueue_indirect_dma source(%dma_start3A_195 : memref<10112x64xf32, #tpu.memory_space<hbm>>) target(%dma_start3A_189 : memref<64x64xf32, #tpu.memory_space<vmem>>) offsets(%dma_start3A_192 : memref<64xi32, #tpu.memory_space<vmem>>) semaphore(%arg12 : memref<!tpu.dma_semaphore, #tpu.memory_space<semaphore_mem>>)
    %scan3A = arith.constant 0 : i32
    %scan3A_196 = arith.constant 0 : i32
    %scan3A_197 = arith.constant 10 : i32
    %scan3A_198 = arith.addi %scan3A_196, %scan3A_197 : i32
    %scan3A_199 = arith.constant 1 : i32
    scf.for %scan3A_206 = %scan3A_196 to %scan3A_198 step %scan3A_199  : i32 {
      %mul3A_207 = arith.constant 2 : i32
      %mul3A_208 = arith.muli %scan3A_206, %mul3A_207 : i32
      %mul3A_209 = arith.constant 8 : i32
      %mul3A_210 = arith.muli %mul3A_208, %mul3A_209 : i32
      %add3A_211 = arith.constant 0 : i32
      %add3A_212 = arith.addi %mul3A_210, %add3A_211 : i32
      %dma_wait3A = arith.constant 0 : i32
      %dma_wait3A_213 = arith.constant 0 : i32
      %dma_wait3A_214 = arith.constant 0 : i32
      %dma_wait3A_215 = tpu.memref_slice %arg9[%dma_wait3A, %dma_wait3A_213, %dma_wait3A_214] : memref<16x64x64xf32, #tpu.memory_space<vmem>> -> memref<1x64x64xf32, #tpu.memory_space<vmem>>
      %dma_wait3A_216 = tpu.memref_squeeze %dma_wait3A_215 : memref<1x64x64xf32, #tpu.memory_space<vmem>> -> memref<64x64xf32, #tpu.memory_space<vmem>>
      %dma_wait3A_217 = arith.constant 0 : i32
      %dma_wait3A_218 = tpu.memref_slice %arg7[%add3A_212, %dma_wait3A_217] : memref<160x64xi32, #tpu.memory_space<vmem>> -> memref<1x64xi32, #tpu.memory_space<vmem>>
      %dma_wait3A_219 = tpu.memref_squeeze %dma_wait3A_218 : memref<1x64xi32, #tpu.memory_space<vmem>> -> memref<64xi32, #tpu.memory_space<vmem>>
      %dma_wait3A_220 = arith.constant 0 : i32
      %dma_wait3A_221 = arith.constant 0 : i32
      %dma_wait3A_222 = tpu.memref_slice %arg2[%dma_wait3A_220, %dma_wait3A_221] : memref<10112x64xf32, #tpu.memory_space<hbm>> -> memref<10112x64xf32, #tpu.memory_space<hbm>>
      tpu.wait_indirect_dma semaphore(%arg11 : memref<!tpu.dma_semaphore, #tpu.memory_space<semaphore_mem>>) src(%dma_wait3A_222 : memref<10112x64xf32, #tpu.memory_space<hbm>>) dst(%dma_wait3A_216 : memref<64x64xf32, #tpu.memory_space<vmem>>)
      %add3A_223 = arith.constant 1 : i32
      %add3A_224 = arith.addi %mul3A_210, %add3A_223 : i32
      %dma_wait3A_225 = arith.constant 1 : i32
      %dma_wait3A_226 = arith.constant 0 : i32
      %dma_wait3A_227 = arith.constant 0 : i32
      %dma_wait3A_228 = tpu.memref_slice %arg9[%dma_wait3A_225, %dma_wait3A_226, %dma_wait3A_227] : memref<16x64x64xf32, #tpu.memory_space<vmem>> -> memref<1x64x64xf32, #tpu.memory_space<vmem>>
      %dma_wait3A_229 = tpu.memref_squeeze %dma_wait3A_228 : memref<1x64x64xf32, #tpu.memory_space<vmem>> -> memref<64x64xf32, #tpu.memory_space<vmem>>
      %dma_wait3A_230 = arith.constant 0 : i32
      %dma_wait3A_231 = tpu.memref_slice %arg7[%add3A_224, %dma_wait3A_230] : memref<160x64xi32, #tpu.memory_space<vmem>> -> memref<1x64xi32, #tpu.memory_space<vmem>>
      %dma_wait3A_232 = tpu.memref_squeeze %dma_wait3A_231 : memref<1x64xi32, #tpu.memory_space<vmem>> -> memref<64xi32, #tpu.memory_space<vmem>>
      %dma_wait3A_233 = arith.constant 0 : i32
      %dma_wait3A_234 = arith.constant 0 : i32
      %dma_wait3A_235 = tpu.memref_slice %arg2[%dma_wait3A_233, %dma_wait3A_234] : memref<10112x64xf32, #tpu.memory_space<hbm>> -> memref<10112x64xf32, #tpu.memory_space<hbm>>
      tpu.wait_indirect_dma semaphore(%arg11 : memref<!tpu.dma_semaphore, #tpu.memory_space<semaphore_mem>>) src(%dma_wait3A_235 : memref<10112x64xf32, #tpu.memory_space<hbm>>) dst(%dma_wait3A_229 : memref<64x64xf32, #tpu.memory_space<vmem>>)
      %add3A_236 = arith.constant 2 : i32
      %add3A_237 = arith.addi %mul3A_210, %add3A_236 : i32
      %dma_wait3A_238 = arith.constant 2 : i32
      %dma_wait3A_239 = arith.constant 0 : i32
      %dma_wait3A_240 = arith.constant 0 : i32
      %dma_wait3A_241 = tpu.memref_slice %arg9[%dma_wait3A_238, %dma_wait3A_239, %dma_wait3A_240] : memref<16x64x64xf32, #tpu.memory_space<vmem>> -> memref<1x64x64xf32, #tpu.memory_space<vmem>>
      %dma_wait3A_242 = tpu.memref_squeeze %dma_wait3A_241 : memref<1x64x64xf32, #tpu.memory_space<vmem>> -> memref<64x64xf32, #tpu.memory_space<vmem>>
      %dma_wait3A_243 = arith.constant 0 : i32
      %dma_wait3A_244 = tpu.memref_slice %arg7[%add3A_237, %dma_wait3A_243] : memref<160x64xi32, #tpu.memory_space<vmem>> -> memref<1x64xi32, #tpu.memory_space<vmem>>
      %dma_wait3A_245 = tpu.memref_squeeze %dma_wait3A_244 : memref<1x64xi32, #tpu.memory_space<vmem>> -> memref<64xi32, #tpu.memory_space<vmem>>
      %dma_wait3A_246 = arith.constant 0 : i32
      %dma_wait3A_247 = arith.constant 0 : i32
      %dma_wait3A_248 = tpu.memref_slice %arg2[%dma_wait3A_246, %dma_wait3A_247] : memref<10112x64xf32, #tpu.memory_space<hbm>> -> memref<10112x64xf32, #tpu.memory_space<hbm>>
      tpu.wait_indirect_dma semaphore(%arg11 : memref<!tpu.dma_semaphore, #tpu.memory_space<semaphore_mem>>) src(%dma_wait3A_248 : memref<10112x64xf32, #tpu.memory_space<hbm>>) dst(%dma_wait3A_242 : memref<64x64xf32, #tpu.memory_space<vmem>>)
      %add3A_249 = arith.constant 3 : i32
      %add3A_250 = arith.addi %mul3A_210, %add3A_249 : i32
      %dma_wait3A_251 = arith.constant 3 : i32
      %dma_wait3A_252 = arith.constant 0 : i32
      %dma_wait3A_253 = arith.constant 0 : i32
      %dma_wait3A_254 = tpu.memref_slice %arg9[%dma_wait3A_251, %dma_wait3A_252, %dma_wait3A_253] : memref<16x64x64xf32, #tpu.memory_space<vmem>> -> memref<1x64x64xf32, #tpu.memory_space<vmem>>
      %dma_wait3A_255 = tpu.memref_squeeze %dma_wait3A_254 : memref<1x64x64xf32, #tpu.memory_space<vmem>> -> memref<64x64xf32, #tpu.memory_space<vmem>>
      %dma_wait3A_256 = arith.constant 0 : i32
      %dma_wait3A_257 = tpu.memref_slice %arg7[%add3A_250, %dma_wait3A_256] : memref<160x64xi32, #tpu.memory_space<vmem>> -> memref<1x64xi32, #tpu.memory_space<vmem>>
      %dma_wait3A_258 = tpu.memref_squeeze %dma_wait3A_257 : memref<1x64xi32, #tpu.memory_space<vmem>> -> memref<64xi32, #tpu.memory_space<vmem>>
      %dma_wait3A_259 = arith.constant 0 : i32
      %dma_wait3A_260 = arith.constant 0 : i32
      %dma_wait3A_261 = tpu.memref_slice %arg2[%dma_wait3A_259, %dma_wait3A_260] : memref<10112x64xf32, #tpu.memory_space<hbm>> -> memref<10112x64xf32, #tpu.memory_space<hbm>>
      tpu.wait_indirect_dma semaphore(%arg11 : memref<!tpu.dma_semaphore, #tpu.memory_space<semaphore_mem>>) src(%dma_wait3A_261 : memref<10112x64xf32, #tpu.memory_space<hbm>>) dst(%dma_wait3A_255 : memref<64x64xf32, #tpu.memory_space<vmem>>)
      %add3A_262 = arith.constant 4 : i32
      %add3A_263 = arith.addi %mul3A_210, %add3A_262 : i32
      %dma_wait3A_264 = arith.constant 4 : i32
      %dma_wait3A_265 = arith.constant 0 : i32
      %dma_wait3A_266 = arith.constant 0 : i32
      %dma_wait3A_267 = tpu.memref_slice %arg9[%dma_wait3A_264, %dma_wait3A_265, %dma_wait3A_266] : memref<16x64x64xf32, #tpu.memory_space<vmem>> -> memref<1x64x64xf32, #tpu.memory_space<vmem>>
      %dma_wait3A_268 = tpu.memref_squeeze %dma_wait3A_267 : memref<1x64x64xf32, #tpu.memory_space<vmem>> -> memref<64x64xf32, #tpu.memory_space<vmem>>
      %dma_wait3A_269 = arith.constant 0 : i32
      %dma_wait3A_270 = tpu.memref_slice %arg7[%add3A_263, %dma_wait3A_269] : memref<160x64xi32, #tpu.memory_space<vmem>> -> memref<1x64xi32, #tpu.memory_space<vmem>>
      %dma_wait3A_271 = tpu.memref_squeeze %dma_wait3A_270 : memref<1x64xi32, #tpu.memory_space<vmem>> -> memref<64xi32, #tpu.memory_space<vmem>>
      %dma_wait3A_272 = arith.constant 0 : i32
      %dma_wait3A_273 = arith.constant 0 : i32
      %dma_wait3A_274 = tpu.memref_slice %arg2[%dma_wait3A_272, %dma_wait3A_273] : memref<10112x64xf32, #tpu.memory_space<hbm>> -> memref<10112x64xf32, #tpu.memory_space<hbm>>
      tpu.wait_indirect_dma semaphore(%arg11 : memref<!tpu.dma_semaphore, #tpu.memory_space<semaphore_mem>>) src(%dma_wait3A_274 : memref<10112x64xf32, #tpu.memory_space<hbm>>) dst(%dma_wait3A_268 : memref<64x64xf32, #tpu.memory_space<vmem>>)
      %add3A_275 = arith.constant 5 : i32
      %add3A_276 = arith.addi %mul3A_210, %add3A_275 : i32
      %dma_wait3A_277 = arith.constant 5 : i32
      %dma_wait3A_278 = arith.constant 0 : i32
      %dma_wait3A_279 = arith.constant 0 : i32
      %dma_wait3A_280 = tpu.memref_slice %arg9[%dma_wait3A_277, %dma_wait3A_278, %dma_wait3A_279] : memref<16x64x64xf32, #tpu.memory_space<vmem>> -> memref<1x64x64xf32, #tpu.memory_space<vmem>>
      %dma_wait3A_281 = tpu.memref_squeeze %dma_wait3A_280 : memref<1x64x64xf32, #tpu.memory_space<vmem>> -> memref<64x64xf32, #tpu.memory_space<vmem>>
      %dma_wait3A_282 = arith.constant 0 : i32
      %dma_wait3A_283 = tpu.memref_slice %arg7[%add3A_276, %dma_wait3A_282] : memref<160x64xi32, #tpu.memory_space<vmem>> -> memref<1x64xi32, #tpu.memory_space<vmem>>
      %dma_wait3A_284 = tpu.memref_squeeze %dma_wait3A_283 : memref<1x64xi32, #tpu.memory_space<vmem>> -> memref<64xi32, #tpu.memory_space<vmem>>
      %dma_wait3A_285 = arith.constant 0 : i32
      %dma_wait3A_286 = arith.constant 0 : i32
      %dma_wait3A_287 = tpu.memref_slice %arg2[%dma_wait3A_285, %dma_wait3A_286] : memref<10112x64xf32, #tpu.memory_space<hbm>> -> memref<10112x64xf32, #tpu.memory_space<hbm>>
      tpu.wait_indirect_dma semaphore(%arg11 : memref<!tpu.dma_semaphore, #tpu.memory_space<semaphore_mem>>) src(%dma_wait3A_287 : memref<10112x64xf32, #tpu.memory_space<hbm>>) dst(%dma_wait3A_281 : memref<64x64xf32, #tpu.memory_space<vmem>>)
      %add3A_288 = arith.constant 6 : i32
      %add3A_289 = arith.addi %mul3A_210, %add3A_288 : i32
      %dma_wait3A_290 = arith.constant 6 : i32
      %dma_wait3A_291 = arith.constant 0 : i32
      %dma_wait3A_292 = arith.constant 0 : i32
      %dma_wait3A_293 = tpu.memref_slice %arg9[%dma_wait3A_290, %dma_wait3A_291, %dma_wait3A_292] : memref<16x64x64xf32, #tpu.memory_space<vmem>> -> memref<1x64x64xf32, #tpu.memory_space<vmem>>
      %dma_wait3A_294 = tpu.memref_squeeze %dma_wait3A_293 : memref<1x64x64xf32, #tpu.memory_space<vmem>> -> memref<64x64xf32, #tpu.memory_space<vmem>>
      %dma_wait3A_295 = arith.constant 0 : i32
      %dma_wait3A_296 = tpu.memref_slice %arg7[%add3A_289, %dma_wait3A_295] : memref<160x64xi32, #tpu.memory_space<vmem>> -> memref<1x64xi32, #tpu.memory_space<vmem>>
      %dma_wait3A_297 = tpu.memref_squeeze %dma_wait3A_296 : memref<1x64xi32, #tpu.memory_space<vmem>> -> memref<64xi32, #tpu.memory_space<vmem>>
      %dma_wait3A_298 = arith.constant 0 : i32
      %dma_wait3A_299 = arith.constant 0 : i32
      %dma_wait3A_300 = tpu.memref_slice %arg2[%dma_wait3A_298, %dma_wait3A_299] : memref<10112x64xf32, #tpu.memory_space<hbm>> -> memref<10112x64xf32, #tpu.memory_space<hbm>>
      tpu.wait_indirect_dma semaphore(%arg11 : memref<!tpu.dma_semaphore, #tpu.memory_space<semaphore_mem>>) src(%dma_wait3A_300 : memref<10112x64xf32, #tpu.memory_space<hbm>>) dst(%dma_wait3A_294 : memref<64x64xf32, #tpu.memory_space<vmem>>)
      %add3A_301 = arith.constant 7 : i32
      %add3A_302 = arith.addi %mul3A_210, %add3A_301 : i32
      %dma_wait3A_303 = arith.constant 7 : i32
      %dma_wait3A_304 = arith.constant 0 : i32
      %dma_wait3A_305 = arith.constant 0 : i32
      %dma_wait3A_306 = tpu.memref_slice %arg9[%dma_wait3A_303, %dma_wait3A_304, %dma_wait3A_305] : memref<16x64x64xf32, #tpu.memory_space<vmem>> -> memref<1x64x64xf32, #tpu.memory_space<vmem>>
      %dma_wait3A_307 = tpu.memref_squeeze %dma_wait3A_306 : memref<1x64x64xf32, #tpu.memory_space<vmem>> -> memref<64x64xf32, #tpu.memory_space<vmem>>
      %dma_wait3A_308 = arith.constant 0 : i32
      %dma_wait3A_309 = tpu.memref_slice %arg7[%add3A_302, %dma_wait3A_308] : memref<160x64xi32, #tpu.memory_space<vmem>> -> memref<1x64xi32, #tpu.memory_space<vmem>>
      %dma_wait3A_310 = tpu.memref_squeeze %dma_wait3A_309 : memref<1x64xi32, #tpu.memory_space<vmem>> -> memref<64xi32, #tpu.memory_space<vmem>>
      %dma_wait3A_311 = arith.constant 0 : i32
      %dma_wait3A_312 = arith.constant 0 : i32
      %dma_wait3A_313 = tpu.memref_slice %arg2[%dma_wait3A_311, %dma_wait3A_312] : memref<10112x64xf32, #tpu.memory_space<hbm>> -> memref<10112x64xf32, #tpu.memory_space<hbm>>
      tpu.wait_indirect_dma semaphore(%arg11 : memref<!tpu.dma_semaphore, #tpu.memory_space<semaphore_mem>>) src(%dma_wait3A_313 : memref<10112x64xf32, #tpu.memory_space<hbm>>) dst(%dma_wait3A_307 : memref<64x64xf32, #tpu.memory_space<vmem>>)
      %add3A_314 = arith.constant 0 : i32
      %add3A_315 = arith.addi %mul3A_210, %add3A_314 : i32
      %dma_start3A_316 = arith.constant 0 : i32
      %dma_start3A_317 = arith.constant 0 : i32
      %dma_start3A_318 = arith.constant 0 : i32
      %dma_start3A_319 = tpu.memref_slice %arg9[%dma_start3A_316, %dma_start3A_317, %dma_start3A_318] : memref<16x64x64xf32, #tpu.memory_space<vmem>> -> memref<1x64x64xf32, #tpu.memory_space<vmem>>
      %dma_start3A_320 = tpu.memref_squeeze %dma_start3A_319 : memref<1x64x64xf32, #tpu.memory_space<vmem>> -> memref<64x64xf32, #tpu.memory_space<vmem>>
      %dma_start3A_321 = arith.constant 0 : i32
      %dma_start3A_322 = tpu.memref_slice %arg8[%add3A_315, %dma_start3A_321] : memref<160x64xi32, #tpu.memory_space<vmem>> -> memref<1x64xi32, #tpu.memory_space<vmem>>
      %dma_start3A_323 = tpu.memref_squeeze %dma_start3A_322 : memref<1x64xi32, #tpu.memory_space<vmem>> -> memref<64xi32, #tpu.memory_space<vmem>>
      %dma_start3A_324 = arith.constant 0 : i32
      %dma_start3A_325 = arith.constant 0 : i32
      %dma_start3A_326 = tpu.memref_slice %arg10[%dma_start3A_324, %dma_start3A_325] : memref<10112x64xf32, #tpu.memory_space<vmem_shared>> -> memref<10112x64xf32, #tpu.memory_space<vmem_shared>>
      tpu.enqueue_indirect_dma source(%dma_start3A_320 : memref<64x64xf32, #tpu.memory_space<vmem>>) target(%dma_start3A_326 : memref<10112x64xf32, #tpu.memory_space<vmem_shared>>) offsets(%dma_start3A_323 : memref<64xi32, #tpu.memory_space<vmem>>) semaphore(%arg13 : memref<!tpu.dma_semaphore, #tpu.memory_space<semaphore_mem>>) {add = true}
      %add3A_327 = arith.constant 1 : i32
      %add3A_328 = arith.addi %mul3A_210, %add3A_327 : i32
      %dma_start3A_329 = arith.constant 1 : i32
      %dma_start3A_330 = arith.constant 0 : i32
      %dma_start3A_331 = arith.constant 0 : i32
      %dma_start3A_332 = tpu.memref_slice %arg9[%dma_start3A_329, %dma_start3A_330, %dma_start3A_331] : memref<16x64x64xf32, #tpu.memory_space<vmem>> -> memref<1x64x64xf32, #tpu.memory_space<vmem>>
      %dma_start3A_333 = tpu.memref_squeeze %dma_start3A_332 : memref<1x64x64xf32, #tpu.memory_space<vmem>> -> memref<64x64xf32, #tpu.memory_space<vmem>>
      %dma_start3A_334 = arith.constant 0 : i32
      %dma_start3A_335 = tpu.memref_slice %arg8[%add3A_328, %dma_start3A_334] : memref<160x64xi32, #tpu.memory_space<vmem>> -> memref<1x64xi32, #tpu.memory_space<vmem>>
      %dma_start3A_336 = tpu.memref_squeeze %dma_start3A_335 : memref<1x64xi32, #tpu.memory_space<vmem>> -> memref<64xi32, #tpu.memory_space<vmem>>
      %dma_start3A_337 = arith.constant 0 : i32
      %dma_start3A_338 = arith.constant 0 : i32
      %dma_start3A_339 = tpu.memref_slice %arg10[%dma_start3A_337, %dma_start3A_338] : memref<10112x64xf32, #tpu.memory_space<vmem_shared>> -> memref<10112x64xf32, #tpu.memory_space<vmem_shared>>
      tpu.enqueue_indirect_dma source(%dma_start3A_333 : memref<64x64xf32, #tpu.memory_space<vmem>>) target(%dma_start3A_339 : memref<10112x64xf32, #tpu.memory_space<vmem_shared>>) offsets(%dma_start3A_336 : memref<64xi32, #tpu.memory_space<vmem>>) semaphore(%arg13 : memref<!tpu.dma_semaphore, #tpu.memory_space<semaphore_mem>>) {add = true}
      %add3A_340 = arith.constant 2 : i32
      %add3A_341 = arith.addi %mul3A_210, %add3A_340 : i32
      %dma_start3A_342 = arith.constant 2 : i32
      %dma_start3A_343 = arith.constant 0 : i32
      %dma_start3A_344 = arith.constant 0 : i32
      %dma_start3A_345 = tpu.memref_slice %arg9[%dma_start3A_342, %dma_start3A_343, %dma_start3A_344] : memref<16x64x64xf32, #tpu.memory_space<vmem>> -> memref<1x64x64xf32, #tpu.memory_space<vmem>>
      %dma_start3A_346 = tpu.memref_squeeze %dma_start3A_345 : memref<1x64x64xf32, #tpu.memory_space<vmem>> -> memref<64x64xf32, #tpu.memory_space<vmem>>
      %dma_start3A_347 = arith.constant 0 : i32
      %dma_start3A_348 = tpu.memref_slice %arg8[%add3A_341, %dma_start3A_347] : memref<160x64xi32, #tpu.memory_space<vmem>> -> memref<1x64xi32, #tpu.memory_space<vmem>>
      %dma_start3A_349 = tpu.memref_squeeze %dma_start3A_348 : memref<1x64xi32, #tpu.memory_space<vmem>> -> memref<64xi32, #tpu.memory_space<vmem>>
      %dma_start3A_350 = arith.constant 0 : i32
      %dma_start3A_351 = arith.constant 0 : i32
      %dma_start3A_352 = tpu.memref_slice %arg10[%dma_start3A_350, %dma_start3A_351] : memref<10112x64xf32, #tpu.memory_space<vmem_shared>> -> memref<10112x64xf32, #tpu.memory_space<vmem_shared>>
      tpu.enqueue_indirect_dma source(%dma_start3A_346 : memref<64x64xf32, #tpu.memory_space<vmem>>) target(%dma_start3A_352 : memref<10112x64xf32, #tpu.memory_space<vmem_shared>>) offsets(%dma_start3A_349 : memref<64xi32, #tpu.memory_space<vmem>>) semaphore(%arg13 : memref<!tpu.dma_semaphore, #tpu.memory_space<semaphore_mem>>) {add = true}
      %add3A_353 = arith.constant 3 : i32
      %add3A_354 = arith.addi %mul3A_210, %add3A_353 : i32
      %dma_start3A_355 = arith.constant 3 : i32
      %dma_start3A_356 = arith.constant 0 : i32
      %dma_start3A_357 = arith.constant 0 : i32
      %dma_start3A_358 = tpu.memref_slice %arg9[%dma_start3A_355, %dma_start3A_356, %dma_start3A_357] : memref<16x64x64xf32, #tpu.memory_space<vmem>> -> memref<1x64x64xf32, #tpu.memory_space<vmem>>
      %dma_start3A_359 = tpu.memref_squeeze %dma_start3A_358 : memref<1x64x64xf32, #tpu.memory_space<vmem>> -> memref<64x64xf32, #tpu.memory_space<vmem>>
      %dma_start3A_360 = arith.constant 0 : i32
      %dma_start3A_361 = tpu.memref_slice %arg8[%add3A_354, %dma_start3A_360] : memref<160x64xi32, #tpu.memory_space<vmem>> -> memref<1x64xi32, #tpu.memory_space<vmem>>
      %dma_start3A_362 = tpu.memref_squeeze %dma_start3A_361 : memref<1x64xi32, #tpu.memory_space<vmem>> -> memref<64xi32, #tpu.memory_space<vmem>>
      %dma_start3A_363 = arith.constant 0 : i32
      %dma_start3A_364 = arith.constant 0 : i32
      %dma_start3A_365 = tpu.memref_slice %arg10[%dma_start3A_363, %dma_start3A_364] : memref<10112x64xf32, #tpu.memory_space<vmem_shared>> -> memref<10112x64xf32, #tpu.memory_space<vmem_shared>>
      tpu.enqueue_indirect_dma source(%dma_start3A_359 : memref<64x64xf32, #tpu.memory_space<vmem>>) target(%dma_start3A_365 : memref<10112x64xf32, #tpu.memory_space<vmem_shared>>) offsets(%dma_start3A_362 : memref<64xi32, #tpu.memory_space<vmem>>) semaphore(%arg13 : memref<!tpu.dma_semaphore, #tpu.memory_space<semaphore_mem>>) {add = true}
      %add3A_366 = arith.constant 4 : i32
      %add3A_367 = arith.addi %mul3A_210, %add3A_366 : i32
      %dma_start3A_368 = arith.constant 4 : i32
      %dma_start3A_369 = arith.constant 0 : i32
      %dma_start3A_370 = arith.constant 0 : i32
      %dma_start3A_371 = tpu.memref_slice %arg9[%dma_start3A_368, %dma_start3A_369, %dma_start3A_370] : memref<16x64x64xf32, #tpu.memory_space<vmem>> -> memref<1x64x64xf32, #tpu.memory_space<vmem>>
      %dma_start3A_372 = tpu.memref_squeeze %dma_start3A_371 : memref<1x64x64xf32, #tpu.memory_space<vmem>> -> memref<64x64xf32, #tpu.memory_space<vmem>>
      %dma_start3A_373 = arith.constant 0 : i32
      %dma_start3A_374 = tpu.memref_slice %arg8[%add3A_367, %dma_start3A_373] : memref<160x64xi32, #tpu.memory_space<vmem>> -> memref<1x64xi32, #tpu.memory_space<vmem>>
      %dma_start3A_375 = tpu.memref_squeeze %dma_start3A_374 : memref<1x64xi32, #tpu.memory_space<vmem>> -> memref<64xi32, #tpu.memory_space<vmem>>
      %dma_start3A_376 = arith.constant 0 : i32
      %dma_start3A_377 = arith.constant 0 : i32
      %dma_start3A_378 = tpu.memref_slice %arg10[%dma_start3A_376, %dma_start3A_377] : memref<10112x64xf32, #tpu.memory_space<vmem_shared>> -> memref<10112x64xf32, #tpu.memory_space<vmem_shared>>
      tpu.enqueue_indirect_dma source(%dma_start3A_372 : memref<64x64xf32, #tpu.memory_space<vmem>>) target(%dma_start3A_378 : memref<10112x64xf32, #tpu.memory_space<vmem_shared>>) offsets(%dma_start3A_375 : memref<64xi32, #tpu.memory_space<vmem>>) semaphore(%arg13 : memref<!tpu.dma_semaphore, #tpu.memory_space<semaphore_mem>>) {add = true}
      %add3A_379 = arith.constant 5 : i32
      %add3A_380 = arith.addi %mul3A_210, %add3A_379 : i32
      %dma_start3A_381 = arith.constant 5 : i32
      %dma_start3A_382 = arith.constant 0 : i32
      %dma_start3A_383 = arith.constant 0 : i32
      %dma_start3A_384 = tpu.memref_slice %arg9[%dma_start3A_381, %dma_start3A_382, %dma_start3A_383] : memref<16x64x64xf32, #tpu.memory_space<vmem>> -> memref<1x64x64xf32, #tpu.memory_space<vmem>>
      %dma_start3A_385 = tpu.memref_squeeze %dma_start3A_384 : memref<1x64x64xf32, #tpu.memory_space<vmem>> -> memref<64x64xf32, #tpu.memory_space<vmem>>
      %dma_start3A_386 = arith.constant 0 : i32
      %dma_start3A_387 = tpu.memref_slice %arg8[%add3A_380, %dma_start3A_386] : memref<160x64xi32, #tpu.memory_space<vmem>> -> memref<1x64xi32, #tpu.memory_space<vmem>>
      %dma_start3A_388 = tpu.memref_squeeze %dma_start3A_387 : memref<1x64xi32, #tpu.memory_space<vmem>> -> memref<64xi32, #tpu.memory_space<vmem>>
      %dma_start3A_389 = arith.constant 0 : i32
      %dma_start3A_390 = arith.constant 0 : i32
      %dma_start3A_391 = tpu.memref_slice %arg10[%dma_start3A_389, %dma_start3A_390] : memref<10112x64xf32, #tpu.memory_space<vmem_shared>> -> memref<10112x64xf32, #tpu.memory_space<vmem_shared>>
      tpu.enqueue_indirect_dma source(%dma_start3A_385 : memref<64x64xf32, #tpu.memory_space<vmem>>) target(%dma_start3A_391 : memref<10112x64xf32, #tpu.memory_space<vmem_shared>>) offsets(%dma_start3A_388 : memref<64xi32, #tpu.memory_space<vmem>>) semaphore(%arg13 : memref<!tpu.dma_semaphore, #tpu.memory_space<semaphore_mem>>) {add = true}
      %add3A_392 = arith.constant 6 : i32
      %add3A_393 = arith.addi %mul3A_210, %add3A_392 : i32
      %dma_start3A_394 = arith.constant 6 : i32
      %dma_start3A_395 = arith.constant 0 : i32
      %dma_start3A_396 = arith.constant 0 : i32
      %dma_start3A_397 = tpu.memref_slice %arg9[%dma_start3A_394, %dma_start3A_395, %dma_start3A_396] : memref<16x64x64xf32, #tpu.memory_space<vmem>> -> memref<1x64x64xf32, #tpu.memory_space<vmem>>
      %dma_start3A_398 = tpu.memref_squeeze %dma_start3A_397 : memref<1x64x64xf32, #tpu.memory_space<vmem>> -> memref<64x64xf32, #tpu.memory_space<vmem>>
      %dma_start3A_399 = arith.constant 0 : i32
      %dma_start3A_400 = tpu.memref_slice %arg8[%add3A_393, %dma_start3A_399] : memref<160x64xi32, #tpu.memory_space<vmem>> -> memref<1x64xi32, #tpu.memory_space<vmem>>
      %dma_start3A_401 = tpu.memref_squeeze %dma_start3A_400 : memref<1x64xi32, #tpu.memory_space<vmem>> -> memref<64xi32, #tpu.memory_space<vmem>>
      %dma_start3A_402 = arith.constant 0 : i32
      %dma_start3A_403 = arith.constant 0 : i32
      %dma_start3A_404 = tpu.memref_slice %arg10[%dma_start3A_402, %dma_start3A_403] : memref<10112x64xf32, #tpu.memory_space<vmem_shared>> -> memref<10112x64xf32, #tpu.memory_space<vmem_shared>>
      tpu.enqueue_indirect_dma source(%dma_start3A_398 : memref<64x64xf32, #tpu.memory_space<vmem>>) target(%dma_start3A_404 : memref<10112x64xf32, #tpu.memory_space<vmem_shared>>) offsets(%dma_start3A_401 : memref<64xi32, #tpu.memory_space<vmem>>) semaphore(%arg13 : memref<!tpu.dma_semaphore, #tpu.memory_space<semaphore_mem>>) {add = true}
      %add3A_405 = arith.constant 7 : i32
      %add3A_406 = arith.addi %mul3A_210, %add3A_405 : i32
      %dma_start3A_407 = arith.constant 7 : i32
      %dma_start3A_408 = arith.constant 0 : i32
      %dma_start3A_409 = arith.constant 0 : i32
      %dma_start3A_410 = tpu.memref_slice %arg9[%dma_start3A_407, %dma_start3A_408, %dma_start3A_409] : memref<16x64x64xf32, #tpu.memory_space<vmem>> -> memref<1x64x64xf32, #tpu.memory_space<vmem>>
      %dma_start3A_411 = tpu.memref_squeeze %dma_start3A_410 : memref<1x64x64xf32, #tpu.memory_space<vmem>> -> memref<64x64xf32, #tpu.memory_space<vmem>>
      %dma_start3A_412 = arith.constant 0 : i32
      %dma_start3A_413 = tpu.memref_slice %arg8[%add3A_406, %dma_start3A_412] : memref<160x64xi32, #tpu.memory_space<vmem>> -> memref<1x64xi32, #tpu.memory_space<vmem>>
      %dma_start3A_414 = tpu.memref_squeeze %dma_start3A_413 : memref<1x64xi32, #tpu.memory_space<vmem>> -> memref<64xi32, #tpu.memory_space<vmem>>
      %dma_start3A_415 = arith.constant 0 : i32
      %dma_start3A_416 = arith.constant 0 : i32
      %dma_start3A_417 = tpu.memref_slice %arg10[%dma_start3A_415, %dma_start3A_416] : memref<10112x64xf32, #tpu.memory_space<vmem_shared>> -> memref<10112x64xf32, #tpu.memory_space<vmem_shared>>
      tpu.enqueue_indirect_dma source(%dma_start3A_411 : memref<64x64xf32, #tpu.memory_space<vmem>>) target(%dma_start3A_417 : memref<10112x64xf32, #tpu.memory_space<vmem_shared>>) offsets(%dma_start3A_414 : memref<64xi32, #tpu.memory_space<vmem>>) semaphore(%arg13 : memref<!tpu.dma_semaphore, #tpu.memory_space<semaphore_mem>>) {add = true}
      %add3A_418 = arith.constant 0 : i32
      %add3A_419 = arith.addi %mul3A_210, %add3A_418 : i32
      %dma_wait3A_420 = arith.constant 0 : i32
      %dma_wait3A_421 = arith.constant 0 : i32
      %dma_wait3A_422 = arith.constant 0 : i32
      %dma_wait3A_423 = tpu.memref_slice %arg9[%dma_wait3A_420, %dma_wait3A_421, %dma_wait3A_422] : memref<16x64x64xf32, #tpu.memory_space<vmem>> -> memref<1x64x64xf32, #tpu.memory_space<vmem>>
      %dma_wait3A_424 = tpu.memref_squeeze %dma_wait3A_423 : memref<1x64x64xf32, #tpu.memory_space<vmem>> -> memref<64x64xf32, #tpu.memory_space<vmem>>
      %dma_wait3A_425 = arith.constant 0 : i32
      %dma_wait3A_426 = tpu.memref_slice %arg8[%add3A_419, %dma_wait3A_425] : memref<160x64xi32, #tpu.memory_space<vmem>> -> memref<1x64xi32, #tpu.memory_space<vmem>>
      %dma_wait3A_427 = tpu.memref_squeeze %dma_wait3A_426 : memref<1x64xi32, #tpu.memory_space<vmem>> -> memref<64xi32, #tpu.memory_space<vmem>>
      %dma_wait3A_428 = arith.constant 0 : i32
      %dma_wait3A_429 = arith.constant 0 : i32
      %dma_wait3A_430 = tpu.memref_slice %arg10[%dma_wait3A_428, %dma_wait3A_429] : memref<10112x64xf32, #tpu.memory_space<vmem_shared>> -> memref<10112x64xf32, #tpu.memory_space<vmem_shared>>
      tpu.wait_indirect_dma semaphore(%arg13 : memref<!tpu.dma_semaphore, #tpu.memory_space<semaphore_mem>>) src(%dma_wait3A_424 : memref<64x64xf32, #tpu.memory_space<vmem>>) dst(%dma_wait3A_430 : memref<10112x64xf32, #tpu.memory_space<vmem_shared>>)
      %add3A_431 = arith.constant 1 : i32
      %add3A_432 = arith.addi %mul3A_210, %add3A_431 : i32
      %dma_wait3A_433 = arith.constant 1 : i32
      %dma_wait3A_434 = arith.constant 0 : i32
      %dma_wait3A_435 = arith.constant 0 : i32
      %dma_wait3A_436 = tpu.memref_slice %arg9[%dma_wait3A_433, %dma_wait3A_434, %dma_wait3A_435] : memref<16x64x64xf32, #tpu.memory_space<vmem>> -> memref<1x64x64xf32, #tpu.memory_space<vmem>>
      %dma_wait3A_437 = tpu.memref_squeeze %dma_wait3A_436 : memref<1x64x64xf32, #tpu.memory_space<vmem>> -> memref<64x64xf32, #tpu.memory_space<vmem>>
      %dma_wait3A_438 = arith.constant 0 : i32
      %dma_wait3A_439 = tpu.memref_slice %arg8[%add3A_432, %dma_wait3A_438] : memref<160x64xi32, #tpu.memory_space<vmem>> -> memref<1x64xi32, #tpu.memory_space<vmem>>
      %dma_wait3A_440 = tpu.memref_squeeze %dma_wait3A_439 : memref<1x64xi32, #tpu.memory_space<vmem>> -> memref<64xi32, #tpu.memory_space<vmem>>
      %dma_wait3A_441 = arith.constant 0 : i32
      %dma_wait3A_442 = arith.constant 0 : i32
      %dma_wait3A_443 = tpu.memref_slice %arg10[%dma_wait3A_441, %dma_wait3A_442] : memref<10112x64xf32, #tpu.memory_space<vmem_shared>> -> memref<10112x64xf32, #tpu.memory_space<vmem_shared>>
      tpu.wait_indirect_dma semaphore(%arg13 : memref<!tpu.dma_semaphore, #tpu.memory_space<semaphore_mem>>) src(%dma_wait3A_437 : memref<64x64xf32, #tpu.memory_space<vmem>>) dst(%dma_wait3A_443 : memref<10112x64xf32, #tpu.memory_space<vmem_shared>>)
      %add3A_444 = arith.constant 2 : i32
      %add3A_445 = arith.addi %mul3A_210, %add3A_444 : i32
      %dma_wait3A_446 = arith.constant 2 : i32
      %dma_wait3A_447 = arith.constant 0 : i32
      %dma_wait3A_448 = arith.constant 0 : i32
      %dma_wait3A_449 = tpu.memref_slice %arg9[%dma_wait3A_446, %dma_wait3A_447, %dma_wait3A_448] : memref<16x64x64xf32, #tpu.memory_space<vmem>> -> memref<1x64x64xf32, #tpu.memory_space<vmem>>
      %dma_wait3A_450 = tpu.memref_squeeze %dma_wait3A_449 : memref<1x64x64xf32, #tpu.memory_space<vmem>> -> memref<64x64xf32, #tpu.memory_space<vmem>>
      %dma_wait3A_451 = arith.constant 0 : i32
      %dma_wait3A_452 = tpu.memref_slice %arg8[%add3A_445, %dma_wait3A_451] : memref<160x64xi32, #tpu.memory_space<vmem>> -> memref<1x64xi32, #tpu.memory_space<vmem>>
      %dma_wait3A_453 = tpu.memref_squeeze %dma_wait3A_452 : memref<1x64xi32, #tpu.memory_space<vmem>> -> memref<64xi32, #tpu.memory_space<vmem>>
      %dma_wait3A_454 = arith.constant 0 : i32
      %dma_wait3A_455 = arith.constant 0 : i32
      %dma_wait3A_456 = tpu.memref_slice %arg10[%dma_wait3A_454, %dma_wait3A_455] : memref<10112x64xf32, #tpu.memory_space<vmem_shared>> -> memref<10112x64xf32, #tpu.memory_space<vmem_shared>>
      tpu.wait_indirect_dma semaphore(%arg13 : memref<!tpu.dma_semaphore, #tpu.memory_space<semaphore_mem>>) src(%dma_wait3A_450 : memref<64x64xf32, #tpu.memory_space<vmem>>) dst(%dma_wait3A_456 : memref<10112x64xf32, #tpu.memory_space<vmem_shared>>)
      %add3A_457 = arith.constant 3 : i32
      %add3A_458 = arith.addi %mul3A_210, %add3A_457 : i32
      %dma_wait3A_459 = arith.constant 3 : i32
      %dma_wait3A_460 = arith.constant 0 : i32
      %dma_wait3A_461 = arith.constant 0 : i32
      %dma_wait3A_462 = tpu.memref_slice %arg9[%dma_wait3A_459, %dma_wait3A_460, %dma_wait3A_461] : memref<16x64x64xf32, #tpu.memory_space<vmem>> -> memref<1x64x64xf32, #tpu.memory_space<vmem>>
      %dma_wait3A_463 = tpu.memref_squeeze %dma_wait3A_462 : memref<1x64x64xf32, #tpu.memory_space<vmem>> -> memref<64x64xf32, #tpu.memory_space<vmem>>
      %dma_wait3A_464 = arith.constant 0 : i32
      %dma_wait3A_465 = tpu.memref_slice %arg8[%add3A_458, %dma_wait3A_464] : memref<160x64xi32, #tpu.memory_space<vmem>> -> memref<1x64xi32, #tpu.memory_space<vmem>>
      %dma_wait3A_466 = tpu.memref_squeeze %dma_wait3A_465 : memref<1x64xi32, #tpu.memory_space<vmem>> -> memref<64xi32, #tpu.memory_space<vmem>>
      %dma_wait3A_467 = arith.constant 0 : i32
      %dma_wait3A_468 = arith.constant 0 : i32
      %dma_wait3A_469 = tpu.memref_slice %arg10[%dma_wait3A_467, %dma_wait3A_468] : memref<10112x64xf32, #tpu.memory_space<vmem_shared>> -> memref<10112x64xf32, #tpu.memory_space<vmem_shared>>
      tpu.wait_indirect_dma semaphore(%arg13 : memref<!tpu.dma_semaphore, #tpu.memory_space<semaphore_mem>>) src(%dma_wait3A_463 : memref<64x64xf32, #tpu.memory_space<vmem>>) dst(%dma_wait3A_469 : memref<10112x64xf32, #tpu.memory_space<vmem_shared>>)
      %add3A_470 = arith.constant 4 : i32
      %add3A_471 = arith.addi %mul3A_210, %add3A_470 : i32
      %dma_wait3A_472 = arith.constant 4 : i32
      %dma_wait3A_473 = arith.constant 0 : i32
      %dma_wait3A_474 = arith.constant 0 : i32
      %dma_wait3A_475 = tpu.memref_slice %arg9[%dma_wait3A_472, %dma_wait3A_473, %dma_wait3A_474] : memref<16x64x64xf32, #tpu.memory_space<vmem>> -> memref<1x64x64xf32, #tpu.memory_space<vmem>>
      %dma_wait3A_476 = tpu.memref_squeeze %dma_wait3A_475 : memref<1x64x64xf32, #tpu.memory_space<vmem>> -> memref<64x64xf32, #tpu.memory_space<vmem>>
      %dma_wait3A_477 = arith.constant 0 : i32
      %dma_wait3A_478 = tpu.memref_slice %arg8[%add3A_471, %dma_wait3A_477] : memref<160x64xi32, #tpu.memory_space<vmem>> -> memref<1x64xi32, #tpu.memory_space<vmem>>
      %dma_wait3A_479 = tpu.memref_squeeze %dma_wait3A_478 : memref<1x64xi32, #tpu.memory_space<vmem>> -> memref<64xi32, #tpu.memory_space<vmem>>
      %dma_wait3A_480 = arith.constant 0 : i32
      %dma_wait3A_481 = arith.constant 0 : i32
      %dma_wait3A_482 = tpu.memref_slice %arg10[%dma_wait3A_480, %dma_wait3A_481] : memref<10112x64xf32, #tpu.memory_space<vmem_shared>> -> memref<10112x64xf32, #tpu.memory_space<vmem_shared>>
      tpu.wait_indirect_dma semaphore(%arg13 : memref<!tpu.dma_semaphore, #tpu.memory_space<semaphore_mem>>) src(%dma_wait3A_476 : memref<64x64xf32, #tpu.memory_space<vmem>>) dst(%dma_wait3A_482 : memref<10112x64xf32, #tpu.memory_space<vmem_shared>>)
      %add3A_483 = arith.constant 5 : i32
      %add3A_484 = arith.addi %mul3A_210, %add3A_483 : i32
      %dma_wait3A_485 = arith.constant 5 : i32
      %dma_wait3A_486 = arith.constant 0 : i32
      %dma_wait3A_487 = arith.constant 0 : i32
      %dma_wait3A_488 = tpu.memref_slice %arg9[%dma_wait3A_485, %dma_wait3A_486, %dma_wait3A_487] : memref<16x64x64xf32, #tpu.memory_space<vmem>> -> memref<1x64x64xf32, #tpu.memory_space<vmem>>
      %dma_wait3A_489 = tpu.memref_squeeze %dma_wait3A_488 : memref<1x64x64xf32, #tpu.memory_space<vmem>> -> memref<64x64xf32, #tpu.memory_space<vmem>>
      %dma_wait3A_490 = arith.constant 0 : i32
      %dma_wait3A_491 = tpu.memref_slice %arg8[%add3A_484, %dma_wait3A_490] : memref<160x64xi32, #tpu.memory_space<vmem>> -> memref<1x64xi32, #tpu.memory_space<vmem>>
      %dma_wait3A_492 = tpu.memref_squeeze %dma_wait3A_491 : memref<1x64xi32, #tpu.memory_space<vmem>> -> memref<64xi32, #tpu.memory_space<vmem>>
      %dma_wait3A_493 = arith.constant 0 : i32
      %dma_wait3A_494 = arith.constant 0 : i32
      %dma_wait3A_495 = tpu.memref_slice %arg10[%dma_wait3A_493, %dma_wait3A_494] : memref<10112x64xf32, #tpu.memory_space<vmem_shared>> -> memref<10112x64xf32, #tpu.memory_space<vmem_shared>>
      tpu.wait_indirect_dma semaphore(%arg13 : memref<!tpu.dma_semaphore, #tpu.memory_space<semaphore_mem>>) src(%dma_wait3A_489 : memref<64x64xf32, #tpu.memory_space<vmem>>) dst(%dma_wait3A_495 : memref<10112x64xf32, #tpu.memory_space<vmem_shared>>)
      %add3A_496 = arith.constant 6 : i32
      %add3A_497 = arith.addi %mul3A_210, %add3A_496 : i32
      %dma_wait3A_498 = arith.constant 6 : i32
      %dma_wait3A_499 = arith.constant 0 : i32
      %dma_wait3A_500 = arith.constant 0 : i32
      %dma_wait3A_501 = tpu.memref_slice %arg9[%dma_wait3A_498, %dma_wait3A_499, %dma_wait3A_500] : memref<16x64x64xf32, #tpu.memory_space<vmem>> -> memref<1x64x64xf32, #tpu.memory_space<vmem>>
      %dma_wait3A_502 = tpu.memref_squeeze %dma_wait3A_501 : memref<1x64x64xf32, #tpu.memory_space<vmem>> -> memref<64x64xf32, #tpu.memory_space<vmem>>
      %dma_wait3A_503 = arith.constant 0 : i32
      %dma_wait3A_504 = tpu.memref_slice %arg8[%add3A_497, %dma_wait3A_503] : memref<160x64xi32, #tpu.memory_space<vmem>> -> memref<1x64xi32, #tpu.memory_space<vmem>>
      %dma_wait3A_505 = tpu.memref_squeeze %dma_wait3A_504 : memref<1x64xi32, #tpu.memory_space<vmem>> -> memref<64xi32, #tpu.memory_space<vmem>>
      %dma_wait3A_506 = arith.constant 0 : i32
      %dma_wait3A_507 = arith.constant 0 : i32
      %dma_wait3A_508 = tpu.memref_slice %arg10[%dma_wait3A_506, %dma_wait3A_507] : memref<10112x64xf32, #tpu.memory_space<vmem_shared>> -> memref<10112x64xf32, #tpu.memory_space<vmem_shared>>
      tpu.wait_indirect_dma semaphore(%arg13 : memref<!tpu.dma_semaphore, #tpu.memory_space<semaphore_mem>>) src(%dma_wait3A_502 : memref<64x64xf32, #tpu.memory_space<vmem>>) dst(%dma_wait3A_508 : memref<10112x64xf32, #tpu.memory_space<vmem_shared>>)
      %add3A_509 = arith.constant 7 : i32
      %add3A_510 = arith.addi %mul3A_210, %add3A_509 : i32
      %dma_wait3A_511 = arith.constant 7 : i32
      %dma_wait3A_512 = arith.constant 0 : i32
      %dma_wait3A_513 = arith.constant 0 : i32
      %dma_wait3A_514 = tpu.memref_slice %arg9[%dma_wait3A_511, %dma_wait3A_512, %dma_wait3A_513] : memref<16x64x64xf32, #tpu.memory_space<vmem>> -> memref<1x64x64xf32, #tpu.memory_space<vmem>>
      %dma_wait3A_515 = tpu.memref_squeeze %dma_wait3A_514 : memref<1x64x64xf32, #tpu.memory_space<vmem>> -> memref<64x64xf32, #tpu.memory_space<vmem>>
      %dma_wait3A_516 = arith.constant 0 : i32
      %dma_wait3A_517 = tpu.memref_slice %arg8[%add3A_510, %dma_wait3A_516] : memref<160x64xi32, #tpu.memory_space<vmem>> -> memref<1x64xi32, #tpu.memory_space<vmem>>
      %dma_wait3A_518 = tpu.memref_squeeze %dma_wait3A_517 : memref<1x64xi32, #tpu.memory_space<vmem>> -> memref<64xi32, #tpu.memory_space<vmem>>
      %dma_wait3A_519 = arith.constant 0 : i32
      %dma_wait3A_520 = arith.constant 0 : i32
      %dma_wait3A_521 = tpu.memref_slice %arg10[%dma_wait3A_519, %dma_wait3A_520] : memref<10112x64xf32, #tpu.memory_space<vmem_shared>> -> memref<10112x64xf32, #tpu.memory_space<vmem_shared>>
      tpu.wait_indirect_dma semaphore(%arg13 : memref<!tpu.dma_semaphore, #tpu.memory_space<semaphore_mem>>) src(%dma_wait3A_515 : memref<64x64xf32, #tpu.memory_space<vmem>>) dst(%dma_wait3A_521 : memref<10112x64xf32, #tpu.memory_space<vmem_shared>>)
      %add3A_522 = arith.constant 16 : i32
      %add3A_523 = arith.addi %mul3A_210, %add3A_522 : i32
      %lt3A = arith.constant 160 : i32
      %lt3A_524 = arith.cmpi slt, %add3A_523, %lt3A : i32
      %convert_element_type3A = arith.extui %lt3A_524 : i1 to i32
      %cond3A = arith.constant 0 : i32
      %cond3A_525 = arith.cmpi ne, %convert_element_type3A, %cond3A : i32
      scf.if %cond3A_525 {
        %add3A_847 = arith.constant 16 : i32
        %add3A_848 = arith.addi %mul3A_210, %add3A_847 : i32
        %add3A_849 = arith.constant 0 : i32
        %add3A_850 = arith.addi %add3A_848, %add3A_849 : i32
        %dma_start3A_851 = arith.constant 0 : i32
        %dma_start3A_852 = arith.constant 0 : i32
        %dma_start3A_853 = arith.constant 0 : i32
        %dma_start3A_854 = tpu.memref_slice %arg9[%dma_start3A_851, %dma_start3A_852, %dma_start3A_853] : memref<16x64x64xf32, #tpu.memory_space<vmem>> -> memref<1x64x64xf32, #tpu.memory_space<vmem>>
        %dma_start3A_855 = tpu.memref_squeeze %dma_start3A_854 : memref<1x64x64xf32, #tpu.memory_space<vmem>> -> memref<64x64xf32, #tpu.memory_space<vmem>>
        %dma_start3A_856 = arith.constant 0 : i32
        %dma_start3A_857 = tpu.memref_slice %arg7[%add3A_850, %dma_start3A_856] : memref<160x64xi32, #tpu.memory_space<vmem>> -> memref<1x64xi32, #tpu.memory_space<vmem>>
        %dma_start3A_858 = tpu.memref_squeeze %dma_start3A_857 : memref<1x64xi32, #tpu.memory_space<vmem>> -> memref<64xi32, #tpu.memory_space<vmem>>
        %dma_start3A_859 = arith.constant 0 : i32
        %dma_start3A_860 = arith.constant 0 : i32
        %dma_start3A_861 = tpu.memref_slice %arg2[%dma_start3A_859, %dma_start3A_860] : memref<10112x64xf32, #tpu.memory_space<hbm>> -> memref<10112x64xf32, #tpu.memory_space<hbm>>
        tpu.enqueue_indirect_dma source(%dma_start3A_861 : memref<10112x64xf32, #tpu.memory_space<hbm>>) target(%dma_start3A_855 : memref<64x64xf32, #tpu.memory_space<vmem>>) offsets(%dma_start3A_858 : memref<64xi32, #tpu.memory_space<vmem>>) semaphore(%arg11 : memref<!tpu.dma_semaphore, #tpu.memory_space<semaphore_mem>>)
        %add3A_862 = arith.constant 16 : i32
        %add3A_863 = arith.addi %mul3A_210, %add3A_862 : i32
        %add3A_864 = arith.constant 1 : i32
        %add3A_865 = arith.addi %add3A_863, %add3A_864 : i32
        %dma_start3A_866 = arith.constant 1 : i32
        %dma_start3A_867 = arith.constant 0 : i32
        %dma_start3A_868 = arith.constant 0 : i32
        %dma_start3A_869 = tpu.memref_slice %arg9[%dma_start3A_866, %dma_start3A_867, %dma_start3A_868] : memref<16x64x64xf32, #tpu.memory_space<vmem>> -> memref<1x64x64xf32, #tpu.memory_space<vmem>>
        %dma_start3A_870 = tpu.memref_squeeze %dma_start3A_869 : memref<1x64x64xf32, #tpu.memory_space<vmem>> -> memref<64x64xf32, #tpu.memory_space<vmem>>
        %dma_start3A_871 = arith.constant 0 : i32
        %dma_start3A_872 = tpu.memref_slice %arg7[%add3A_865, %dma_start3A_871] : memref<160x64xi32, #tpu.memory_space<vmem>> -> memref<1x64xi32, #tpu.memory_space<vmem>>
        %dma_start3A_873 = tpu.memref_squeeze %dma_start3A_872 : memref<1x64xi32, #tpu.memory_space<vmem>> -> memref<64xi32, #tpu.memory_space<vmem>>
        %dma_start3A_874 = arith.constant 0 : i32
        %dma_start3A_875 = arith.constant 0 : i32
        %dma_start3A_876 = tpu.memref_slice %arg2[%dma_start3A_874, %dma_start3A_875] : memref<10112x64xf32, #tpu.memory_space<hbm>> -> memref<10112x64xf32, #tpu.memory_space<hbm>>
        tpu.enqueue_indirect_dma source(%dma_start3A_876 : memref<10112x64xf32, #tpu.memory_space<hbm>>) target(%dma_start3A_870 : memref<64x64xf32, #tpu.memory_space<vmem>>) offsets(%dma_start3A_873 : memref<64xi32, #tpu.memory_space<vmem>>) semaphore(%arg11 : memref<!tpu.dma_semaphore, #tpu.memory_space<semaphore_mem>>)
        %add3A_877 = arith.constant 16 : i32
        %add3A_878 = arith.addi %mul3A_210, %add3A_877 : i32
        %add3A_879 = arith.constant 2 : i32
        %add3A_880 = arith.addi %add3A_878, %add3A_879 : i32
        %dma_start3A_881 = arith.constant 2 : i32
        %dma_start3A_882 = arith.constant 0 : i32
        %dma_start3A_883 = arith.constant 0 : i32
        %dma_start3A_884 = tpu.memref_slice %arg9[%dma_start3A_881, %dma_start3A_882, %dma_start3A_883] : memref<16x64x64xf32, #tpu.memory_space<vmem>> -> memref<1x64x64xf32, #tpu.memory_space<vmem>>
        %dma_start3A_885 = tpu.memref_squeeze %dma_start3A_884 : memref<1x64x64xf32, #tpu.memory_space<vmem>> -> memref<64x64xf32, #tpu.memory_space<vmem>>
        %dma_start3A_886 = arith.constant 0 : i32
        %dma_start3A_887 = tpu.memref_slice %arg7[%add3A_880, %dma_start3A_886] : memref<160x64xi32, #tpu.memory_space<vmem>> -> memref<1x64xi32, #tpu.memory_space<vmem>>
        %dma_start3A_888 = tpu.memref_squeeze %dma_start3A_887 : memref<1x64xi32, #tpu.memory_space<vmem>> -> memref<64xi32, #tpu.memory_space<vmem>>
        %dma_start3A_889 = arith.constant 0 : i32
        %dma_start3A_890 = arith.constant 0 : i32
        %dma_start3A_891 = tpu.memref_slice %arg2[%dma_start3A_889, %dma_start3A_890] : memref<10112x64xf32, #tpu.memory_space<hbm>> -> memref<10112x64xf32, #tpu.memory_space<hbm>>
        tpu.enqueue_indirect_dma source(%dma_start3A_891 : memref<10112x64xf32, #tpu.memory_space<hbm>>) target(%dma_start3A_885 : memref<64x64xf32, #tpu.memory_space<vmem>>) offsets(%dma_start3A_888 : memref<64xi32, #tpu.memory_space<vmem>>) semaphore(%arg11 : memref<!tpu.dma_semaphore, #tpu.memory_space<semaphore_mem>>)
        %add3A_892 = arith.constant 16 : i32
        %add3A_893 = arith.addi %mul3A_210, %add3A_892 : i32
        %add3A_894 = arith.constant 3 : i32
        %add3A_895 = arith.addi %add3A_893, %add3A_894 : i32
        %dma_start3A_896 = arith.constant 3 : i32
        %dma_start3A_897 = arith.constant 0 : i32
        %dma_start3A_898 = arith.constant 0 : i32
        %dma_start3A_899 = tpu.memref_slice %arg9[%dma_start3A_896, %dma_start3A_897, %dma_start3A_898] : memref<16x64x64xf32, #tpu.memory_space<vmem>> -> memref<1x64x64xf32, #tpu.memory_space<vmem>>
        %dma_start3A_900 = tpu.memref_squeeze %dma_start3A_899 : memref<1x64x64xf32, #tpu.memory_space<vmem>> -> memref<64x64xf32, #tpu.memory_space<vmem>>
        %dma_start3A_901 = arith.constant 0 : i32
        %dma_start3A_902 = tpu.memref_slice %arg7[%add3A_895, %dma_start3A_901] : memref<160x64xi32, #tpu.memory_space<vmem>> -> memref<1x64xi32, #tpu.memory_space<vmem>>
        %dma_start3A_903 = tpu.memref_squeeze %dma_start3A_902 : memref<1x64xi32, #tpu.memory_space<vmem>> -> memref<64xi32, #tpu.memory_space<vmem>>
        %dma_start3A_904 = arith.constant 0 : i32
        %dma_start3A_905 = arith.constant 0 : i32
        %dma_start3A_906 = tpu.memref_slice %arg2[%dma_start3A_904, %dma_start3A_905] : memref<10112x64xf32, #tpu.memory_space<hbm>> -> memref<10112x64xf32, #tpu.memory_space<hbm>>
        tpu.enqueue_indirect_dma source(%dma_start3A_906 : memref<10112x64xf32, #tpu.memory_space<hbm>>) target(%dma_start3A_900 : memref<64x64xf32, #tpu.memory_space<vmem>>) offsets(%dma_start3A_903 : memref<64xi32, #tpu.memory_space<vmem>>) semaphore(%arg11 : memref<!tpu.dma_semaphore, #tpu.memory_space<semaphore_mem>>)
        %add3A_907 = arith.constant 16 : i32
        %add3A_908 = arith.addi %mul3A_210, %add3A_907 : i32
        %add3A_909 = arith.constant 4 : i32
        %add3A_910 = arith.addi %add3A_908, %add3A_909 : i32
        %dma_start3A_911 = arith.constant 4 : i32
        %dma_start3A_912 = arith.constant 0 : i32
        %dma_start3A_913 = arith.constant 0 : i32
        %dma_start3A_914 = tpu.memref_slice %arg9[%dma_start3A_911, %dma_start3A_912, %dma_start3A_913] : memref<16x64x64xf32, #tpu.memory_space<vmem>> -> memref<1x64x64xf32, #tpu.memory_space<vmem>>
        %dma_start3A_915 = tpu.memref_squeeze %dma_start3A_914 : memref<1x64x64xf32, #tpu.memory_space<vmem>> -> memref<64x64xf32, #tpu.memory_space<vmem>>
        %dma_start3A_916 = arith.constant 0 : i32
        %dma_start3A_917 = tpu.memref_slice %arg7[%add3A_910, %dma_start3A_916] : memref<160x64xi32, #tpu.memory_space<vmem>> -> memref<1x64xi32, #tpu.memory_space<vmem>>
        %dma_start3A_918 = tpu.memref_squeeze %dma_start3A_917 : memref<1x64xi32, #tpu.memory_space<vmem>> -> memref<64xi32, #tpu.memory_space<vmem>>
        %dma_start3A_919 = arith.constant 0 : i32
        %dma_start3A_920 = arith.constant 0 : i32
        %dma_start3A_921 = tpu.memref_slice %arg2[%dma_start3A_919, %dma_start3A_920] : memref<10112x64xf32, #tpu.memory_space<hbm>> -> memref<10112x64xf32, #tpu.memory_space<hbm>>
        tpu.enqueue_indirect_dma source(%dma_start3A_921 : memref<10112x64xf32, #tpu.memory_space<hbm>>) target(%dma_start3A_915 : memref<64x64xf32, #tpu.memory_space<vmem>>) offsets(%dma_start3A_918 : memref<64xi32, #tpu.memory_space<vmem>>) semaphore(%arg11 : memref<!tpu.dma_semaphore, #tpu.memory_space<semaphore_mem>>)
        %add3A_922 = arith.constant 16 : i32
        %add3A_923 = arith.addi %mul3A_210, %add3A_922 : i32
        %add3A_924 = arith.constant 5 : i32
        %add3A_925 = arith.addi %add3A_923, %add3A_924 : i32
        %dma_start3A_926 = arith.constant 5 : i32
        %dma_start3A_927 = arith.constant 0 : i32
        %dma_start3A_928 = arith.constant 0 : i32
        %dma_start3A_929 = tpu.memref_slice %arg9[%dma_start3A_926, %dma_start3A_927, %dma_start3A_928] : memref<16x64x64xf32, #tpu.memory_space<vmem>> -> memref<1x64x64xf32, #tpu.memory_space<vmem>>
        %dma_start3A_930 = tpu.memref_squeeze %dma_start3A_929 : memref<1x64x64xf32, #tpu.memory_space<vmem>> -> memref<64x64xf32, #tpu.memory_space<vmem>>
        %dma_start3A_931 = arith.constant 0 : i32
        %dma_start3A_932 = tpu.memref_slice %arg7[%add3A_925, %dma_start3A_931] : memref<160x64xi32, #tpu.memory_space<vmem>> -> memref<1x64xi32, #tpu.memory_space<vmem>>
        %dma_start3A_933 = tpu.memref_squeeze %dma_start3A_932 : memref<1x64xi32, #tpu.memory_space<vmem>> -> memref<64xi32, #tpu.memory_space<vmem>>
        %dma_start3A_934 = arith.constant 0 : i32
        %dma_start3A_935 = arith.constant 0 : i32
        %dma_start3A_936 = tpu.memref_slice %arg2[%dma_start3A_934, %dma_start3A_935] : memref<10112x64xf32, #tpu.memory_space<hbm>> -> memref<10112x64xf32, #tpu.memory_space<hbm>>
        tpu.enqueue_indirect_dma source(%dma_start3A_936 : memref<10112x64xf32, #tpu.memory_space<hbm>>) target(%dma_start3A_930 : memref<64x64xf32, #tpu.memory_space<vmem>>) offsets(%dma_start3A_933 : memref<64xi32, #tpu.memory_space<vmem>>) semaphore(%arg11 : memref<!tpu.dma_semaphore, #tpu.memory_space<semaphore_mem>>)
        %add3A_937 = arith.constant 16 : i32
        %add3A_938 = arith.addi %mul3A_210, %add3A_937 : i32
        %add3A_939 = arith.constant 6 : i32
        %add3A_940 = arith.addi %add3A_938, %add3A_939 : i32
        %dma_start3A_941 = arith.constant 6 : i32
        %dma_start3A_942 = arith.constant 0 : i32
        %dma_start3A_943 = arith.constant 0 : i32
        %dma_start3A_944 = tpu.memref_slice %arg9[%dma_start3A_941, %dma_start3A_942, %dma_start3A_943] : memref<16x64x64xf32, #tpu.memory_space<vmem>> -> memref<1x64x64xf32, #tpu.memory_space<vmem>>
        %dma_start3A_945 = tpu.memref_squeeze %dma_start3A_944 : memref<1x64x64xf32, #tpu.memory_space<vmem>> -> memref<64x64xf32, #tpu.memory_space<vmem>>
        %dma_start3A_946 = arith.constant 0 : i32
        %dma_start3A_947 = tpu.memref_slice %arg7[%add3A_940, %dma_start3A_946] : memref<160x64xi32, #tpu.memory_space<vmem>> -> memref<1x64xi32, #tpu.memory_space<vmem>>
        %dma_start3A_948 = tpu.memref_squeeze %dma_start3A_947 : memref<1x64xi32, #tpu.memory_space<vmem>> -> memref<64xi32, #tpu.memory_space<vmem>>
        %dma_start3A_949 = arith.constant 0 : i32
        %dma_start3A_950 = arith.constant 0 : i32
        %dma_start3A_951 = tpu.memref_slice %arg2[%dma_start3A_949, %dma_start3A_950] : memref<10112x64xf32, #tpu.memory_space<hbm>> -> memref<10112x64xf32, #tpu.memory_space<hbm>>
        tpu.enqueue_indirect_dma source(%dma_start3A_951 : memref<10112x64xf32, #tpu.memory_space<hbm>>) target(%dma_start3A_945 : memref<64x64xf32, #tpu.memory_space<vmem>>) offsets(%dma_start3A_948 : memref<64xi32, #tpu.memory_space<vmem>>) semaphore(%arg11 : memref<!tpu.dma_semaphore, #tpu.memory_space<semaphore_mem>>)
        %add3A_952 = arith.constant 16 : i32
        %add3A_953 = arith.addi %mul3A_210, %add3A_952 : i32
        %add3A_954 = arith.constant 7 : i32
        %add3A_955 = arith.addi %add3A_953, %add3A_954 : i32
        %dma_start3A_956 = arith.constant 7 : i32
        %dma_start3A_957 = arith.constant 0 : i32
        %dma_start3A_958 = arith.constant 0 : i32
        %dma_start3A_959 = tpu.memref_slice %arg9[%dma_start3A_956, %dma_start3A_957, %dma_start3A_958] : memref<16x64x64xf32, #tpu.memory_space<vmem>> -> memref<1x64x64xf32, #tpu.memory_space<vmem>>
        %dma_start3A_960 = tpu.memref_squeeze %dma_start3A_959 : memref<1x64x64xf32, #tpu.memory_space<vmem>> -> memref<64x64xf32, #tpu.memory_space<vmem>>
        %dma_start3A_961 = arith.constant 0 : i32
        %dma_start3A_962 = tpu.memref_slice %arg7[%add3A_955, %dma_start3A_961] : memref<160x64xi32, #tpu.memory_space<vmem>> -> memref<1x64xi32, #tpu.memory_space<vmem>>
        %dma_start3A_963 = tpu.memref_squeeze %dma_start3A_962 : memref<1x64xi32, #tpu.memory_space<vmem>> -> memref<64xi32, #tpu.memory_space<vmem>>
        %dma_start3A_964 = arith.constant 0 : i32
        %dma_start3A_965 = arith.constant 0 : i32
        %dma_start3A_966 = tpu.memref_slice %arg2[%dma_start3A_964, %dma_start3A_965] : memref<10112x64xf32, #tpu.memory_space<hbm>> -> memref<10112x64xf32, #tpu.memory_space<hbm>>
        tpu.enqueue_indirect_dma source(%dma_start3A_966 : memref<10112x64xf32, #tpu.memory_space<hbm>>) target(%dma_start3A_960 : memref<64x64xf32, #tpu.memory_space<vmem>>) offsets(%dma_start3A_963 : memref<64xi32, #tpu.memory_space<vmem>>) semaphore(%arg11 : memref<!tpu.dma_semaphore, #tpu.memory_space<semaphore_mem>>)
      } else {
      }
      %add3A_526 = arith.constant 8 : i32
      %add3A_527 = arith.addi %mul3A_210, %add3A_526 : i32
      %add3A_528 = arith.constant 0 : i32
      %add3A_529 = arith.addi %add3A_527, %add3A_528 : i32
      %dma_wait3A_530 = arith.constant 8 : i32
      %dma_wait3A_531 = arith.constant 0 : i32
      %dma_wait3A_532 = arith.constant 0 : i32
      %dma_wait3A_533 = tpu.memref_slice %arg9[%dma_wait3A_530, %dma_wait3A_531, %dma_wait3A_532] : memref<16x64x64xf32, #tpu.memory_space<vmem>> -> memref<1x64x64xf32, #tpu.memory_space<vmem>>
      %dma_wait3A_534 = tpu.memref_squeeze %dma_wait3A_533 : memref<1x64x64xf32, #tpu.memory_space<vmem>> -> memref<64x64xf32, #tpu.memory_space<vmem>>
      %dma_wait3A_535 = arith.constant 0 : i32
      %dma_wait3A_536 = tpu.memref_slice %arg7[%add3A_529, %dma_wait3A_535] : memref<160x64xi32, #tpu.memory_space<vmem>> -> memref<1x64xi32, #tpu.memory_space<vmem>>
      %dma_wait3A_537 = tpu.memref_squeeze %dma_wait3A_536 : memref<1x64xi32, #tpu.memory_space<vmem>> -> memref<64xi32, #tpu.memory_space<vmem>>
      %dma_wait3A_538 = arith.constant 0 : i32
      %dma_wait3A_539 = arith.constant 0 : i32
      %dma_wait3A_540 = tpu.memref_slice %arg2[%dma_wait3A_538, %dma_wait3A_539] : memref<10112x64xf32, #tpu.memory_space<hbm>> -> memref<10112x64xf32, #tpu.memory_space<hbm>>
      tpu.wait_indirect_dma semaphore(%arg12 : memref<!tpu.dma_semaphore, #tpu.memory_space<semaphore_mem>>) src(%dma_wait3A_540 : memref<10112x64xf32, #tpu.memory_space<hbm>>) dst(%dma_wait3A_534 : memref<64x64xf32, #tpu.memory_space<vmem>>)
      %add3A_541 = arith.constant 1 : i32
      %add3A_542 = arith.addi %add3A_527, %add3A_541 : i32
      %dma_wait3A_543 = arith.constant 9 : i32
      %dma_wait3A_544 = arith.constant 0 : i32
      %dma_wait3A_545 = arith.constant 0 : i32
      %dma_wait3A_546 = tpu.memref_slice %arg9[%dma_wait3A_543, %dma_wait3A_544, %dma_wait3A_545] : memref<16x64x64xf32, #tpu.memory_space<vmem>> -> memref<1x64x64xf32, #tpu.memory_space<vmem>>
      %dma_wait3A_547 = tpu.memref_squeeze %dma_wait3A_546 : memref<1x64x64xf32, #tpu.memory_space<vmem>> -> memref<64x64xf32, #tpu.memory_space<vmem>>
      %dma_wait3A_548 = arith.constant 0 : i32
      %dma_wait3A_549 = tpu.memref_slice %arg7[%add3A_542, %dma_wait3A_548] : memref<160x64xi32, #tpu.memory_space<vmem>> -> memref<1x64xi32, #tpu.memory_space<vmem>>
      %dma_wait3A_550 = tpu.memref_squeeze %dma_wait3A_549 : memref<1x64xi32, #tpu.memory_space<vmem>> -> memref<64xi32, #tpu.memory_space<vmem>>
      %dma_wait3A_551 = arith.constant 0 : i32
      %dma_wait3A_552 = arith.constant 0 : i32
      %dma_wait3A_553 = tpu.memref_slice %arg2[%dma_wait3A_551, %dma_wait3A_552] : memref<10112x64xf32, #tpu.memory_space<hbm>> -> memref<10112x64xf32, #tpu.memory_space<hbm>>
      tpu.wait_indirect_dma semaphore(%arg12 : memref<!tpu.dma_semaphore, #tpu.memory_space<semaphore_mem>>) src(%dma_wait3A_553 : memref<10112x64xf32, #tpu.memory_space<hbm>>) dst(%dma_wait3A_547 : memref<64x64xf32, #tpu.memory_space<vmem>>)
      %add3A_554 = arith.constant 2 : i32
      %add3A_555 = arith.addi %add3A_527, %add3A_554 : i32
      %dma_wait3A_556 = arith.constant 10 : i32
      %dma_wait3A_557 = arith.constant 0 : i32
      %dma_wait3A_558 = arith.constant 0 : i32
      %dma_wait3A_559 = tpu.memref_slice %arg9[%dma_wait3A_556, %dma_wait3A_557, %dma_wait3A_558] : memref<16x64x64xf32, #tpu.memory_space<vmem>> -> memref<1x64x64xf32, #tpu.memory_space<vmem>>
      %dma_wait3A_560 = tpu.memref_squeeze %dma_wait3A_559 : memref<1x64x64xf32, #tpu.memory_space<vmem>> -> memref<64x64xf32, #tpu.memory_space<vmem>>
      %dma_wait3A_561 = arith.constant 0 : i32
      %dma_wait3A_562 = tpu.memref_slice %arg7[%add3A_555, %dma_wait3A_561] : memref<160x64xi32, #tpu.memory_space<vmem>> -> memref<1x64xi32, #tpu.memory_space<vmem>>
      %dma_wait3A_563 = tpu.memref_squeeze %dma_wait3A_562 : memref<1x64xi32, #tpu.memory_space<vmem>> -> memref<64xi32, #tpu.memory_space<vmem>>
      %dma_wait3A_564 = arith.constant 0 : i32
      %dma_wait3A_565 = arith.constant 0 : i32
      %dma_wait3A_566 = tpu.memref_slice %arg2[%dma_wait3A_564, %dma_wait3A_565] : memref<10112x64xf32, #tpu.memory_space<hbm>> -> memref<10112x64xf32, #tpu.memory_space<hbm>>
      tpu.wait_indirect_dma semaphore(%arg12 : memref<!tpu.dma_semaphore, #tpu.memory_space<semaphore_mem>>) src(%dma_wait3A_566 : memref<10112x64xf32, #tpu.memory_space<hbm>>) dst(%dma_wait3A_560 : memref<64x64xf32, #tpu.memory_space<vmem>>)
      %add3A_567 = arith.constant 3 : i32
      %add3A_568 = arith.addi %add3A_527, %add3A_567 : i32
      %dma_wait3A_569 = arith.constant 11 : i32
      %dma_wait3A_570 = arith.constant 0 : i32
      %dma_wait3A_571 = arith.constant 0 : i32
      %dma_wait3A_572 = tpu.memref_slice %arg9[%dma_wait3A_569, %dma_wait3A_570, %dma_wait3A_571] : memref<16x64x64xf32, #tpu.memory_space<vmem>> -> memref<1x64x64xf32, #tpu.memory_space<vmem>>
      %dma_wait3A_573 = tpu.memref_squeeze %dma_wait3A_572 : memref<1x64x64xf32, #tpu.memory_space<vmem>> -> memref<64x64xf32, #tpu.memory_space<vmem>>
      %dma_wait3A_574 = arith.constant 0 : i32
      %dma_wait3A_575 = tpu.memref_slice %arg7[%add3A_568, %dma_wait3A_574] : memref<160x64xi32, #tpu.memory_space<vmem>> -> memref<1x64xi32, #tpu.memory_space<vmem>>
      %dma_wait3A_576 = tpu.memref_squeeze %dma_wait3A_575 : memref<1x64xi32, #tpu.memory_space<vmem>> -> memref<64xi32, #tpu.memory_space<vmem>>
      %dma_wait3A_577 = arith.constant 0 : i32
      %dma_wait3A_578 = arith.constant 0 : i32
      %dma_wait3A_579 = tpu.memref_slice %arg2[%dma_wait3A_577, %dma_wait3A_578] : memref<10112x64xf32, #tpu.memory_space<hbm>> -> memref<10112x64xf32, #tpu.memory_space<hbm>>
      tpu.wait_indirect_dma semaphore(%arg12 : memref<!tpu.dma_semaphore, #tpu.memory_space<semaphore_mem>>) src(%dma_wait3A_579 : memref<10112x64xf32, #tpu.memory_space<hbm>>) dst(%dma_wait3A_573 : memref<64x64xf32, #tpu.memory_space<vmem>>)
      %add3A_580 = arith.constant 4 : i32
      %add3A_581 = arith.addi %add3A_527, %add3A_580 : i32
      %dma_wait3A_582 = arith.constant 12 : i32
      %dma_wait3A_583 = arith.constant 0 : i32
      %dma_wait3A_584 = arith.constant 0 : i32
      %dma_wait3A_585 = tpu.memref_slice %arg9[%dma_wait3A_582, %dma_wait3A_583, %dma_wait3A_584] : memref<16x64x64xf32, #tpu.memory_space<vmem>> -> memref<1x64x64xf32, #tpu.memory_space<vmem>>
      %dma_wait3A_586 = tpu.memref_squeeze %dma_wait3A_585 : memref<1x64x64xf32, #tpu.memory_space<vmem>> -> memref<64x64xf32, #tpu.memory_space<vmem>>
      %dma_wait3A_587 = arith.constant 0 : i32
      %dma_wait3A_588 = tpu.memref_slice %arg7[%add3A_581, %dma_wait3A_587] : memref<160x64xi32, #tpu.memory_space<vmem>> -> memref<1x64xi32, #tpu.memory_space<vmem>>
      %dma_wait3A_589 = tpu.memref_squeeze %dma_wait3A_588 : memref<1x64xi32, #tpu.memory_space<vmem>> -> memref<64xi32, #tpu.memory_space<vmem>>
      %dma_wait3A_590 = arith.constant 0 : i32
      %dma_wait3A_591 = arith.constant 0 : i32
      %dma_wait3A_592 = tpu.memref_slice %arg2[%dma_wait3A_590, %dma_wait3A_591] : memref<10112x64xf32, #tpu.memory_space<hbm>> -> memref<10112x64xf32, #tpu.memory_space<hbm>>
      tpu.wait_indirect_dma semaphore(%arg12 : memref<!tpu.dma_semaphore, #tpu.memory_space<semaphore_mem>>) src(%dma_wait3A_592 : memref<10112x64xf32, #tpu.memory_space<hbm>>) dst(%dma_wait3A_586 : memref<64x64xf32, #tpu.memory_space<vmem>>)
      %add3A_593 = arith.constant 5 : i32
      %add3A_594 = arith.addi %add3A_527, %add3A_593 : i32
      %dma_wait3A_595 = arith.constant 13 : i32
      %dma_wait3A_596 = arith.constant 0 : i32
      %dma_wait3A_597 = arith.constant 0 : i32
      %dma_wait3A_598 = tpu.memref_slice %arg9[%dma_wait3A_595, %dma_wait3A_596, %dma_wait3A_597] : memref<16x64x64xf32, #tpu.memory_space<vmem>> -> memref<1x64x64xf32, #tpu.memory_space<vmem>>
      %dma_wait3A_599 = tpu.memref_squeeze %dma_wait3A_598 : memref<1x64x64xf32, #tpu.memory_space<vmem>> -> memref<64x64xf32, #tpu.memory_space<vmem>>
      %dma_wait3A_600 = arith.constant 0 : i32
      %dma_wait3A_601 = tpu.memref_slice %arg7[%add3A_594, %dma_wait3A_600] : memref<160x64xi32, #tpu.memory_space<vmem>> -> memref<1x64xi32, #tpu.memory_space<vmem>>
      %dma_wait3A_602 = tpu.memref_squeeze %dma_wait3A_601 : memref<1x64xi32, #tpu.memory_space<vmem>> -> memref<64xi32, #tpu.memory_space<vmem>>
      %dma_wait3A_603 = arith.constant 0 : i32
      %dma_wait3A_604 = arith.constant 0 : i32
      %dma_wait3A_605 = tpu.memref_slice %arg2[%dma_wait3A_603, %dma_wait3A_604] : memref<10112x64xf32, #tpu.memory_space<hbm>> -> memref<10112x64xf32, #tpu.memory_space<hbm>>
      tpu.wait_indirect_dma semaphore(%arg12 : memref<!tpu.dma_semaphore, #tpu.memory_space<semaphore_mem>>) src(%dma_wait3A_605 : memref<10112x64xf32, #tpu.memory_space<hbm>>) dst(%dma_wait3A_599 : memref<64x64xf32, #tpu.memory_space<vmem>>)
      %add3A_606 = arith.constant 6 : i32
      %add3A_607 = arith.addi %add3A_527, %add3A_606 : i32
      %dma_wait3A_608 = arith.constant 14 : i32
      %dma_wait3A_609 = arith.constant 0 : i32
      %dma_wait3A_610 = arith.constant 0 : i32
      %dma_wait3A_611 = tpu.memref_slice %arg9[%dma_wait3A_608, %dma_wait3A_609, %dma_wait3A_610] : memref<16x64x64xf32, #tpu.memory_space<vmem>> -> memref<1x64x64xf32, #tpu.memory_space<vmem>>
      %dma_wait3A_612 = tpu.memref_squeeze %dma_wait3A_611 : memref<1x64x64xf32, #tpu.memory_space<vmem>> -> memref<64x64xf32, #tpu.memory_space<vmem>>
      %dma_wait3A_613 = arith.constant 0 : i32
      %dma_wait3A_614 = tpu.memref_slice %arg7[%add3A_607, %dma_wait3A_613] : memref<160x64xi32, #tpu.memory_space<vmem>> -> memref<1x64xi32, #tpu.memory_space<vmem>>
      %dma_wait3A_615 = tpu.memref_squeeze %dma_wait3A_614 : memref<1x64xi32, #tpu.memory_space<vmem>> -> memref<64xi32, #tpu.memory_space<vmem>>
      %dma_wait3A_616 = arith.constant 0 : i32
      %dma_wait3A_617 = arith.constant 0 : i32
      %dma_wait3A_618 = tpu.memref_slice %arg2[%dma_wait3A_616, %dma_wait3A_617] : memref<10112x64xf32, #tpu.memory_space<hbm>> -> memref<10112x64xf32, #tpu.memory_space<hbm>>
      tpu.wait_indirect_dma semaphore(%arg12 : memref<!tpu.dma_semaphore, #tpu.memory_space<semaphore_mem>>) src(%dma_wait3A_618 : memref<10112x64xf32, #tpu.memory_space<hbm>>) dst(%dma_wait3A_612 : memref<64x64xf32, #tpu.memory_space<vmem>>)
      %add3A_619 = arith.constant 7 : i32
      %add3A_620 = arith.addi %add3A_527, %add3A_619 : i32
      %dma_wait3A_621 = arith.constant 15 : i32
      %dma_wait3A_622 = arith.constant 0 : i32
      %dma_wait3A_623 = arith.constant 0 : i32
      %dma_wait3A_624 = tpu.memref_slice %arg9[%dma_wait3A_621, %dma_wait3A_622, %dma_wait3A_623] : memref<16x64x64xf32, #tpu.memory_space<vmem>> -> memref<1x64x64xf32, #tpu.memory_space<vmem>>
      %dma_wait3A_625 = tpu.memref_squeeze %dma_wait3A_624 : memref<1x64x64xf32, #tpu.memory_space<vmem>> -> memref<64x64xf32, #tpu.memory_space<vmem>>
      %dma_wait3A_626 = arith.constant 0 : i32
      %dma_wait3A_627 = tpu.memref_slice %arg7[%add3A_620, %dma_wait3A_626] : memref<160x64xi32, #tpu.memory_space<vmem>> -> memref<1x64xi32, #tpu.memory_space<vmem>>
      %dma_wait3A_628 = tpu.memref_squeeze %dma_wait3A_627 : memref<1x64xi32, #tpu.memory_space<vmem>> -> memref<64xi32, #tpu.memory_space<vmem>>
      %dma_wait3A_629 = arith.constant 0 : i32
      %dma_wait3A_630 = arith.constant 0 : i32
      %dma_wait3A_631 = tpu.memref_slice %arg2[%dma_wait3A_629, %dma_wait3A_630] : memref<10112x64xf32, #tpu.memory_space<hbm>> -> memref<10112x64xf32, #tpu.memory_space<hbm>>
      tpu.wait_indirect_dma semaphore(%arg12 : memref<!tpu.dma_semaphore, #tpu.memory_space<semaphore_mem>>) src(%dma_wait3A_631 : memref<10112x64xf32, #tpu.memory_space<hbm>>) dst(%dma_wait3A_625 : memref<64x64xf32, #tpu.memory_space<vmem>>)
      %add3A_632 = arith.constant 0 : i32
      %add3A_633 = arith.addi %add3A_527, %add3A_632 : i32
      %dma_start3A_634 = arith.constant 8 : i32
      %dma_start3A_635 = arith.constant 0 : i32
      %dma_start3A_636 = arith.constant 0 : i32
      %dma_start3A_637 = tpu.memref_slice %arg9[%dma_start3A_634, %dma_start3A_635, %dma_start3A_636] : memref<16x64x64xf32, #tpu.memory_space<vmem>> -> memref<1x64x64xf32, #tpu.memory_space<vmem>>
      %dma_start3A_638 = tpu.memref_squeeze %dma_start3A_637 : memref<1x64x64xf32, #tpu.memory_space<vmem>> -> memref<64x64xf32, #tpu.memory_space<vmem>>
      %dma_start3A_639 = arith.constant 0 : i32
      %dma_start3A_640 = tpu.memref_slice %arg8[%add3A_633, %dma_start3A_639] : memref<160x64xi32, #tpu.memory_space<vmem>> -> memref<1x64xi32, #tpu.memory_space<vmem>>
      %dma_start3A_641 = tpu.memref_squeeze %dma_start3A_640 : memref<1x64xi32, #tpu.memory_space<vmem>> -> memref<64xi32, #tpu.memory_space<vmem>>
      %dma_start3A_642 = arith.constant 0 : i32
      %dma_start3A_643 = arith.constant 0 : i32
      %dma_start3A_644 = tpu.memref_slice %arg10[%dma_start3A_642, %dma_start3A_643] : memref<10112x64xf32, #tpu.memory_space<vmem_shared>> -> memref<10112x64xf32, #tpu.memory_space<vmem_shared>>
      tpu.enqueue_indirect_dma source(%dma_start3A_638 : memref<64x64xf32, #tpu.memory_space<vmem>>) target(%dma_start3A_644 : memref<10112x64xf32, #tpu.memory_space<vmem_shared>>) offsets(%dma_start3A_641 : memref<64xi32, #tpu.memory_space<vmem>>) semaphore(%arg14 : memref<!tpu.dma_semaphore, #tpu.memory_space<semaphore_mem>>) {add = true}
      %add3A_645 = arith.constant 1 : i32
      %add3A_646 = arith.addi %add3A_527, %add3A_645 : i32
      %dma_start3A_647 = arith.constant 9 : i32
      %dma_start3A_648 = arith.constant 0 : i32
      %dma_start3A_649 = arith.constant 0 : i32
      %dma_start3A_650 = tpu.memref_slice %arg9[%dma_start3A_647, %dma_start3A_648, %dma_start3A_649] : memref<16x64x64xf32, #tpu.memory_space<vmem>> -> memref<1x64x64xf32, #tpu.memory_space<vmem>>
      %dma_start3A_651 = tpu.memref_squeeze %dma_start3A_650 : memref<1x64x64xf32, #tpu.memory_space<vmem>> -> memref<64x64xf32, #tpu.memory_space<vmem>>
      %dma_start3A_652 = arith.constant 0 : i32
      %dma_start3A_653 = tpu.memref_slice %arg8[%add3A_646, %dma_start3A_652] : memref<160x64xi32, #tpu.memory_space<vmem>> -> memref<1x64xi32, #tpu.memory_space<vmem>>
      %dma_start3A_654 = tpu.memref_squeeze %dma_start3A_653 : memref<1x64xi32, #tpu.memory_space<vmem>> -> memref<64xi32, #tpu.memory_space<vmem>>
      %dma_start3A_655 = arith.constant 0 : i32
      %dma_start3A_656 = arith.constant 0 : i32
      %dma_start3A_657 = tpu.memref_slice %arg10[%dma_start3A_655, %dma_start3A_656] : memref<10112x64xf32, #tpu.memory_space<vmem_shared>> -> memref<10112x64xf32, #tpu.memory_space<vmem_shared>>
      tpu.enqueue_indirect_dma source(%dma_start3A_651 : memref<64x64xf32, #tpu.memory_space<vmem>>) target(%dma_start3A_657 : memref<10112x64xf32, #tpu.memory_space<vmem_shared>>) offsets(%dma_start3A_654 : memref<64xi32, #tpu.memory_space<vmem>>) semaphore(%arg14 : memref<!tpu.dma_semaphore, #tpu.memory_space<semaphore_mem>>) {add = true}
      %add3A_658 = arith.constant 2 : i32
      %add3A_659 = arith.addi %add3A_527, %add3A_658 : i32
      %dma_start3A_660 = arith.constant 10 : i32
      %dma_start3A_661 = arith.constant 0 : i32
      %dma_start3A_662 = arith.constant 0 : i32
      %dma_start3A_663 = tpu.memref_slice %arg9[%dma_start3A_660, %dma_start3A_661, %dma_start3A_662] : memref<16x64x64xf32, #tpu.memory_space<vmem>> -> memref<1x64x64xf32, #tpu.memory_space<vmem>>
      %dma_start3A_664 = tpu.memref_squeeze %dma_start3A_663 : memref<1x64x64xf32, #tpu.memory_space<vmem>> -> memref<64x64xf32, #tpu.memory_space<vmem>>
      %dma_start3A_665 = arith.constant 0 : i32
      %dma_start3A_666 = tpu.memref_slice %arg8[%add3A_659, %dma_start3A_665] : memref<160x64xi32, #tpu.memory_space<vmem>> -> memref<1x64xi32, #tpu.memory_space<vmem>>
      %dma_start3A_667 = tpu.memref_squeeze %dma_start3A_666 : memref<1x64xi32, #tpu.memory_space<vmem>> -> memref<64xi32, #tpu.memory_space<vmem>>
      %dma_start3A_668 = arith.constant 0 : i32
      %dma_start3A_669 = arith.constant 0 : i32
      %dma_start3A_670 = tpu.memref_slice %arg10[%dma_start3A_668, %dma_start3A_669] : memref<10112x64xf32, #tpu.memory_space<vmem_shared>> -> memref<10112x64xf32, #tpu.memory_space<vmem_shared>>
      tpu.enqueue_indirect_dma source(%dma_start3A_664 : memref<64x64xf32, #tpu.memory_space<vmem>>) target(%dma_start3A_670 : memref<10112x64xf32, #tpu.memory_space<vmem_shared>>) offsets(%dma_start3A_667 : memref<64xi32, #tpu.memory_space<vmem>>) semaphore(%arg14 : memref<!tpu.dma_semaphore, #tpu.memory_space<semaphore_mem>>) {add = true}
      %add3A_671 = arith.constant 3 : i32
      %add3A_672 = arith.addi %add3A_527, %add3A_671 : i32
      %dma_start3A_673 = arith.constant 11 : i32
      %dma_start3A_674 = arith.constant 0 : i32
      %dma_start3A_675 = arith.constant 0 : i32
      %dma_start3A_676 = tpu.memref_slice %arg9[%dma_start3A_673, %dma_start3A_674, %dma_start3A_675] : memref<16x64x64xf32, #tpu.memory_space<vmem>> -> memref<1x64x64xf32, #tpu.memory_space<vmem>>
      %dma_start3A_677 = tpu.memref_squeeze %dma_start3A_676 : memref<1x64x64xf32, #tpu.memory_space<vmem>> -> memref<64x64xf32, #tpu.memory_space<vmem>>
      %dma_start3A_678 = arith.constant 0 : i32
      %dma_start3A_679 = tpu.memref_slice %arg8[%add3A_672, %dma_start3A_678] : memref<160x64xi32, #tpu.memory_space<vmem>> -> memref<1x64xi32, #tpu.memory_space<vmem>>
      %dma_start3A_680 = tpu.memref_squeeze %dma_start3A_679 : memref<1x64xi32, #tpu.memory_space<vmem>> -> memref<64xi32, #tpu.memory_space<vmem>>
      %dma_start3A_681 = arith.constant 0 : i32
      %dma_start3A_682 = arith.constant 0 : i32
      %dma_start3A_683 = tpu.memref_slice %arg10[%dma_start3A_681, %dma_start3A_682] : memref<10112x64xf32, #tpu.memory_space<vmem_shared>> -> memref<10112x64xf32, #tpu.memory_space<vmem_shared>>
      tpu.enqueue_indirect_dma source(%dma_start3A_677 : memref<64x64xf32, #tpu.memory_space<vmem>>) target(%dma_start3A_683 : memref<10112x64xf32, #tpu.memory_space<vmem_shared>>) offsets(%dma_start3A_680 : memref<64xi32, #tpu.memory_space<vmem>>) semaphore(%arg14 : memref<!tpu.dma_semaphore, #tpu.memory_space<semaphore_mem>>) {add = true}
      %add3A_684 = arith.constant 4 : i32
      %add3A_685 = arith.addi %add3A_527, %add3A_684 : i32
      %dma_start3A_686 = arith.constant 12 : i32
      %dma_start3A_687 = arith.constant 0 : i32
      %dma_start3A_688 = arith.constant 0 : i32
      %dma_start3A_689 = tpu.memref_slice %arg9[%dma_start3A_686, %dma_start3A_687, %dma_start3A_688] : memref<16x64x64xf32, #tpu.memory_space<vmem>> -> memref<1x64x64xf32, #tpu.memory_space<vmem>>
      %dma_start3A_690 = tpu.memref_squeeze %dma_start3A_689 : memref<1x64x64xf32, #tpu.memory_space<vmem>> -> memref<64x64xf32, #tpu.memory_space<vmem>>
      %dma_start3A_691 = arith.constant 0 : i32
      %dma_start3A_692 = tpu.memref_slice %arg8[%add3A_685, %dma_start3A_691] : memref<160x64xi32, #tpu.memory_space<vmem>> -> memref<1x64xi32, #tpu.memory_space<vmem>>
      %dma_start3A_693 = tpu.memref_squeeze %dma_start3A_692 : memref<1x64xi32, #tpu.memory_space<vmem>> -> memref<64xi32, #tpu.memory_space<vmem>>
      %dma_start3A_694 = arith.constant 0 : i32
      %dma_start3A_695 = arith.constant 0 : i32
      %dma_start3A_696 = tpu.memref_slice %arg10[%dma_start3A_694, %dma_start3A_695] : memref<10112x64xf32, #tpu.memory_space<vmem_shared>> -> memref<10112x64xf32, #tpu.memory_space<vmem_shared>>
      tpu.enqueue_indirect_dma source(%dma_start3A_690 : memref<64x64xf32, #tpu.memory_space<vmem>>) target(%dma_start3A_696 : memref<10112x64xf32, #tpu.memory_space<vmem_shared>>) offsets(%dma_start3A_693 : memref<64xi32, #tpu.memory_space<vmem>>) semaphore(%arg14 : memref<!tpu.dma_semaphore, #tpu.memory_space<semaphore_mem>>) {add = true}
      %add3A_697 = arith.constant 5 : i32
      %add3A_698 = arith.addi %add3A_527, %add3A_697 : i32
      %dma_start3A_699 = arith.constant 13 : i32
      %dma_start3A_700 = arith.constant 0 : i32
      %dma_start3A_701 = arith.constant 0 : i32
      %dma_start3A_702 = tpu.memref_slice %arg9[%dma_start3A_699, %dma_start3A_700, %dma_start3A_701] : memref<16x64x64xf32, #tpu.memory_space<vmem>> -> memref<1x64x64xf32, #tpu.memory_space<vmem>>
      %dma_start3A_703 = tpu.memref_squeeze %dma_start3A_702 : memref<1x64x64xf32, #tpu.memory_space<vmem>> -> memref<64x64xf32, #tpu.memory_space<vmem>>
      %dma_start3A_704 = arith.constant 0 : i32
      %dma_start3A_705 = tpu.memref_slice %arg8[%add3A_698, %dma_start3A_704] : memref<160x64xi32, #tpu.memory_space<vmem>> -> memref<1x64xi32, #tpu.memory_space<vmem>>
      %dma_start3A_706 = tpu.memref_squeeze %dma_start3A_705 : memref<1x64xi32, #tpu.memory_space<vmem>> -> memref<64xi32, #tpu.memory_space<vmem>>
      %dma_start3A_707 = arith.constant 0 : i32
      %dma_start3A_708 = arith.constant 0 : i32
      %dma_start3A_709 = tpu.memref_slice %arg10[%dma_start3A_707, %dma_start3A_708] : memref<10112x64xf32, #tpu.memory_space<vmem_shared>> -> memref<10112x64xf32, #tpu.memory_space<vmem_shared>>
      tpu.enqueue_indirect_dma source(%dma_start3A_703 : memref<64x64xf32, #tpu.memory_space<vmem>>) target(%dma_start3A_709 : memref<10112x64xf32, #tpu.memory_space<vmem_shared>>) offsets(%dma_start3A_706 : memref<64xi32, #tpu.memory_space<vmem>>) semaphore(%arg14 : memref<!tpu.dma_semaphore, #tpu.memory_space<semaphore_mem>>) {add = true}
      %add3A_710 = arith.constant 6 : i32
      %add3A_711 = arith.addi %add3A_527, %add3A_710 : i32
      %dma_start3A_712 = arith.constant 14 : i32
      %dma_start3A_713 = arith.constant 0 : i32
      %dma_start3A_714 = arith.constant 0 : i32
      %dma_start3A_715 = tpu.memref_slice %arg9[%dma_start3A_712, %dma_start3A_713, %dma_start3A_714] : memref<16x64x64xf32, #tpu.memory_space<vmem>> -> memref<1x64x64xf32, #tpu.memory_space<vmem>>
      %dma_start3A_716 = tpu.memref_squeeze %dma_start3A_715 : memref<1x64x64xf32, #tpu.memory_space<vmem>> -> memref<64x64xf32, #tpu.memory_space<vmem>>
      %dma_start3A_717 = arith.constant 0 : i32
      %dma_start3A_718 = tpu.memref_slice %arg8[%add3A_711, %dma_start3A_717] : memref<160x64xi32, #tpu.memory_space<vmem>> -> memref<1x64xi32, #tpu.memory_space<vmem>>
      %dma_start3A_719 = tpu.memref_squeeze %dma_start3A_718 : memref<1x64xi32, #tpu.memory_space<vmem>> -> memref<64xi32, #tpu.memory_space<vmem>>
      %dma_start3A_720 = arith.constant 0 : i32
      %dma_start3A_721 = arith.constant 0 : i32
      %dma_start3A_722 = tpu.memref_slice %arg10[%dma_start3A_720, %dma_start3A_721] : memref<10112x64xf32, #tpu.memory_space<vmem_shared>> -> memref<10112x64xf32, #tpu.memory_space<vmem_shared>>
      tpu.enqueue_indirect_dma source(%dma_start3A_716 : memref<64x64xf32, #tpu.memory_space<vmem>>) target(%dma_start3A_722 : memref<10112x64xf32, #tpu.memory_space<vmem_shared>>) offsets(%dma_start3A_719 : memref<64xi32, #tpu.memory_space<vmem>>) semaphore(%arg14 : memref<!tpu.dma_semaphore, #tpu.memory_space<semaphore_mem>>) {add = true}
      %add3A_723 = arith.constant 7 : i32
      %add3A_724 = arith.addi %add3A_527, %add3A_723 : i32
      %dma_start3A_725 = arith.constant 15 : i32
      %dma_start3A_726 = arith.constant 0 : i32
      %dma_start3A_727 = arith.constant 0 : i32
      %dma_start3A_728 = tpu.memref_slice %arg9[%dma_start3A_725, %dma_start3A_726, %dma_start3A_727] : memref<16x64x64xf32, #tpu.memory_space<vmem>> -> memref<1x64x64xf32, #tpu.memory_space<vmem>>
      %dma_start3A_729 = tpu.memref_squeeze %dma_start3A_728 : memref<1x64x64xf32, #tpu.memory_space<vmem>> -> memref<64x64xf32, #tpu.memory_space<vmem>>
      %dma_start3A_730 = arith.constant 0 : i32
      %dma_start3A_731 = tpu.memref_slice %arg8[%add3A_724, %dma_start3A_730] : memref<160x64xi32, #tpu.memory_space<vmem>> -> memref<1x64xi32, #tpu.memory_space<vmem>>
      %dma_start3A_732 = tpu.memref_squeeze %dma_start3A_731 : memref<1x64xi32, #tpu.memory_space<vmem>> -> memref<64xi32, #tpu.memory_space<vmem>>
      %dma_start3A_733 = arith.constant 0 : i32
      %dma_start3A_734 = arith.constant 0 : i32
      %dma_start3A_735 = tpu.memref_slice %arg10[%dma_start3A_733, %dma_start3A_734] : memref<10112x64xf32, #tpu.memory_space<vmem_shared>> -> memref<10112x64xf32, #tpu.memory_space<vmem_shared>>
      tpu.enqueue_indirect_dma source(%dma_start3A_729 : memref<64x64xf32, #tpu.memory_space<vmem>>) target(%dma_start3A_735 : memref<10112x64xf32, #tpu.memory_space<vmem_shared>>) offsets(%dma_start3A_732 : memref<64xi32, #tpu.memory_space<vmem>>) semaphore(%arg14 : memref<!tpu.dma_semaphore, #tpu.memory_space<semaphore_mem>>) {add = true}
      %add3A_736 = arith.constant 0 : i32
      %add3A_737 = arith.addi %add3A_527, %add3A_736 : i32
      %dma_wait3A_738 = arith.constant 8 : i32
      %dma_wait3A_739 = arith.constant 0 : i32
      %dma_wait3A_740 = arith.constant 0 : i32
      %dma_wait3A_741 = tpu.memref_slice %arg9[%dma_wait3A_738, %dma_wait3A_739, %dma_wait3A_740] : memref<16x64x64xf32, #tpu.memory_space<vmem>> -> memref<1x64x64xf32, #tpu.memory_space<vmem>>
      %dma_wait3A_742 = tpu.memref_squeeze %dma_wait3A_741 : memref<1x64x64xf32, #tpu.memory_space<vmem>> -> memref<64x64xf32, #tpu.memory_space<vmem>>
      %dma_wait3A_743 = arith.constant 0 : i32
      %dma_wait3A_744 = tpu.memref_slice %arg8[%add3A_737, %dma_wait3A_743] : memref<160x64xi32, #tpu.memory_space<vmem>> -> memref<1x64xi32, #tpu.memory_space<vmem>>
      %dma_wait3A_745 = tpu.memref_squeeze %dma_wait3A_744 : memref<1x64xi32, #tpu.memory_space<vmem>> -> memref<64xi32, #tpu.memory_space<vmem>>
      %dma_wait3A_746 = arith.constant 0 : i32
      %dma_wait3A_747 = arith.constant 0 : i32
      %dma_wait3A_748 = tpu.memref_slice %arg10[%dma_wait3A_746, %dma_wait3A_747] : memref<10112x64xf32, #tpu.memory_space<vmem_shared>> -> memref<10112x64xf32, #tpu.memory_space<vmem_shared>>
      tpu.wait_indirect_dma semaphore(%arg14 : memref<!tpu.dma_semaphore, #tpu.memory_space<semaphore_mem>>) src(%dma_wait3A_742 : memref<64x64xf32, #tpu.memory_space<vmem>>) dst(%dma_wait3A_748 : memref<10112x64xf32, #tpu.memory_space<vmem_shared>>)
      %add3A_749 = arith.constant 1 : i32
      %add3A_750 = arith.addi %add3A_527, %add3A_749 : i32
      %dma_wait3A_751 = arith.constant 9 : i32
      %dma_wait3A_752 = arith.constant 0 : i32
      %dma_wait3A_753 = arith.constant 0 : i32
      %dma_wait3A_754 = tpu.memref_slice %arg9[%dma_wait3A_751, %dma_wait3A_752, %dma_wait3A_753] : memref<16x64x64xf32, #tpu.memory_space<vmem>> -> memref<1x64x64xf32, #tpu.memory_space<vmem>>
      %dma_wait3A_755 = tpu.memref_squeeze %dma_wait3A_754 : memref<1x64x64xf32, #tpu.memory_space<vmem>> -> memref<64x64xf32, #tpu.memory_space<vmem>>
      %dma_wait3A_756 = arith.constant 0 : i32
      %dma_wait3A_757 = tpu.memref_slice %arg8[%add3A_750, %dma_wait3A_756] : memref<160x64xi32, #tpu.memory_space<vmem>> -> memref<1x64xi32, #tpu.memory_space<vmem>>
      %dma_wait3A_758 = tpu.memref_squeeze %dma_wait3A_757 : memref<1x64xi32, #tpu.memory_space<vmem>> -> memref<64xi32, #tpu.memory_space<vmem>>
      %dma_wait3A_759 = arith.constant 0 : i32
      %dma_wait3A_760 = arith.constant 0 : i32
      %dma_wait3A_761 = tpu.memref_slice %arg10[%dma_wait3A_759, %dma_wait3A_760] : memref<10112x64xf32, #tpu.memory_space<vmem_shared>> -> memref<10112x64xf32, #tpu.memory_space<vmem_shared>>
      tpu.wait_indirect_dma semaphore(%arg14 : memref<!tpu.dma_semaphore, #tpu.memory_space<semaphore_mem>>) src(%dma_wait3A_755 : memref<64x64xf32, #tpu.memory_space<vmem>>) dst(%dma_wait3A_761 : memref<10112x64xf32, #tpu.memory_space<vmem_shared>>)
      %add3A_762 = arith.constant 2 : i32
      %add3A_763 = arith.addi %add3A_527, %add3A_762 : i32
      %dma_wait3A_764 = arith.constant 10 : i32
      %dma_wait3A_765 = arith.constant 0 : i32
      %dma_wait3A_766 = arith.constant 0 : i32
      %dma_wait3A_767 = tpu.memref_slice %arg9[%dma_wait3A_764, %dma_wait3A_765, %dma_wait3A_766] : memref<16x64x64xf32, #tpu.memory_space<vmem>> -> memref<1x64x64xf32, #tpu.memory_space<vmem>>
      %dma_wait3A_768 = tpu.memref_squeeze %dma_wait3A_767 : memref<1x64x64xf32, #tpu.memory_space<vmem>> -> memref<64x64xf32, #tpu.memory_space<vmem>>
      %dma_wait3A_769 = arith.constant 0 : i32
      %dma_wait3A_770 = tpu.memref_slice %arg8[%add3A_763, %dma_wait3A_769] : memref<160x64xi32, #tpu.memory_space<vmem>> -> memref<1x64xi32, #tpu.memory_space<vmem>>
      %dma_wait3A_771 = tpu.memref_squeeze %dma_wait3A_770 : memref<1x64xi32, #tpu.memory_space<vmem>> -> memref<64xi32, #tpu.memory_space<vmem>>
      %dma_wait3A_772 = arith.constant 0 : i32
      %dma_wait3A_773 = arith.constant 0 : i32
      %dma_wait3A_774 = tpu.memref_slice %arg10[%dma_wait3A_772, %dma_wait3A_773] : memref<10112x64xf32, #tpu.memory_space<vmem_shared>> -> memref<10112x64xf32, #tpu.memory_space<vmem_shared>>
      tpu.wait_indirect_dma semaphore(%arg14 : memref<!tpu.dma_semaphore, #tpu.memory_space<semaphore_mem>>) src(%dma_wait3A_768 : memref<64x64xf32, #tpu.memory_space<vmem>>) dst(%dma_wait3A_774 : memref<10112x64xf32, #tpu.memory_space<vmem_shared>>)
      %add3A_775 = arith.constant 3 : i32
      %add3A_776 = arith.addi %add3A_527, %add3A_775 : i32
      %dma_wait3A_777 = arith.constant 11 : i32
      %dma_wait3A_778 = arith.constant 0 : i32
      %dma_wait3A_779 = arith.constant 0 : i32
      %dma_wait3A_780 = tpu.memref_slice %arg9[%dma_wait3A_777, %dma_wait3A_778, %dma_wait3A_779] : memref<16x64x64xf32, #tpu.memory_space<vmem>> -> memref<1x64x64xf32, #tpu.memory_space<vmem>>
      %dma_wait3A_781 = tpu.memref_squeeze %dma_wait3A_780 : memref<1x64x64xf32, #tpu.memory_space<vmem>> -> memref<64x64xf32, #tpu.memory_space<vmem>>
      %dma_wait3A_782 = arith.constant 0 : i32
      %dma_wait3A_783 = tpu.memref_slice %arg8[%add3A_776, %dma_wait3A_782] : memref<160x64xi32, #tpu.memory_space<vmem>> -> memref<1x64xi32, #tpu.memory_space<vmem>>
      %dma_wait3A_784 = tpu.memref_squeeze %dma_wait3A_783 : memref<1x64xi32, #tpu.memory_space<vmem>> -> memref<64xi32, #tpu.memory_space<vmem>>
      %dma_wait3A_785 = arith.constant 0 : i32
      %dma_wait3A_786 = arith.constant 0 : i32
      %dma_wait3A_787 = tpu.memref_slice %arg10[%dma_wait3A_785, %dma_wait3A_786] : memref<10112x64xf32, #tpu.memory_space<vmem_shared>> -> memref<10112x64xf32, #tpu.memory_space<vmem_shared>>
      tpu.wait_indirect_dma semaphore(%arg14 : memref<!tpu.dma_semaphore, #tpu.memory_space<semaphore_mem>>) src(%dma_wait3A_781 : memref<64x64xf32, #tpu.memory_space<vmem>>) dst(%dma_wait3A_787 : memref<10112x64xf32, #tpu.memory_space<vmem_shared>>)
      %add3A_788 = arith.constant 4 : i32
      %add3A_789 = arith.addi %add3A_527, %add3A_788 : i32
      %dma_wait3A_790 = arith.constant 12 : i32
      %dma_wait3A_791 = arith.constant 0 : i32
      %dma_wait3A_792 = arith.constant 0 : i32
      %dma_wait3A_793 = tpu.memref_slice %arg9[%dma_wait3A_790, %dma_wait3A_791, %dma_wait3A_792] : memref<16x64x64xf32, #tpu.memory_space<vmem>> -> memref<1x64x64xf32, #tpu.memory_space<vmem>>
      %dma_wait3A_794 = tpu.memref_squeeze %dma_wait3A_793 : memref<1x64x64xf32, #tpu.memory_space<vmem>> -> memref<64x64xf32, #tpu.memory_space<vmem>>
      %dma_wait3A_795 = arith.constant 0 : i32
      %dma_wait3A_796 = tpu.memref_slice %arg8[%add3A_789, %dma_wait3A_795] : memref<160x64xi32, #tpu.memory_space<vmem>> -> memref<1x64xi32, #tpu.memory_space<vmem>>
      %dma_wait3A_797 = tpu.memref_squeeze %dma_wait3A_796 : memref<1x64xi32, #tpu.memory_space<vmem>> -> memref<64xi32, #tpu.memory_space<vmem>>
      %dma_wait3A_798 = arith.constant 0 : i32
      %dma_wait3A_799 = arith.constant 0 : i32
      %dma_wait3A_800 = tpu.memref_slice %arg10[%dma_wait3A_798, %dma_wait3A_799] : memref<10112x64xf32, #tpu.memory_space<vmem_shared>> -> memref<10112x64xf32, #tpu.memory_space<vmem_shared>>
      tpu.wait_indirect_dma semaphore(%arg14 : memref<!tpu.dma_semaphore, #tpu.memory_space<semaphore_mem>>) src(%dma_wait3A_794 : memref<64x64xf32, #tpu.memory_space<vmem>>) dst(%dma_wait3A_800 : memref<10112x64xf32, #tpu.memory_space<vmem_shared>>)
      %add3A_801 = arith.constant 5 : i32
      %add3A_802 = arith.addi %add3A_527, %add3A_801 : i32
      %dma_wait3A_803 = arith.constant 13 : i32
      %dma_wait3A_804 = arith.constant 0 : i32
      %dma_wait3A_805 = arith.constant 0 : i32
      %dma_wait3A_806 = tpu.memref_slice %arg9[%dma_wait3A_803, %dma_wait3A_804, %dma_wait3A_805] : memref<16x64x64xf32, #tpu.memory_space<vmem>> -> memref<1x64x64xf32, #tpu.memory_space<vmem>>
      %dma_wait3A_807 = tpu.memref_squeeze %dma_wait3A_806 : memref<1x64x64xf32, #tpu.memory_space<vmem>> -> memref<64x64xf32, #tpu.memory_space<vmem>>
      %dma_wait3A_808 = arith.constant 0 : i32
      %dma_wait3A_809 = tpu.memref_slice %arg8[%add3A_802, %dma_wait3A_808] : memref<160x64xi32, #tpu.memory_space<vmem>> -> memref<1x64xi32, #tpu.memory_space<vmem>>
      %dma_wait3A_810 = tpu.memref_squeeze %dma_wait3A_809 : memref<1x64xi32, #tpu.memory_space<vmem>> -> memref<64xi32, #tpu.memory_space<vmem>>
      %dma_wait3A_811 = arith.constant 0 : i32
      %dma_wait3A_812 = arith.constant 0 : i32
      %dma_wait3A_813 = tpu.memref_slice %arg10[%dma_wait3A_811, %dma_wait3A_812] : memref<10112x64xf32, #tpu.memory_space<vmem_shared>> -> memref<10112x64xf32, #tpu.memory_space<vmem_shared>>
      tpu.wait_indirect_dma semaphore(%arg14 : memref<!tpu.dma_semaphore, #tpu.memory_space<semaphore_mem>>) src(%dma_wait3A_807 : memref<64x64xf32, #tpu.memory_space<vmem>>) dst(%dma_wait3A_813 : memref<10112x64xf32, #tpu.memory_space<vmem_shared>>)
      %add3A_814 = arith.constant 6 : i32
      %add3A_815 = arith.addi %add3A_527, %add3A_814 : i32
      %dma_wait3A_816 = arith.constant 14 : i32
      %dma_wait3A_817 = arith.constant 0 : i32
      %dma_wait3A_818 = arith.constant 0 : i32
      %dma_wait3A_819 = tpu.memref_slice %arg9[%dma_wait3A_816, %dma_wait3A_817, %dma_wait3A_818] : memref<16x64x64xf32, #tpu.memory_space<vmem>> -> memref<1x64x64xf32, #tpu.memory_space<vmem>>
      %dma_wait3A_820 = tpu.memref_squeeze %dma_wait3A_819 : memref<1x64x64xf32, #tpu.memory_space<vmem>> -> memref<64x64xf32, #tpu.memory_space<vmem>>
      %dma_wait3A_821 = arith.constant 0 : i32
      %dma_wait3A_822 = tpu.memref_slice %arg8[%add3A_815, %dma_wait3A_821] : memref<160x64xi32, #tpu.memory_space<vmem>> -> memref<1x64xi32, #tpu.memory_space<vmem>>
      %dma_wait3A_823 = tpu.memref_squeeze %dma_wait3A_822 : memref<1x64xi32, #tpu.memory_space<vmem>> -> memref<64xi32, #tpu.memory_space<vmem>>
      %dma_wait3A_824 = arith.constant 0 : i32
      %dma_wait3A_825 = arith.constant 0 : i32
      %dma_wait3A_826 = tpu.memref_slice %arg10[%dma_wait3A_824, %dma_wait3A_825] : memref<10112x64xf32, #tpu.memory_space<vmem_shared>> -> memref<10112x64xf32, #tpu.memory_space<vmem_shared>>
      tpu.wait_indirect_dma semaphore(%arg14 : memref<!tpu.dma_semaphore, #tpu.memory_space<semaphore_mem>>) src(%dma_wait3A_820 : memref<64x64xf32, #tpu.memory_space<vmem>>) dst(%dma_wait3A_826 : memref<10112x64xf32, #tpu.memory_space<vmem_shared>>)
      %add3A_827 = arith.constant 7 : i32
      %add3A_828 = arith.addi %add3A_527, %add3A_827 : i32
      %dma_wait3A_829 = arith.constant 15 : i32
      %dma_wait3A_830 = arith.constant 0 : i32
      %dma_wait3A_831 = arith.constant 0 : i32
      %dma_wait3A_832 = tpu.memref_slice %arg9[%dma_wait3A_829, %dma_wait3A_830, %dma_wait3A_831] : memref<16x64x64xf32, #tpu.memory_space<vmem>> -> memref<1x64x64xf32, #tpu.memory_space<vmem>>
      %dma_wait3A_833 = tpu.memref_squeeze %dma_wait3A_832 : memref<1x64x64xf32, #tpu.memory_space<vmem>> -> memref<64x64xf32, #tpu.memory_space<vmem>>
      %dma_wait3A_834 = arith.constant 0 : i32
      %dma_wait3A_835 = tpu.memref_slice %arg8[%add3A_828, %dma_wait3A_834] : memref<160x64xi32, #tpu.memory_space<vmem>> -> memref<1x64xi32, #tpu.memory_space<vmem>>
      %dma_wait3A_836 = tpu.memref_squeeze %dma_wait3A_835 : memref<1x64xi32, #tpu.memory_space<vmem>> -> memref<64xi32, #tpu.memory_space<vmem>>
      %dma_wait3A_837 = arith.constant 0 : i32
      %dma_wait3A_838 = arith.constant 0 : i32
      %dma_wait3A_839 = tpu.memref_slice %arg10[%dma_wait3A_837, %dma_wait3A_838] : memref<10112x64xf32, #tpu.memory_space<vmem_shared>> -> memref<10112x64xf32, #tpu.memory_space<vmem_shared>>
      tpu.wait_indirect_dma semaphore(%arg14 : memref<!tpu.dma_semaphore, #tpu.memory_space<semaphore_mem>>) src(%dma_wait3A_833 : memref<64x64xf32, #tpu.memory_space<vmem>>) dst(%dma_wait3A_839 : memref<10112x64xf32, #tpu.memory_space<vmem_shared>>)
      %add3A_840 = arith.constant 16 : i32
      %add3A_841 = arith.addi %add3A_527, %add3A_840 : i32
      %lt3A_842 = arith.constant 160 : i32
      %lt3A_843 = arith.cmpi slt, %add3A_841, %lt3A_842 : i32
      %convert_element_type3A_844 = arith.extui %lt3A_843 : i1 to i32
      %cond3A_845 = arith.constant 0 : i32
      %cond3A_846 = arith.cmpi ne, %convert_element_type3A_844, %cond3A_845 : i32
      scf.if %cond3A_846 {
        %add3A_847 = arith.constant 16 : i32
        %add3A_848 = arith.addi %add3A_527, %add3A_847 : i32
        %add3A_849 = arith.constant 0 : i32
        %add3A_850 = arith.addi %add3A_848, %add3A_849 : i32
        %dma_start3A_851 = arith.constant 8 : i32
        %dma_start3A_852 = arith.constant 0 : i32
        %dma_start3A_853 = arith.constant 0 : i32
        %dma_start3A_854 = tpu.memref_slice %arg9[%dma_start3A_851, %dma_start3A_852, %dma_start3A_853] : memref<16x64x64xf32, #tpu.memory_space<vmem>> -> memref<1x64x64xf32, #tpu.memory_space<vmem>>
        %dma_start3A_855 = tpu.memref_squeeze %dma_start3A_854 : memref<1x64x64xf32, #tpu.memory_space<vmem>> -> memref<64x64xf32, #tpu.memory_space<vmem>>
        %dma_start3A_856 = arith.constant 0 : i32
        %dma_start3A_857 = tpu.memref_slice %arg7[%add3A_850, %dma_start3A_856] : memref<160x64xi32, #tpu.memory_space<vmem>> -> memref<1x64xi32, #tpu.memory_space<vmem>>
        %dma_start3A_858 = tpu.memref_squeeze %dma_start3A_857 : memref<1x64xi32, #tpu.memory_space<vmem>> -> memref<64xi32, #tpu.memory_space<vmem>>
        %dma_start3A_859 = arith.constant 0 : i32
        %dma_start3A_860 = arith.constant 0 : i32
        %dma_start3A_861 = tpu.memref_slice %arg2[%dma_start3A_859, %dma_start3A_860] : memref<10112x64xf32, #tpu.memory_space<hbm>> -> memref<10112x64xf32, #tpu.memory_space<hbm>>
        tpu.enqueue_indirect_dma source(%dma_start3A_861 : memref<10112x64xf32, #tpu.memory_space<hbm>>) target(%dma_start3A_855 : memref<64x64xf32, #tpu.memory_space<vmem>>) offsets(%dma_start3A_858 : memref<64xi32, #tpu.memory_space<vmem>>) semaphore(%arg12 : memref<!tpu.dma_semaphore, #tpu.memory_space<semaphore_mem>>)
        %add3A_862 = arith.constant 16 : i32
        %add3A_863 = arith.addi %add3A_527, %add3A_862 : i32
        %add3A_864 = arith.constant 1 : i32
        %add3A_865 = arith.addi %add3A_863, %add3A_864 : i32
        %dma_start3A_866 = arith.constant 9 : i32
        %dma_start3A_867 = arith.constant 0 : i32
        %dma_start3A_868 = arith.constant 0 : i32
        %dma_start3A_869 = tpu.memref_slice %arg9[%dma_start3A_866, %dma_start3A_867, %dma_start3A_868] : memref<16x64x64xf32, #tpu.memory_space<vmem>> -> memref<1x64x64xf32, #tpu.memory_space<vmem>>
        %dma_start3A_870 = tpu.memref_squeeze %dma_start3A_869 : memref<1x64x64xf32, #tpu.memory_space<vmem>> -> memref<64x64xf32, #tpu.memory_space<vmem>>
        %dma_start3A_871 = arith.constant 0 : i32
        %dma_start3A_872 = tpu.memref_slice %arg7[%add3A_865, %dma_start3A_871] : memref<160x64xi32, #tpu.memory_space<vmem>> -> memref<1x64xi32, #tpu.memory_space<vmem>>
        %dma_start3A_873 = tpu.memref_squeeze %dma_start3A_872 : memref<1x64xi32, #tpu.memory_space<vmem>> -> memref<64xi32, #tpu.memory_space<vmem>>
        %dma_start3A_874 = arith.constant 0 : i32
        %dma_start3A_875 = arith.constant 0 : i32
        %dma_start3A_876 = tpu.memref_slice %arg2[%dma_start3A_874, %dma_start3A_875] : memref<10112x64xf32, #tpu.memory_space<hbm>> -> memref<10112x64xf32, #tpu.memory_space<hbm>>
        tpu.enqueue_indirect_dma source(%dma_start3A_876 : memref<10112x64xf32, #tpu.memory_space<hbm>>) target(%dma_start3A_870 : memref<64x64xf32, #tpu.memory_space<vmem>>) offsets(%dma_start3A_873 : memref<64xi32, #tpu.memory_space<vmem>>) semaphore(%arg12 : memref<!tpu.dma_semaphore, #tpu.memory_space<semaphore_mem>>)
        %add3A_877 = arith.constant 16 : i32
        %add3A_878 = arith.addi %add3A_527, %add3A_877 : i32
        %add3A_879 = arith.constant 2 : i32
        %add3A_880 = arith.addi %add3A_878, %add3A_879 : i32
        %dma_start3A_881 = arith.constant 10 : i32
        %dma_start3A_882 = arith.constant 0 : i32
        %dma_start3A_883 = arith.constant 0 : i32
        %dma_start3A_884 = tpu.memref_slice %arg9[%dma_start3A_881, %dma_start3A_882, %dma_start3A_883] : memref<16x64x64xf32, #tpu.memory_space<vmem>> -> memref<1x64x64xf32, #tpu.memory_space<vmem>>
        %dma_start3A_885 = tpu.memref_squeeze %dma_start3A_884 : memref<1x64x64xf32, #tpu.memory_space<vmem>> -> memref<64x64xf32, #tpu.memory_space<vmem>>
        %dma_start3A_886 = arith.constant 0 : i32
        %dma_start3A_887 = tpu.memref_slice %arg7[%add3A_880, %dma_start3A_886] : memref<160x64xi32, #tpu.memory_space<vmem>> -> memref<1x64xi32, #tpu.memory_space<vmem>>
        %dma_start3A_888 = tpu.memref_squeeze %dma_start3A_887 : memref<1x64xi32, #tpu.memory_space<vmem>> -> memref<64xi32, #tpu.memory_space<vmem>>
        %dma_start3A_889 = arith.constant 0 : i32
        %dma_start3A_890 = arith.constant 0 : i32
        %dma_start3A_891 = tpu.memref_slice %arg2[%dma_start3A_889, %dma_start3A_890] : memref<10112x64xf32, #tpu.memory_space<hbm>> -> memref<10112x64xf32, #tpu.memory_space<hbm>>
        tpu.enqueue_indirect_dma source(%dma_start3A_891 : memref<10112x64xf32, #tpu.memory_space<hbm>>) target(%dma_start3A_885 : memref<64x64xf32, #tpu.memory_space<vmem>>) offsets(%dma_start3A_888 : memref<64xi32, #tpu.memory_space<vmem>>) semaphore(%arg12 : memref<!tpu.dma_semaphore, #tpu.memory_space<semaphore_mem>>)
        %add3A_892 = arith.constant 16 : i32
        %add3A_893 = arith.addi %add3A_527, %add3A_892 : i32
        %add3A_894 = arith.constant 3 : i32
        %add3A_895 = arith.addi %add3A_893, %add3A_894 : i32
        %dma_start3A_896 = arith.constant 11 : i32
        %dma_start3A_897 = arith.constant 0 : i32
        %dma_start3A_898 = arith.constant 0 : i32
        %dma_start3A_899 = tpu.memref_slice %arg9[%dma_start3A_896, %dma_start3A_897, %dma_start3A_898] : memref<16x64x64xf32, #tpu.memory_space<vmem>> -> memref<1x64x64xf32, #tpu.memory_space<vmem>>
        %dma_start3A_900 = tpu.memref_squeeze %dma_start3A_899 : memref<1x64x64xf32, #tpu.memory_space<vmem>> -> memref<64x64xf32, #tpu.memory_space<vmem>>
        %dma_start3A_901 = arith.constant 0 : i32
        %dma_start3A_902 = tpu.memref_slice %arg7[%add3A_895, %dma_start3A_901] : memref<160x64xi32, #tpu.memory_space<vmem>> -> memref<1x64xi32, #tpu.memory_space<vmem>>
        %dma_start3A_903 = tpu.memref_squeeze %dma_start3A_902 : memref<1x64xi32, #tpu.memory_space<vmem>> -> memref<64xi32, #tpu.memory_space<vmem>>
        %dma_start3A_904 = arith.constant 0 : i32
        %dma_start3A_905 = arith.constant 0 : i32
        %dma_start3A_906 = tpu.memref_slice %arg2[%dma_start3A_904, %dma_start3A_905] : memref<10112x64xf32, #tpu.memory_space<hbm>> -> memref<10112x64xf32, #tpu.memory_space<hbm>>
        tpu.enqueue_indirect_dma source(%dma_start3A_906 : memref<10112x64xf32, #tpu.memory_space<hbm>>) target(%dma_start3A_900 : memref<64x64xf32, #tpu.memory_space<vmem>>) offsets(%dma_start3A_903 : memref<64xi32, #tpu.memory_space<vmem>>) semaphore(%arg12 : memref<!tpu.dma_semaphore, #tpu.memory_space<semaphore_mem>>)
        %add3A_907 = arith.constant 16 : i32
        %add3A_908 = arith.addi %add3A_527, %add3A_907 : i32
        %add3A_909 = arith.constant 4 : i32
        %add3A_910 = arith.addi %add3A_908, %add3A_909 : i32
        %dma_start3A_911 = arith.constant 12 : i32
        %dma_start3A_912 = arith.constant 0 : i32
        %dma_start3A_913 = arith.constant 0 : i32
        %dma_start3A_914 = tpu.memref_slice %arg9[%dma_start3A_911, %dma_start3A_912, %dma_start3A_913] : memref<16x64x64xf32, #tpu.memory_space<vmem>> -> memref<1x64x64xf32, #tpu.memory_space<vmem>>
        %dma_start3A_915 = tpu.memref_squeeze %dma_start3A_914 : memref<1x64x64xf32, #tpu.memory_space<vmem>> -> memref<64x64xf32, #tpu.memory_space<vmem>>
        %dma_start3A_916 = arith.constant 0 : i32
        %dma_start3A_917 = tpu.memref_slice %arg7[%add3A_910, %dma_start3A_916] : memref<160x64xi32, #tpu.memory_space<vmem>> -> memref<1x64xi32, #tpu.memory_space<vmem>>
        %dma_start3A_918 = tpu.memref_squeeze %dma_start3A_917 : memref<1x64xi32, #tpu.memory_space<vmem>> -> memref<64xi32, #tpu.memory_space<vmem>>
        %dma_start3A_919 = arith.constant 0 : i32
        %dma_start3A_920 = arith.constant 0 : i32
        %dma_start3A_921 = tpu.memref_slice %arg2[%dma_start3A_919, %dma_start3A_920] : memref<10112x64xf32, #tpu.memory_space<hbm>> -> memref<10112x64xf32, #tpu.memory_space<hbm>>
        tpu.enqueue_indirect_dma source(%dma_start3A_921 : memref<10112x64xf32, #tpu.memory_space<hbm>>) target(%dma_start3A_915 : memref<64x64xf32, #tpu.memory_space<vmem>>) offsets(%dma_start3A_918 : memref<64xi32, #tpu.memory_space<vmem>>) semaphore(%arg12 : memref<!tpu.dma_semaphore, #tpu.memory_space<semaphore_mem>>)
        %add3A_922 = arith.constant 16 : i32
        %add3A_923 = arith.addi %add3A_527, %add3A_922 : i32
        %add3A_924 = arith.constant 5 : i32
        %add3A_925 = arith.addi %add3A_923, %add3A_924 : i32
        %dma_start3A_926 = arith.constant 13 : i32
        %dma_start3A_927 = arith.constant 0 : i32
        %dma_start3A_928 = arith.constant 0 : i32
        %dma_start3A_929 = tpu.memref_slice %arg9[%dma_start3A_926, %dma_start3A_927, %dma_start3A_928] : memref<16x64x64xf32, #tpu.memory_space<vmem>> -> memref<1x64x64xf32, #tpu.memory_space<vmem>>
        %dma_start3A_930 = tpu.memref_squeeze %dma_start3A_929 : memref<1x64x64xf32, #tpu.memory_space<vmem>> -> memref<64x64xf32, #tpu.memory_space<vmem>>
        %dma_start3A_931 = arith.constant 0 : i32
        %dma_start3A_932 = tpu.memref_slice %arg7[%add3A_925, %dma_start3A_931] : memref<160x64xi32, #tpu.memory_space<vmem>> -> memref<1x64xi32, #tpu.memory_space<vmem>>
        %dma_start3A_933 = tpu.memref_squeeze %dma_start3A_932 : memref<1x64xi32, #tpu.memory_space<vmem>> -> memref<64xi32, #tpu.memory_space<vmem>>
        %dma_start3A_934 = arith.constant 0 : i32
        %dma_start3A_935 = arith.constant 0 : i32
        %dma_start3A_936 = tpu.memref_slice %arg2[%dma_start3A_934, %dma_start3A_935] : memref<10112x64xf32, #tpu.memory_space<hbm>> -> memref<10112x64xf32, #tpu.memory_space<hbm>>
        tpu.enqueue_indirect_dma source(%dma_start3A_936 : memref<10112x64xf32, #tpu.memory_space<hbm>>) target(%dma_start3A_930 : memref<64x64xf32, #tpu.memory_space<vmem>>) offsets(%dma_start3A_933 : memref<64xi32, #tpu.memory_space<vmem>>) semaphore(%arg12 : memref<!tpu.dma_semaphore, #tpu.memory_space<semaphore_mem>>)
        %add3A_937 = arith.constant 16 : i32
        %add3A_938 = arith.addi %add3A_527, %add3A_937 : i32
        %add3A_939 = arith.constant 6 : i32
        %add3A_940 = arith.addi %add3A_938, %add3A_939 : i32
        %dma_start3A_941 = arith.constant 14 : i32
        %dma_start3A_942 = arith.constant 0 : i32
        %dma_start3A_943 = arith.constant 0 : i32
        %dma_start3A_944 = tpu.memref_slice %arg9[%dma_start3A_941, %dma_start3A_942, %dma_start3A_943] : memref<16x64x64xf32, #tpu.memory_space<vmem>> -> memref<1x64x64xf32, #tpu.memory_space<vmem>>
        %dma_start3A_945 = tpu.memref_squeeze %dma_start3A_944 : memref<1x64x64xf32, #tpu.memory_space<vmem>> -> memref<64x64xf32, #tpu.memory_space<vmem>>
        %dma_start3A_946 = arith.constant 0 : i32
        %dma_start3A_947 = tpu.memref_slice %arg7[%add3A_940, %dma_start3A_946] : memref<160x64xi32, #tpu.memory_space<vmem>> -> memref<1x64xi32, #tpu.memory_space<vmem>>
        %dma_start3A_948 = tpu.memref_squeeze %dma_start3A_947 : memref<1x64xi32, #tpu.memory_space<vmem>> -> memref<64xi32, #tpu.memory_space<vmem>>
        %dma_start3A_949 = arith.constant 0 : i32
        %dma_start3A_950 = arith.constant 0 : i32
        %dma_start3A_951 = tpu.memref_slice %arg2[%dma_start3A_949, %dma_start3A_950] : memref<10112x64xf32, #tpu.memory_space<hbm>> -> memref<10112x64xf32, #tpu.memory_space<hbm>>
        tpu.enqueue_indirect_dma source(%dma_start3A_951 : memref<10112x64xf32, #tpu.memory_space<hbm>>) target(%dma_start3A_945 : memref<64x64xf32, #tpu.memory_space<vmem>>) offsets(%dma_start3A_948 : memref<64xi32, #tpu.memory_space<vmem>>) semaphore(%arg12 : memref<!tpu.dma_semaphore, #tpu.memory_space<semaphore_mem>>)
        %add3A_952 = arith.constant 16 : i32
        %add3A_953 = arith.addi %add3A_527, %add3A_952 : i32
        %add3A_954 = arith.constant 7 : i32
        %add3A_955 = arith.addi %add3A_953, %add3A_954 : i32
        %dma_start3A_956 = arith.constant 15 : i32
        %dma_start3A_957 = arith.constant 0 : i32
        %dma_start3A_958 = arith.constant 0 : i32
        %dma_start3A_959 = tpu.memref_slice %arg9[%dma_start3A_956, %dma_start3A_957, %dma_start3A_958] : memref<16x64x64xf32, #tpu.memory_space<vmem>> -> memref<1x64x64xf32, #tpu.memory_space<vmem>>
        %dma_start3A_960 = tpu.memref_squeeze %dma_start3A_959 : memref<1x64x64xf32, #tpu.memory_space<vmem>> -> memref<64x64xf32, #tpu.memory_space<vmem>>
        %dma_start3A_961 = arith.constant 0 : i32
        %dma_start3A_962 = tpu.memref_slice %arg7[%add3A_955, %dma_start3A_961] : memref<160x64xi32, #tpu.memory_space<vmem>> -> memref<1x64xi32, #tpu.memory_space<vmem>>
        %dma_start3A_963 = tpu.memref_squeeze %dma_start3A_962 : memref<1x64xi32, #tpu.memory_space<vmem>> -> memref<64xi32, #tpu.memory_space<vmem>>
        %dma_start3A_964 = arith.constant 0 : i32
        %dma_start3A_965 = arith.constant 0 : i32
        %dma_start3A_966 = tpu.memref_slice %arg2[%dma_start3A_964, %dma_start3A_965] : memref<10112x64xf32, #tpu.memory_space<hbm>> -> memref<10112x64xf32, #tpu.memory_space<hbm>>
        tpu.enqueue_indirect_dma source(%dma_start3A_966 : memref<10112x64xf32, #tpu.memory_space<hbm>>) target(%dma_start3A_960 : memref<64x64xf32, #tpu.memory_space<vmem>>) offsets(%dma_start3A_963 : memref<64xi32, #tpu.memory_space<vmem>>) semaphore(%arg12 : memref<!tpu.dma_semaphore, #tpu.memory_space<semaphore_mem>>)
      } else {
      }
    }
    %scan3A_200 = arith.constant 10 : i32
    %barrier3A_201 = arith.constant 0 : index
    tpu.barrier barrier_id(%barrier3A_201)
    %mul3A_202 = arith.constant 632 : i32
    %mul3A_203 = arith.muli %arg1, %mul3A_202 : i32
    %mul3A_204 = arith.constant 632 : i32
    %mul3A_205 = arith.muli %arg1, %mul3A_204 : i32
    "tpu.region"() ({
      %run_scoped3A = tpu.sem_alloc : memref<!tpu.dma_semaphore, #tpu.memory_space<semaphore_mem>>
      %dma_start3A_206 = arith.constant 0 : i32
      %dma_start3A_207 = tpu.memref_slice %arg6[%arg0, %mul3A_205, %dma_start3A_206] : memref<2x10112x64xf32, #tpu.memory_space<hbm>> -> memref<1x632x64xf32, #tpu.memory_space<hbm>>
      %dma_start3A_208 = tpu.memref_squeeze %dma_start3A_207 : memref<1x632x64xf32, #tpu.memory_space<hbm>> -> memref<632x64xf32, #tpu.memory_space<hbm>>
      %dma_start3A_209 = arith.constant 0 : i32
      %dma_start3A_210 = tpu.memref_slice %arg10[%mul3A_203, %dma_start3A_209] : memref<10112x64xf32, #tpu.memory_space<vmem_shared>> -> memref<632x64xf32, #tpu.memory_space<vmem_shared>>
      tpu.enqueue_dma source(%dma_start3A_210 : memref<632x64xf32, #tpu.memory_space<vmem_shared>>) target(%dma_start3A_208 : memref<632x64xf32, #tpu.memory_space<hbm>>) target_semaphore(%run_scoped3A : memref<!tpu.dma_semaphore, #tpu.memory_space<semaphore_mem>>)
      %dma_wait3A = arith.constant 0 : i32
      %dma_wait3A_211 = tpu.memref_slice %arg6[%arg0, %mul3A_205, %dma_wait3A] : memref<2x10112x64xf32, #tpu.memory_space<hbm>> -> memref<1x632x64xf32, #tpu.memory_space<hbm>>
      %dma_wait3A_212 = tpu.memref_squeeze %dma_wait3A_211 : memref<1x632x64xf32, #tpu.memory_space<hbm>> -> memref<632x64xf32, #tpu.memory_space<hbm>>
      %dma_wait3A_213 = arith.constant 0 : i32
      %dma_wait3A_214 = tpu.memref_slice %arg10[%mul3A_203, %dma_wait3A_213] : memref<10112x64xf32, #tpu.memory_space<vmem_shared>> -> memref<632x64xf32, #tpu.memory_space<vmem_shared>>
      tpu.wait_dma2 semaphore(%run_scoped3A : memref<!tpu.dma_semaphore, #tpu.memory_space<semaphore_mem>>) src(%dma_wait3A_214 : memref<632x64xf32, #tpu.memory_space<vmem_shared>>) dst(%dma_wait3A_212 : memref<632x64xf32, #tpu.memory_space<hbm>>)
      tpu.yield
    }) : () -> ()
    return
  }
}

#map = affine_map<(d0, d1) -> (0, 0, 0)>
#map1 = affine_map<(d0, d1) -> (0, 0)>
module attributes {stable_mosaic.version = 14 : i64} {
  func.func @_deg(%arg0: i32, %arg1: i32, %arg2: memref<32x80x128xi32, #tpu.memory_space<hbm>>, %arg3: memref<128x16xf32, #tpu.memory_space<hbm>>, %arg4: memref<10112x16xf32, #tpu.memory_space<hbm>>, %arg5: memref<2x10112x16xf32, #tpu.memory_space<hbm>>, %arg6: memref<80x128xi32, #tpu.memory_space<vmem>>, %arg7: memref<128x16xf32, #tpu.memory_space<vmem>>, %arg8: memref<10112x16xf32, #tpu.memory_space<vmem_shared>>) attributes {dimension_semantics = [#tpu.dimension_semantics<core_parallel>, #tpu.dimension_semantics<subcore_parallel>], iteration_bounds = array<i64: 2, 16>, scalar_prefetch = 0 : i64, scratch_operands = 3 : i64, tpu.core_type = #tpu.core_type<sc_vector_subcore>, window_params = [{transform_indices = #map}, {transform_indices = #map1}, {transform_indices = #map1}, {transform_indices = #map}]} {
    %mul3A = arith.constant 2 : i32
    %mul3A_0 = arith.muli %arg1, %mul3A : i32
    %add3A = arith.addi %mul3A_0, %arg0 : i32
    "tpu.region"() ({
      %run_scoped3A = tpu.sem_alloc : memref<!tpu.dma_semaphore, #tpu.memory_space<semaphore_mem>>
      %dma_start3A = arith.constant 0 : i32
      %dma_start3A_15 = arith.constant 0 : i32
      %dma_start3A_16 = tpu.memref_slice %arg2[%add3A, %dma_start3A, %dma_start3A_15] : memref<32x80x128xi32, #tpu.memory_space<hbm>> -> memref<1x80x128xi32, #tpu.memory_space<hbm>>
      %dma_start3A_17 = tpu.memref_squeeze %dma_start3A_16 : memref<1x80x128xi32, #tpu.memory_space<hbm>> -> memref<80x128xi32, #tpu.memory_space<hbm>>
      %dma_start3A_18 = arith.constant 0 : i32
      %dma_start3A_19 = arith.constant 0 : i32
      %dma_start3A_20 = tpu.memref_slice %arg2[%add3A, %dma_start3A_18, %dma_start3A_19] : memref<32x80x128xi32, #tpu.memory_space<hbm>> -> memref<1x80x128xi32, #tpu.memory_space<hbm>>
      %dma_start3A_21 = tpu.memref_squeeze %dma_start3A_20 : memref<1x80x128xi32, #tpu.memory_space<hbm>> -> memref<80x128xi32, #tpu.memory_space<hbm>>
      tpu.enqueue_dma source(%dma_start3A_21 : memref<80x128xi32, #tpu.memory_space<hbm>>) target(%arg6 : memref<80x128xi32, #tpu.memory_space<vmem>>) target_semaphore(%run_scoped3A : memref<!tpu.dma_semaphore, #tpu.memory_space<semaphore_mem>>)
      %dma_wait3A = arith.constant 0 : i32
      %dma_wait3A_22 = arith.constant 0 : i32
      %dma_wait3A_23 = tpu.memref_slice %arg2[%add3A, %dma_wait3A, %dma_wait3A_22] : memref<32x80x128xi32, #tpu.memory_space<hbm>> -> memref<1x80x128xi32, #tpu.memory_space<hbm>>
      %dma_wait3A_24 = tpu.memref_squeeze %dma_wait3A_23 : memref<1x80x128xi32, #tpu.memory_space<hbm>> -> memref<80x128xi32, #tpu.memory_space<hbm>>
      %dma_wait3A_25 = arith.constant 0 : i32
      %dma_wait3A_26 = arith.constant 0 : i32
      %dma_wait3A_27 = tpu.memref_slice %arg2[%add3A, %dma_wait3A_25, %dma_wait3A_26] : memref<32x80x128xi32, #tpu.memory_space<hbm>> -> memref<1x80x128xi32, #tpu.memory_space<hbm>>
      %dma_wait3A_28 = tpu.memref_squeeze %dma_wait3A_27 : memref<1x80x128xi32, #tpu.memory_space<hbm>> -> memref<80x128xi32, #tpu.memory_space<hbm>>
      tpu.wait_dma2 semaphore(%run_scoped3A : memref<!tpu.dma_semaphore, #tpu.memory_space<semaphore_mem>>) src(%dma_wait3A_28 : memref<80x128xi32, #tpu.memory_space<hbm>>) dst(%arg6 : memref<80x128xi32, #tpu.memory_space<vmem>>)
      tpu.yield
    }) : () -> ()
    "tpu.region"() ({
      %run_scoped3A = tpu.sem_alloc : memref<!tpu.dma_semaphore, #tpu.memory_space<semaphore_mem>>
      tpu.enqueue_dma source(%arg3 : memref<128x16xf32, #tpu.memory_space<hbm>>) target(%arg7 : memref<128x16xf32, #tpu.memory_space<vmem>>) target_semaphore(%run_scoped3A : memref<!tpu.dma_semaphore, #tpu.memory_space<semaphore_mem>>)
      tpu.wait_dma2 semaphore(%run_scoped3A : memref<!tpu.dma_semaphore, #tpu.memory_space<semaphore_mem>>) src(%arg3 : memref<128x16xf32, #tpu.memory_space<hbm>>) dst(%arg7 : memref<128x16xf32, #tpu.memory_space<vmem>>)
      tpu.yield
    }) : () -> ()
    %mul3A_1 = arith.constant 632 : i32
    %mul3A_2 = arith.muli %arg1, %mul3A_1 : i32
    %mul3A_3 = arith.constant 632 : i32
    %mul3A_4 = arith.muli %arg1, %mul3A_3 : i32
    "tpu.region"() ({
      %run_scoped3A = tpu.sem_alloc : memref<!tpu.dma_semaphore, #tpu.memory_space<semaphore_mem>>
      %dma_start3A = arith.constant 0 : i32
      %dma_start3A_15 = tpu.memref_slice %arg8[%mul3A_4, %dma_start3A] : memref<10112x16xf32, #tpu.memory_space<vmem_shared>> -> memref<632x16xf32, #tpu.memory_space<vmem_shared>>
      %dma_start3A_16 = arith.constant 0 : i32
      %dma_start3A_17 = tpu.memref_slice %arg4[%mul3A_2, %dma_start3A_16] : memref<10112x16xf32, #tpu.memory_space<hbm>> -> memref<632x16xf32, #tpu.memory_space<hbm>>
      tpu.enqueue_dma source(%dma_start3A_17 : memref<632x16xf32, #tpu.memory_space<hbm>>) target(%dma_start3A_15 : memref<632x16xf32, #tpu.memory_space<vmem_shared>>) target_semaphore(%run_scoped3A : memref<!tpu.dma_semaphore, #tpu.memory_space<semaphore_mem>>)
      %dma_wait3A = arith.constant 0 : i32
      %dma_wait3A_18 = tpu.memref_slice %arg8[%mul3A_4, %dma_wait3A] : memref<10112x16xf32, #tpu.memory_space<vmem_shared>> -> memref<632x16xf32, #tpu.memory_space<vmem_shared>>
      %dma_wait3A_19 = arith.constant 0 : i32
      %dma_wait3A_20 = tpu.memref_slice %arg4[%mul3A_2, %dma_wait3A_19] : memref<10112x16xf32, #tpu.memory_space<hbm>> -> memref<632x16xf32, #tpu.memory_space<hbm>>
      tpu.wait_dma2 semaphore(%run_scoped3A : memref<!tpu.dma_semaphore, #tpu.memory_space<semaphore_mem>>) src(%dma_wait3A_20 : memref<632x16xf32, #tpu.memory_space<hbm>>) dst(%dma_wait3A_18 : memref<632x16xf32, #tpu.memory_space<vmem_shared>>)
      tpu.yield
    }) : () -> ()
    %barrier3A = arith.constant 0 : index
    tpu.barrier barrier_id(%barrier3A)
    %scan3A = arith.constant 0 : i32
    %scan3A_5 = arith.constant 0 : i32
    %scan3A_6 = arith.constant 80 : i32
    %scan3A_7 = arith.addi %scan3A_5, %scan3A_6 : i32
    %scan3A_8 = arith.constant 1 : i32
    scf.for %scan3A_15 = %scan3A_5 to %scan3A_7 step %scan3A_8  : i32 {
      "tpu.region"() ({
        %run_scoped3A = tpu.sem_alloc : memref<!tpu.dma_semaphore, #tpu.memory_space<semaphore_mem>>
        %dma_start3A = arith.constant 0 : i32
        %dma_start3A_16 = tpu.memref_slice %arg6[%scan3A_15, %dma_start3A] : memref<80x128xi32, #tpu.memory_space<vmem>> -> memref<1x128xi32, #tpu.memory_space<vmem>>
        %dma_start3A_17 = tpu.memref_squeeze %dma_start3A_16 : memref<1x128xi32, #tpu.memory_space<vmem>> -> memref<128xi32, #tpu.memory_space<vmem>>
        %dma_start3A_18 = arith.constant 0 : i32
        %dma_start3A_19 = arith.constant 0 : i32
        %dma_start3A_20 = tpu.memref_slice %arg8[%dma_start3A_18, %dma_start3A_19] : memref<10112x16xf32, #tpu.memory_space<vmem_shared>> -> memref<10112x16xf32, #tpu.memory_space<vmem_shared>>
        tpu.enqueue_indirect_dma source(%arg7 : memref<128x16xf32, #tpu.memory_space<vmem>>) target(%dma_start3A_20 : memref<10112x16xf32, #tpu.memory_space<vmem_shared>>) offsets(%dma_start3A_17 : memref<128xi32, #tpu.memory_space<vmem>>) semaphore(%run_scoped3A : memref<!tpu.dma_semaphore, #tpu.memory_space<semaphore_mem>>) {add = true}
        %dma_wait3A = arith.constant 0 : i32
        %dma_wait3A_21 = tpu.memref_slice %arg6[%scan3A_15, %dma_wait3A] : memref<80x128xi32, #tpu.memory_space<vmem>> -> memref<1x128xi32, #tpu.memory_space<vmem>>
        %dma_wait3A_22 = tpu.memref_squeeze %dma_wait3A_21 : memref<1x128xi32, #tpu.memory_space<vmem>> -> memref<128xi32, #tpu.memory_space<vmem>>
        %dma_wait3A_23 = arith.constant 0 : i32
        %dma_wait3A_24 = arith.constant 0 : i32
        %dma_wait3A_25 = tpu.memref_slice %arg8[%dma_wait3A_23, %dma_wait3A_24] : memref<10112x16xf32, #tpu.memory_space<vmem_shared>> -> memref<10112x16xf32, #tpu.memory_space<vmem_shared>>
        tpu.wait_indirect_dma semaphore(%run_scoped3A : memref<!tpu.dma_semaphore, #tpu.memory_space<semaphore_mem>>) src(%arg7 : memref<128x16xf32, #tpu.memory_space<vmem>>) dst(%dma_wait3A_25 : memref<10112x16xf32, #tpu.memory_space<vmem_shared>>)
        tpu.yield
      }) : () -> ()
    }
    %scan3A_9 = arith.constant 80 : i32
    %barrier3A_10 = arith.constant 0 : index
    tpu.barrier barrier_id(%barrier3A_10)
    %mul3A_11 = arith.constant 632 : i32
    %mul3A_12 = arith.muli %arg1, %mul3A_11 : i32
    %mul3A_13 = arith.constant 632 : i32
    %mul3A_14 = arith.muli %arg1, %mul3A_13 : i32
    "tpu.region"() ({
      %run_scoped3A = tpu.sem_alloc : memref<!tpu.dma_semaphore, #tpu.memory_space<semaphore_mem>>
      %dma_start3A = arith.constant 0 : i32
      %dma_start3A_15 = tpu.memref_slice %arg5[%arg0, %mul3A_14, %dma_start3A] : memref<2x10112x16xf32, #tpu.memory_space<hbm>> -> memref<1x632x16xf32, #tpu.memory_space<hbm>>
      %dma_start3A_16 = tpu.memref_squeeze %dma_start3A_15 : memref<1x632x16xf32, #tpu.memory_space<hbm>> -> memref<632x16xf32, #tpu.memory_space<hbm>>
      %dma_start3A_17 = arith.constant 0 : i32
      %dma_start3A_18 = tpu.memref_slice %arg8[%mul3A_12, %dma_start3A_17] : memref<10112x16xf32, #tpu.memory_space<vmem_shared>> -> memref<632x16xf32, #tpu.memory_space<vmem_shared>>
      tpu.enqueue_dma source(%dma_start3A_18 : memref<632x16xf32, #tpu.memory_space<vmem_shared>>) target(%dma_start3A_16 : memref<632x16xf32, #tpu.memory_space<hbm>>) target_semaphore(%run_scoped3A : memref<!tpu.dma_semaphore, #tpu.memory_space<semaphore_mem>>)
      %dma_wait3A = arith.constant 0 : i32
      %dma_wait3A_19 = tpu.memref_slice %arg5[%arg0, %mul3A_14, %dma_wait3A] : memref<2x10112x16xf32, #tpu.memory_space<hbm>> -> memref<1x632x16xf32, #tpu.memory_space<hbm>>
      %dma_wait3A_20 = tpu.memref_squeeze %dma_wait3A_19 : memref<1x632x16xf32, #tpu.memory_space<hbm>> -> memref<632x16xf32, #tpu.memory_space<hbm>>
      %dma_wait3A_21 = arith.constant 0 : i32
      %dma_wait3A_22 = tpu.memref_slice %arg8[%mul3A_12, %dma_wait3A_21] : memref<10112x16xf32, #tpu.memory_space<vmem_shared>> -> memref<632x16xf32, #tpu.memory_space<vmem_shared>>
      tpu.wait_dma2 semaphore(%run_scoped3A : memref<!tpu.dma_semaphore, #tpu.memory_space<semaphore_mem>>) src(%dma_wait3A_22 : memref<632x16xf32, #tpu.memory_space<vmem_shared>>) dst(%dma_wait3A_20 : memref<632x16xf32, #tpu.memory_space<hbm>>)
      tpu.yield
    }) : () -> ()
    return
  }
}

module attributes {stable_mosaic.version = 14 : i64} {
  func.func @_pre_body(%arg0: memref<10112x128xf32, #tpu.memory_space<vmem>>, %arg1: memref<128x64xf32, #tpu.memory_space<vmem>>, %arg2: memref<2x10112x16xf32, #tpu.memory_space<vmem>>, %arg3: memref<10112x64xf32, #tpu.memory_space<vmem>>, %arg4: memref<10112x1xf32, #tpu.memory_space<vmem>>) attributes {dimension_semantics = [], scalar_prefetch = 0 : i64, scratch_operands = 0 : i64, tpu.core_type = #tpu.core_type<tc>} {
    %get3A = arith.constant 0 : index
    %get3A_0 = arith.constant 0 : index
    %get3A_1 = arith.constant 0 : index
    %get3A_2 = vector.load %arg2[%get3A, %get3A_0, %get3A_1] : memref<2x10112x16xf32, #tpu.memory_space<vmem>>, vector<1x10112x1xf32>
    %get3A_3 = vector.shape_cast %get3A_2 : vector<1x10112x1xf32> to vector<10112x1xf32>
    %get3A_4 = arith.constant 1 : index
    %get3A_5 = arith.constant 0 : index
    %get3A_6 = arith.constant 0 : index
    %get3A_7 = vector.load %arg2[%get3A_4, %get3A_5, %get3A_6] : memref<2x10112x16xf32, #tpu.memory_space<vmem>>, vector<1x10112x1xf32>
    %get3A_8 = vector.shape_cast %get3A_7 : vector<1x10112x1xf32> to vector<10112x1xf32>
    %add3A = arith.addf %get3A_3, %get3A_8 : vector<10112x1xf32>
    %add3A_9 = arith.constant 1.000000e+00 : f32
    %add3A_10 = vector.broadcast %add3A_9 : f32 to vector<10112x1xf32>
    %add3A_11 = arith.addf %add3A, %add3A_10 : vector<10112x1xf32>
    %rsqrt3A = math.rsqrt %add3A_11 : vector<10112x1xf32>
    %swap3A = arith.constant 0 : index
    %swap3A_12 = arith.constant 0 : index
    %swap3A_13 = vector.load %arg4[%swap3A, %swap3A_12] : memref<10112x1xf32, #tpu.memory_space<vmem>>, vector<10112x1xf32>
    tpu.vector_store %arg4[%swap3A, %swap3A_12], %rsqrt3A {strides = array<i32>} : memref<10112x1xf32, #tpu.memory_space<vmem>>, vector<10112x1xf32>,
    %get3A_14 = arith.constant 0 : index
    %get3A_15 = arith.constant 0 : index
    %get3A_16 = vector.load %arg0[%get3A_14, %get3A_15] : memref<10112x128xf32, #tpu.memory_space<vmem>>, vector<10112x128xf32>
    %get3A_17 = arith.constant 0 : index
    %get3A_18 = arith.constant 0 : index
    %get3A_19 = vector.load %arg1[%get3A_17, %get3A_18] : memref<128x64xf32, #tpu.memory_space<vmem>>, vector<128x64xf32>
    %dot_general3A = arith.constant dense<0.000000e+00> : vector<10112x64xf32>
    %dot_general3A_20 = tpu.matmul %get3A_16, %get3A_19, %dot_general3A {dimension_numbers = #tpu.dot_dimension_numbers<[1], [0], [0], [1], [0, 0, 1, 1], [], []>, transpose_lhs_hint = false} : vector<10112x128xf32>, vector<128x64xf32>, vector<10112x64xf32> -> vector<10112x64xf32>
    %mul3A = vector.broadcast %rsqrt3A : vector<10112x1xf32> to vector<10112x64xf32>
    %mul3A_21 = arith.mulf %dot_general3A_20, %mul3A : vector<10112x64xf32>
    %swap3A_22 = arith.constant 0 : index
    %swap3A_23 = arith.constant 0 : index
    %swap3A_24 = vector.load %arg3[%swap3A_22, %swap3A_23] : memref<10112x64xf32, #tpu.memory_space<vmem>>, vector<10112x64xf32>
    tpu.vector_store %arg3[%swap3A_22, %swap3A_23], %mul3A_21 {strides = array<i32>} : memref<10112x64xf32, #tpu.memory_space<vmem>>, vector<10112x64xf32>,
    return
  }
}

module attributes {stable_mosaic.version = 14 : i64} {
  func.func @_mid_body(%arg0: memref<2x10112x64xf32, #tpu.memory_space<vmem>>, %arg1: memref<10112x64xf32, #tpu.memory_space<vmem>>, %arg2: memref<10112x1xf32, #tpu.memory_space<vmem>>, %arg3: memref<1x64xf32, #tpu.memory_space<vmem>>, %arg4: memref<64x64xf32, #tpu.memory_space<vmem>>, %arg5: memref<10112x64xf32, #tpu.memory_space<vmem>>) attributes {dimension_semantics = [], scalar_prefetch = 0 : i64, scratch_operands = 0 : i64, tpu.core_type = #tpu.core_type<tc>} {
    %get3A = arith.constant 0 : index
    %get3A_0 = arith.constant 0 : index
    %get3A_1 = vector.load %arg2[%get3A, %get3A_0] : memref<10112x1xf32, #tpu.memory_space<vmem>>, vector<10112x1xf32>
    %get3A_2 = arith.constant 0 : index
    %get3A_3 = arith.constant 0 : index
    %get3A_4 = arith.constant 0 : index
    %get3A_5 = vector.load %arg0[%get3A_2, %get3A_3, %get3A_4] : memref<2x10112x64xf32, #tpu.memory_space<vmem>>, vector<1x10112x64xf32>
    %get3A_6 = vector.shape_cast %get3A_5 : vector<1x10112x64xf32> to vector<10112x64xf32>
    %get3A_7 = arith.constant 1 : index
    %get3A_8 = arith.constant 0 : index
    %get3A_9 = arith.constant 0 : index
    %get3A_10 = vector.load %arg0[%get3A_7, %get3A_8, %get3A_9] : memref<2x10112x64xf32, #tpu.memory_space<vmem>>, vector<1x10112x64xf32>
    %get3A_11 = vector.shape_cast %get3A_10 : vector<1x10112x64xf32> to vector<10112x64xf32>
    %add3A = arith.addf %get3A_6, %get3A_11 : vector<10112x64xf32>
    %get3A_12 = arith.constant 0 : index
    %get3A_13 = arith.constant 0 : index
    %get3A_14 = vector.load %arg1[%get3A_12, %get3A_13] : memref<10112x64xf32, #tpu.memory_space<vmem>>, vector<10112x64xf32>
    %add3A_15 = arith.addf %add3A, %get3A_14 : vector<10112x64xf32>
    %mul3A = vector.broadcast %get3A_1 : vector<10112x1xf32> to vector<10112x64xf32>
    %mul3A_16 = arith.mulf %add3A_15, %mul3A : vector<10112x64xf32>
    %get3A_17 = arith.constant 0 : index
    %get3A_18 = arith.constant 0 : index
    %get3A_19 = vector.load %arg3[%get3A_17, %get3A_18] : memref<1x64xf32, #tpu.memory_space<vmem>>, vector<1x64xf32>
    %add3A_20 = vector.broadcast %get3A_19 : vector<1x64xf32> to vector<10112x64xf32>
    %add3A_21 = arith.addf %mul3A_16, %add3A_20 : vector<10112x64xf32>
    %max3A = arith.constant 0.000000e+00 : f32
    %max3A_22 = vector.broadcast %max3A : f32 to vector<10112x64xf32>
    %max3A_23 = arith.maximumf %add3A_21, %max3A_22 : vector<10112x64xf32>
    %get3A_24 = arith.constant 0 : index
    %get3A_25 = arith.constant 0 : index
    %get3A_26 = vector.load %arg4[%get3A_24, %get3A_25] : memref<64x64xf32, #tpu.memory_space<vmem>>, vector<64x64xf32>
    %dot_general3A = arith.constant dense<0.000000e+00> : vector<10112x64xf32>
    %dot_general3A_27 = tpu.matmul %max3A_23, %get3A_26, %dot_general3A {dimension_numbers = #tpu.dot_dimension_numbers<[1], [0], [0], [1], [0, 0, 1, 1], [], []>, transpose_lhs_hint = false} : vector<10112x64xf32>, vector<64x64xf32>, vector<10112x64xf32> -> vector<10112x64xf32>
    %mul3A_28 = vector.broadcast %get3A_1 : vector<10112x1xf32> to vector<10112x64xf32>
    %mul3A_29 = arith.mulf %dot_general3A_27, %mul3A_28 : vector<10112x64xf32>
    %swap3A = arith.constant 0 : index
    %swap3A_30 = arith.constant 0 : index
    %swap3A_31 = vector.load %arg5[%swap3A, %swap3A_30] : memref<10112x64xf32, #tpu.memory_space<vmem>>, vector<10112x64xf32>
    tpu.vector_store %arg5[%swap3A, %swap3A_30], %mul3A_29 {strides = array<i32>} : memref<10112x64xf32, #tpu.memory_space<vmem>>, vector<10112x64xf32>,
    return
  }
}

module attributes {stable_mosaic.version = 14 : i64} {
  func.func @_post_body(%arg0: memref<2x10112x64xf32, #tpu.memory_space<vmem>>, %arg1: memref<10112x64xf32, #tpu.memory_space<vmem>>, %arg2: memref<10112x1xf32, #tpu.memory_space<vmem>>, %arg3: memref<1x64xf32, #tpu.memory_space<vmem>>, %arg4: memref<1x10112xi32, #tpu.memory_space<vmem>>, %arg5: memref<64x1xf32, #tpu.memory_space<vmem>>, %arg6: memref<1x1xf32, #tpu.memory_space<vmem>>, %arg7: memref<16x1xf32, #tpu.memory_space<vmem>>) attributes {dimension_semantics = [], scalar_prefetch = 0 : i64, scratch_operands = 0 : i64, tpu.core_type = #tpu.core_type<tc>} {
    %get3A = arith.constant 0 : index
    %get3A_0 = arith.constant 0 : index
    %get3A_1 = arith.constant 0 : index
    %get3A_2 = vector.load %arg0[%get3A, %get3A_0, %get3A_1] : memref<2x10112x64xf32, #tpu.memory_space<vmem>>, vector<1x10112x64xf32>
    %get3A_3 = vector.shape_cast %get3A_2 : vector<1x10112x64xf32> to vector<10112x64xf32>
    %get3A_4 = arith.constant 1 : index
    %get3A_5 = arith.constant 0 : index
    %get3A_6 = arith.constant 0 : index
    %get3A_7 = vector.load %arg0[%get3A_4, %get3A_5, %get3A_6] : memref<2x10112x64xf32, #tpu.memory_space<vmem>>, vector<1x10112x64xf32>
    %get3A_8 = vector.shape_cast %get3A_7 : vector<1x10112x64xf32> to vector<10112x64xf32>
    %add3A = arith.addf %get3A_3, %get3A_8 : vector<10112x64xf32>
    %get3A_9 = arith.constant 0 : index
    %get3A_10 = arith.constant 0 : index
    %get3A_11 = vector.load %arg1[%get3A_9, %get3A_10] : memref<10112x64xf32, #tpu.memory_space<vmem>>, vector<10112x64xf32>
    %add3A_12 = arith.addf %add3A, %get3A_11 : vector<10112x64xf32>
    %get3A_13 = arith.constant 0 : index
    %get3A_14 = arith.constant 0 : index
    %get3A_15 = vector.load %arg2[%get3A_13, %get3A_14] : memref<10112x1xf32, #tpu.memory_space<vmem>>, vector<10112x1xf32>
    %mul3A = vector.broadcast %get3A_15 : vector<10112x1xf32> to vector<10112x64xf32>
    %mul3A_16 = arith.mulf %add3A_12, %mul3A : vector<10112x64xf32>
    %get3A_17 = arith.constant 0 : index
    %get3A_18 = arith.constant 0 : index
    %get3A_19 = vector.load %arg3[%get3A_17, %get3A_18] : memref<1x64xf32, #tpu.memory_space<vmem>>, vector<1x64xf32>
    %add3A_20 = vector.broadcast %get3A_19 : vector<1x64xf32> to vector<10112x64xf32>
    %add3A_21 = arith.addf %mul3A_16, %add3A_20 : vector<10112x64xf32>
    %max3A = arith.constant 0.000000e+00 : f32
    %max3A_22 = vector.broadcast %max3A : f32 to vector<10112x64xf32>
    %max3A_23 = arith.maximumf %add3A_21, %max3A_22 : vector<10112x64xf32>
    %iota3A = tpu.iota {dimensions = array<i32: 0>} : vector<16x10112xi32>
    %get3A_24 = arith.constant 0 : index
    %get3A_25 = arith.constant 0 : index
    %get3A_26 = vector.load %arg4[%get3A_24, %get3A_25] : memref<1x10112xi32, #tpu.memory_space<vmem>>, vector<1x10112xi32>
    %eq3A = vector.broadcast %get3A_26 : vector<1x10112xi32> to vector<16x10112xi32>
    %eq3A_27 = arith.cmpi eq, %eq3A, %iota3A : vector<16x10112xi32>
    %convert_element_type3A = arith.extui %eq3A_27 : vector<16x10112xi1> to vector<16x10112xi32>
    %convert_element_type3A_28 = arith.sitofp %convert_element_type3A : vector<16x10112xi32> to vector<16x10112xf32>
    %dot_general3A = arith.constant dense<0.000000e+00> : vector<16x64xf32>
    %dot_general3A_29 = tpu.matmul %convert_element_type3A_28, %max3A_23, %dot_general3A {dimension_numbers = #tpu.dot_dimension_numbers<[1], [0], [0], [1], [0, 0, 1, 1], [], []>, transpose_lhs_hint = false} : vector<16x10112xf32>, vector<10112x64xf32>, vector<16x64xf32> -> vector<16x64xf32>
    %reduce_sum3A = arith.constant dense<0.000000e+00> : vector<16xf32>
    %reduce_sum3A_30 = vector.multi_reduction <add>, %convert_element_type3A_28, %reduce_sum3A [1] : vector<16x10112xf32> to vector<16xf32>
    %broadcast_in_dim3A = vector.shape_cast %reduce_sum3A_30 : vector<16xf32> to vector<16x1xf32>
    %max3A_31 = arith.constant 1.000000e+00 : f32
    %max3A_32 = vector.broadcast %max3A_31 : f32 to vector<16x1xf32>
    %max3A_33 = arith.maximumf %broadcast_in_dim3A, %max3A_32 : vector<16x1xf32>
    %div3A = vector.broadcast %max3A_33 : vector<16x1xf32> to vector<16x64xf32>
    %div3A_34 = arith.divf %dot_general3A_29, %div3A : vector<16x64xf32>
    %get3A_35 = arith.constant 0 : index
    %get3A_36 = arith.constant 0 : index
    %get3A_37 = vector.load %arg5[%get3A_35, %get3A_36] : memref<64x1xf32, #tpu.memory_space<vmem>>, vector<64x1xf32>
    %dot_general3A_38 = arith.constant dense<0.000000e+00> : vector<16x1xf32>
    %dot_general3A_39 = tpu.matmul %div3A_34, %get3A_37, %dot_general3A_38 {dimension_numbers = #tpu.dot_dimension_numbers<[1], [0], [0], [1], [0, 0, 1, 1], [], []>, transpose_lhs_hint = false} : vector<16x64xf32>, vector<64x1xf32>, vector<16x1xf32> -> vector<16x1xf32>
    %get3A_40 = arith.constant 0 : index
    %get3A_41 = arith.constant 0 : index
    %get3A_42 = vector.load %arg6[%get3A_40, %get3A_41] : memref<1x1xf32, #tpu.memory_space<vmem>>, vector<1x1xf32>
    %add3A_43 = vector.broadcast %get3A_42 : vector<1x1xf32> to vector<16x1xf32>
    %add3A_44 = arith.addf %dot_general3A_39, %add3A_43 : vector<16x1xf32>
    %swap3A = arith.constant 0 : index
    %swap3A_45 = arith.constant 0 : index
    %swap3A_46 = vector.load %arg7[%swap3A, %swap3A_45] : memref<16x1xf32, #tpu.memory_space<vmem>>, vector<16x1xf32>
    tpu.vector_store %arg7[%swap3A, %swap3A_45], %add3A_44 {strides = array<i32>} : memref<16x1xf32, #tpu.memory_space<vmem>>, vector<16x1xf32>,
    return
  }
}

</mosaic_0001>

<sc_bundles>
// kernel: kernel.11.cloned.1.call-start
scs
__scs_entry_jumppad:
0x0: {  	(pc) =	sbr.rel $0x88, $3  }
0x1: {  	(tag) =	ssettag $0x0;
	lr =	simm.s32 $0x1  }
0x2: {  	[smem:$0x3F98] =	sst lr;
	_ =	strace $0xD0000000  }
0x3: {  	_ = 	snop  }
0x4: {  	_ = 	snop  }
0x5: {  	_ = 	snop  }
0x6: {  	_ = 	snop  }
0x7: {  	_ = 	snop  }
__scs_overlays_trampoline_lowered:
0x8: {  	[smem:$0x3FA7] =	sst s0  }
0x9: {  	[smem:$0x3FA8] =	sst s1  }
0xa: {  	[smem:$0x3FA9] =	sst s2  }
0xb: {  	[smem:$0x3FAA] =	sst s3  }
0xc: {  	[smem:$0x3FAB] =	sst s4  }
0xd: {  	[smem:$0x3FAC] =	sst s5  }
0xe: {  	[smem:$0x3FAD] =	sst s6  }
0xf: {  	[smem:$0x3FAE] =	sst s7  }
0x10: {  	[smem:$0x3FAF] =	sst s8  }
0x11: {  	[smem:$0x3FB0] =	sst s9;
	s0 =	simm.s32 @!p0 $0x0  }
0x12: {  	s1 =	sld [smem:$0x3F96];
	s0 =	simm.s32 @p0 $0x1  }
0x13: {  	[smem:$0x3FB1] =	sst s0;
	s0 =	simm.s32 @!p1 $0x0  }
0x14: {  	s2 =	sld [smem:$0x3F95];
	s0 =	simm.s32 @p1 $0x1  }
0x15: {  	[smem:$0x3FB2] =	sst s0;
	s0 =	simm.s32 @!p2 $0x0  }
0x16: {  	s3 =	sld [smem:$0x3FDB];
	s0 =	simm.s32 @p2 $0x1  }
0x17: {  	s4 =	simm.s32 $0x1BF5;
	[smem:$0x3FB4] =	sst s0  }
0x18: {  	s0 =	sld [smem:$0x3F97];
	_ =	swait.ge [sflag:s4], $0x0  }
0x19: {  	s7 =	sld [smem:$0x3F98]  }
0x1a: {  	s8 =	sadd.s32 $0xFFFFE003, lr  }
0x1b: {  	s9 =	sadd.s32 $0xFFFFFEF7, lr;
	s5 =	simm.s32 $0xFFFFFFFF;
	p2 =	slt.u32 s8, $0xFFFFF086  }
0x1c: {  	p1 =	slt.u32 s9, $0xF7A;
	s5 =	simm.s32 @!p2 $0x0  }
0x1d: {  	s5 =	simm.s32 @p1 $0x1;
	p0 =	seq.s32 s7, s2  }
0x1e: {  	s7 =	smul.u32 @!p0 $0xF7A, s2;
	p2 =	seq.s32 @!p0 s5, $0x0  }
0x1f: {  	s9 =	smul.u32 $0xF7A, s1;
	s8 =	simm.s32 @!p0 $0x1BF5;
	p2 =	por !p2, p0  }
0x20: {  	[sflag:s8] =	ssyncset.s32 @!p0 $0xFFFFF086;
	s6 =	sadd.s32 @!p0 s3, s7;
	s7 =	simm.s32 @!p0 $0x108  }
0x21: {  	s3 =	sadd.s32 s3, s9;
	s6 =	sadd.s32 @!p0 $0x88, s6;
	s7 =	simm.s32 @p2 $0x1082  }
0x22: {  	[simem:s7], [sflag:s8] =	dma.local @!p0 [hbm:s6], $0xF7A  }
0x23: {  	s9 =	sor.u32 $0xD0000000, s2;
	s6 =	simm.s32 $0x108;
	_ =	swait.ge @!p0 [sflag:s8], $0x0  }
0x24: {  	s3 =	sadd.s32 $0x88, s3;
	s6 =	simm.s32 @!p1 $0x1082;
	[sflag:s4] =	ssyncset.s32 $0xFFFFF086  }
0x25: {  	[simem:s6], [sflag:s4] =	dma.local [hbm:s3], $0xF7A  }
0x26: {  	[smem:$0x3F98] =	sst s1;
	(tag) =	ssettag s2;
	_ =	strace s9  }
0x27: {  	s1 =	sld [smem:$0x3FA8]  }
0x28: {  	s2 =	sld [smem:$0x3FA9]  }
0x29: {  	s4 =	sld [smem:$0x3FAB]  }
0x2a: {  	p0 =	seq.s32 s5, $0x0;
	s5 =	sld [smem:$0x3FAC]  }
0x2b: {  	s6 =	sld [smem:$0x3FAD]  }
0x2c: {  	s7 =	sld [smem:$0x3FAE]  }
0x2d: {  	s3 =	simm.s32 $0x108;
	s8 =	sld [smem:$0x3FAF]  }
0x2e: {  	s3 =	simm.s32 @!p0 $0x1082;
	s9 =	sld [smem:$0x3FB0]  }
0x2f: {  	lr =	sadd.s32 s0, s3;
	s0 =	sld [smem:$0x3FA7]  }
0x30: {  	s3 =	sld [smem:$0x3FAA]  }
0x31: {  	[smem:$0x3FB3] =	sst s10  }
0x32: {  	s10 =	sld [smem:$0x3FB1];
	_ =	sdelay $0x3  }
0x33: {  	p0 =	seq.s32 s10, $0x1;
	s10 =	sld [smem:$0x3FB3];
	_ =	sdelay $0x3  }
0x34: {  	[smem:$0x3FB3] =	sst s10  }
0x35: {  	s10 =	sld [smem:$0x3FB2];
	_ =	sdelay $0x3  }
0x36: {  	p1 =	seq.s32 s10, $0x1;
	s10 =	sld [smem:$0x3FB3];
	_ =	sdelay $0x3  }
0x37: {  	[smem:$0x3FB3] =	sst s10  }
0x38: {  	s10 =	sld [smem:$0x3FB4]  }
0x39: {  	_ = 	snop;
	(pc) =	sbr.ind lr, $3  }
0x3a: {  	_ = 	snop  }
0x3b: {  	_ = 	snop  }
0x3c: {  	p2 =	seq.s32 s10, $0x1;
	s10 =	sld [smem:$0x3FB3]  }
0x3d: {  	_ =	shalt  }
0x3e: {  	_ =	shalt  }
0x3f: {  	_ =	shalt  }
0x40: {  	_ =	shalt  }
0x41: {  	_ =	shalt  }
0x42: {  	_ =	shalt  }
0x43: {  	_ =	shalt  }
0x44: {  	_ =	shalt  }
0x45: {  	_ =	shalt  }
0x46: {  	_ =	shalt  }
0x47: {  	_ =	shalt  }
0x48: {  	_ =	shalt  }
0x49: {  	_ =	shalt  }
0x4a: {  	_ =	shalt  }
0x4b: {  	_ =	shalt  }
0x4c: {  	_ =	shalt  }
0x4d: {  	_ =	shalt  }
0x4e: {  	_ =	shalt  }
0x4f: {  	_ =	shalt  }
0x50: {  	_ =	shalt  }
0x51: {  	_ =	shalt  }
0x52: {  	_ =	shalt  }
0x53: {  	_ =	shalt  }
0x54: {  	_ =	shalt  }
0x55: {  	_ =	shalt  }
0x56: {  	_ =	shalt  }
0x57: {  	_ =	shalt  }
0x58: {  	_ =	shalt  }
0x59: {  	_ =	shalt  }
0x5a: {  	_ =	shalt  }
0x5b: {  	_ =	shalt  }
0x5c: {  	_ =	shalt  }
0x5d: {  	_ =	shalt  }
0x5e: {  	_ =	shalt  }
0x5f: {  	_ =	shalt  }
0x60: {  	_ =	shalt  }
0x61: {  	_ =	shalt  }
0x62: {  	_ =	shalt  }
0x63: {  	_ =	shalt  }
0x64: {  	_ =	shalt  }
0x65: {  	_ =	shalt  }
0x66: {  	_ =	shalt  }
0x67: {  	_ =	shalt  }
0x68: {  	_ =	shalt  }
0x69: {  	_ =	shalt  }
0x6a: {  	_ =	shalt  }
0x6b: {  	_ =	shalt  }
0x6c: {  	_ =	shalt  }
0x6d: {  	_ =	shalt  }
0x6e: {  	_ =	shalt  }
0x6f: {  	_ =	shalt  }
0x70: {  	_ =	shalt  }
0x71: {  	_ =	shalt  }
0x72: {  	_ =	shalt  }
0x73: {  	_ =	shalt  }
0x74: {  	_ =	shalt  }
0x75: {  	_ =	shalt  }
0x76: {  	_ =	shalt  }
0x77: {  	_ =	shalt  }
0x78: {  	_ =	shalt  }
0x79: {  	_ =	shalt  }
0x7a: {  	_ =	shalt  }
0x7b: {  	_ =	shalt  }
0x7c: {  	_ =	shalt  }
0x7d: {  	_ =	shalt  }
0x7e: {  	_ =	shalt  }
0x7f: {  	_ =	shalt  }
0x80: {  	_ =	shalt  }
0x81: {  	_ =	shalt  }
0x82: {  	_ =	shalt  }
0x83: {  	_ =	shalt  }
0x84: {  	_ =	shalt  }
0x85: {  	_ =	shalt  }
0x86: {  	_ =	shalt  }
0x87: {  	_ =	shalt  }
.Lfunc_end0:
.L_simem_size_0:
called_computation.1_lowered:
.L_overlay_start_0:
0x88: {  	s2 =	sld [smem:$0x3FD9]  }
0x89: {  	s3 =	sld [smem:$0x3FFE];
	_ =	sdelay $0x1  }
0x8a: {  	s1 =	srdreg.scid  }
0x8b: {  	s0 =	sand.u32 $0x1, s1  }
0x8c: {  	s16 =	sshll.u32 s0, $0xA;
	s2 =	sadd.s32 s3, s2  }
0x8d: {  	s2 =	sadd.s32 s2, s16  }
0x8e: {  	[smem:$0x3FBF] =	sst s2  }
0x8f: {  	_ = 	snop  }
0x90: {  	(tm) =	ssettm $0x1  }
0x91: {  	s17 =	sld [smem:$0x3FFB];
	_ =	sdelay $0x3  }
0x92: {  	_ =	strace s17  }
0x93: {  	s2 =	sld [smem:$0x3FFC];
	_ =	sdelay $0x3  }
0x94: {  	_ =	strace s2  }
0x95: {  	s2 =	sld [smem:$0x3FFD];
	_ =	sdelay $0x3  }
0x96: {  	_ =	strace s2  }
0x97: {  	_ =	strace $0x8FFFFFFF  }
0x98: {  	s18 =	sld [smem:$0x3FDB];
	_ =	sdelay $0x1  }
0x99: {  	s19 =	simm.s32 $_scs_section_size  }
0x9a: {  	s4 =	simm.s32 $_size__tile_overlayer_lowered;
	s5 =	simm.s32 $_tile_overlayer_lowered  }
0x9b: {  	s22 =	simm.s32 $0x1BFF;
	s21 =	sshll.u32 s5, $0x1;
	s2 =	sadd.s32 s19, s18  }
0x9c: {  	s6 =	simm.s32 $0x0;
	s20 =	sshll.u32 s4, $0x1;
	s4 =	sadd.s32 s21, s2  }
0x9d: {  	[timem:s6], [sflag:s22] =	dma.local [hbm:s4], s20  }
0x9e: {  	_ =	swait.ge [sflag:s22], s20  }
0x9f: {  	s3 =	ssub.s32 $0x0, s20;
	[sflag:s22] =	ssyncset.done $0x0  }
0xa0: {  	[sflag:s22] =	ssyncadd.s32 s3;
	_ =	sdelay $0x1  }
0xa1: {  	s23 =	simm.s32 $0x1B8B  }
0xa2: {  	_ =	swait.ge [sflag:s23], $0x1  }
0xa3: {  	[sflag:s23] =	ssyncset.done $0x0  }
0xa4: {  	s25 =	simm.s32 $0x1B8E;
	s24 =	sld [smem:$0x3FFE];
	[sflag:s23] =	ssyncadd.s32 $0xFFFFFFFF  }
0xa5: {  	s26 =	simm.s32 $execute0_lowered;
	[smem:$0x3FD2] =	sst s25  }
0xa6: {  	s4 =	sshll.u32 s26, $0x1;
	_ =	strace $0x80000049;
	[dreg:$0x1] =	wrdreg $0xFFFFFFFF  }
0xa7: {  	s28 =	simm.s32 $_size_execute0_lowered;
	s2 =	sadd.s32 s2, s4;
	[dreg:$0x0] =	wrdreg $0x0  }
0xa8: {  	s4 =	sshll.u32 s28, $0x1;
	[dreg:$0x2] =	wrdreg s2  }
0xa9: {  	[dreg:$0x3] =	wrdreg s4  }
0xaa: {  	[dreg:$0x4] =	wrdreg $0xC0  }
0xab: {  	_ =	task [dreg:s6], $0x5FFFF  }
0xac: {  	[dreg:$0x1] =	wrdreg $0xFFFFFFFF  }
0xad: {  	[dreg:$0x0] =	wrdreg $0x60  }
0xae: {  	[dreg:$0x2] =	wrdreg s24  }
0xaf: {  	[dreg:$0x3] =	wrdreg $0x150000  }
0xb0: {  	[dreg:$0x4] =	wrdreg $0x9  }
0xb1: {  	_ =	task.clear_ibuf [dreg:s6], $0x5FFFF;
	_ =	strace $0x90000049  }
0xb2: {  	s29 =	simm.s32 $0x9;
	_ =	strace $0x8000004B  }
0xb3: {  	_ =	swait.ge [sflag:s29], $0x1  }
0xb4: {  	[sflag:s29] =	ssyncadd.s32 $0xFFFFFFFF  }
0xb5: {  	_ =	strace $0x9000004B  }
0xb6: {  	_ =	sfence  }
0xb7: {  	s30 =	sld [smem:$0x0];
	_ =	sdelay $0x2  }
0xb8: {  	s31 =	sshll.u32 s1, $0xD;
	s1 =	sshrl.u32 s1, $0x2  }
0xb9: {  	s3 =	sand.u32 $0x4000, s31;
	s1 =	sadd.s32 s1, s30  }
0xba: {  	s0 =	sor.u32 s3, s0;
	s1 =	sshll.u32 s1, $0x11  }
0xbb: {  	s0 =	sor.u32 s1, s0  }
0xbc: {  	s0 =	sadd.s32 $0x8F2B, s0  }
0xbd: {  	[sflag:s0] =	ssyncadd.remote.s32 $0x1  }
0xbe: {  	_ =	sfence.sel $0xFFFF  }
0xbf: {  	[dreg:$0x0] =	wrdreg $0xFFFFFFFF;
	(pc) =	sbr.abs _section_cstart, $3  }
0xc0: {  	[dreg:$0x1] =	wrdreg $0xFFFFFFFF  }
0xc1: {  	_ =	task.clear_ibuf [dreg:s6], $0x2FFFF;
	_ =	strace $0x9FFFFFFF  }
0xc2: {  	(tm) =	ssettm $0x7FFFFFFF  }
0xc3: {  	_ =	shalt  }
tec
execute0_lowered:
.L_overlay_start_1:
0x0: {  	(tag) =	ssettag $0x1  }
0x1: {  	s0 =	srdreg.scid  }
0x2: {  	s3 =	stileid.u32;
	s5 =	rddreg [dreg:$0x0]  }
0x3: {  	s2 =	rddreg [dreg:$0x1];
	s4 =	simm.s32 $0x0;
	s10 =	simm.s32 $0x5  }
0x4: {  	s14 =	simm.s32 $0x40;
	s15 =	simm.s32 $0x5000;
	s17 =	simm.s32 $0xD000  }
0x5: {  	s18 =	simm.s32 $0x6000;
	s20 =	simm.s32 $0xE000;
	s29 =	simm.s32 $0x10000  }
0x6: {  	s31 =	simm.s32 $0x9000;
	s16 =	simm.s32 $0xA000;
	s21 =	simm.s32 $0x12000  }
0x7: {  	s30 =	simm.s32 $0x13000;
	s11 =	simm.s32 $0xC000;
	s28 =	simm.s32 $0x1  }
0x8: {  	s19 =	simm.s32 $0x2;
	s0 =	sand.u32 $0x1, s0;
	s1 =	sshll.u32 s3, $0x1  }
0x9: {  	s6 =	smul.u32 $0x9E00, s3;
	[smem:$0x7FF] =	sst s4;
	s4 =	sadd.s32 $0x24400, s5  }
0xa: {  	s26 =	sshll.u32 s3, $0x6;
	s1 =	sor.u32 s0, s1;
	s7 =	smul.u32 $0x9E000, s0  }
0xb: {  	_ =	strace $0x8000004A;
	s0 =	ssub.s32 $0x2, s0;
	s9 =	sor.u32 $0x1C05, s26  }
0xc: {  	s26 =	simm.s32 $0x8000;
	s1 =	smul.u32 $0x500, s1;
	s8 =	sshrl.u32 s6, $0x3  }
0xd: {  	s22 =	sshrl.u32 s0, $0x1;
	s24 =	sadd.s32 s6, s2;
	[dreg:$0x8] =	wrdreg s9  }
0xe: {  	s7 =	sadd.s32 s6, s7;
	s8 =	sadd.s32 s8, s5;
	s0 =	ssub.s32 s0, s22  }
0xf: {  	s12 =	sshrl.u32 s24, $0x3;
	s22 =	simm.s32 $0x7000;
	s24 =	simm.s32 $0xF000  }
0x10: {  	s6 =	simm.s32 $0x0;
	s1 =	sadd.s32 s1, s5;
	s7 =	sshrl.u32 s7, $0x3  }
0x11: {  	s25 =	sadd.s32 $0x38000, s8;
	s0 =	smax.u32 s0, $0x1;
	[dreg:$0x9] =	wrdreg s12  }
.Ltmp0:
0x12: {  	s5 =	sadd.s32 s7, s5;
	[dreg:$0x5] =	wrdreg s25;
	(pc) =	sbr.rel .LBB2_1-.Ltmp0, $4  }
0x13: {  	s23 =	sadd.s32 $0x1A400, s1;
	s1 =	sadd.s32 $0x1400, s1;
	[dreg:$0x7] =	wrdreg s0  }
0x14: {  	s0 =	simm.s32 $0x11000;
	s25 =	simm.s32 $0xB000;
	[dreg:$0x3] =	wrdreg s23  }
0x15: {  	[dreg:$0x4] =	wrdreg s1;
	s5 =	sadd.s32 $0x4BC00, s5;
	s23 =	simm.s32 $0x14000  }
0x16: {  	s1 =	simm.s32 $0x3;
	[dreg:$0x6] =	wrdreg s5;
	s5 =	simm.s32 $0x4  }
.LBB2_4:
0x17: {  	[bflag:$0x0] =	sbarrier.arrive $0xFFFF  }
0x18: {  	s3 =	rddreg [dreg:$0x6]  }
0x19: {  	s9 =	rddreg [dreg:$0x8]  }
0x1a: {  	s12 =	rddreg [dreg:$0x9]  }
0x1b: {  	[hbm:s3], [sflag:s9] =	dma.local [spmem:s12], $0x13C0  }
0x1c: {  	_ =	swait.ge [sflag:s10], $0x13C0  }
0x1d: {  	s6 =	sadd.s32 $0x1, s6;
	s13 =	rddreg [dreg:$0x7]  }
0x1e: {  	p0 =	sne.s32 s6, s13  }
.Ltmp1:
0x1f: {  	_ = 	snop;
	(pc) =	sbr.rel @!p0 .LBB2_5-.Ltmp1, $3  }
0x20: {  	_ =	sdelay $0x1  }
0x21: {  	[sflag:s10] =	ssyncset.done $0x0  }
0x22: {  	[sflag:s10] =	ssyncadd.s32 $0xFFFFEC40  }
.LBB2_1:
0x23: {  	s3 =	simm.s32 $0x0;
	s7 =	rddreg [dreg:$0x3]  }
0x24: {  	[tilespmem:s3], [sflag:$0x5] =	stream.linear.gather [hbm4b:s7+s3], $0x2800, $0x38;
	[tilespmem:$0x1EE00] =	vst v63  }
0x25: {  	_ =	swait.ge [sflag:s10], $0x2800  }
0x26: {  	[sflag:s10] =	ssyncset.done $0x0  }
0x27: {  	s8 =	simm.s32 $0x2800;
	s13 =	rddreg [dreg:$0x4];
	[sflag:s10] =	ssyncadd.s32 $0xFFFFD800  }
0x28: {  	[tilespmem:s8], [sflag:$0x5] =	stream.linear.gather [hbm4b:s13+s3], $0x2800, $0x38;
	[tilespmem:$0x1EE00] =	vst v63  }
0x29: {  	_ =	swait.ge [sflag:s10], $0x2800  }
0x2a: {  	[sflag:s10] =	ssyncset.done $0x0  }
0x2b: {  	s13 =	rddreg [dreg:$0x5];
	[sflag:s10] =	ssyncadd.s32 $0xFFFFD800  }
0x2c: {  	[spmem:s12], [sflag:s9] =	dma.local [hbm:s13], $0x13C0  }
0x2d: {  	_ =	swait.ge [sflag:s10], $0x13C0  }
0x2e: {  	[sflag:s10] =	ssyncset.done $0x0  }
0x2f: {  	[sflag:s10] =	ssyncadd.s32 $0xFFFFEC40  }
0x30: {  	[bflag:$0x0] =	sbarrier.arrive $0xFFFF  }
0x31: {  	[tilespmem:s15], [sflag:$0x1] =	stream.indirect.gather [hbm4b:s4+s14], $0x40, s3, s14, $0xb8;
	[tilespmem:$0x1EE00] =	vst v63  }
0x32: {  	s8 =	simm.s32 $0x200  }
0x33: {  	[tilespmem:s17], [sflag:$0x2] =	stream.indirect.gather [hbm4b:s4+s14], $0x40, s8, s14, $0xb8;
	[tilespmem:$0x1EE00] =	vst v63  }
0x34: {  	_ = 	snop  }
0x35: {  	[tilespmem:s18], [sflag:$0x1] =	stream.indirect.gather [hbm4b:s4+s14], $0x40, s14, s14, $0xb8;
	[tilespmem:$0x1EE00] =	vst v63  }
0x36: {  	s9 =	simm.s32 $0x240  }
0x37: {  	[tilespmem:s20], [sflag:$0x2] =	stream.indirect.gather [hbm4b:s4+s14], $0x40, s9, s14, $0xb8;
	[tilespmem:$0x1EE00] =	vst v63  }
0x38: {  	s12 =	simm.s32 $0x80  }
0x39: {  	[tilespmem:s22], [sflag:$0x1] =	stream.indirect.gather [hbm4b:s4+s14], $0x40, s12, s14, $0xb8;
	[tilespmem:$0x1EE00] =	vst v63  }
0x3a: {  	s13 =	simm.s32 $0x280  }
0x3b: {  	[tilespmem:s24], [sflag:$0x2] =	stream.indirect.gather [hbm4b:s4+s14], $0x40, s13, s14, $0xb8;
	[tilespmem:$0x1EE00] =	vst v63  }
0x3c: {  	s7 =	simm.s32 $0xC0  }
0x3d: {  	[tilespmem:s26], [sflag:$0x1] =	stream.indirect.gather [hbm4b:s4+s14], $0x40, s7, s14, $0xb8;
	[tilespmem:$0x1EE00] =	vst v63  }
0x3e: {  	s8 =	simm.s32 $0x2C0  }
0x3f: {  	[tilespmem:s29], [sflag:$0x2] =	stream.indirect.gather [hbm4b:s4+s14], $0x40, s8, s14, $0xb8;
	[tilespmem:$0x1EE00] =	vst v63  }
0x40: {  	s9 =	simm.s32 $0x100  }
0x41: {  	[tilespmem:s31], [sflag:$0x1] =	stream.indirect.gather [hbm4b:s4+s14], $0x40, s9, s14, $0xb8;
	[tilespmem:$0x1EE00] =	vst v63  }
0x42: {  	s12 =	simm.s32 $0x300  }
0x43: {  	[tilespmem:s0], [sflag:$0x2] =	stream.indirect.gather [hbm4b:s4+s14], $0x40, s12, s14, $0xb8;
	[tilespmem:$0x1EE00] =	vst v63  }
0x44: {  	s13 =	simm.s32 $0x140  }
0x45: {  	[tilespmem:s16], [sflag:$0x1] =	stream.indirect.gather [hbm4b:s4+s14], $0x40, s13, s14, $0xb8;
	[tilespmem:$0x1EE00] =	vst v63  }
0x46: {  	s7 =	simm.s32 $0x340  }
0x47: {  	[tilespmem:s21], [sflag:$0x2] =	stream.indirect.gather [hbm4b:s4+s14], $0x40, s7, s14, $0xb8;
	[tilespmem:$0x1EE00] =	vst v63  }
0x48: {  	s8 =	simm.s32 $0x180  }
0x49: {  	[tilespmem:s25], [sflag:$0x1] =	stream.indirect.gather [hbm4b:s4+s14], $0x40, s8, s14, $0xb8;
	[tilespmem:$0x1EE00] =	vst v63  }
0x4a: {  	s9 =	simm.s32 $0x380  }
0x4b: {  	[tilespmem:s30], [sflag:$0x2] =	stream.indirect.gather [hbm4b:s4+s14], $0x40, s9, s14, $0xb8;
	[tilespmem:$0x1EE00] =	vst v63  }
0x4c: {  	s12 =	simm.s32 $0x1C0  }
0x4d: {  	[tilespmem:s11], [sflag:$0x1] =	stream.indirect.gather [hbm4b:s4+s14], $0x40, s12, s14, $0xb8;
	[tilespmem:$0x1EE00] =	vst v63  }
0x4e: {  	s13 =	simm.s32 $0x3C0;
	s7 =	simm.s32 $0x0  }
0x4f: {  	[tilespmem:s23], [sflag:$0x2] =	stream.indirect.gather [hbm4b:s4+s14], $0x40, s13, s14, $0xb8;
	[tilespmem:$0x1EE00] =	vst v63  }
.LBB2_2:
0x50: {  	_ =	swait.ge [sflag:s28], $0x1000  }
0x51: {  	[sflag:s28] =	ssyncset.done $0x0  }
0x52: {  	[sflag:s28] =	ssyncadd.s32 $0xFFFFF000  }
0x53: {  	_ =	swait.ge [sflag:s28], $0x1000  }
0x54: {  	[sflag:s28] =	ssyncset.done $0x0  }
0x55: {  	[sflag:s28] =	ssyncadd.s32 $0xFFFFF000  }
0x56: {  	_ =	swait.ge [sflag:s28], $0x1000  }
0x57: {  	[sflag:s28] =	ssyncset.done $0x0  }
0x58: {  	[sflag:s28] =	ssyncadd.s32 $0xFFFFF000  }
0x59: {  	_ =	swait.ge [sflag:s28], $0x1000  }
0x5a: {  	[sflag:s28] =	ssyncset.done $0x0  }
0x5b: {  	[sflag:s28] =	ssyncadd.s32 $0xFFFFF000  }
0x5c: {  	_ =	swait.ge [sflag:s28], $0x1000  }
0x5d: {  	[sflag:s28] =	ssyncset.done $0x0  }
0x5e: {  	[sflag:s28] =	ssyncadd.s32 $0xFFFFF000  }
0x5f: {  	_ =	swait.ge [sflag:s28], $0x1000  }
0x60: {  	[sflag:s28] =	ssyncset.done $0x0  }
0x61: {  	[sflag:s28] =	ssyncadd.s32 $0xFFFFF000  }
0x62: {  	_ =	swait.ge [sflag:s28], $0x1000  }
0x63: {  	[sflag:s28] =	ssyncset.done $0x0  }
0x64: {  	[sflag:s28] =	ssyncadd.s32 $0xFFFFF000  }
0x65: {  	_ =	swait.ge [sflag:s28], $0x1000  }
0x66: {  	s8 =	sshra.s32 s7, $0x2;
	[sflag:s28] =	ssyncset.done $0x0  }
0x67: {  	s9 =	sadd.s32 $0x2800, s8;
	[sflag:s28] =	ssyncadd.s32 $0xFFFFF000  }
0x68: {  	[spmem:s2] =	stream.indirect.scatter.add.f32 [tilespmem:s15], [sflag:$0x3], $0x40, s9, s14, $0xb8;
	[tilespmem:$0x1EE00] =	vst v63  }
0x69: {  	s3 =	sadd.s32 $0x2840, s8  }
0x6a: {  	[spmem:s2] =	stream.indirect.scatter.add.f32 [tilespmem:s18], [sflag:$0x3], $0x40, s3, s14, $0xb8;
	[tilespmem:$0x1EE00] =	vst v63  }
0x6b: {  	s12 =	sadd.s32 $0x2880, s8  }
0x6c: {  	[spmem:s2] =	stream.indirect.scatter.add.f32 [tilespmem:s22], [sflag:$0x3], $0x40, s12, s14, $0xb8;
	[tilespmem:$0x1EE00] =	vst v63  }
0x6d: {  	s13 =	sadd.s32 $0x28C0, s8  }
0x6e: {  	[spmem:s2] =	stream.indirect.scatter.add.f32 [tilespmem:s26], [sflag:$0x3], $0x40, s13, s14, $0xb8;
	[tilespmem:$0x1EE00] =	vst v63  }
0x6f: {  	s3 =	sadd.s32 $0x2900, s8  }
0x70: {  	[spmem:s2] =	stream.indirect.scatter.add.f32 [tilespmem:s31], [sflag:$0x3], $0x40, s3, s14, $0xb8;
	[tilespmem:$0x1EE00] =	vst v63  }
0x71: {  	s12 =	sadd.s32 $0x2940, s8  }
0x72: {  	[spmem:s2] =	stream.indirect.scatter.add.f32 [tilespmem:s16], [sflag:$0x3], $0x40, s12, s14, $0xb8;
	[tilespmem:$0x1EE00] =	vst v63  }
0x73: {  	s13 =	sadd.s32 $0x2980, s8  }
0x74: {  	[spmem:s2] =	stream.indirect.scatter.add.f32 [tilespmem:s25], [sflag:$0x3], $0x40, s13, s14, $0xb8;
	[tilespmem:$0x1EE00] =	vst v63  }
0x75: {  	s3 =	sadd.s32 $0x29C0, s8  }
0x76: {  	[spmem:s2] =	stream.indirect.scatter.add.f32 [tilespmem:s11], [sflag:$0x3], $0x40, s3, s14, $0xb8;
	[tilespmem:$0x1EE00] =	vst v63  }
0x77: {  	_ =	swait.ge [sflag:s1], $0x1000  }
0x78: {  	[sflag:s1] =	ssyncset.done $0x0  }
0x79: {  	[sflag:s1] =	ssyncadd.s32 $0xFFFFF000  }
0x7a: {  	_ =	swait.ge [sflag:s1], $0x1000  }
0x7b: {  	[sflag:s1] =	ssyncset.done $0x0  }
0x7c: {  	[sflag:s1] =	ssyncadd.s32 $0xFFFFF000  }
0x7d: {  	_ =	swait.ge [sflag:s1], $0x1000  }
0x7e: {  	[sflag:s1] =	ssyncset.done $0x0  }
0x7f: {  	[sflag:s1] =	ssyncadd.s32 $0xFFFFF000  }
0x80: {  	_ =	swait.ge [sflag:s1], $0x1000  }
0x81: {  	[sflag:s1] =	ssyncset.done $0x0  }
0x82: {  	[sflag:s1] =	ssyncadd.s32 $0xFFFFF000  }
0x83: {  	_ =	swait.ge [sflag:s1], $0x1000  }
0x84: {  	[sflag:s1] =	ssyncset.done $0x0  }
0x85: {  	[sflag:s1] =	ssyncadd.s32 $0xFFFFF000  }
0x86: {  	_ =	swait.ge [sflag:s1], $0x1000  }
0x87: {  	[sflag:s1] =	ssyncset.done $0x0  }
0x88: {  	[sflag:s1] =	ssyncadd.s32 $0xFFFFF000  }
0x89: {  	_ =	swait.ge [sflag:s1], $0x1000  }
0x8a: {  	[sflag:s1] =	ssyncset.done $0x0  }
0x8b: {  	[sflag:s1] =	ssyncadd.s32 $0xFFFFF000  }
0x8c: {  	p0 =	seq.s32 s7, $0x9000;
	_ =	swait.ge [sflag:s1], $0x1000  }
0x8d: {  	s9 =	sshra.s32 @!p0 s7, $0x2;
	s12 =	simm.s32 @!p0 $0x40;
	[sflag:s1] =	ssyncset.done $0x0  }
0x8e: {  	s13 =	simm.s32 @!p0 $0x5000;
	s3 =	sadd.s32 @!p0 $0x400, s9;
	[sflag:s1] =	ssyncadd.s32 $0xFFFFF000  }
0x8f: {  	[tilespmem:s13], [sflag:$0x1] =	stream.indirect.gather @!p0 [hbm4b:s4+s12], $0x40, s3, s12, $0xb8;
	[tilespmem:$0x1EE00] =	vst v63  }
0x90: {  	s3 =	sadd.s32 @!p0 $0x440, s9;
	s13 =	simm.s32 @!p0 $0x6000  }
0x91: {  	[tilespmem:s13], [sflag:$0x1] =	stream.indirect.gather @!p0 [hbm4b:s4+s12], $0x40, s3, s12, $0xb8;
	[tilespmem:$0x1EE00] =	vst v63  }
0x92: {  	s3 =	sadd.s32 @!p0 $0x480, s9;
	s13 =	simm.s32 @!p0 $0x7000  }
0x93: {  	[tilespmem:s13], [sflag:$0x1] =	stream.indirect.gather @!p0 [hbm4b:s4+s12], $0x40, s3, s12, $0xb8;
	[tilespmem:$0x1EE00] =	vst v63  }
0x94: {  	s3 =	sadd.s32 @!p0 $0x4C0, s9;
	s13 =	simm.s32 @!p0 $0x8000  }
0x95: {  	[tilespmem:s13], [sflag:$0x1] =	stream.indirect.gather @!p0 [hbm4b:s4+s12], $0x40, s3, s12, $0xb8;
	[tilespmem:$0x1EE00] =	vst v63  }
0x96: {  	s3 =	sadd.s32 @!p0 $0x500, s9;
	s13 =	simm.s32 @!p0 $0x9000  }
0x97: {  	[tilespmem:s13], [sflag:$0x1] =	stream.indirect.gather @!p0 [hbm4b:s4+s12], $0x40, s3, s12, $0xb8;
	[tilespmem:$0x1EE00] =	vst v63  }
0x98: {  	s3 =	sadd.s32 @!p0 $0x540, s9;
	s13 =	simm.s32 @!p0 $0xA000  }
0x99: {  	[tilespmem:s13], [sflag:$0x1] =	stream.indirect.gather @!p0 [hbm4b:s4+s12], $0x40, s3, s12, $0xb8;
	[tilespmem:$0x1EE00] =	vst v63  }
0x9a: {  	s3 =	sadd.s32 @!p0 $0x580, s9;
	s13 =	simm.s32 @!p0 $0xB000  }
0x9b: {  	[tilespmem:s13], [sflag:$0x1] =	stream.indirect.gather @!p0 [hbm4b:s4+s12], $0x40, s3, s12, $0xb8;
	[tilespmem:$0x1EE00] =	vst v63  }
0x9c: {  	s3 =	sadd.s32 @!p0 $0x5C0, s9;
	s9 =	simm.s32 @!p0 $0xC000  }
0x9d: {  	[tilespmem:s9], [sflag:$0x1] =	stream.indirect.gather @!p0 [hbm4b:s4+s12], $0x40, s3, s12, $0xb8;
	[tilespmem:$0x1EE00] =	vst v63  }
0x9e: {  	_ =	swait.ge [sflag:s19], $0x1000  }
0x9f: {  	[sflag:s19] =	ssyncset.done $0x0  }
0xa0: {  	[sflag:s19] =	ssyncadd.s32 $0xFFFFF000  }
0xa1: {  	_ =	swait.ge [sflag:s19], $0x1000  }
0xa2: {  	[sflag:s19] =	ssyncset.done $0x0  }
0xa3: {  	[sflag:s19] =	ssyncadd.s32 $0xFFFFF000  }
0xa4: {  	_ =	swait.ge [sflag:s19], $0x1000  }
0xa5: {  	[sflag:s19] =	ssyncset.done $0x0  }
0xa6: {  	[sflag:s19] =	ssyncadd.s32 $0xFFFFF000  }
0xa7: {  	_ =	swait.ge [sflag:s19], $0x1000  }
0xa8: {  	[sflag:s19] =	ssyncset.done $0x0  }
0xa9: {  	[sflag:s19] =	ssyncadd.s32 $0xFFFFF000  }
0xaa: {  	_ =	swait.ge [sflag:s19], $0x1000  }
0xab: {  	[sflag:s19] =	ssyncset.done $0x0  }
0xac: {  	[sflag:s19] =	ssyncadd.s32 $0xFFFFF000  }
0xad: {  	_ =	swait.ge [sflag:s19], $0x1000  }
0xae: {  	[sflag:s19] =	ssyncset.done $0x0  }
0xaf: {  	[sflag:s19] =	ssyncadd.s32 $0xFFFFF000  }
0xb0: {  	_ =	swait.ge [sflag:s19], $0x1000  }
0xb1: {  	[sflag:s19] =	ssyncset.done $0x0  }
0xb2: {  	[sflag:s19] =	ssyncadd.s32 $0xFFFFF000  }
0xb3: {  	_ =	swait.ge [sflag:s19], $0x1000  }
0xb4: {  	[sflag:s19] =	ssyncset.done $0x0  }
0xb5: {  	s12 =	sadd.s32 $0x2A00, s8;
	[sflag:s19] =	ssyncadd.s32 $0xFFFFF000  }
0xb6: {  	[spmem:s2] =	stream.indirect.scatter.add.f32 [tilespmem:s17], [sflag:$0x4], $0x40, s12, s14, $0xb8;
	[tilespmem:$0x1EE00] =	vst v63  }
0xb7: {  	s13 =	sadd.s32 $0x2A40, s8  }
0xb8: {  	[spmem:s2] =	stream.indirect.scatter.add.f32 [tilespmem:s20], [sflag:$0x4], $0x40, s13, s14, $0xb8;
	[tilespmem:$0x1EE00] =	vst v63  }
0xb9: {  	s9 =	sadd.s32 $0x2A80, s8  }
0xba: {  	[spmem:s2] =	stream.indirect.scatter.add.f32 [tilespmem:s24], [sflag:$0x4], $0x40, s9, s14, $0xb8;
	[tilespmem:$0x1EE00] =	vst v63  }
0xbb: {  	s12 =	sadd.s32 $0x2AC0, s8  }
0xbc: {  	[spmem:s2] =	stream.indirect.scatter.add.f32 [tilespmem:s29], [sflag:$0x4], $0x40, s12, s14, $0xb8;
	[tilespmem:$0x1EE00] =	vst v63  }
0xbd: {  	s13 =	sadd.s32 $0x2B00, s8  }
0xbe: {  	[spmem:s2] =	stream.indirect.scatter.add.f32 [tilespmem:s0], [sflag:$0x4], $0x40, s13, s14, $0xb8;
	[tilespmem:$0x1EE00] =	vst v63  }
0xbf: {  	s9 =	sadd.s32 $0x2B40, s8  }
0xc0: {  	[spmem:s2] =	stream.indirect.scatter.add.f32 [tilespmem:s21], [sflag:$0x4], $0x40, s9, s14, $0xb8;
	[tilespmem:$0x1EE00] =	vst v63  }
0xc1: {  	s12 =	sadd.s32 $0x2B80, s8  }
0xc2: {  	[spmem:s2] =	stream.indirect.scatter.add.f32 [tilespmem:s30], [sflag:$0x4], $0x40, s12, s14, $0xb8;
	[tilespmem:$0x1EE00] =	vst v63  }
0xc3: {  	s13 =	sadd.s32 $0x2BC0, s8  }
0xc4: {  	[spmem:s2] =	stream.indirect.scatter.add.f32 [tilespmem:s23], [sflag:$0x4], $0x40, s13, s14, $0xb8;
	[tilespmem:$0x1EE00] =	vst v63  }
0xc5: {  	_ =	swait.ge [sflag:s5], $0x1000  }
0xc6: {  	[sflag:s5] =	ssyncset.done $0x0  }
0xc7: {  	[sflag:s5] =	ssyncadd.s32 $0xFFFFF000  }
0xc8: {  	_ =	swait.ge [sflag:s5], $0x1000  }
0xc9: {  	[sflag:s5] =	ssyncset.done $0x0  }
0xca: {  	[sflag:s5] =	ssyncadd.s32 $0xFFFFF000  }
0xcb: {  	_ =	swait.ge [sflag:s5], $0x1000  }
0xcc: {  	[sflag:s5] =	ssyncset.done $0x0  }
0xcd: {  	[sflag:s5] =	ssyncadd.s32 $0xFFFFF000  }
0xce: {  	_ =	swait.ge [sflag:s5], $0x1000  }
0xcf: {  	[sflag:s5] =	ssyncset.done $0x0  }
0xd0: {  	[sflag:s5] =	ssyncadd.s32 $0xFFFFF000  }
0xd1: {  	_ =	swait.ge [sflag:s5], $0x1000  }
0xd2: {  	[sflag:s5] =	ssyncset.done $0x0  }
0xd3: {  	[sflag:s5] =	ssyncadd.s32 $0xFFFFF000  }
0xd4: {  	_ =	swait.ge [sflag:s5], $0x1000  }
0xd5: {  	[sflag:s5] =	ssyncset.done $0x0  }
0xd6: {  	[sflag:s5] =	ssyncadd.s32 $0xFFFFF000  }
0xd7: {  	_ =	swait.ge [sflag:s5], $0x1000  }
.Ltmp2:
0xd8: {  	[sflag:s5] =	ssyncset.done $0x0;
	(pc) =	sbr.rel @p0 .LBB2_4-.Ltmp2, $4  }
0xd9: {  	[sflag:s5] =	ssyncadd.s32 $0xFFFFF000  }
0xda: {  	_ =	swait.ge [sflag:s5], $0x1000  }
0xdb: {  	[sflag:s5] =	ssyncset.done $0x0  }
0xdc: {  	[sflag:s5] =	ssyncadd.s32 $0xFFFFF000  }
0xdd: {  	s3 =	sadd.s32 $0x600, s8  }
0xde: {  	[tilespmem:s17], [sflag:$0x2] =	stream.indirect.gather [hbm4b:s4+s14], $0x40, s3, s14, $0xb8;
	[tilespmem:$0x1EE00] =	vst v63  }
0xdf: {  	s13 =	sadd.s32 $0x640, s8  }
0xe0: {  	[tilespmem:s20], [sflag:$0x2] =	stream.indirect.gather [hbm4b:s4+s14], $0x40, s13, s14, $0xb8;
	[tilespmem:$0x1EE00] =	vst v63  }
0xe1: {  	s9 =	sadd.s32 $0x680, s8  }
0xe2: {  	[tilespmem:s24], [sflag:$0x2] =	stream.indirect.gather [hbm4b:s4+s14], $0x40, s9, s14, $0xb8;
	[tilespmem:$0x1EE00] =	vst v63  }
0xe3: {  	s12 =	sadd.s32 $0x6C0, s8  }
0xe4: {  	[tilespmem:s29], [sflag:$0x2] =	stream.indirect.gather [hbm4b:s4+s14], $0x40, s12, s14, $0xb8;
	[tilespmem:$0x1EE00] =	vst v63  }
0xe5: {  	s13 =	sadd.s32 $0x700, s8  }
0xe6: {  	[tilespmem:s0], [sflag:$0x2] =	stream.indirect.gather [hbm4b:s4+s14], $0x40, s13, s14, $0xb8;
	[tilespmem:$0x1EE00] =	vst v63  }
0xe7: {  	s9 =	sadd.s32 $0x740, s8  }
0xe8: {  	[tilespmem:s21], [sflag:$0x2] =	stream.indirect.gather [hbm4b:s4+s14], $0x40, s9, s14, $0xb8;
	[tilespmem:$0x1EE00] =	vst v63  }
.Ltmp3:
0xe9: {  	_ = 	snop;
	(pc) =	sbr.rel .LBB2_2-.Ltmp3, $4  }
0xea: {  	s12 =	sadd.s32 $0x780, s8  }
0xeb: {  	[tilespmem:s30], [sflag:$0x2] =	stream.indirect.gather [hbm4b:s4+s14], $0x40, s12, s14, $0xb8;
	[tilespmem:$0x1EE00] =	vst v63  }
0xec: {  	s7 =	sadd.s32 $0x1000, s7;
	s13 =	sadd.s32 $0x7C0, s8  }
0xed: {  	[tilespmem:s23], [sflag:$0x2] =	stream.indirect.gather [hbm4b:s4+s14], $0x40, s13, s14, $0xb8;
	[tilespmem:$0x1EE00] =	vst v63  }
.LBB2_5:
0xee: {  	_ =	sfence.sel $0x180000  }
0xef: {  	[bflag:$0x0] =	sbarrier.arrive $0xFFFF  }
0xf0: {  	_ =	strace $0x9000004A  }
0xf1: {  	s0 =	stileid.u32;
	[bflag:$0x2] =	sbarrier.arrive $0xFFFF  }
0xf2: {  	p0 =	sne.s32 s0, $0x0;
	s0 =	rddreg [dreg:$0x2]  }
0xf3: {  	s0 =	sadd.s32 @!p0 $0x100000, s0  }
0xf4: {  	[sflag:s0] =	ssyncadd.tile.s32 @!p0 $0x1;
	_ =	shalt  }
.Lfunc_end2:
_tile_overlayer_lowered:
.L_overlay_start_2:
0xf5: {  	(tag) =	ssettag $0x2  }
0xf6: {  	s0 =	rddreg [dreg:$0x0];
	s2 =	stileid.u32  }
0xf7: {  	s1 =	rddreg [dreg:$0x1];
	p0 =	sne.s32 s2, $0x0  }
0xf8: {  	s3 =	rddreg [dreg:$0x2];
	[bflag:$0x3] =	sbarrier.arrive $0xFFFF;
	s2 =	simm.s32 @!p0 $0x1C05  }
0xf9: {  	[timem:s3], [sflag:s2] =	dma.local @!p0 [hbm:s0], s1  }
0xfa: {  	s0 =	simm.s32 @!p0 $0x5  }
0xfb: {  	_ =	swait.ge @!p0 [sflag:s0], s1  }
0xfc: {  	s1 =	ssub.s32 @!p0 $0x0, s1;
	[sflag:s0] =	ssyncset.done @!p0 $0x0  }
0xfd: {  	[sflag:s0] =	ssyncadd.s32 @!p0 s1  }
0xfe: {  	[bflag:$0x3] =	sbarrier.arrive $0xFFFF  }
0xff: {  	_ =	shalt  }

// kernel: kernel.14.cloned.1.call-start
scs
__scs_entry_jumppad:
0x0: {  	(pc) =	sbr.rel $0x88, $3  }
0x1: {  	(tag) =	ssettag $0x0;
	lr =	simm.s32 $0x1  }
0x2: {  	[smem:$0x3F98] =	sst lr;
	_ =	strace $0xD0000000  }
0x3: {  	_ = 	snop  }
0x4: {  	_ = 	snop  }
0x5: {  	_ = 	snop  }
0x6: {  	_ = 	snop  }
0x7: {  	_ = 	snop  }
__scs_overlays_trampoline_lowered:
0x8: {  	[smem:$0x3FA7] =	sst s0  }
0x9: {  	[smem:$0x3FA8] =	sst s1  }
0xa: {  	[smem:$0x3FA9] =	sst s2  }
0xb: {  	[smem:$0x3FAA] =	sst s3  }
0xc: {  	[smem:$0x3FAB] =	sst s4  }
0xd: {  	[smem:$0x3FAC] =	sst s5  }
0xe: {  	[smem:$0x3FAD] =	sst s6  }
0xf: {  	[smem:$0x3FAE] =	sst s7  }
0x10: {  	[smem:$0x3FAF] =	sst s8  }
0x11: {  	[smem:$0x3FB0] =	sst s9;
	s0 =	simm.s32 @!p0 $0x0  }
0x12: {  	s1 =	sld [smem:$0x3F96];
	s0 =	simm.s32 @p0 $0x1  }
0x13: {  	[smem:$0x3FB1] =	sst s0;
	s0 =	simm.s32 @!p1 $0x0  }
0x14: {  	s2 =	sld [smem:$0x3F95];
	s0 =	simm.s32 @p1 $0x1  }
0x15: {  	[smem:$0x3FB2] =	sst s0;
	s0 =	simm.s32 @!p2 $0x0  }
0x16: {  	s3 =	sld [smem:$0x3FDB];
	s0 =	simm.s32 @p2 $0x1  }
0x17: {  	s4 =	simm.s32 $0x1BF5;
	[smem:$0x3FB4] =	sst s0  }
0x18: {  	s0 =	sld [smem:$0x3F97];
	_ =	swait.ge [sflag:s4], $0x0  }
0x19: {  	s7 =	sld [smem:$0x3F98]  }
0x1a: {  	s8 =	sadd.s32 $0xFFFFE003, lr  }
0x1b: {  	s9 =	sadd.s32 $0xFFFFFEF7, lr;
	s5 =	simm.s32 $0xFFFFFFFF;
	p2 =	slt.u32 s8, $0xFFFFF086  }
0x1c: {  	p1 =	slt.u32 s9, $0xF7A;
	s5 =	simm.s32 @!p2 $0x0  }
0x1d: {  	s5 =	simm.s32 @p1 $0x1;
	p0 =	seq.s32 s7, s2  }
0x1e: {  	s7 =	smul.u32 @!p0 $0xF7A, s2;
	p2 =	seq.s32 @!p0 s5, $0x0  }
0x1f: {  	s9 =	smul.u32 $0xF7A, s1;
	s8 =	simm.s32 @!p0 $0x1BF5;
	p2 =	por !p2, p0  }
0x20: {  	[sflag:s8] =	ssyncset.s32 @!p0 $0xFFFFF086;
	s6 =	sadd.s32 @!p0 s3, s7;
	s7 =	simm.s32 @!p0 $0x108  }
0x21: {  	s3 =	sadd.s32 s3, s9;
	s6 =	sadd.s32 @!p0 $0x88, s6;
	s7 =	simm.s32 @p2 $0x1082  }
0x22: {  	[simem:s7], [sflag:s8] =	dma.local @!p0 [hbm:s6], $0xF7A  }
0x23: {  	s9 =	sor.u32 $0xD0000000, s2;
	s6 =	simm.s32 $0x108;
	_ =	swait.ge @!p0 [sflag:s8], $0x0  }
0x24: {  	s3 =	sadd.s32 $0x88, s3;
	s6 =	simm.s32 @!p1 $0x1082;
	[sflag:s4] =	ssyncset.s32 $0xFFFFF086  }
0x25: {  	[simem:s6], [sflag:s4] =	dma.local [hbm:s3], $0xF7A  }
0x26: {  	[smem:$0x3F98] =	sst s1;
	(tag) =	ssettag s2;
	_ =	strace s9  }
0x27: {  	s1 =	sld [smem:$0x3FA8]  }
0x28: {  	s2 =	sld [smem:$0x3FA9]  }
0x29: {  	s4 =	sld [smem:$0x3FAB]  }
0x2a: {  	p0 =	seq.s32 s5, $0x0;
	s5 =	sld [smem:$0x3FAC]  }
0x2b: {  	s6 =	sld [smem:$0x3FAD]  }
0x2c: {  	s7 =	sld [smem:$0x3FAE]  }
0x2d: {  	s3 =	simm.s32 $0x108;
	s8 =	sld [smem:$0x3FAF]  }
0x2e: {  	s3 =	simm.s32 @!p0 $0x1082;
	s9 =	sld [smem:$0x3FB0]  }
0x2f: {  	lr =	sadd.s32 s0, s3;
	s0 =	sld [smem:$0x3FA7]  }
0x30: {  	s3 =	sld [smem:$0x3FAA]  }
0x31: {  	[smem:$0x3FB3] =	sst s10  }
0x32: {  	s10 =	sld [smem:$0x3FB1];
	_ =	sdelay $0x3  }
0x33: {  	p0 =	seq.s32 s10, $0x1;
	s10 =	sld [smem:$0x3FB3];
	_ =	sdelay $0x3  }
0x34: {  	[smem:$0x3FB3] =	sst s10  }
0x35: {  	s10 =	sld [smem:$0x3FB2];
	_ =	sdelay $0x3  }
0x36: {  	p1 =	seq.s32 s10, $0x1;
	s10 =	sld [smem:$0x3FB3];
	_ =	sdelay $0x3  }
0x37: {  	[smem:$0x3FB3] =	sst s10  }
0x38: {  	s10 =	sld [smem:$0x3FB4]  }
0x39: {  	_ = 	snop;
	(pc) =	sbr.ind lr, $3  }
0x3a: {  	_ = 	snop  }
0x3b: {  	_ = 	snop  }
0x3c: {  	p2 =	seq.s32 s10, $0x1;
	s10 =	sld [smem:$0x3FB3]  }
0x3d: {  	_ =	shalt  }
0x3e: {  	_ =	shalt  }
0x3f: {  	_ =	shalt  }
0x40: {  	_ =	shalt  }
0x41: {  	_ =	shalt  }
0x42: {  	_ =	shalt  }
0x43: {  	_ =	shalt  }
0x44: {  	_ =	shalt  }
0x45: {  	_ =	shalt  }
0x46: {  	_ =	shalt  }
0x47: {  	_ =	shalt  }
0x48: {  	_ =	shalt  }
0x49: {  	_ =	shalt  }
0x4a: {  	_ =	shalt  }
0x4b: {  	_ =	shalt  }
0x4c: {  	_ =	shalt  }
0x4d: {  	_ =	shalt  }
0x4e: {  	_ =	shalt  }
0x4f: {  	_ =	shalt  }
0x50: {  	_ =	shalt  }
0x51: {  	_ =	shalt  }
0x52: {  	_ =	shalt  }
0x53: {  	_ =	shalt  }
0x54: {  	_ =	shalt  }
0x55: {  	_ =	shalt  }
0x56: {  	_ =	shalt  }
0x57: {  	_ =	shalt  }
0x58: {  	_ =	shalt  }
0x59: {  	_ =	shalt  }
0x5a: {  	_ =	shalt  }
0x5b: {  	_ =	shalt  }
0x5c: {  	_ =	shalt  }
0x5d: {  	_ =	shalt  }
0x5e: {  	_ =	shalt  }
0x5f: {  	_ =	shalt  }
0x60: {  	_ =	shalt  }
0x61: {  	_ =	shalt  }
0x62: {  	_ =	shalt  }
0x63: {  	_ =	shalt  }
0x64: {  	_ =	shalt  }
0x65: {  	_ =	shalt  }
0x66: {  	_ =	shalt  }
0x67: {  	_ =	shalt  }
0x68: {  	_ =	shalt  }
0x69: {  	_ =	shalt  }
0x6a: {  	_ =	shalt  }
0x6b: {  	_ =	shalt  }
0x6c: {  	_ =	shalt  }
0x6d: {  	_ =	shalt  }
0x6e: {  	_ =	shalt  }
0x6f: {  	_ =	shalt  }
0x70: {  	_ =	shalt  }
0x71: {  	_ =	shalt  }
0x72: {  	_ =	shalt  }
0x73: {  	_ =	shalt  }
0x74: {  	_ =	shalt  }
0x75: {  	_ =	shalt  }
0x76: {  	_ =	shalt  }
0x77: {  	_ =	shalt  }
0x78: {  	_ =	shalt  }
0x79: {  	_ =	shalt  }
0x7a: {  	_ =	shalt  }
0x7b: {  	_ =	shalt  }
0x7c: {  	_ =	shalt  }
0x7d: {  	_ =	shalt  }
0x7e: {  	_ =	shalt  }
0x7f: {  	_ =	shalt  }
0x80: {  	_ =	shalt  }
0x81: {  	_ =	shalt  }
0x82: {  	_ =	shalt  }
0x83: {  	_ =	shalt  }
0x84: {  	_ =	shalt  }
0x85: {  	_ =	shalt  }
0x86: {  	_ =	shalt  }
0x87: {  	_ =	shalt  }
.Lfunc_end0:
.L_simem_size_0:
called_computation.2_lowered:
.L_overlay_start_0:
0x88: {  	s2 =	sld [smem:$0x3FD9]  }
0x89: {  	s3 =	sld [smem:$0x3FFE];
	_ =	sdelay $0x1  }
0x8a: {  	s1 =	srdreg.scid  }
0x8b: {  	s0 =	sand.u32 $0x1, s1  }
0x8c: {  	s16 =	sshll.u32 s0, $0xA;
	s2 =	sadd.s32 s3, s2  }
0x8d: {  	s2 =	sadd.s32 s2, s16  }
0x8e: {  	[smem:$0x3FBF] =	sst s2  }
0x8f: {  	_ = 	snop  }
0x90: {  	(tm) =	ssettm $0x1  }
0x91: {  	s17 =	sld [smem:$0x3FFB];
	_ =	sdelay $0x3  }
0x92: {  	_ =	strace s17  }
0x93: {  	s2 =	sld [smem:$0x3FFC];
	_ =	sdelay $0x3  }
0x94: {  	_ =	strace s2  }
0x95: {  	s2 =	sld [smem:$0x3FFD];
	_ =	sdelay $0x3  }
0x96: {  	_ =	strace s2  }
0x97: {  	_ =	strace $0x8FFFFFFF  }
0x98: {  	s18 =	sld [smem:$0x3FDB];
	_ =	sdelay $0x1  }
0x99: {  	s19 =	simm.s32 $_scs_section_size  }
0x9a: {  	s4 =	simm.s32 $_size__tile_overlayer_lowered;
	s5 =	simm.s32 $_tile_overlayer_lowered  }
0x9b: {  	s22 =	simm.s32 $0x1BFF;
	s21 =	sshll.u32 s5, $0x1;
	s2 =	sadd.s32 s19, s18  }
0x9c: {  	s6 =	simm.s32 $0x0;
	s20 =	sshll.u32 s4, $0x1;
	s4 =	sadd.s32 s21, s2  }
0x9d: {  	[timem:s6], [sflag:s22] =	dma.local [hbm:s4], s20  }
0x9e: {  	_ =	swait.ge [sflag:s22], s20  }
0x9f: {  	s3 =	ssub.s32 $0x0, s20;
	[sflag:s22] =	ssyncset.done $0x0  }
0xa0: {  	[sflag:s22] =	ssyncadd.s32 s3;
	_ =	sdelay $0x1  }
0xa1: {  	s23 =	simm.s32 $0x1B8B  }
0xa2: {  	_ =	swait.ge [sflag:s23], $0x1  }
0xa3: {  	[sflag:s23] =	ssyncset.done $0x0  }
0xa4: {  	s25 =	simm.s32 $0x1B8E;
	s24 =	sld [smem:$0x3FFE];
	[sflag:s23] =	ssyncadd.s32 $0xFFFFFFFF  }
0xa5: {  	s26 =	simm.s32 $execute0_lowered;
	[smem:$0x3FD2] =	sst s25  }
0xa6: {  	s4 =	sshll.u32 s26, $0x1;
	_ =	strace $0x8000004C;
	[dreg:$0x1] =	wrdreg $0xFFFFFFFF  }
0xa7: {  	s28 =	simm.s32 $_size_execute0_lowered;
	s2 =	sadd.s32 s2, s4;
	[dreg:$0x0] =	wrdreg $0x0  }
0xa8: {  	s4 =	sshll.u32 s28, $0x1;
	[dreg:$0x2] =	wrdreg s2  }
0xa9: {  	[dreg:$0x3] =	wrdreg s4  }
0xaa: {  	[dreg:$0x4] =	wrdreg $0xC0  }
0xab: {  	_ =	task [dreg:s6], $0x5FFFF  }
0xac: {  	[dreg:$0x1] =	wrdreg $0xFFFFFFFF  }
0xad: {  	[dreg:$0x0] =	wrdreg $0x60  }
0xae: {  	[dreg:$0x2] =	wrdreg s24  }
0xaf: {  	[dreg:$0x3] =	wrdreg $0x150000  }
0xb0: {  	[dreg:$0x4] =	wrdreg $0x9  }
0xb1: {  	_ =	task.clear_ibuf [dreg:s6], $0x5FFFF;
	_ =	strace $0x9000004C  }
0xb2: {  	s29 =	simm.s32 $0x9;
	_ =	strace $0x8000004E  }
0xb3: {  	_ =	swait.ge [sflag:s29], $0x1  }
0xb4: {  	[sflag:s29] =	ssyncadd.s32 $0xFFFFFFFF  }
0xb5: {  	_ =	strace $0x9000004E  }
0xb6: {  	_ =	sfence  }
0xb7: {  	s30 =	sld [smem:$0x0];
	_ =	sdelay $0x2  }
0xb8: {  	s31 =	sshll.u32 s1, $0xD;
	s1 =	sshrl.u32 s1, $0x2  }
0xb9: {  	s3 =	sand.u32 $0x4000, s31;
	s1 =	sadd.s32 s1, s30  }
0xba: {  	s0 =	sor.u32 s3, s0;
	s1 =	sshll.u32 s1, $0x11  }
0xbb: {  	s0 =	sor.u32 s1, s0  }
0xbc: {  	s0 =	sadd.s32 $0x8F2B, s0  }
0xbd: {  	[sflag:s0] =	ssyncadd.remote.s32 $0x1  }
0xbe: {  	_ =	sfence.sel $0xFFFF  }
0xbf: {  	[dreg:$0x0] =	wrdreg $0xFFFFFFFF;
	(pc) =	sbr.abs _section_cstart, $3  }
0xc0: {  	[dreg:$0x1] =	wrdreg $0xFFFFFFFF  }
0xc1: {  	_ =	task.clear_ibuf [dreg:s6], $0x2FFFF;
	_ =	strace $0x9FFFFFFF  }
0xc2: {  	(tm) =	ssettm $0x7FFFFFFF  }
0xc3: {  	_ =	shalt  }
tec
execute0_lowered:
.L_overlay_start_1:
0x0: {  	(tag) =	ssettag $0x1  }
0x1: {  	s0 =	srdreg.scid  }
0x2: {  	s3 =	stileid.u32;
	s5 =	rddreg [dreg:$0x0]  }
0x3: {  	s2 =	rddreg [dreg:$0x1];
	s4 =	simm.s32 $0x0;
	s10 =	simm.s32 $0x5  }
0x4: {  	s14 =	simm.s32 $0x40;
	s15 =	simm.s32 $0x5000;
	s17 =	simm.s32 $0xD000  }
0x5: {  	s18 =	simm.s32 $0x6000;
	s20 =	simm.s32 $0xE000;
	s29 =	simm.s32 $0x10000  }
0x6: {  	s31 =	simm.s32 $0x9000;
	s16 =	simm.s32 $0xA000;
	s21 =	simm.s32 $0x12000  }
0x7: {  	s30 =	simm.s32 $0x13000;
	s11 =	simm.s32 $0xC000;
	s28 =	simm.s32 $0x1  }
0x8: {  	s19 =	simm.s32 $0x2;
	s0 =	sand.u32 $0x1, s0;
	s1 =	sshll.u32 s3, $0x1  }
0x9: {  	s6 =	smul.u32 $0x9E00, s3;
	[smem:$0x7FF] =	sst s4;
	s4 =	sadd.s32 $0x24400, s5  }
0xa: {  	s26 =	sshll.u32 s3, $0x6;
	s1 =	sor.u32 s0, s1;
	s7 =	smul.u32 $0x9E000, s0  }
0xb: {  	_ =	strace $0x8000004D;
	s0 =	ssub.s32 $0x2, s0;
	s9 =	sor.u32 $0x1C05, s26  }
0xc: {  	s26 =	simm.s32 $0x8000;
	s1 =	smul.u32 $0x500, s1;
	s8 =	sshrl.u32 s6, $0x3  }
0xd: {  	s22 =	sshrl.u32 s0, $0x1;
	s24 =	sadd.s32 s6, s2;
	[dreg:$0x8] =	wrdreg s9  }
0xe: {  	s7 =	sadd.s32 s6, s7;
	s8 =	sadd.s32 s8, s5;
	s0 =	ssub.s32 s0, s22  }
0xf: {  	s12 =	sshrl.u32 s24, $0x3;
	s22 =	simm.s32 $0x7000;
	s24 =	simm.s32 $0xF000  }
0x10: {  	s6 =	simm.s32 $0x0;
	s1 =	sadd.s32 s1, s5;
	s7 =	sshrl.u32 s7, $0x3  }
0x11: {  	s25 =	sadd.s32 $0x38000, s8;
	s0 =	smax.u32 s0, $0x1;
	[dreg:$0x9] =	wrdreg s12  }
.Ltmp0:
0x12: {  	s5 =	sadd.s32 s7, s5;
	[dreg:$0x5] =	wrdreg s25;
	(pc) =	sbr.rel .LBB2_1-.Ltmp0, $4  }
0x13: {  	s23 =	sadd.s32 $0x1A400, s1;
	s1 =	sadd.s32 $0x1400, s1;
	[dreg:$0x7] =	wrdreg s0  }
0x14: {  	s0 =	simm.s32 $0x11000;
	s25 =	simm.s32 $0xB000;
	[dreg:$0x3] =	wrdreg s23  }
0x15: {  	[dreg:$0x4] =	wrdreg s1;
	s5 =	sadd.s32 $0x4BC00, s5;
	s23 =	simm.s32 $0x14000  }
0x16: {  	s1 =	simm.s32 $0x3;
	[dreg:$0x6] =	wrdreg s5;
	s5 =	simm.s32 $0x4  }
.LBB2_4:
0x17: {  	[bflag:$0x0] =	sbarrier.arrive $0xFFFF  }
0x18: {  	s3 =	rddreg [dreg:$0x6]  }
0x19: {  	s9 =	rddreg [dreg:$0x8]  }
0x1a: {  	s12 =	rddreg [dreg:$0x9]  }
0x1b: {  	[hbm:s3], [sflag:s9] =	dma.local [spmem:s12], $0x13C0  }
0x1c: {  	_ =	swait.ge [sflag:s10], $0x13C0  }
0x1d: {  	s6 =	sadd.s32 $0x1, s6;
	s13 =	rddreg [dreg:$0x7]  }
0x1e: {  	p0 =	sne.s32 s6, s13  }
.Ltmp1:
0x1f: {  	_ = 	snop;
	(pc) =	sbr.rel @!p0 .LBB2_5-.Ltmp1, $3  }
0x20: {  	_ =	sdelay $0x1  }
0x21: {  	[sflag:s10] =	ssyncset.done $0x0  }
0x22: {  	[sflag:s10] =	ssyncadd.s32 $0xFFFFEC40  }
.LBB2_1:
0x23: {  	s3 =	simm.s32 $0x0;
	s7 =	rddreg [dreg:$0x3]  }
0x24: {  	[tilespmem:s3], [sflag:$0x5] =	stream.linear.gather [hbm4b:s7+s3], $0x2800, $0x38;
	[tilespmem:$0x1EE00] =	vst v63  }
0x25: {  	_ =	swait.ge [sflag:s10], $0x2800  }
0x26: {  	[sflag:s10] =	ssyncset.done $0x0  }
0x27: {  	s8 =	simm.s32 $0x2800;
	s13 =	rddreg [dreg:$0x4];
	[sflag:s10] =	ssyncadd.s32 $0xFFFFD800  }
0x28: {  	[tilespmem:s8], [sflag:$0x5] =	stream.linear.gather [hbm4b:s13+s3], $0x2800, $0x38;
	[tilespmem:$0x1EE00] =	vst v63  }
0x29: {  	_ =	swait.ge [sflag:s10], $0x2800  }
0x2a: {  	[sflag:s10] =	ssyncset.done $0x0  }
0x2b: {  	s13 =	rddreg [dreg:$0x5];
	[sflag:s10] =	ssyncadd.s32 $0xFFFFD800  }
0x2c: {  	[spmem:s12], [sflag:s9] =	dma.local [hbm:s13], $0x13C0  }
0x2d: {  	_ =	swait.ge [sflag:s10], $0x13C0  }
0x2e: {  	[sflag:s10] =	ssyncset.done $0x0  }
0x2f: {  	[sflag:s10] =	ssyncadd.s32 $0xFFFFEC40  }
0x30: {  	[bflag:$0x0] =	sbarrier.arrive $0xFFFF  }
0x31: {  	[tilespmem:s15], [sflag:$0x1] =	stream.indirect.gather [hbm4b:s4+s14], $0x40, s3, s14, $0xb8;
	[tilespmem:$0x1EE00] =	vst v63  }
0x32: {  	s8 =	simm.s32 $0x200  }
0x33: {  	[tilespmem:s17], [sflag:$0x2] =	stream.indirect.gather [hbm4b:s4+s14], $0x40, s8, s14, $0xb8;
	[tilespmem:$0x1EE00] =	vst v63  }
0x34: {  	_ = 	snop  }
0x35: {  	[tilespmem:s18], [sflag:$0x1] =	stream.indirect.gather [hbm4b:s4+s14], $0x40, s14, s14, $0xb8;
	[tilespmem:$0x1EE00] =	vst v63  }
0x36: {  	s9 =	simm.s32 $0x240  }
0x37: {  	[tilespmem:s20], [sflag:$0x2] =	stream.indirect.gather [hbm4b:s4+s14], $0x40, s9, s14, $0xb8;
	[tilespmem:$0x1EE00] =	vst v63  }
0x38: {  	s12 =	simm.s32 $0x80  }
0x39: {  	[tilespmem:s22], [sflag:$0x1] =	stream.indirect.gather [hbm4b:s4+s14], $0x40, s12, s14, $0xb8;
	[tilespmem:$0x1EE00] =	vst v63  }
0x3a: {  	s13 =	simm.s32 $0x280  }
0x3b: {  	[tilespmem:s24], [sflag:$0x2] =	stream.indirect.gather [hbm4b:s4+s14], $0x40, s13, s14, $0xb8;
	[tilespmem:$0x1EE00] =	vst v63  }
0x3c: {  	s7 =	simm.s32 $0xC0  }
0x3d: {  	[tilespmem:s26], [sflag:$0x1] =	stream.indirect.gather [hbm4b:s4+s14], $0x40, s7, s14, $0xb8;
	[tilespmem:$0x1EE00] =	vst v63  }
0x3e: {  	s8 =	simm.s32 $0x2C0  }
0x3f: {  	[tilespmem:s29], [sflag:$0x2] =	stream.indirect.gather [hbm4b:s4+s14], $0x40, s8, s14, $0xb8;
	[tilespmem:$0x1EE00] =	vst v63  }
0x40: {  	s9 =	simm.s32 $0x100  }
0x41: {  	[tilespmem:s31], [sflag:$0x1] =	stream.indirect.gather [hbm4b:s4+s14], $0x40, s9, s14, $0xb8;
	[tilespmem:$0x1EE00] =	vst v63  }
0x42: {  	s12 =	simm.s32 $0x300  }
0x43: {  	[tilespmem:s0], [sflag:$0x2] =	stream.indirect.gather [hbm4b:s4+s14], $0x40, s12, s14, $0xb8;
	[tilespmem:$0x1EE00] =	vst v63  }
0x44: {  	s13 =	simm.s32 $0x140  }
0x45: {  	[tilespmem:s16], [sflag:$0x1] =	stream.indirect.gather [hbm4b:s4+s14], $0x40, s13, s14, $0xb8;
	[tilespmem:$0x1EE00] =	vst v63  }
0x46: {  	s7 =	simm.s32 $0x340  }
0x47: {  	[tilespmem:s21], [sflag:$0x2] =	stream.indirect.gather [hbm4b:s4+s14], $0x40, s7, s14, $0xb8;
	[tilespmem:$0x1EE00] =	vst v63  }
0x48: {  	s8 =	simm.s32 $0x180  }
0x49: {  	[tilespmem:s25], [sflag:$0x1] =	stream.indirect.gather [hbm4b:s4+s14], $0x40, s8, s14, $0xb8;
	[tilespmem:$0x1EE00] =	vst v63  }
0x4a: {  	s9 =	simm.s32 $0x380  }
0x4b: {  	[tilespmem:s30], [sflag:$0x2] =	stream.indirect.gather [hbm4b:s4+s14], $0x40, s9, s14, $0xb8;
	[tilespmem:$0x1EE00] =	vst v63  }
0x4c: {  	s12 =	simm.s32 $0x1C0  }
0x4d: {  	[tilespmem:s11], [sflag:$0x1] =	stream.indirect.gather [hbm4b:s4+s14], $0x40, s12, s14, $0xb8;
	[tilespmem:$0x1EE00] =	vst v63  }
0x4e: {  	s13 =	simm.s32 $0x3C0;
	s7 =	simm.s32 $0x0  }
0x4f: {  	[tilespmem:s23], [sflag:$0x2] =	stream.indirect.gather [hbm4b:s4+s14], $0x40, s13, s14, $0xb8;
	[tilespmem:$0x1EE00] =	vst v63  }
.LBB2_2:
0x50: {  	_ =	swait.ge [sflag:s28], $0x1000  }
0x51: {  	[sflag:s28] =	ssyncset.done $0x0  }
0x52: {  	[sflag:s28] =	ssyncadd.s32 $0xFFFFF000  }
0x53: {  	_ =	swait.ge [sflag:s28], $0x1000  }
0x54: {  	[sflag:s28] =	ssyncset.done $0x0  }
0x55: {  	[sflag:s28] =	ssyncadd.s32 $0xFFFFF000  }
0x56: {  	_ =	swait.ge [sflag:s28], $0x1000  }
0x57: {  	[sflag:s28] =	ssyncset.done $0x0  }
0x58: {  	[sflag:s28] =	ssyncadd.s32 $0xFFFFF000  }
0x59: {  	_ =	swait.ge [sflag:s28], $0x1000  }
0x5a: {  	[sflag:s28] =	ssyncset.done $0x0  }
0x5b: {  	[sflag:s28] =	ssyncadd.s32 $0xFFFFF000  }
0x5c: {  	_ =	swait.ge [sflag:s28], $0x1000  }
0x5d: {  	[sflag:s28] =	ssyncset.done $0x0  }
0x5e: {  	[sflag:s28] =	ssyncadd.s32 $0xFFFFF000  }
0x5f: {  	_ =	swait.ge [sflag:s28], $0x1000  }
0x60: {  	[sflag:s28] =	ssyncset.done $0x0  }
0x61: {  	[sflag:s28] =	ssyncadd.s32 $0xFFFFF000  }
0x62: {  	_ =	swait.ge [sflag:s28], $0x1000  }
0x63: {  	[sflag:s28] =	ssyncset.done $0x0  }
0x64: {  	[sflag:s28] =	ssyncadd.s32 $0xFFFFF000  }
0x65: {  	_ =	swait.ge [sflag:s28], $0x1000  }
0x66: {  	s8 =	sshra.s32 s7, $0x2;
	[sflag:s28] =	ssyncset.done $0x0  }
0x67: {  	s9 =	sadd.s32 $0x2800, s8;
	[sflag:s28] =	ssyncadd.s32 $0xFFFFF000  }
0x68: {  	[spmem:s2] =	stream.indirect.scatter.add.f32 [tilespmem:s15], [sflag:$0x3], $0x40, s9, s14, $0xb8;
	[tilespmem:$0x1EE00] =	vst v63  }
0x69: {  	s3 =	sadd.s32 $0x2840, s8  }
0x6a: {  	[spmem:s2] =	stream.indirect.scatter.add.f32 [tilespmem:s18], [sflag:$0x3], $0x40, s3, s14, $0xb8;
	[tilespmem:$0x1EE00] =	vst v63  }
0x6b: {  	s12 =	sadd.s32 $0x2880, s8  }
0x6c: {  	[spmem:s2] =	stream.indirect.scatter.add.f32 [tilespmem:s22], [sflag:$0x3], $0x40, s12, s14, $0xb8;
	[tilespmem:$0x1EE00] =	vst v63  }
0x6d: {  	s13 =	sadd.s32 $0x28C0, s8  }
0x6e: {  	[spmem:s2] =	stream.indirect.scatter.add.f32 [tilespmem:s26], [sflag:$0x3], $0x40, s13, s14, $0xb8;
	[tilespmem:$0x1EE00] =	vst v63  }
0x6f: {  	s3 =	sadd.s32 $0x2900, s8  }
0x70: {  	[spmem:s2] =	stream.indirect.scatter.add.f32 [tilespmem:s31], [sflag:$0x3], $0x40, s3, s14, $0xb8;
	[tilespmem:$0x1EE00] =	vst v63  }
0x71: {  	s12 =	sadd.s32 $0x2940, s8  }
0x72: {  	[spmem:s2] =	stream.indirect.scatter.add.f32 [tilespmem:s16], [sflag:$0x3], $0x40, s12, s14, $0xb8;
	[tilespmem:$0x1EE00] =	vst v63  }
0x73: {  	s13 =	sadd.s32 $0x2980, s8  }
0x74: {  	[spmem:s2] =	stream.indirect.scatter.add.f32 [tilespmem:s25], [sflag:$0x3], $0x40, s13, s14, $0xb8;
	[tilespmem:$0x1EE00] =	vst v63  }
0x75: {  	s3 =	sadd.s32 $0x29C0, s8  }
0x76: {  	[spmem:s2] =	stream.indirect.scatter.add.f32 [tilespmem:s11], [sflag:$0x3], $0x40, s3, s14, $0xb8;
	[tilespmem:$0x1EE00] =	vst v63  }
0x77: {  	_ =	swait.ge [sflag:s1], $0x1000  }
0x78: {  	[sflag:s1] =	ssyncset.done $0x0  }
0x79: {  	[sflag:s1] =	ssyncadd.s32 $0xFFFFF000  }
0x7a: {  	_ =	swait.ge [sflag:s1], $0x1000  }
0x7b: {  	[sflag:s1] =	ssyncset.done $0x0  }
0x7c: {  	[sflag:s1] =	ssyncadd.s32 $0xFFFFF000  }
0x7d: {  	_ =	swait.ge [sflag:s1], $0x1000  }
0x7e: {  	[sflag:s1] =	ssyncset.done $0x0  }
0x7f: {  	[sflag:s1] =	ssyncadd.s32 $0xFFFFF000  }
0x80: {  	_ =	swait.ge [sflag:s1], $0x1000  }
0x81: {  	[sflag:s1] =	ssyncset.done $0x0  }
0x82: {  	[sflag:s1] =	ssyncadd.s32 $0xFFFFF000  }
0x83: {  	_ =	swait.ge [sflag:s1], $0x1000  }
0x84: {  	[sflag:s1] =	ssyncset.done $0x0  }
0x85: {  	[sflag:s1] =	ssyncadd.s32 $0xFFFFF000  }
0x86: {  	_ =	swait.ge [sflag:s1], $0x1000  }
0x87: {  	[sflag:s1] =	ssyncset.done $0x0  }
0x88: {  	[sflag:s1] =	ssyncadd.s32 $0xFFFFF000  }
0x89: {  	_ =	swait.ge [sflag:s1], $0x1000  }
0x8a: {  	[sflag:s1] =	ssyncset.done $0x0  }
0x8b: {  	[sflag:s1] =	ssyncadd.s32 $0xFFFFF000  }
0x8c: {  	p0 =	seq.s32 s7, $0x9000;
	_ =	swait.ge [sflag:s1], $0x1000  }
0x8d: {  	s9 =	sshra.s32 @!p0 s7, $0x2;
	s12 =	simm.s32 @!p0 $0x40;
	[sflag:s1] =	ssyncset.done $0x0  }
0x8e: {  	s13 =	simm.s32 @!p0 $0x5000;
	s3 =	sadd.s32 @!p0 $0x400, s9;
	[sflag:s1] =	ssyncadd.s32 $0xFFFFF000  }
0x8f: {  	[tilespmem:s13], [sflag:$0x1] =	stream.indirect.gather @!p0 [hbm4b:s4+s12], $0x40, s3, s12, $0xb8;
	[tilespmem:$0x1EE00] =	vst v63  }
0x90: {  	s3 =	sadd.s32 @!p0 $0x440, s9;
	s13 =	simm.s32 @!p0 $0x6000  }
0x91: {  	[tilespmem:s13], [sflag:$0x1] =	stream.indirect.gather @!p0 [hbm4b:s4+s12], $0x40, s3, s12, $0xb8;
	[tilespmem:$0x1EE00] =	vst v63  }
0x92: {  	s3 =	sadd.s32 @!p0 $0x480, s9;
	s13 =	simm.s32 @!p0 $0x7000  }
0x93: {  	[tilespmem:s13], [sflag:$0x1] =	stream.indirect.gather @!p0 [hbm4b:s4+s12], $0x40, s3, s12, $0xb8;
	[tilespmem:$0x1EE00] =	vst v63  }
0x94: {  	s3 =	sadd.s32 @!p0 $0x4C0, s9;
	s13 =	simm.s32 @!p0 $0x8000  }
0x95: {  	[tilespmem:s13], [sflag:$0x1] =	stream.indirect.gather @!p0 [hbm4b:s4+s12], $0x40, s3, s12, $0xb8;
	[tilespmem:$0x1EE00] =	vst v63  }
0x96: {  	s3 =	sadd.s32 @!p0 $0x500, s9;
	s13 =	simm.s32 @!p0 $0x9000  }
0x97: {  	[tilespmem:s13], [sflag:$0x1] =	stream.indirect.gather @!p0 [hbm4b:s4+s12], $0x40, s3, s12, $0xb8;
	[tilespmem:$0x1EE00] =	vst v63  }
0x98: {  	s3 =	sadd.s32 @!p0 $0x540, s9;
	s13 =	simm.s32 @!p0 $0xA000  }
0x99: {  	[tilespmem:s13], [sflag:$0x1] =	stream.indirect.gather @!p0 [hbm4b:s4+s12], $0x40, s3, s12, $0xb8;
	[tilespmem:$0x1EE00] =	vst v63  }
0x9a: {  	s3 =	sadd.s32 @!p0 $0x580, s9;
	s13 =	simm.s32 @!p0 $0xB000  }
0x9b: {  	[tilespmem:s13], [sflag:$0x1] =	stream.indirect.gather @!p0 [hbm4b:s4+s12], $0x40, s3, s12, $0xb8;
	[tilespmem:$0x1EE00] =	vst v63  }
0x9c: {  	s3 =	sadd.s32 @!p0 $0x5C0, s9;
	s9 =	simm.s32 @!p0 $0xC000  }
0x9d: {  	[tilespmem:s9], [sflag:$0x1] =	stream.indirect.gather @!p0 [hbm4b:s4+s12], $0x40, s3, s12, $0xb8;
	[tilespmem:$0x1EE00] =	vst v63  }
0x9e: {  	_ =	swait.ge [sflag:s19], $0x1000  }
0x9f: {  	[sflag:s19] =	ssyncset.done $0x0  }
0xa0: {  	[sflag:s19] =	ssyncadd.s32 $0xFFFFF000  }
0xa1: {  	_ =	swait.ge [sflag:s19], $0x1000  }
0xa2: {  	[sflag:s19] =	ssyncset.done $0x0  }
0xa3: {  	[sflag:s19] =	ssyncadd.s32 $0xFFFFF000  }
0xa4: {  	_ =	swait.ge [sflag:s19], $0x1000  }
0xa5: {  	[sflag:s19] =	ssyncset.done $0x0  }
0xa6: {  	[sflag:s19] =	ssyncadd.s32 $0xFFFFF000  }
0xa7: {  	_ =	swait.ge [sflag:s19], $0x1000  }
0xa8: {  	[sflag:s19] =	ssyncset.done $0x0  }
0xa9: {  	[sflag:s19] =	ssyncadd.s32 $0xFFFFF000  }
0xaa: {  	_ =	swait.ge [sflag:s19], $0x1000  }
0xab: {  	[sflag:s19] =	ssyncset.done $0x0  }
0xac: {  	[sflag:s19] =	ssyncadd.s32 $0xFFFFF000  }
0xad: {  	_ =	swait.ge [sflag:s19], $0x1000  }
0xae: {  	[sflag:s19] =	ssyncset.done $0x0  }
0xaf: {  	[sflag:s19] =	ssyncadd.s32 $0xFFFFF000  }
0xb0: {  	_ =	swait.ge [sflag:s19], $0x1000  }
0xb1: {  	[sflag:s19] =	ssyncset.done $0x0  }
0xb2: {  	[sflag:s19] =	ssyncadd.s32 $0xFFFFF000  }
0xb3: {  	_ =	swait.ge [sflag:s19], $0x1000  }
0xb4: {  	[sflag:s19] =	ssyncset.done $0x0  }
0xb5: {  	s12 =	sadd.s32 $0x2A00, s8;
	[sflag:s19] =	ssyncadd.s32 $0xFFFFF000  }
0xb6: {  	[spmem:s2] =	stream.indirect.scatter.add.f32 [tilespmem:s17], [sflag:$0x4], $0x40, s12, s14, $0xb8;
	[tilespmem:$0x1EE00] =	vst v63  }
0xb7: {  	s13 =	sadd.s32 $0x2A40, s8  }
0xb8: {  	[spmem:s2] =	stream.indirect.scatter.add.f32 [tilespmem:s20], [sflag:$0x4], $0x40, s13, s14, $0xb8;
	[tilespmem:$0x1EE00] =	vst v63  }
0xb9: {  	s9 =	sadd.s32 $0x2A80, s8  }
0xba: {  	[spmem:s2] =	stream.indirect.scatter.add.f32 [tilespmem:s24], [sflag:$0x4], $0x40, s9, s14, $0xb8;
	[tilespmem:$0x1EE00] =	vst v63  }
0xbb: {  	s12 =	sadd.s32 $0x2AC0, s8  }
0xbc: {  	[spmem:s2] =	stream.indirect.scatter.add.f32 [tilespmem:s29], [sflag:$0x4], $0x40, s12, s14, $0xb8;
	[tilespmem:$0x1EE00] =	vst v63  }
0xbd: {  	s13 =	sadd.s32 $0x2B00, s8  }
0xbe: {  	[spmem:s2] =	stream.indirect.scatter.add.f32 [tilespmem:s0], [sflag:$0x4], $0x40, s13, s14, $0xb8;
	[tilespmem:$0x1EE00] =	vst v63  }
0xbf: {  	s9 =	sadd.s32 $0x2B40, s8  }
0xc0: {  	[spmem:s2] =	stream.indirect.scatter.add.f32 [tilespmem:s21], [sflag:$0x4], $0x40, s9, s14, $0xb8;
	[tilespmem:$0x1EE00] =	vst v63  }
0xc1: {  	s12 =	sadd.s32 $0x2B80, s8  }
0xc2: {  	[spmem:s2] =	stream.indirect.scatter.add.f32 [tilespmem:s30], [sflag:$0x4], $0x40, s12, s14, $0xb8;
	[tilespmem:$0x1EE00] =	vst v63  }
0xc3: {  	s13 =	sadd.s32 $0x2BC0, s8  }
0xc4: {  	[spmem:s2] =	stream.indirect.scatter.add.f32 [tilespmem:s23], [sflag:$0x4], $0x40, s13, s14, $0xb8;
	[tilespmem:$0x1EE00] =	vst v63  }
0xc5: {  	_ =	swait.ge [sflag:s5], $0x1000  }
0xc6: {  	[sflag:s5] =	ssyncset.done $0x0  }
0xc7: {  	[sflag:s5] =	ssyncadd.s32 $0xFFFFF000  }
0xc8: {  	_ =	swait.ge [sflag:s5], $0x1000  }
0xc9: {  	[sflag:s5] =	ssyncset.done $0x0  }
0xca: {  	[sflag:s5] =	ssyncadd.s32 $0xFFFFF000  }
0xcb: {  	_ =	swait.ge [sflag:s5], $0x1000  }
0xcc: {  	[sflag:s5] =	ssyncset.done $0x0  }
0xcd: {  	[sflag:s5] =	ssyncadd.s32 $0xFFFFF000  }
0xce: {  	_ =	swait.ge [sflag:s5], $0x1000  }
0xcf: {  	[sflag:s5] =	ssyncset.done $0x0  }
0xd0: {  	[sflag:s5] =	ssyncadd.s32 $0xFFFFF000  }
0xd1: {  	_ =	swait.ge [sflag:s5], $0x1000  }
0xd2: {  	[sflag:s5] =	ssyncset.done $0x0  }
0xd3: {  	[sflag:s5] =	ssyncadd.s32 $0xFFFFF000  }
0xd4: {  	_ =	swait.ge [sflag:s5], $0x1000  }
0xd5: {  	[sflag:s5] =	ssyncset.done $0x0  }
0xd6: {  	[sflag:s5] =	ssyncadd.s32 $0xFFFFF000  }
0xd7: {  	_ =	swait.ge [sflag:s5], $0x1000  }
.Ltmp2:
0xd8: {  	[sflag:s5] =	ssyncset.done $0x0;
	(pc) =	sbr.rel @p0 .LBB2_4-.Ltmp2, $4  }
0xd9: {  	[sflag:s5] =	ssyncadd.s32 $0xFFFFF000  }
0xda: {  	_ =	swait.ge [sflag:s5], $0x1000  }
0xdb: {  	[sflag:s5] =	ssyncset.done $0x0  }
0xdc: {  	[sflag:s5] =	ssyncadd.s32 $0xFFFFF000  }
0xdd: {  	s3 =	sadd.s32 $0x600, s8  }
0xde: {  	[tilespmem:s17], [sflag:$0x2] =	stream.indirect.gather [hbm4b:s4+s14], $0x40, s3, s14, $0xb8;
	[tilespmem:$0x1EE00] =	vst v63  }
0xdf: {  	s13 =	sadd.s32 $0x640, s8  }
0xe0: {  	[tilespmem:s20], [sflag:$0x2] =	stream.indirect.gather [hbm4b:s4+s14], $0x40, s13, s14, $0xb8;
	[tilespmem:$0x1EE00] =	vst v63  }
0xe1: {  	s9 =	sadd.s32 $0x680, s8  }
0xe2: {  	[tilespmem:s24], [sflag:$0x2] =	stream.indirect.gather [hbm4b:s4+s14], $0x40, s9, s14, $0xb8;
	[tilespmem:$0x1EE00] =	vst v63  }
0xe3: {  	s12 =	sadd.s32 $0x6C0, s8  }
0xe4: {  	[tilespmem:s29], [sflag:$0x2] =	stream.indirect.gather [hbm4b:s4+s14], $0x40, s12, s14, $0xb8;
	[tilespmem:$0x1EE00] =	vst v63  }
0xe5: {  	s13 =	sadd.s32 $0x700, s8  }
0xe6: {  	[tilespmem:s0], [sflag:$0x2] =	stream.indirect.gather [hbm4b:s4+s14], $0x40, s13, s14, $0xb8;
	[tilespmem:$0x1EE00] =	vst v63  }
0xe7: {  	s9 =	sadd.s32 $0x740, s8  }
0xe8: {  	[tilespmem:s21], [sflag:$0x2] =	stream.indirect.gather [hbm4b:s4+s14], $0x40, s9, s14, $0xb8;
	[tilespmem:$0x1EE00] =	vst v63  }
.Ltmp3:
0xe9: {  	_ = 	snop;
	(pc) =	sbr.rel .LBB2_2-.Ltmp3, $4  }
0xea: {  	s12 =	sadd.s32 $0x780, s8  }
0xeb: {  	[tilespmem:s30], [sflag:$0x2] =	stream.indirect.gather [hbm4b:s4+s14], $0x40, s12, s14, $0xb8;
	[tilespmem:$0x1EE00] =	vst v63  }
0xec: {  	s7 =	sadd.s32 $0x1000, s7;
	s13 =	sadd.s32 $0x7C0, s8  }
0xed: {  	[tilespmem:s23], [sflag:$0x2] =	stream.indirect.gather [hbm4b:s4+s14], $0x40, s13, s14, $0xb8;
	[tilespmem:$0x1EE00] =	vst v63  }
.LBB2_5:
0xee: {  	_ =	sfence.sel $0x180000  }
0xef: {  	[bflag:$0x0] =	sbarrier.arrive $0xFFFF  }
0xf0: {  	_ =	strace $0x9000004D  }
0xf1: {  	s0 =	stileid.u32;
	[bflag:$0x2] =	sbarrier.arrive $0xFFFF  }
0xf2: {  	p0 =	sne.s32 s0, $0x0;
	s0 =	rddreg [dreg:$0x2]  }
0xf3: {  	s0 =	sadd.s32 @!p0 $0x100000, s0  }
0xf4: {  	[sflag:s0] =	ssyncadd.tile.s32 @!p0 $0x1;
	_ =	shalt  }
.Lfunc_end2:
_tile_overlayer_lowered:
.L_overlay_start_2:
0xf5: {  	(tag) =	ssettag $0x2  }
0xf6: {  	s0 =	rddreg [dreg:$0x0];
	s2 =	stileid.u32  }
0xf7: {  	s1 =	rddreg [dreg:$0x1];
	p0 =	sne.s32 s2, $0x0  }
0xf8: {  	s3 =	rddreg [dreg:$0x2];
	[bflag:$0x3] =	sbarrier.arrive $0xFFFF;
	s2 =	simm.s32 @!p0 $0x1C05  }
0xf9: {  	[timem:s3], [sflag:s2] =	dma.local @!p0 [hbm:s0], s1  }
0xfa: {  	s0 =	simm.s32 @!p0 $0x5  }
0xfb: {  	_ =	swait.ge @!p0 [sflag:s0], s1  }
0xfc: {  	s1 =	ssub.s32 @!p0 $0x0, s1;
	[sflag:s0] =	ssyncset.done @!p0 $0x0  }
0xfd: {  	[sflag:s0] =	ssyncadd.s32 @!p0 s1  }
0xfe: {  	[bflag:$0x3] =	sbarrier.arrive $0xFFFF  }
0xff: {  	_ =	shalt  }

// kernel: kernel.8.cloned.1.call-start
scs
__scs_entry_jumppad:
0x0: {  	(pc) =	sbr.rel $0x88, $3  }
0x1: {  	(tag) =	ssettag $0x0;
	lr =	simm.s32 $0x1  }
0x2: {  	[smem:$0x3F98] =	sst lr;
	_ =	strace $0xD0000000  }
0x3: {  	_ = 	snop  }
0x4: {  	_ = 	snop  }
0x5: {  	_ = 	snop  }
0x6: {  	_ = 	snop  }
0x7: {  	_ = 	snop  }
__scs_overlays_trampoline_lowered:
0x8: {  	[smem:$0x3FA7] =	sst s0  }
0x9: {  	[smem:$0x3FA8] =	sst s1  }
0xa: {  	[smem:$0x3FA9] =	sst s2  }
0xb: {  	[smem:$0x3FAA] =	sst s3  }
0xc: {  	[smem:$0x3FAB] =	sst s4  }
0xd: {  	[smem:$0x3FAC] =	sst s5  }
0xe: {  	[smem:$0x3FAD] =	sst s6  }
0xf: {  	[smem:$0x3FAE] =	sst s7  }
0x10: {  	[smem:$0x3FAF] =	sst s8  }
0x11: {  	[smem:$0x3FB0] =	sst s9;
	s0 =	simm.s32 @!p0 $0x0  }
0x12: {  	s1 =	sld [smem:$0x3F96];
	s0 =	simm.s32 @p0 $0x1  }
0x13: {  	[smem:$0x3FB1] =	sst s0;
	s0 =	simm.s32 @!p1 $0x0  }
0x14: {  	s2 =	sld [smem:$0x3F95];
	s0 =	simm.s32 @p1 $0x1  }
0x15: {  	[smem:$0x3FB2] =	sst s0;
	s0 =	simm.s32 @!p2 $0x0  }
0x16: {  	s3 =	sld [smem:$0x3FDB];
	s0 =	simm.s32 @p2 $0x1  }
0x17: {  	s4 =	simm.s32 $0x1BF5;
	[smem:$0x3FB4] =	sst s0  }
0x18: {  	s0 =	sld [smem:$0x3F97];
	_ =	swait.ge [sflag:s4], $0x0  }
0x19: {  	s7 =	sld [smem:$0x3F98]  }
0x1a: {  	s8 =	sadd.s32 $0xFFFFE003, lr  }
0x1b: {  	s9 =	sadd.s32 $0xFFFFFEF7, lr;
	s5 =	simm.s32 $0xFFFFFFFF;
	p2 =	slt.u32 s8, $0xFFFFF086  }
0x1c: {  	p1 =	slt.u32 s9, $0xF7A;
	s5 =	simm.s32 @!p2 $0x0  }
0x1d: {  	s5 =	simm.s32 @p1 $0x1;
	p0 =	seq.s32 s7, s2  }
0x1e: {  	s7 =	smul.u32 @!p0 $0xF7A, s2;
	p2 =	seq.s32 @!p0 s5, $0x0  }
0x1f: {  	s9 =	smul.u32 $0xF7A, s1;
	s8 =	simm.s32 @!p0 $0x1BF5;
	p2 =	por !p2, p0  }
0x20: {  	[sflag:s8] =	ssyncset.s32 @!p0 $0xFFFFF086;
	s6 =	sadd.s32 @!p0 s3, s7;
	s7 =	simm.s32 @!p0 $0x108  }
0x21: {  	s3 =	sadd.s32 s3, s9;
	s6 =	sadd.s32 @!p0 $0x88, s6;
	s7 =	simm.s32 @p2 $0x1082  }
0x22: {  	[simem:s7], [sflag:s8] =	dma.local @!p0 [hbm:s6], $0xF7A  }
0x23: {  	s9 =	sor.u32 $0xD0000000, s2;
	s6 =	simm.s32 $0x108;
	_ =	swait.ge @!p0 [sflag:s8], $0x0  }
0x24: {  	s3 =	sadd.s32 $0x88, s3;
	s6 =	simm.s32 @!p1 $0x1082;
	[sflag:s4] =	ssyncset.s32 $0xFFFFF086  }
0x25: {  	[simem:s6], [sflag:s4] =	dma.local [hbm:s3], $0xF7A  }
0x26: {  	[smem:$0x3F98] =	sst s1;
	(tag) =	ssettag s2;
	_ =	strace s9  }
0x27: {  	s1 =	sld [smem:$0x3FA8]  }
0x28: {  	s2 =	sld [smem:$0x3FA9]  }
0x29: {  	s4 =	sld [smem:$0x3FAB]  }
0x2a: {  	p0 =	seq.s32 s5, $0x0;
	s5 =	sld [smem:$0x3FAC]  }
0x2b: {  	s6 =	sld [smem:$0x3FAD]  }
0x2c: {  	s7 =	sld [smem:$0x3FAE]  }
0x2d: {  	s3 =	simm.s32 $0x108;
	s8 =	sld [smem:$0x3FAF]  }
0x2e: {  	s3 =	simm.s32 @!p0 $0x1082;
	s9 =	sld [smem:$0x3FB0]  }
0x2f: {  	lr =	sadd.s32 s0, s3;
	s0 =	sld [smem:$0x3FA7]  }
0x30: {  	s3 =	sld [smem:$0x3FAA]  }
0x31: {  	[smem:$0x3FB3] =	sst s10  }
0x32: {  	s10 =	sld [smem:$0x3FB1];
	_ =	sdelay $0x3  }
0x33: {  	p0 =	seq.s32 s10, $0x1;
	s10 =	sld [smem:$0x3FB3];
	_ =	sdelay $0x3  }
0x34: {  	[smem:$0x3FB3] =	sst s10  }
0x35: {  	s10 =	sld [smem:$0x3FB2];
	_ =	sdelay $0x3  }
0x36: {  	p1 =	seq.s32 s10, $0x1;
	s10 =	sld [smem:$0x3FB3];
	_ =	sdelay $0x3  }
0x37: {  	[smem:$0x3FB3] =	sst s10  }
0x38: {  	s10 =	sld [smem:$0x3FB4]  }
0x39: {  	_ = 	snop;
	(pc) =	sbr.ind lr, $3  }
0x3a: {  	_ = 	snop  }
0x3b: {  	_ = 	snop  }
0x3c: {  	p2 =	seq.s32 s10, $0x1;
	s10 =	sld [smem:$0x3FB3]  }
0x3d: {  	_ =	shalt  }
0x3e: {  	_ =	shalt  }
0x3f: {  	_ =	shalt  }
0x40: {  	_ =	shalt  }
0x41: {  	_ =	shalt  }
0x42: {  	_ =	shalt  }
0x43: {  	_ =	shalt  }
0x44: {  	_ =	shalt  }
0x45: {  	_ =	shalt  }
0x46: {  	_ =	shalt  }
0x47: {  	_ =	shalt  }
0x48: {  	_ =	shalt  }
0x49: {  	_ =	shalt  }
0x4a: {  	_ =	shalt  }
0x4b: {  	_ =	shalt  }
0x4c: {  	_ =	shalt  }
0x4d: {  	_ =	shalt  }
0x4e: {  	_ =	shalt  }
0x4f: {  	_ =	shalt  }
0x50: {  	_ =	shalt  }
0x51: {  	_ =	shalt  }
0x52: {  	_ =	shalt  }
0x53: {  	_ =	shalt  }
0x54: {  	_ =	shalt  }
0x55: {  	_ =	shalt  }
0x56: {  	_ =	shalt  }
0x57: {  	_ =	shalt  }
0x58: {  	_ =	shalt  }
0x59: {  	_ =	shalt  }
0x5a: {  	_ =	shalt  }
0x5b: {  	_ =	shalt  }
0x5c: {  	_ =	shalt  }
0x5d: {  	_ =	shalt  }
0x5e: {  	_ =	shalt  }
0x5f: {  	_ =	shalt  }
0x60: {  	_ =	shalt  }
0x61: {  	_ =	shalt  }
0x62: {  	_ =	shalt  }
0x63: {  	_ =	shalt  }
0x64: {  	_ =	shalt  }
0x65: {  	_ =	shalt  }
0x66: {  	_ =	shalt  }
0x67: {  	_ =	shalt  }
0x68: {  	_ =	shalt  }
0x69: {  	_ =	shalt  }
0x6a: {  	_ =	shalt  }
0x6b: {  	_ =	shalt  }
0x6c: {  	_ =	shalt  }
0x6d: {  	_ =	shalt  }
0x6e: {  	_ =	shalt  }
0x6f: {  	_ =	shalt  }
0x70: {  	_ =	shalt  }
0x71: {  	_ =	shalt  }
0x72: {  	_ =	shalt  }
0x73: {  	_ =	shalt  }
0x74: {  	_ =	shalt  }
0x75: {  	_ =	shalt  }
0x76: {  	_ =	shalt  }
0x77: {  	_ =	shalt  }
0x78: {  	_ =	shalt  }
0x79: {  	_ =	shalt  }
0x7a: {  	_ =	shalt  }
0x7b: {  	_ =	shalt  }
0x7c: {  	_ =	shalt  }
0x7d: {  	_ =	shalt  }
0x7e: {  	_ =	shalt  }
0x7f: {  	_ =	shalt  }
0x80: {  	_ =	shalt  }
0x81: {  	_ =	shalt  }
0x82: {  	_ =	shalt  }
0x83: {  	_ =	shalt  }
0x84: {  	_ =	shalt  }
0x85: {  	_ =	shalt  }
0x86: {  	_ =	shalt  }
0x87: {  	_ =	shalt  }
.Lfunc_end0:
.L_simem_size_0:
called_computation_lowered:
.L_overlay_start_0:
0x88: {  	s2 =	sld [smem:$0x3FD9]  }
0x89: {  	s3 =	sld [smem:$0x3FFE];
	_ =	sdelay $0x1  }
0x8a: {  	s1 =	srdreg.scid  }
0x8b: {  	s0 =	sand.u32 $0x1, s1  }
0x8c: {  	s16 =	sshll.u32 s0, $0xA;
	s2 =	sadd.s32 s3, s2  }
0x8d: {  	s2 =	sadd.s32 s2, s16  }
0x8e: {  	[smem:$0x3FBF] =	sst s2  }
0x8f: {  	_ = 	snop  }
0x90: {  	(tm) =	ssettm $0x1  }
0x91: {  	s17 =	sld [smem:$0x3FFB];
	_ =	sdelay $0x3  }
0x92: {  	_ =	strace s17  }
0x93: {  	s2 =	sld [smem:$0x3FFC];
	_ =	sdelay $0x3  }
0x94: {  	_ =	strace s2  }
0x95: {  	s2 =	sld [smem:$0x3FFD];
	_ =	sdelay $0x3  }
0x96: {  	_ =	strace s2  }
0x97: {  	_ =	strace $0x8FFFFFFF  }
0x98: {  	s18 =	sld [smem:$0x3FDB];
	_ =	sdelay $0x1  }
0x99: {  	s19 =	simm.s32 $_scs_section_size  }
0x9a: {  	s4 =	simm.s32 $_size__tile_overlayer_lowered;
	s5 =	simm.s32 $_tile_overlayer_lowered  }
0x9b: {  	s22 =	simm.s32 $0x1BFF;
	s21 =	sshll.u32 s5, $0x1;
	s2 =	sadd.s32 s19, s18  }
0x9c: {  	s6 =	simm.s32 $0x0;
	s20 =	sshll.u32 s4, $0x1;
	s4 =	sadd.s32 s21, s2  }
0x9d: {  	[timem:s6], [sflag:s22] =	dma.local [hbm:s4], s20  }
0x9e: {  	_ =	swait.ge [sflag:s22], s20  }
0x9f: {  	s3 =	ssub.s32 $0x0, s20;
	[sflag:s22] =	ssyncset.done $0x0  }
0xa0: {  	[sflag:s22] =	ssyncadd.s32 s3;
	_ =	sdelay $0x1  }
0xa1: {  	s23 =	simm.s32 $0x1B8B  }
0xa2: {  	_ =	swait.ge [sflag:s23], $0x1  }
0xa3: {  	[sflag:s23] =	ssyncset.done $0x0  }
0xa4: {  	s25 =	simm.s32 $0x1B8E;
	s24 =	sld [smem:$0x3FFE];
	[sflag:s23] =	ssyncadd.s32 $0xFFFFFFFF  }
0xa5: {  	s26 =	simm.s32 $execute0_lowered;
	[smem:$0x3FD2] =	sst s25  }
0xa6: {  	s4 =	sshll.u32 s26, $0x1;
	_ =	strace $0x80000046;
	[dreg:$0x1] =	wrdreg $0xFFFFFFFF  }
0xa7: {  	s28 =	simm.s32 $_size_execute0_lowered;
	s2 =	sadd.s32 s2, s4;
	[dreg:$0x0] =	wrdreg $0x0  }
0xa8: {  	s4 =	sshll.u32 s28, $0x1;
	[dreg:$0x2] =	wrdreg s2  }
0xa9: {  	[dreg:$0x3] =	wrdreg s4  }
0xaa: {  	[dreg:$0x4] =	wrdreg $0xC0  }
0xab: {  	_ =	task [dreg:s6], $0x5FFFF  }
0xac: {  	[dreg:$0x1] =	wrdreg $0xFFFFFFFF  }
0xad: {  	[dreg:$0x0] =	wrdreg $0x60  }
0xae: {  	[dreg:$0x2] =	wrdreg s24  }
0xaf: {  	[dreg:$0x3] =	wrdreg $0x30000  }
0xb0: {  	[dreg:$0x4] =	wrdreg $0x9  }
0xb1: {  	_ =	task.clear_ibuf [dreg:s6], $0x5FFFF;
	_ =	strace $0x90000046  }
0xb2: {  	s29 =	simm.s32 $0x9;
	_ =	strace $0x80000048  }
0xb3: {  	_ =	swait.ge [sflag:s29], $0x1  }
0xb4: {  	[sflag:s29] =	ssyncadd.s32 $0xFFFFFFFF  }
0xb5: {  	_ =	strace $0x90000048  }
0xb6: {  	_ =	sfence  }
0xb7: {  	s30 =	sld [smem:$0x0];
	_ =	sdelay $0x2  }
0xb8: {  	s31 =	sshll.u32 s1, $0xD;
	s1 =	sshrl.u32 s1, $0x2  }
0xb9: {  	s3 =	sand.u32 $0x4000, s31;
	s1 =	sadd.s32 s1, s30  }
0xba: {  	s0 =	sor.u32 s3, s0;
	s1 =	sshll.u32 s1, $0x11  }
0xbb: {  	s0 =	sor.u32 s1, s0  }
0xbc: {  	s0 =	sadd.s32 $0x8F2B, s0  }
0xbd: {  	[sflag:s0] =	ssyncadd.remote.s32 $0x1  }
0xbe: {  	_ =	sfence.sel $0xFFFF  }
0xbf: {  	[dreg:$0x0] =	wrdreg $0xFFFFFFFF;
	(pc) =	sbr.abs _section_cstart, $3  }
0xc0: {  	[dreg:$0x1] =	wrdreg $0xFFFFFFFF  }
0xc1: {  	_ =	task.clear_ibuf [dreg:s6], $0x2FFFF;
	_ =	strace $0x9FFFFFFF  }
0xc2: {  	(tm) =	ssettm $0x7FFFFFFF  }
0xc3: {  	_ =	shalt  }
tec
execute0_lowered:
.L_overlay_start_1:
0x0: {  	(tag) =	ssettag $0x1  }
0x1: {  	s1 =	srdreg.scid  }
0x2: {  	s0 =	stileid.u32;
	s6 =	rddreg [dreg:$0x0]  }
0x3: {  	s2 =	rddreg [dreg:$0x1];
	s3 =	simm.s32 $0x0;
	s13 =	simm.s32 $0x80  }
0x4: {  	s14 =	simm.s32 $0x0;
	s5 =	sand.u32 $0x1, s1;
	s30 =	sshll.u32 s0, $0x1  }
0x5: {  	s7 =	smul.u32 $0x2780, s0;
	[smem:$0x7FF] =	sst s3;
	s31 =	sshll.u32 s0, $0x6  }
0x6: {  	s1 =	sor.u32 s5, s30;
	s8 =	smul.u32 $0x27800, s5;
	s5 =	ssub.s32 $0x2, s5  }
0x7: {  	s4 =	smul.u32 $0x500, s1;
	s1 =	rddreg [dreg:$0x2];
	_ =	strace $0x80000047  }
0x8: {  	s10 =	sshrl.u32 s7, $0x3;
	s11 =	sshrl.u32 s5, $0x1;
	s12 =	sadd.s32 s7, s2  }
0x9: {  	s8 =	sadd.s32 s7, s8;
	s10 =	sadd.s32 s10, s6;
	s11 =	ssub.s32 s5, s11  }
0xa: {  	s12 =	sshrl.u32 s12, $0x3;
	s9 =	sadd.s32 s4, s6;
	s8 =	sshrl.u32 s8, $0x3  }
0xb: {  	s4 =	sadd.s32 $0x10400, s6;
	s8 =	sadd.s32 s8, s6;
	s5 =	sadd.s32 $0x1400, s9  }
0xc: {  	s6 =	sadd.s32 $0xB400, s10;
	s9 =	simm.s32 $0x1;
	s10 =	simm.s32 $0x2800  }
0xd: {  	s7 =	sadd.s32 $0x10600, s8;
	s8 =	smax.u32 s11, $0x1;
	s11 =	sor.u32 $0x1C01, s31  }
.LBB2_1:
0xe: {  	[tilespmem:s3], [sflag:$0x1] =	stream.linear.gather [hbm4b:s5+s3], $0x2800, $0x38;
	[tilespmem:$0x5780] =	vst v63  }
0xf: {  	_ =	swait.ge [sflag:s9], $0x2800  }
0x10: {  	[sflag:s9] =	ssyncset.done $0x0  }
0x11: {  	[sflag:s9] =	ssyncadd.s32 $0xFFFFD800  }
0x12: {  	[tilespmem:s10], [sflag:$0x1] =	stream.linear.gather [hbm4b:s4+s3], $0x800, $0x38;
	[tilespmem:$0x5780] =	vst v63  }
0x13: {  	_ =	swait.ge [sflag:s9], $0x800  }
0x14: {  	[sflag:s9] =	ssyncset.done $0x0  }
0x15: {  	[sflag:s9] =	ssyncadd.s32 $0xFFFFF800  }
0x16: {  	[spmem:s12], [sflag:s11] =	dma.local [hbm:s6], $0x4F0  }
0x17: {  	_ =	swait.ge [sflag:s9], $0x4F0  }
0x18: {  	[sflag:s9] =	ssyncset.done $0x0  }
0x19: {  	[sflag:s9] =	ssyncadd.s32 $0xFFFFFB10  }
0x1a: {  	s15 =	simm.s32 $0x0;
	[bflag:$0x0] =	sbarrier.arrive $0xFFFF  }
0x1b: {  	[spmem:s2] =	stream.indirect.scatter.add.f32 [tilespmem:s10], [sflag:$0x1], $0x10, s15, s13, $0xb8;
	[tilespmem:$0x5780] =	vst v63  }
0x1c: {  	_ =	swait.ge [sflag:s9], $0x800  }
0x1d: {  	s15 =	simm.s32 $0x200;
	[sflag:s9] =	ssyncset.done $0x0  }
.LBB2_2:
0x1e: {  	s16 =	sshra.s32 s15, $0x2;
	[sflag:s9] =	ssyncadd.s32 $0xFFFFF800;
	p0 =	sne.s32 s15, $0x9E00  }
0x1f: {  	[spmem:s2] =	stream.indirect.scatter.add.f32 [tilespmem:s10], [sflag:$0x1], $0x10, s16, s13, $0xb8;
	[tilespmem:$0x5780] =	vst v63  }
.Ltmp0:
0x20: {  	_ = 	snop;
	(pc) =	sbr.rel @p0 .LBB2_2-.Ltmp0, $4  }
0x21: {  	_ = 	snop  }
0x22: {  	s15 =	sadd.s32 $0x200, s15  }
0x23: {  	_ =	swait.ge [sflag:s9], $0x800  }
0x24: {  	[sflag:s9] =	ssyncset.done $0x0  }
0x25: {  	s14 =	sadd.s32 $0x1, s14  }
0x26: {  	[sflag:s9] =	ssyncadd.s32 $0xFFFFF800;
	p0 =	sne.s32 s14, s8  }
.Ltmp1:
0x27: {  	[bflag:$0x0] =	sbarrier.arrive $0xFFFF;
	(pc) =	sbr.rel @p0 .LBB2_1-.Ltmp1, $4  }
0x28: {  	[hbm:s7], [sflag:s11] =	dma.local [spmem:s12], $0x4F0  }
0x29: {  	_ =	swait.ge [sflag:s9], $0x4F0  }
0x2a: {  	[sflag:s9] =	ssyncset.done $0x0  }
0x2b: {  	[sflag:s9] =	ssyncadd.s32 $0xFFFFFB10  }
0x2c: {  	_ =	sfence.sel $0x180000  }
0x2d: {  	[bflag:$0x0] =	sbarrier.arrive $0xFFFF  }
0x2e: {  	p0 =	sne.s32 s0, $0x0;
	_ =	strace $0x90000047  }
0x2f: {  	s0 =	sadd.s32 @!p0 $0x100000, s1;
	[bflag:$0x2] =	sbarrier.arrive $0xFFFF  }
0x30: {  	[sflag:s0] =	ssyncadd.tile.s32 @!p0 $0x1;
	_ =	shalt  }
.Lfunc_end2:
_tile_overlayer_lowered:
.L_overlay_start_2:
0x31: {  	(tag) =	ssettag $0x2  }
0x32: {  	s0 =	rddreg [dreg:$0x0];
	s2 =	stileid.u32  }
0x33: {  	s1 =	rddreg [dreg:$0x1];
	p0 =	sne.s32 s2, $0x0  }
0x34: {  	s3 =	rddreg [dreg:$0x2];
	[bflag:$0x3] =	sbarrier.arrive $0xFFFF;
	s2 =	simm.s32 @!p0 $0x1C01  }
0x35: {  	[timem:s3], [sflag:s2] =	dma.local @!p0 [hbm:s0], s1  }
0x36: {  	s0 =	simm.s32 @!p0 $0x1  }
0x37: {  	_ =	swait.ge @!p0 [sflag:s0], s1  }
0x38: {  	s1 =	ssub.s32 @!p0 $0x0, s1;
	[sflag:s0] =	ssyncset.done @!p0 $0x0  }
0x39: {  	[sflag:s0] =	ssyncadd.s32 @!p0 s1  }
0x3a: {  	[bflag:$0x3] =	sbarrier.arrive $0xFFFF  }
0x3b: {  	_ =	shalt  }

</sc_bundles>
